<compile_context>
chip_gen: v7x
topology: tpu7x:2x2x1
jax: 0.10.2.dev20260603
libtpu: 0.0.44.dev20260713+nightly
codegen_flags: <defaults>
</compile_context>

<pallas_src>
import functools

import jax
import jax.numpy as jnp
from jax import lax
from jax.experimental import pallas as pl
from jax.experimental.pallas import tpu as pltpu
from jax.experimental.pallas import tpu_sc as plsc

N_NODES = 10000
N_EDGES = 320000
D = 128

NC = 2
NS = 16
NW = NC * NS
K = 128

CT = -(-N_EDGES // K)
CPW = 80
CT_PAD = CPW * NW
E_PAD = CT_PAD * K

NP = 10112
RPT = NP // NS

_mesh = plsc.VectorSubcoreMesh(core_axis_name="c", subcore_axis_name="s")



@functools.partial(
    pl.kernel,
    out_type=jax.ShapeDtypeStruct((NC, NP, D), jnp.float32),
    mesh=_mesh,
    scratch_types=[
        pltpu.VMEM((CPW, K), jnp.int32),
        pltpu.VMEM((K, D), jnp.float32),
        pltpu.VMEM_SHARED((NP, D), jnp.float32),
    ],
)
def _sc_degree(dst2d, onesd, zerosd, out, dst_v, ones_v, acc):
    c = lax.axis_index("c")
    s = lax.axis_index("s")
    w = c * NS + s
    pltpu.sync_copy(dst2d.at[pl.ds(w * CPW, CPW)], dst_v)
    pltpu.sync_copy(onesd, ones_v)
    pltpu.sync_copy(zerosd, acc.at[pl.ds(s * RPT, RPT)])
    plsc.subcore_barrier()

    def body(j, carry):
        pltpu.sync_copy(ones_v, acc.at[dst_v.at[j]], add=True)
        return carry

    lax.fori_loop(0, CPW, body, 0)
    plsc.subcore_barrier()
    pltpu.sync_copy(acc.at[pl.ds(s * RPT, RPT)], out.at[c, pl.ds(s * RPT, RPT)])


@functools.partial(
    pl.kernel,
    out_type=jax.ShapeDtypeStruct((NC, NP, D), jnp.float32),
    mesh=_mesh,
    scratch_types=[
        pltpu.VMEM((CPW // 2, K), jnp.int32),
        pltpu.VMEM((CPW // 2, K), jnp.int32),
        pltpu.VMEM((K, D), jnp.float32),
        pltpu.VMEM((K, D), jnp.float32),
        pltpu.VMEM_SHARED((NP, D), jnp.float32),
        pltpu.SemaphoreType.DMA,
        pltpu.SemaphoreType.DMA,
    ],
)
def _sc_propagate(u, src2d, dst2d, zerosd, out, src_v, dst_v,
                  rows_a, rows_b, acc, sem_a, sem_b):
    c = lax.axis_index("c")
    s = lax.axis_index("s")
    w = c * NS + s
    pltpu.sync_copy(zerosd, acc.at[pl.ds(s * RPT, RPT)])
    plsc.subcore_barrier()

    CPS = CPW // 2
    for st in range(2):
        pltpu.sync_copy(src2d.at[pl.ds(w * CPW + st * CPS, CPS)], src_v)
        pltpu.sync_copy(dst2d.at[pl.ds(w * CPW + st * CPS, CPS)], dst_v)
        pltpu.async_copy(u.at[src_v.at[0]], rows_a, sem_a)

        def body(t, carry):
            j0 = 2 * t
            j1 = j0 + 1
            j2 = jnp.minimum(j0 + 2, CPS - 1)
            pltpu.async_copy(u.at[src_v.at[j1]], rows_b, sem_b)
            pltpu.make_async_copy(u.at[src_v.at[j0]], rows_a, sem_a).wait()
            pltpu.sync_copy(rows_a, acc.at[dst_v.at[j0]], add=True)
            pltpu.async_copy(u.at[src_v.at[j2]], rows_a, sem_a)
            pltpu.make_async_copy(u.at[src_v.at[j1]], rows_b, sem_b).wait()
            pltpu.sync_copy(rows_b, acc.at[dst_v.at[j1]], add=True)
            return carry

        lax.fori_loop(0, CPS // 2, body, 0)
        pltpu.make_async_copy(u.at[src_v.at[CPS - 1]], rows_a, sem_a).wait()
    plsc.subcore_barrier()
    pltpu.sync_copy(acc.at[pl.ds(s * RPT, RPT)], out.at[c, pl.ds(s * RPT, RPT)])



def _tc_first(x_pad, W0, d0, d1):
    def body(x_ref, w_ref, d0_ref, d1_ref, u_ref, dis_ref):
        deg = d0_ref[:, :1] + d1_ref[:, :1]
        dis = jnp.where(deg > 0.0, lax.rsqrt(jnp.maximum(deg, 1.0)), 0.0)
        u_ref[...] = dis * jnp.dot(x_ref[...], w_ref[...],
                                   preferred_element_type=jnp.float32)
        dis_ref[...] = dis

    return pl.pallas_call(
        body,
        out_shape=[
            jax.ShapeDtypeStruct((NP, D), jnp.float32),
            jax.ShapeDtypeStruct((NP, 1), jnp.float32),
        ],
    )(x_pad, W0, d0, d1)


def _tc_mid(s0, s1, dis, b, W):
    def body(s0_ref, s1_ref, dis_ref, b_ref, w_ref, u_ref):
        dis = dis_ref[...]
        h = jnp.maximum(dis * (s0_ref[...] + s1_ref[...]) + b_ref[...], 0.0)
        u_ref[...] = dis * jnp.dot(h, w_ref[...],
                                   preferred_element_type=jnp.float32)

    return pl.pallas_call(
        body,
        out_shape=jax.ShapeDtypeStruct((NP, D), jnp.float32),
    )(s0, s1, dis, b, W)


def _tc_final(s0, s1, dis, b):
    def body(s0_ref, s1_ref, dis_ref, b_ref, o_ref):
        o_ref[...] = dis_ref[...] * (s0_ref[...] + s1_ref[...]) + b_ref[...]

    return pl.pallas_call(
        body,
        out_shape=jax.ShapeDtypeStruct((NP, D), jnp.float32),
    )(s0, s1, dis, b)



def kernel(x, edge_index, W0, b0, W1, b1, W2, b2, W3, b3):
    src = edge_index[0]
    dst = edge_index[1]
    pad = E_PAD - N_EDGES
    pad_iota = jnp.arange(pad, dtype=jnp.int32) % (NP - N_NODES)
    src2d = jnp.concatenate([src, N_NODES + pad_iota]).reshape(CT_PAD, K)
    dst2d = jnp.concatenate([dst, N_NODES + pad_iota]).reshape(CT_PAD, K)
    perm = jnp.arange(CT_PAD).reshape(CPW, NW).T.reshape(-1)
    src2d = src2d[perm]
    dst2d = dst2d[perm]

    onesd = jnp.tile(
        (jnp.arange(D) == 0).astype(jnp.float32)[None, :], (K, 1))
    zerosd = jnp.zeros((RPT, D), jnp.float32)
    x_pad = jnp.pad(x, ((0, NP - N_NODES), (0, 0)))

    degp = _sc_degree(dst2d, onesd, zerosd)
    u, dis = _tc_first(x_pad, W0, degp[0, :, :1], degp[1, :, :1])

    bs = [b0.reshape(1, D), b1.reshape(1, D), b2.reshape(1, D), b3.reshape(1, D)]
    Ws = [W1, W2, W3]
    for i in range(3):
        sp = _sc_propagate(u, src2d, dst2d, zerosd)
        u = _tc_mid(sp[0], sp[1], dis, bs[i], Ws[i])
    sp = _sc_propagate(u, src2d, dst2d, zerosd)
    out = _tc_final(sp[0], sp[1], dis, bs[3])
    return out[:N_NODES]

# --- scband reference (transcript-rebuilt; emitter-appended) ---
"""Pipeline reference for scband-hrnet-gcn-38826504356499 (READ-ONLY COPY).

The authoritative reference and input builder live on the scoring server;
editing this copy changes nothing except your own understanding.
"""

import jax, jax.numpy as jnp
import numpy as np

N_NODES = 10000
N_EDGES = 320000
D_IN = 128
D_HID = 128
D_OUT = 128
DEPTH = 4


def setup_inputs(seed: int = 0) -> dict:
    key = jax.random.key(seed)
    ks = jax.random.split(key, 2 + 2 * DEPTH)
    x = jax.random.normal(ks[0], (N_NODES, D_IN), dtype=jnp.float32)
    edge_index = jax.random.randint(ks[1], (2, N_EDGES), 0, N_NODES, dtype=jnp.int32)
    dims = [(D_IN, D_HID)] + [(D_HID, D_HID)] * (DEPTH - 2) + [(D_HID, D_OUT)]
    inp = {"x": x, "edge_index": edge_index}
    for i, (din, dout) in enumerate(dims):
        scale = 1.0 / np.sqrt(din)
        inp[f"W{i}"] = jax.random.normal(ks[2 + 2 * i], (din, dout), dtype=jnp.float32) * scale
        inp[f"b{i}"] = jnp.zeros((dout,), dtype=jnp.float32)
    return inp


def _gcn_layer(h, src, dst, norm, W, b, apply_relu):
    msg = h[src] * norm[:, None]
    agg = jax.ops.segment_sum(msg, dst, num_segments=N_NODES)
    out = agg @ W + b
    if apply_relu:
        out = jax.nn.relu(out)
    return out


def reference(x, edge_index, W0, b0, W1, b1, W2, b2, W3, b3):
    src = edge_index[0]
    dst = edge_index[1]
    deg = jnp.zeros((N_NODES,), dtype=jnp.float32).at[dst].add(1.0)
    deg_inv_sqrt = jnp.where(deg > 0, 1.0 / jnp.sqrt(jnp.maximum(deg, 1.0)), 0.0)
    norm = deg_inv_sqrt[src] * deg_inv_sqrt[dst]
    Ws = [W0, W1, W2, W3]
    bs = [b0, b1, b2, b3]
    h = x
    for i in range(DEPTH):
        h = _gcn_layer(h, src, dst, norm, Ws[i], bs[i], apply_relu=(i < DEPTH - 1))
    return h

if __name__ == "__main__":
    import jax
    _d = setup_inputs()
    print(jax.jit(kernel)(*tuple(_d.values())))

</pallas_src>

<mosaic_0001>
#map = affine_map<(d0, d1) -> (0, 0)>
#map1 = affine_map<(d0, d1) -> (0, 0, 0)>
module attributes {stable_mosaic.version = 14 : i64} {
  func.func @_sc_propagate(%arg0: i32, %arg1: i32, %arg2: memref<10112x128xf32, #tpu.memory_space<hbm>>, %arg3: memref<2560x128xi32, #tpu.memory_space<hbm>>, %arg4: memref<2560x128xi32, #tpu.memory_space<hbm>>, %arg5: memref<632x128xf32, #tpu.memory_space<hbm>>, %arg6: memref<2x10112x128xf32, #tpu.memory_space<hbm>>, %arg7: memref<40x128xi32, #tpu.memory_space<vmem>>, %arg8: memref<40x128xi32, #tpu.memory_space<vmem>>, %arg9: memref<128x128xf32, #tpu.memory_space<vmem>>, %arg10: memref<128x128xf32, #tpu.memory_space<vmem>>, %arg11: memref<10112x128xf32, #tpu.memory_space<vmem_shared>>, %arg12: memref<!tpu.dma_semaphore, #tpu.memory_space<semaphore_mem>>, %arg13: memref<!tpu.dma_semaphore, #tpu.memory_space<semaphore_mem>>) attributes {dimension_semantics = [#tpu.dimension_semantics<core_parallel>, #tpu.dimension_semantics<subcore_parallel>], iteration_bounds = array<i64: 2, 16>, scalar_prefetch = 0 : i64, scratch_operands = 7 : i64, tpu.core_type = #tpu.core_type<sc_vector_subcore>, window_params = [{transform_indices = #map}, {transform_indices = #map}, {transform_indices = #map}, {transform_indices = #map}, {transform_indices = #map1}]} {
    %mul3A = arith.constant 16 : i32
    %mul3A_0 = arith.muli %arg0, %mul3A : i32
    %add3A = arith.addi %mul3A_0, %arg1 : i32
    %mul3A_1 = arith.constant 632 : i32
    %mul3A_2 = arith.muli %arg1, %mul3A_1 : i32
    "tpu.region"() ({
      %run_scoped3A = tpu.sem_alloc : memref<!tpu.dma_semaphore, #tpu.memory_space<semaphore_mem>>
      %dma_start3A_61 = arith.constant 0 : i32
      %dma_start3A_62 = tpu.memref_slice %arg11[%mul3A_2, %dma_start3A_61] : memref<10112x128xf32, #tpu.memory_space<vmem_shared>> -> memref<632x128xf32, #tpu.memory_space<vmem_shared>>
      tpu.enqueue_dma source(%arg5 : memref<632x128xf32, #tpu.memory_space<hbm>>) target(%dma_start3A_62 : memref<632x128xf32, #tpu.memory_space<vmem_shared>>) target_semaphore(%run_scoped3A : memref<!tpu.dma_semaphore, #tpu.memory_space<semaphore_mem>>)
      %dma_wait3A_63 = arith.constant 0 : i32
      %dma_wait3A_64 = tpu.memref_slice %arg11[%mul3A_2, %dma_wait3A_63] : memref<10112x128xf32, #tpu.memory_space<vmem_shared>> -> memref<632x128xf32, #tpu.memory_space<vmem_shared>>
      tpu.wait_dma2 semaphore(%run_scoped3A : memref<!tpu.dma_semaphore, #tpu.memory_space<semaphore_mem>>) src(%arg5 : memref<632x128xf32, #tpu.memory_space<hbm>>) dst(%dma_wait3A_64 : memref<632x128xf32, #tpu.memory_space<vmem_shared>>)
      tpu.yield
    }) : () -> ()
    %barrier3A = arith.constant 0 : index
    tpu.barrier barrier_id(%barrier3A)
    %mul3A_3 = arith.constant 80 : i32
    %mul3A_4 = arith.muli %add3A, %mul3A_3 : i32
    %add3A_5 = arith.constant 0 : i32
    %add3A_6 = arith.addi %mul3A_4, %add3A_5 : i32
    "tpu.region"() ({
      %run_scoped3A = tpu.sem_alloc : memref<!tpu.dma_semaphore, #tpu.memory_space<semaphore_mem>>
      %dma_start3A_61 = arith.constant 0 : i32
      %dma_start3A_62 = tpu.memref_slice %arg3[%add3A_6, %dma_start3A_61] : memref<2560x128xi32, #tpu.memory_space<hbm>> -> memref<40x128xi32, #tpu.memory_space<hbm>>
      %dma_start3A_63 = arith.constant 0 : i32
      %dma_start3A_64 = tpu.memref_slice %arg3[%add3A_6, %dma_start3A_63] : memref<2560x128xi32, #tpu.memory_space<hbm>> -> memref<40x128xi32, #tpu.memory_space<hbm>>
      tpu.enqueue_dma source(%dma_start3A_64 : memref<40x128xi32, #tpu.memory_space<hbm>>) target(%arg7 : memref<40x128xi32, #tpu.memory_space<vmem>>) target_semaphore(%run_scoped3A : memref<!tpu.dma_semaphore, #tpu.memory_space<semaphore_mem>>)
      %dma_wait3A_65 = arith.constant 0 : i32
      %dma_wait3A_66 = tpu.memref_slice %arg3[%add3A_6, %dma_wait3A_65] : memref<2560x128xi32, #tpu.memory_space<hbm>> -> memref<40x128xi32, #tpu.memory_space<hbm>>
      %dma_wait3A_67 = arith.constant 0 : i32
      %dma_wait3A_68 = tpu.memref_slice %arg3[%add3A_6, %dma_wait3A_67] : memref<2560x128xi32, #tpu.memory_space<hbm>> -> memref<40x128xi32, #tpu.memory_space<hbm>>
      tpu.wait_dma2 semaphore(%run_scoped3A : memref<!tpu.dma_semaphore, #tpu.memory_space<semaphore_mem>>) src(%dma_wait3A_68 : memref<40x128xi32, #tpu.memory_space<hbm>>) dst(%arg7 : memref<40x128xi32, #tpu.memory_space<vmem>>)
      tpu.yield
    }) : () -> ()
    %mul3A_7 = arith.constant 80 : i32
    %mul3A_8 = arith.muli %add3A, %mul3A_7 : i32
    %add3A_9 = arith.constant 0 : i32
    %add3A_10 = arith.addi %mul3A_8, %add3A_9 : i32
    "tpu.region"() ({
      %run_scoped3A = tpu.sem_alloc : memref<!tpu.dma_semaphore, #tpu.memory_space<semaphore_mem>>
      %dma_start3A_61 = arith.constant 0 : i32
      %dma_start3A_62 = tpu.memref_slice %arg4[%add3A_10, %dma_start3A_61] : memref<2560x128xi32, #tpu.memory_space<hbm>> -> memref<40x128xi32, #tpu.memory_space<hbm>>
      %dma_start3A_63 = arith.constant 0 : i32
      %dma_start3A_64 = tpu.memref_slice %arg4[%add3A_10, %dma_start3A_63] : memref<2560x128xi32, #tpu.memory_space<hbm>> -> memref<40x128xi32, #tpu.memory_space<hbm>>
      tpu.enqueue_dma source(%dma_start3A_64 : memref<40x128xi32, #tpu.memory_space<hbm>>) target(%arg8 : memref<40x128xi32, #tpu.memory_space<vmem>>) target_semaphore(%run_scoped3A : memref<!tpu.dma_semaphore, #tpu.memory_space<semaphore_mem>>)
      %dma_wait3A_65 = arith.constant 0 : i32
      %dma_wait3A_66 = tpu.memref_slice %arg4[%add3A_10, %dma_wait3A_65] : memref<2560x128xi32, #tpu.memory_space<hbm>> -> memref<40x128xi32, #tpu.memory_space<hbm>>
      %dma_wait3A_67 = arith.constant 0 : i32
      %dma_wait3A_68 = tpu.memref_slice %arg4[%add3A_10, %dma_wait3A_67] : memref<2560x128xi32, #tpu.memory_space<hbm>> -> memref<40x128xi32, #tpu.memory_space<hbm>>
      tpu.wait_dma2 semaphore(%run_scoped3A : memref<!tpu.dma_semaphore, #tpu.memory_space<semaphore_mem>>) src(%dma_wait3A_68 : memref<40x128xi32, #tpu.memory_space<hbm>>) dst(%arg8 : memref<40x128xi32, #tpu.memory_space<vmem>>)
      tpu.yield
    }) : () -> ()
    %dma_start3A = arith.constant 0 : i32
    %dma_start3A_11 = arith.constant 0 : i32
    %dma_start3A_12 = tpu.memref_slice %arg7[%dma_start3A, %dma_start3A_11] : memref<40x128xi32, #tpu.memory_space<vmem>> -> memref<1x128xi32, #tpu.memory_space<vmem>>
    %dma_start3A_13 = tpu.memref_squeeze %dma_start3A_12 : memref<1x128xi32, #tpu.memory_space<vmem>> -> memref<128xi32, #tpu.memory_space<vmem>>
    %dma_start3A_14 = arith.constant 0 : i32
    %dma_start3A_15 = arith.constant 0 : i32
    %dma_start3A_16 = tpu.memref_slice %arg2[%dma_start3A_14, %dma_start3A_15] : memref<10112x128xf32, #tpu.memory_space<hbm>> -> memref<10112x128xf32, #tpu.memory_space<hbm>>
    tpu.enqueue_indirect_dma source(%dma_start3A_16 : memref<10112x128xf32, #tpu.memory_space<hbm>>) target(%arg9 : memref<128x128xf32, #tpu.memory_space<vmem>>) offsets(%dma_start3A_13 : memref<128xi32, #tpu.memory_space<vmem>>) semaphore(%arg12 : memref<!tpu.dma_semaphore, #tpu.memory_space<semaphore_mem>>)
    %scan3A = arith.constant 0 : i32
    %scan3A_17 = arith.constant 0 : i32
    %scan3A_18 = arith.constant 20 : i32
    %scan3A_19 = arith.addi %scan3A_17, %scan3A_18 : i32
    %scan3A_20 = arith.constant 1 : i32
    scf.for %scan3A_61 = %scan3A_17 to %scan3A_19 step %scan3A_20  : i32 {
      %mul3A_62 = arith.constant 2 : i32
      %mul3A_63 = arith.muli %mul3A_62, %scan3A_61 : i32
      %add3A_64 = arith.constant 1 : i32
      %add3A_65 = arith.addi %mul3A_63, %add3A_64 : i32
      %add3A_66 = arith.constant 2 : i32
      %add3A_67 = arith.addi %mul3A_63, %add3A_66 : i32
      %min3A = arith.constant 39 : i32
      %min3A_68 = arith.minsi %add3A_67, %min3A : i32
      %dma_start3A_69 = arith.constant 0 : i32
      %dma_start3A_70 = tpu.memref_slice %arg7[%add3A_65, %dma_start3A_69] : memref<40x128xi32, #tpu.memory_space<vmem>> -> memref<1x128xi32, #tpu.memory_space<vmem>>
      %dma_start3A_71 = tpu.memref_squeeze %dma_start3A_70 : memref<1x128xi32, #tpu.memory_space<vmem>> -> memref<128xi32, #tpu.memory_space<vmem>>
      %dma_start3A_72 = arith.constant 0 : i32
      %dma_start3A_73 = arith.constant 0 : i32
      %dma_start3A_74 = tpu.memref_slice %arg2[%dma_start3A_72, %dma_start3A_73] : memref<10112x128xf32, #tpu.memory_space<hbm>> -> memref<10112x128xf32, #tpu.memory_space<hbm>>
      tpu.enqueue_indirect_dma source(%dma_start3A_74 : memref<10112x128xf32, #tpu.memory_space<hbm>>) target(%arg10 : memref<128x128xf32, #tpu.memory_space<vmem>>) offsets(%dma_start3A_71 : memref<128xi32, #tpu.memory_space<vmem>>) semaphore(%arg13 : memref<!tpu.dma_semaphore, #tpu.memory_space<semaphore_mem>>)
      %dma_wait3A_75 = arith.constant 0 : i32
      %dma_wait3A_76 = tpu.memref_slice %arg7[%mul3A_63, %dma_wait3A_75] : memref<40x128xi32, #tpu.memory_space<vmem>> -> memref<1x128xi32, #tpu.memory_space<vmem>>
      %dma_wait3A_77 = tpu.memref_squeeze %dma_wait3A_76 : memref<1x128xi32, #tpu.memory_space<vmem>> -> memref<128xi32, #tpu.memory_space<vmem>>
      %dma_wait3A_78 = arith.constant 0 : i32
      %dma_wait3A_79 = arith.constant 0 : i32
      %dma_wait3A_80 = tpu.memref_slice %arg2[%dma_wait3A_78, %dma_wait3A_79] : memref<10112x128xf32, #tpu.memory_space<hbm>> -> memref<10112x128xf32, #tpu.memory_space<hbm>>
      tpu.wait_indirect_dma semaphore(%arg12 : memref<!tpu.dma_semaphore, #tpu.memory_space<semaphore_mem>>) src(%dma_wait3A_80 : memref<10112x128xf32, #tpu.memory_space<hbm>>) dst(%arg9 : memref<128x128xf32, #tpu.memory_space<vmem>>)
      "tpu.region"() ({
        %run_scoped3A = tpu.sem_alloc : memref<!tpu.dma_semaphore, #tpu.memory_space<semaphore_mem>>
        %dma_start3A_93 = arith.constant 0 : i32
        %dma_start3A_94 = tpu.memref_slice %arg8[%mul3A_63, %dma_start3A_93] : memref<40x128xi32, #tpu.memory_space<vmem>> -> memref<1x128xi32, #tpu.memory_space<vmem>>
        %dma_start3A_95 = tpu.memref_squeeze %dma_start3A_94 : memref<1x128xi32, #tpu.memory_space<vmem>> -> memref<128xi32, #tpu.memory_space<vmem>>
        %dma_start3A_96 = arith.constant 0 : i32
        %dma_start3A_97 = arith.constant 0 : i32
        %dma_start3A_98 = tpu.memref_slice %arg11[%dma_start3A_96, %dma_start3A_97] : memref<10112x128xf32, #tpu.memory_space<vmem_shared>> -> memref<10112x128xf32, #tpu.memory_space<vmem_shared>>
        tpu.enqueue_indirect_dma source(%arg9 : memref<128x128xf32, #tpu.memory_space<vmem>>) target(%dma_start3A_98 : memref<10112x128xf32, #tpu.memory_space<vmem_shared>>) offsets(%dma_start3A_95 : memref<128xi32, #tpu.memory_space<vmem>>) semaphore(%run_scoped3A : memref<!tpu.dma_semaphore, #tpu.memory_space<semaphore_mem>>) {add = true}
        %dma_wait3A_99 = arith.constant 0 : i32
        %dma_wait3A_100 = tpu.memref_slice %arg8[%mul3A_63, %dma_wait3A_99] : memref<40x128xi32, #tpu.memory_space<vmem>> -> memref<1x128xi32, #tpu.memory_space<vmem>>
        %dma_wait3A_101 = tpu.memref_squeeze %dma_wait3A_100 : memref<1x128xi32, #tpu.memory_space<vmem>> -> memref<128xi32, #tpu.memory_space<vmem>>
        %dma_wait3A_102 = arith.constant 0 : i32
        %dma_wait3A_103 = arith.constant 0 : i32
        %dma_wait3A_104 = tpu.memref_slice %arg11[%dma_wait3A_102, %dma_wait3A_103] : memref<10112x128xf32, #tpu.memory_space<vmem_shared>> -> memref<10112x128xf32, #tpu.memory_space<vmem_shared>>
        tpu.wait_indirect_dma semaphore(%run_scoped3A : memref<!tpu.dma_semaphore, #tpu.memory_space<semaphore_mem>>) src(%arg9 : memref<128x128xf32, #tpu.memory_space<vmem>>) dst(%dma_wait3A_104 : memref<10112x128xf32, #tpu.memory_space<vmem_shared>>)
        tpu.yield
      }) : () -> ()
      %dma_start3A_81 = arith.constant 0 : i32
      %dma_start3A_82 = tpu.memref_slice %arg7[%min3A_68, %dma_start3A_81] : memref<40x128xi32, #tpu.memory_space<vmem>> -> memref<1x128xi32, #tpu.memory_space<vmem>>
      %dma_start3A_83 = tpu.memref_squeeze %dma_start3A_82 : memref<1x128xi32, #tpu.memory_space<vmem>> -> memref<128xi32, #tpu.memory_space<vmem>>
      %dma_start3A_84 = arith.constant 0 : i32
      %dma_start3A_85 = arith.constant 0 : i32
      %dma_start3A_86 = tpu.memref_slice %arg2[%dma_start3A_84, %dma_start3A_85] : memref<10112x128xf32, #tpu.memory_space<hbm>> -> memref<10112x128xf32, #tpu.memory_space<hbm>>
      tpu.enqueue_indirect_dma source(%dma_start3A_86 : memref<10112x128xf32, #tpu.memory_space<hbm>>) target(%arg9 : memref<128x128xf32, #tpu.memory_space<vmem>>) offsets(%dma_start3A_83 : memref<128xi32, #tpu.memory_space<vmem>>) semaphore(%arg12 : memref<!tpu.dma_semaphore, #tpu.memory_space<semaphore_mem>>)
      %dma_wait3A_87 = arith.constant 0 : i32
      %dma_wait3A_88 = tpu.memref_slice %arg7[%add3A_65, %dma_wait3A_87] : memref<40x128xi32, #tpu.memory_space<vmem>> -> memref<1x128xi32, #tpu.memory_space<vmem>>
      %dma_wait3A_89 = tpu.memref_squeeze %dma_wait3A_88 : memref<1x128xi32, #tpu.memory_space<vmem>> -> memref<128xi32, #tpu.memory_space<vmem>>
      %dma_wait3A_90 = arith.constant 0 : i32
      %dma_wait3A_91 = arith.constant 0 : i32
      %dma_wait3A_92 = tpu.memref_slice %arg2[%dma_wait3A_90, %dma_wait3A_91] : memref<10112x128xf32, #tpu.memory_space<hbm>> -> memref<10112x128xf32, #tpu.memory_space<hbm>>
      tpu.wait_indirect_dma semaphore(%arg13 : memref<!tpu.dma_semaphore, #tpu.memory_space<semaphore_mem>>) src(%dma_wait3A_92 : memref<10112x128xf32, #tpu.memory_space<hbm>>) dst(%arg10 : memref<128x128xf32, #tpu.memory_space<vmem>>)
      "tpu.region"() ({
        %run_scoped3A = tpu.sem_alloc : memref<!tpu.dma_semaphore, #tpu.memory_space<semaphore_mem>>
        %dma_start3A_93 = arith.constant 0 : i32
        %dma_start3A_94 = tpu.memref_slice %arg8[%add3A_65, %dma_start3A_93] : memref<40x128xi32, #tpu.memory_space<vmem>> -> memref<1x128xi32, #tpu.memory_space<vmem>>
        %dma_start3A_95 = tpu.memref_squeeze %dma_start3A_94 : memref<1x128xi32, #tpu.memory_space<vmem>> -> memref<128xi32, #tpu.memory_space<vmem>>
        %dma_start3A_96 = arith.constant 0 : i32
        %dma_start3A_97 = arith.constant 0 : i32
        %dma_start3A_98 = tpu.memref_slice %arg11[%dma_start3A_96, %dma_start3A_97] : memref<10112x128xf32, #tpu.memory_space<vmem_shared>> -> memref<10112x128xf32, #tpu.memory_space<vmem_shared>>
        tpu.enqueue_indirect_dma source(%arg10 : memref<128x128xf32, #tpu.memory_space<vmem>>) target(%dma_start3A_98 : memref<10112x128xf32, #tpu.memory_space<vmem_shared>>) offsets(%dma_start3A_95 : memref<128xi32, #tpu.memory_space<vmem>>) semaphore(%run_scoped3A : memref<!tpu.dma_semaphore, #tpu.memory_space<semaphore_mem>>) {add = true}
        %dma_wait3A_99 = arith.constant 0 : i32
        %dma_wait3A_100 = tpu.memref_slice %arg8[%add3A_65, %dma_wait3A_99] : memref<40x128xi32, #tpu.memory_space<vmem>> -> memref<1x128xi32, #tpu.memory_space<vmem>>
        %dma_wait3A_101 = tpu.memref_squeeze %dma_wait3A_100 : memref<1x128xi32, #tpu.memory_space<vmem>> -> memref<128xi32, #tpu.memory_space<vmem>>
        %dma_wait3A_102 = arith.constant 0 : i32
        %dma_wait3A_103 = arith.constant 0 : i32
        %dma_wait3A_104 = tpu.memref_slice %arg11[%dma_wait3A_102, %dma_wait3A_103] : memref<10112x128xf32, #tpu.memory_space<vmem_shared>> -> memref<10112x128xf32, #tpu.memory_space<vmem_shared>>
        tpu.wait_indirect_dma semaphore(%run_scoped3A : memref<!tpu.dma_semaphore, #tpu.memory_space<semaphore_mem>>) src(%arg10 : memref<128x128xf32, #tpu.memory_space<vmem>>) dst(%dma_wait3A_104 : memref<10112x128xf32, #tpu.memory_space<vmem_shared>>)
        tpu.yield
      }) : () -> ()
    }
    %scan3A_21 = arith.constant 20 : i32
    %dma_wait3A = arith.constant 39 : i32
    %dma_wait3A_22 = arith.constant 0 : i32
    %dma_wait3A_23 = tpu.memref_slice %arg7[%dma_wait3A, %dma_wait3A_22] : memref<40x128xi32, #tpu.memory_space<vmem>> -> memref<1x128xi32, #tpu.memory_space<vmem>>
    %dma_wait3A_24 = tpu.memref_squeeze %dma_wait3A_23 : memref<1x128xi32, #tpu.memory_space<vmem>> -> memref<128xi32, #tpu.memory_space<vmem>>
    %dma_wait3A_25 = arith.constant 0 : i32
    %dma_wait3A_26 = arith.constant 0 : i32
    %dma_wait3A_27 = tpu.memref_slice %arg2[%dma_wait3A_25, %dma_wait3A_26] : memref<10112x128xf32, #tpu.memory_space<hbm>> -> memref<10112x128xf32, #tpu.memory_space<hbm>>
    tpu.wait_indirect_dma semaphore(%arg12 : memref<!tpu.dma_semaphore, #tpu.memory_space<semaphore_mem>>) src(%dma_wait3A_27 : memref<10112x128xf32, #tpu.memory_space<hbm>>) dst(%arg9 : memref<128x128xf32, #tpu.memory_space<vmem>>)
    %mul3A_28 = arith.constant 80 : i32
    %mul3A_29 = arith.muli %add3A, %mul3A_28 : i32
    %add3A_30 = arith.constant 40 : i32
    %add3A_31 = arith.addi %mul3A_29, %add3A_30 : i32
    "tpu.region"() ({
      %run_scoped3A = tpu.sem_alloc : memref<!tpu.dma_semaphore, #tpu.memory_space<semaphore_mem>>
      %dma_start3A_61 = arith.constant 0 : i32
      %dma_start3A_62 = tpu.memref_slice %arg3[%add3A_31, %dma_start3A_61] : memref<2560x128xi32, #tpu.memory_space<hbm>> -> memref<40x128xi32, #tpu.memory_space<hbm>>
      %dma_start3A_63 = arith.constant 0 : i32
      %dma_start3A_64 = tpu.memref_slice %arg3[%add3A_31, %dma_start3A_63] : memref<2560x128xi32, #tpu.memory_space<hbm>> -> memref<40x128xi32, #tpu.memory_space<hbm>>
      tpu.enqueue_dma source(%dma_start3A_64 : memref<40x128xi32, #tpu.memory_space<hbm>>) target(%arg7 : memref<40x128xi32, #tpu.memory_space<vmem>>) target_semaphore(%run_scoped3A : memref<!tpu.dma_semaphore, #tpu.memory_space<semaphore_mem>>)
      %dma_wait3A_65 = arith.constant 0 : i32
      %dma_wait3A_66 = tpu.memref_slice %arg3[%add3A_31, %dma_wait3A_65] : memref<2560x128xi32, #tpu.memory_space<hbm>> -> memref<40x128xi32, #tpu.memory_space<hbm>>
      %dma_wait3A_67 = arith.constant 0 : i32
      %dma_wait3A_68 = tpu.memref_slice %arg3[%add3A_31, %dma_wait3A_67] : memref<2560x128xi32, #tpu.memory_space<hbm>> -> memref<40x128xi32, #tpu.memory_space<hbm>>
      tpu.wait_dma2 semaphore(%run_scoped3A : memref<!tpu.dma_semaphore, #tpu.memory_space<semaphore_mem>>) src(%dma_wait3A_68 : memref<40x128xi32, #tpu.memory_space<hbm>>) dst(%arg7 : memref<40x128xi32, #tpu.memory_space<vmem>>)
      tpu.yield
    }) : () -> ()
    %mul3A_32 = arith.constant 80 : i32
    %mul3A_33 = arith.muli %add3A, %mul3A_32 : i32
    %add3A_34 = arith.constant 40 : i32
    %add3A_35 = arith.addi %mul3A_33, %add3A_34 : i32
    "tpu.region"() ({
      %run_scoped3A = tpu.sem_alloc : memref<!tpu.dma_semaphore, #tpu.memory_space<semaphore_mem>>
      %dma_start3A_61 = arith.constant 0 : i32
      %dma_start3A_62 = tpu.memref_slice %arg4[%add3A_35, %dma_start3A_61] : memref<2560x128xi32, #tpu.memory_space<hbm>> -> memref<40x128xi32, #tpu.memory_space<hbm>>
      %dma_start3A_63 = arith.constant 0 : i32
      %dma_start3A_64 = tpu.memref_slice %arg4[%add3A_35, %dma_start3A_63] : memref<2560x128xi32, #tpu.memory_space<hbm>> -> memref<40x128xi32, #tpu.memory_space<hbm>>
      tpu.enqueue_dma source(%dma_start3A_64 : memref<40x128xi32, #tpu.memory_space<hbm>>) target(%arg8 : memref<40x128xi32, #tpu.memory_space<vmem>>) target_semaphore(%run_scoped3A : memref<!tpu.dma_semaphore, #tpu.memory_space<semaphore_mem>>)
      %dma_wait3A_65 = arith.constant 0 : i32
      %dma_wait3A_66 = tpu.memref_slice %arg4[%add3A_35, %dma_wait3A_65] : memref<2560x128xi32, #tpu.memory_space<hbm>> -> memref<40x128xi32, #tpu.memory_space<hbm>>
      %dma_wait3A_67 = arith.constant 0 : i32
      %dma_wait3A_68 = tpu.memref_slice %arg4[%add3A_35, %dma_wait3A_67] : memref<2560x128xi32, #tpu.memory_space<hbm>> -> memref<40x128xi32, #tpu.memory_space<hbm>>
      tpu.wait_dma2 semaphore(%run_scoped3A : memref<!tpu.dma_semaphore, #tpu.memory_space<semaphore_mem>>) src(%dma_wait3A_68 : memref<40x128xi32, #tpu.memory_space<hbm>>) dst(%arg8 : memref<40x128xi32, #tpu.memory_space<vmem>>)
      tpu.yield
    }) : () -> ()
    %dma_start3A_36 = arith.constant 0 : i32
    %dma_start3A_37 = arith.constant 0 : i32
    %dma_start3A_38 = tpu.memref_slice %arg7[%dma_start3A_36, %dma_start3A_37] : memref<40x128xi32, #tpu.memory_space<vmem>> -> memref<1x128xi32, #tpu.memory_space<vmem>>
    %dma_start3A_39 = tpu.memref_squeeze %dma_start3A_38 : memref<1x128xi32, #tpu.memory_space<vmem>> -> memref<128xi32, #tpu.memory_space<vmem>>
    %dma_start3A_40 = arith.constant 0 : i32
    %dma_start3A_41 = arith.constant 0 : i32
    %dma_start3A_42 = tpu.memref_slice %arg2[%dma_start3A_40, %dma_start3A_41] : memref<10112x128xf32, #tpu.memory_space<hbm>> -> memref<10112x128xf32, #tpu.memory_space<hbm>>
    tpu.enqueue_indirect_dma source(%dma_start3A_42 : memref<10112x128xf32, #tpu.memory_space<hbm>>) target(%arg9 : memref<128x128xf32, #tpu.memory_space<vmem>>) offsets(%dma_start3A_39 : memref<128xi32, #tpu.memory_space<vmem>>) semaphore(%arg12 : memref<!tpu.dma_semaphore, #tpu.memory_space<semaphore_mem>>)
    %scan3A_43 = arith.constant 0 : i32
    %scan3A_44 = arith.constant 0 : i32
    %scan3A_45 = arith.constant 20 : i32
    %scan3A_46 = arith.addi %scan3A_44, %scan3A_45 : i32
    %scan3A_47 = arith.constant 1 : i32
    scf.for %scan3A_61 = %scan3A_44 to %scan3A_46 step %scan3A_47  : i32 {
      %mul3A_62 = arith.constant 2 : i32
      %mul3A_63 = arith.muli %mul3A_62, %scan3A_61 : i32
      %add3A_64 = arith.constant 1 : i32
      %add3A_65 = arith.addi %mul3A_63, %add3A_64 : i32
      %add3A_66 = arith.constant 2 : i32
      %add3A_67 = arith.addi %mul3A_63, %add3A_66 : i32
      %min3A = arith.constant 39 : i32
      %min3A_68 = arith.minsi %add3A_67, %min3A : i32
      %dma_start3A_69 = arith.constant 0 : i32
      %dma_start3A_70 = tpu.memref_slice %arg7[%add3A_65, %dma_start3A_69] : memref<40x128xi32, #tpu.memory_space<vmem>> -> memref<1x128xi32, #tpu.memory_space<vmem>>
      %dma_start3A_71 = tpu.memref_squeeze %dma_start3A_70 : memref<1x128xi32, #tpu.memory_space<vmem>> -> memref<128xi32, #tpu.memory_space<vmem>>
      %dma_start3A_72 = arith.constant 0 : i32
      %dma_start3A_73 = arith.constant 0 : i32
      %dma_start3A_74 = tpu.memref_slice %arg2[%dma_start3A_72, %dma_start3A_73] : memref<10112x128xf32, #tpu.memory_space<hbm>> -> memref<10112x128xf32, #tpu.memory_space<hbm>>
      tpu.enqueue_indirect_dma source(%dma_start3A_74 : memref<10112x128xf32, #tpu.memory_space<hbm>>) target(%arg10 : memref<128x128xf32, #tpu.memory_space<vmem>>) offsets(%dma_start3A_71 : memref<128xi32, #tpu.memory_space<vmem>>) semaphore(%arg13 : memref<!tpu.dma_semaphore, #tpu.memory_space<semaphore_mem>>)
      %dma_wait3A_75 = arith.constant 0 : i32
      %dma_wait3A_76 = tpu.memref_slice %arg7[%mul3A_63, %dma_wait3A_75] : memref<40x128xi32, #tpu.memory_space<vmem>> -> memref<1x128xi32, #tpu.memory_space<vmem>>
      %dma_wait3A_77 = tpu.memref_squeeze %dma_wait3A_76 : memref<1x128xi32, #tpu.memory_space<vmem>> -> memref<128xi32, #tpu.memory_space<vmem>>
      %dma_wait3A_78 = arith.constant 0 : i32
      %dma_wait3A_79 = arith.constant 0 : i32
      %dma_wait3A_80 = tpu.memref_slice %arg2[%dma_wait3A_78, %dma_wait3A_79] : memref<10112x128xf32, #tpu.memory_space<hbm>> -> memref<10112x128xf32, #tpu.memory_space<hbm>>
      tpu.wait_indirect_dma semaphore(%arg12 : memref<!tpu.dma_semaphore, #tpu.memory_space<semaphore_mem>>) src(%dma_wait3A_80 : memref<10112x128xf32, #tpu.memory_space<hbm>>) dst(%arg9 : memref<128x128xf32, #tpu.memory_space<vmem>>)
      "tpu.region"() ({
        %run_scoped3A = tpu.sem_alloc : memref<!tpu.dma_semaphore, #tpu.memory_space<semaphore_mem>>
        %dma_start3A_93 = arith.constant 0 : i32
        %dma_start3A_94 = tpu.memref_slice %arg8[%mul3A_63, %dma_start3A_93] : memref<40x128xi32, #tpu.memory_space<vmem>> -> memref<1x128xi32, #tpu.memory_space<vmem>>
        %dma_start3A_95 = tpu.memref_squeeze %dma_start3A_94 : memref<1x128xi32, #tpu.memory_space<vmem>> -> memref<128xi32, #tpu.memory_space<vmem>>
        %dma_start3A_96 = arith.constant 0 : i32
        %dma_start3A_97 = arith.constant 0 : i32
        %dma_start3A_98 = tpu.memref_slice %arg11[%dma_start3A_96, %dma_start3A_97] : memref<10112x128xf32, #tpu.memory_space<vmem_shared>> -> memref<10112x128xf32, #tpu.memory_space<vmem_shared>>
        tpu.enqueue_indirect_dma source(%arg9 : memref<128x128xf32, #tpu.memory_space<vmem>>) target(%dma_start3A_98 : memref<10112x128xf32, #tpu.memory_space<vmem_shared>>) offsets(%dma_start3A_95 : memref<128xi32, #tpu.memory_space<vmem>>) semaphore(%run_scoped3A : memref<!tpu.dma_semaphore, #tpu.memory_space<semaphore_mem>>) {add = true}
        %dma_wait3A_99 = arith.constant 0 : i32
        %dma_wait3A_100 = tpu.memref_slice %arg8[%mul3A_63, %dma_wait3A_99] : memref<40x128xi32, #tpu.memory_space<vmem>> -> memref<1x128xi32, #tpu.memory_space<vmem>>
        %dma_wait3A_101 = tpu.memref_squeeze %dma_wait3A_100 : memref<1x128xi32, #tpu.memory_space<vmem>> -> memref<128xi32, #tpu.memory_space<vmem>>
        %dma_wait3A_102 = arith.constant 0 : i32
        %dma_wait3A_103 = arith.constant 0 : i32
        %dma_wait3A_104 = tpu.memref_slice %arg11[%dma_wait3A_102, %dma_wait3A_103] : memref<10112x128xf32, #tpu.memory_space<vmem_shared>> -> memref<10112x128xf32, #tpu.memory_space<vmem_shared>>
        tpu.wait_indirect_dma semaphore(%run_scoped3A : memref<!tpu.dma_semaphore, #tpu.memory_space<semaphore_mem>>) src(%arg9 : memref<128x128xf32, #tpu.memory_space<vmem>>) dst(%dma_wait3A_104 : memref<10112x128xf32, #tpu.memory_space<vmem_shared>>)
        tpu.yield
      }) : () -> ()
      %dma_start3A_81 = arith.constant 0 : i32
      %dma_start3A_82 = tpu.memref_slice %arg7[%min3A_68, %dma_start3A_81] : memref<40x128xi32, #tpu.memory_space<vmem>> -> memref<1x128xi32, #tpu.memory_space<vmem>>
      %dma_start3A_83 = tpu.memref_squeeze %dma_start3A_82 : memref<1x128xi32, #tpu.memory_space<vmem>> -> memref<128xi32, #tpu.memory_space<vmem>>
      %dma_start3A_84 = arith.constant 0 : i32
      %dma_start3A_85 = arith.constant 0 : i32
      %dma_start3A_86 = tpu.memref_slice %arg2[%dma_start3A_84, %dma_start3A_85] : memref<10112x128xf32, #tpu.memory_space<hbm>> -> memref<10112x128xf32, #tpu.memory_space<hbm>>
      tpu.enqueue_indirect_dma source(%dma_start3A_86 : memref<10112x128xf32, #tpu.memory_space<hbm>>) target(%arg9 : memref<128x128xf32, #tpu.memory_space<vmem>>) offsets(%dma_start3A_83 : memref<128xi32, #tpu.memory_space<vmem>>) semaphore(%arg12 : memref<!tpu.dma_semaphore, #tpu.memory_space<semaphore_mem>>)
      %dma_wait3A_87 = arith.constant 0 : i32
      %dma_wait3A_88 = tpu.memref_slice %arg7[%add3A_65, %dma_wait3A_87] : memref<40x128xi32, #tpu.memory_space<vmem>> -> memref<1x128xi32, #tpu.memory_space<vmem>>
      %dma_wait3A_89 = tpu.memref_squeeze %dma_wait3A_88 : memref<1x128xi32, #tpu.memory_space<vmem>> -> memref<128xi32, #tpu.memory_space<vmem>>
      %dma_wait3A_90 = arith.constant 0 : i32
      %dma_wait3A_91 = arith.constant 0 : i32
      %dma_wait3A_92 = tpu.memref_slice %arg2[%dma_wait3A_90, %dma_wait3A_91] : memref<10112x128xf32, #tpu.memory_space<hbm>> -> memref<10112x128xf32, #tpu.memory_space<hbm>>
      tpu.wait_indirect_dma semaphore(%arg13 : memref<!tpu.dma_semaphore, #tpu.memory_space<semaphore_mem>>) src(%dma_wait3A_92 : memref<10112x128xf32, #tpu.memory_space<hbm>>) dst(%arg10 : memref<128x128xf32, #tpu.memory_space<vmem>>)
      "tpu.region"() ({
        %run_scoped3A = tpu.sem_alloc : memref<!tpu.dma_semaphore, #tpu.memory_space<semaphore_mem>>
        %dma_start3A_93 = arith.constant 0 : i32
        %dma_start3A_94 = tpu.memref_slice %arg8[%add3A_65, %dma_start3A_93] : memref<40x128xi32, #tpu.memory_space<vmem>> -> memref<1x128xi32, #tpu.memory_space<vmem>>
        %dma_start3A_95 = tpu.memref_squeeze %dma_start3A_94 : memref<1x128xi32, #tpu.memory_space<vmem>> -> memref<128xi32, #tpu.memory_space<vmem>>
        %dma_start3A_96 = arith.constant 0 : i32
        %dma_start3A_97 = arith.constant 0 : i32
        %dma_start3A_98 = tpu.memref_slice %arg11[%dma_start3A_96, %dma_start3A_97] : memref<10112x128xf32, #tpu.memory_space<vmem_shared>> -> memref<10112x128xf32, #tpu.memory_space<vmem_shared>>
        tpu.enqueue_indirect_dma source(%arg10 : memref<128x128xf32, #tpu.memory_space<vmem>>) target(%dma_start3A_98 : memref<10112x128xf32, #tpu.memory_space<vmem_shared>>) offsets(%dma_start3A_95 : memref<128xi32, #tpu.memory_space<vmem>>) semaphore(%run_scoped3A : memref<!tpu.dma_semaphore, #tpu.memory_space<semaphore_mem>>) {add = true}
        %dma_wait3A_99 = arith.constant 0 : i32
        %dma_wait3A_100 = tpu.memref_slice %arg8[%add3A_65, %dma_wait3A_99] : memref<40x128xi32, #tpu.memory_space<vmem>> -> memref<1x128xi32, #tpu.memory_space<vmem>>
        %dma_wait3A_101 = tpu.memref_squeeze %dma_wait3A_100 : memref<1x128xi32, #tpu.memory_space<vmem>> -> memref<128xi32, #tpu.memory_space<vmem>>
        %dma_wait3A_102 = arith.constant 0 : i32
        %dma_wait3A_103 = arith.constant 0 : i32
        %dma_wait3A_104 = tpu.memref_slice %arg11[%dma_wait3A_102, %dma_wait3A_103] : memref<10112x128xf32, #tpu.memory_space<vmem_shared>> -> memref<10112x128xf32, #tpu.memory_space<vmem_shared>>
        tpu.wait_indirect_dma semaphore(%run_scoped3A : memref<!tpu.dma_semaphore, #tpu.memory_space<semaphore_mem>>) src(%arg10 : memref<128x128xf32, #tpu.memory_space<vmem>>) dst(%dma_wait3A_104 : memref<10112x128xf32, #tpu.memory_space<vmem_shared>>)
        tpu.yield
      }) : () -> ()
    }
    %scan3A_48 = arith.constant 20 : i32
    %dma_wait3A_49 = arith.constant 39 : i32
    %dma_wait3A_50 = arith.constant 0 : i32
    %dma_wait3A_51 = tpu.memref_slice %arg7[%dma_wait3A_49, %dma_wait3A_50] : memref<40x128xi32, #tpu.memory_space<vmem>> -> memref<1x128xi32, #tpu.memory_space<vmem>>
    %dma_wait3A_52 = tpu.memref_squeeze %dma_wait3A_51 : memref<1x128xi32, #tpu.memory_space<vmem>> -> memref<128xi32, #tpu.memory_space<vmem>>
    %dma_wait3A_53 = arith.constant 0 : i32
    %dma_wait3A_54 = arith.constant 0 : i32
    %dma_wait3A_55 = tpu.memref_slice %arg2[%dma_wait3A_53, %dma_wait3A_54] : memref<10112x128xf32, #tpu.memory_space<hbm>> -> memref<10112x128xf32, #tpu.memory_space<hbm>>
    tpu.wait_indirect_dma semaphore(%arg12 : memref<!tpu.dma_semaphore, #tpu.memory_space<semaphore_mem>>) src(%dma_wait3A_55 : memref<10112x128xf32, #tpu.memory_space<hbm>>) dst(%arg9 : memref<128x128xf32, #tpu.memory_space<vmem>>)
    %barrier3A_56 = arith.constant 0 : index
    tpu.barrier barrier_id(%barrier3A_56)
    %mul3A_57 = arith.constant 632 : i32
    %mul3A_58 = arith.muli %arg1, %mul3A_57 : i32
    %mul3A_59 = arith.constant 632 : i32
    %mul3A_60 = arith.muli %arg1, %mul3A_59 : i32
    "tpu.region"() ({
      %run_scoped3A = tpu.sem_alloc : memref<!tpu.dma_semaphore, #tpu.memory_space<semaphore_mem>>
      %dma_start3A_61 = arith.constant 0 : i32
      %dma_start3A_62 = tpu.memref_slice %arg6[%arg0, %mul3A_60, %dma_start3A_61] : memref<2x10112x128xf32, #tpu.memory_space<hbm>> -> memref<1x632x128xf32, #tpu.memory_space<hbm>>
      %dma_start3A_63 = tpu.memref_squeeze %dma_start3A_62 : memref<1x632x128xf32, #tpu.memory_space<hbm>> -> memref<632x128xf32, #tpu.memory_space<hbm>>
      %dma_start3A_64 = arith.constant 0 : i32
      %dma_start3A_65 = tpu.memref_slice %arg11[%mul3A_58, %dma_start3A_64] : memref<10112x128xf32, #tpu.memory_space<vmem_shared>> -> memref<632x128xf32, #tpu.memory_space<vmem_shared>>
      tpu.enqueue_dma source(%dma_start3A_65 : memref<632x128xf32, #tpu.memory_space<vmem_shared>>) target(%dma_start3A_63 : memref<632x128xf32, #tpu.memory_space<hbm>>) target_semaphore(%run_scoped3A : memref<!tpu.dma_semaphore, #tpu.memory_space<semaphore_mem>>)
      %dma_wait3A_66 = arith.constant 0 : i32
      %dma_wait3A_67 = tpu.memref_slice %arg6[%arg0, %mul3A_60, %dma_wait3A_66] : memref<2x10112x128xf32, #tpu.memory_space<hbm>> -> memref<1x632x128xf32, #tpu.memory_space<hbm>>
      %dma_wait3A_68 = tpu.memref_squeeze %dma_wait3A_67 : memref<1x632x128xf32, #tpu.memory_space<hbm>> -> memref<632x128xf32, #tpu.memory_space<hbm>>
      %dma_wait3A_69 = arith.constant 0 : i32
      %dma_wait3A_70 = tpu.memref_slice %arg11[%mul3A_58, %dma_wait3A_69] : memref<10112x128xf32, #tpu.memory_space<vmem_shared>> -> memref<632x128xf32, #tpu.memory_space<vmem_shared>>
      tpu.wait_dma2 semaphore(%run_scoped3A : memref<!tpu.dma_semaphore, #tpu.memory_space<semaphore_mem>>) src(%dma_wait3A_70 : memref<632x128xf32, #tpu.memory_space<vmem_shared>>) dst(%dma_wait3A_68 : memref<632x128xf32, #tpu.memory_space<hbm>>)
      tpu.yield
    }) : () -> ()
    return
  }
}

#map = affine_map<(d0, d1) -> (0, 0)>
#map1 = affine_map<(d0, d1) -> (0, 0, 0)>
module attributes {stable_mosaic.version = 14 : i64} {
  func.func @_sc_degree(%arg0: i32, %arg1: i32, %arg2: memref<2560x128xi32, #tpu.memory_space<hbm>>, %arg3: memref<128x128xf32, #tpu.memory_space<hbm>>, %arg4: memref<632x128xf32, #tpu.memory_space<hbm>>, %arg5: memref<2x10112x128xf32, #tpu.memory_space<hbm>>, %arg6: memref<80x128xi32, #tpu.memory_space<vmem>>, %arg7: memref<128x128xf32, #tpu.memory_space<vmem>>, %arg8: memref<10112x128xf32, #tpu.memory_space<vmem_shared>>) attributes {dimension_semantics = [#tpu.dimension_semantics<core_parallel>, #tpu.dimension_semantics<subcore_parallel>], iteration_bounds = array<i64: 2, 16>, scalar_prefetch = 0 : i64, scratch_operands = 3 : i64, tpu.core_type = #tpu.core_type<sc_vector_subcore>, window_params = [{transform_indices = #map}, {transform_indices = #map}, {transform_indices = #map}, {transform_indices = #map1}]} {
    %mul3A = arith.constant 16 : i32
    %mul3A_0 = arith.muli %arg0, %mul3A : i32
    %add3A = arith.addi %mul3A_0, %arg1 : i32
    %mul3A_1 = arith.constant 80 : i32
    %mul3A_2 = arith.muli %add3A, %mul3A_1 : i32
    "tpu.region"() ({
      %run_scoped3A = tpu.sem_alloc : memref<!tpu.dma_semaphore, #tpu.memory_space<semaphore_mem>>
      %dma_start3A = arith.constant 0 : i32
      %dma_start3A_15 = tpu.memref_slice %arg2[%mul3A_2, %dma_start3A] : memref<2560x128xi32, #tpu.memory_space<hbm>> -> memref<80x128xi32, #tpu.memory_space<hbm>>
      %dma_start3A_16 = arith.constant 0 : i32
      %dma_start3A_17 = tpu.memref_slice %arg2[%mul3A_2, %dma_start3A_16] : memref<2560x128xi32, #tpu.memory_space<hbm>> -> memref<80x128xi32, #tpu.memory_space<hbm>>
      tpu.enqueue_dma source(%dma_start3A_17 : memref<80x128xi32, #tpu.memory_space<hbm>>) target(%arg6 : memref<80x128xi32, #tpu.memory_space<vmem>>) target_semaphore(%run_scoped3A : memref<!tpu.dma_semaphore, #tpu.memory_space<semaphore_mem>>)
      %dma_wait3A = arith.constant 0 : i32
      %dma_wait3A_18 = tpu.memref_slice %arg2[%mul3A_2, %dma_wait3A] : memref<2560x128xi32, #tpu.memory_space<hbm>> -> memref<80x128xi32, #tpu.memory_space<hbm>>
      %dma_wait3A_19 = arith.constant 0 : i32
      %dma_wait3A_20 = tpu.memref_slice %arg2[%mul3A_2, %dma_wait3A_19] : memref<2560x128xi32, #tpu.memory_space<hbm>> -> memref<80x128xi32, #tpu.memory_space<hbm>>
      tpu.wait_dma2 semaphore(%run_scoped3A : memref<!tpu.dma_semaphore, #tpu.memory_space<semaphore_mem>>) src(%dma_wait3A_20 : memref<80x128xi32, #tpu.memory_space<hbm>>) dst(%arg6 : memref<80x128xi32, #tpu.memory_space<vmem>>)
      tpu.yield
    }) : () -> ()
    "tpu.region"() ({
      %run_scoped3A = tpu.sem_alloc : memref<!tpu.dma_semaphore, #tpu.memory_space<semaphore_mem>>
      tpu.enqueue_dma source(%arg3 : memref<128x128xf32, #tpu.memory_space<hbm>>) target(%arg7 : memref<128x128xf32, #tpu.memory_space<vmem>>) target_semaphore(%run_scoped3A : memref<!tpu.dma_semaphore, #tpu.memory_space<semaphore_mem>>)
      tpu.wait_dma2 semaphore(%run_scoped3A : memref<!tpu.dma_semaphore, #tpu.memory_space<semaphore_mem>>) src(%arg3 : memref<128x128xf32, #tpu.memory_space<hbm>>) dst(%arg7 : memref<128x128xf32, #tpu.memory_space<vmem>>)
      tpu.yield
    }) : () -> ()
    %mul3A_3 = arith.constant 632 : i32
    %mul3A_4 = arith.muli %arg1, %mul3A_3 : i32
    "tpu.region"() ({
      %run_scoped3A = tpu.sem_alloc : memref<!tpu.dma_semaphore, #tpu.memory_space<semaphore_mem>>
      %dma_start3A = arith.constant 0 : i32
      %dma_start3A_15 = tpu.memref_slice %arg8[%mul3A_4, %dma_start3A] : memref<10112x128xf32, #tpu.memory_space<vmem_shared>> -> memref<632x128xf32, #tpu.memory_space<vmem_shared>>
      tpu.enqueue_dma source(%arg4 : memref<632x128xf32, #tpu.memory_space<hbm>>) target(%dma_start3A_15 : memref<632x128xf32, #tpu.memory_space<vmem_shared>>) target_semaphore(%run_scoped3A : memref<!tpu.dma_semaphore, #tpu.memory_space<semaphore_mem>>)
      %dma_wait3A = arith.constant 0 : i32
      %dma_wait3A_16 = tpu.memref_slice %arg8[%mul3A_4, %dma_wait3A] : memref<10112x128xf32, #tpu.memory_space<vmem_shared>> -> memref<632x128xf32, #tpu.memory_space<vmem_shared>>
      tpu.wait_dma2 semaphore(%run_scoped3A : memref<!tpu.dma_semaphore, #tpu.memory_space<semaphore_mem>>) src(%arg4 : memref<632x128xf32, #tpu.memory_space<hbm>>) dst(%dma_wait3A_16 : memref<632x128xf32, #tpu.memory_space<vmem_shared>>)
      tpu.yield
    }) : () -> ()
    %barrier3A = arith.constant 0 : index
    tpu.barrier barrier_id(%barrier3A)
    %scan3A = arith.constant 0 : i32
    %scan3A_5 = arith.constant 0 : i32
    %scan3A_6 = arith.constant 80 : i32
    %scan3A_7 = arith.addi %scan3A_5, %scan3A_6 : i32
    %scan3A_8 = arith.constant 1 : i32
    scf.for %scan3A_15 = %scan3A_5 to %scan3A_7 step %scan3A_8  : i32 {
      "tpu.region"() ({
        %run_scoped3A = tpu.sem_alloc : memref<!tpu.dma_semaphore, #tpu.memory_space<semaphore_mem>>
        %dma_start3A = arith.constant 0 : i32
        %dma_start3A_16 = tpu.memref_slice %arg6[%scan3A_15, %dma_start3A] : memref<80x128xi32, #tpu.memory_space<vmem>> -> memref<1x128xi32, #tpu.memory_space<vmem>>
        %dma_start3A_17 = tpu.memref_squeeze %dma_start3A_16 : memref<1x128xi32, #tpu.memory_space<vmem>> -> memref<128xi32, #tpu.memory_space<vmem>>
        %dma_start3A_18 = arith.constant 0 : i32
        %dma_start3A_19 = arith.constant 0 : i32
        %dma_start3A_20 = tpu.memref_slice %arg8[%dma_start3A_18, %dma_start3A_19] : memref<10112x128xf32, #tpu.memory_space<vmem_shared>> -> memref<10112x128xf32, #tpu.memory_space<vmem_shared>>
        tpu.enqueue_indirect_dma source(%arg7 : memref<128x128xf32, #tpu.memory_space<vmem>>) target(%dma_start3A_20 : memref<10112x128xf32, #tpu.memory_space<vmem_shared>>) offsets(%dma_start3A_17 : memref<128xi32, #tpu.memory_space<vmem>>) semaphore(%run_scoped3A : memref<!tpu.dma_semaphore, #tpu.memory_space<semaphore_mem>>) {add = true}
        %dma_wait3A = arith.constant 0 : i32
        %dma_wait3A_21 = tpu.memref_slice %arg6[%scan3A_15, %dma_wait3A] : memref<80x128xi32, #tpu.memory_space<vmem>> -> memref<1x128xi32, #tpu.memory_space<vmem>>
        %dma_wait3A_22 = tpu.memref_squeeze %dma_wait3A_21 : memref<1x128xi32, #tpu.memory_space<vmem>> -> memref<128xi32, #tpu.memory_space<vmem>>
        %dma_wait3A_23 = arith.constant 0 : i32
        %dma_wait3A_24 = arith.constant 0 : i32
        %dma_wait3A_25 = tpu.memref_slice %arg8[%dma_wait3A_23, %dma_wait3A_24] : memref<10112x128xf32, #tpu.memory_space<vmem_shared>> -> memref<10112x128xf32, #tpu.memory_space<vmem_shared>>
        tpu.wait_indirect_dma semaphore(%run_scoped3A : memref<!tpu.dma_semaphore, #tpu.memory_space<semaphore_mem>>) src(%arg7 : memref<128x128xf32, #tpu.memory_space<vmem>>) dst(%dma_wait3A_25 : memref<10112x128xf32, #tpu.memory_space<vmem_shared>>)
        tpu.yield
      }) : () -> ()
    }
    %scan3A_9 = arith.constant 80 : i32
    %barrier3A_10 = arith.constant 0 : index
    tpu.barrier barrier_id(%barrier3A_10)
    %mul3A_11 = arith.constant 632 : i32
    %mul3A_12 = arith.muli %arg1, %mul3A_11 : i32
    %mul3A_13 = arith.constant 632 : i32
    %mul3A_14 = arith.muli %arg1, %mul3A_13 : i32
    "tpu.region"() ({
      %run_scoped3A = tpu.sem_alloc : memref<!tpu.dma_semaphore, #tpu.memory_space<semaphore_mem>>
      %dma_start3A = arith.constant 0 : i32
      %dma_start3A_15 = tpu.memref_slice %arg5[%arg0, %mul3A_14, %dma_start3A] : memref<2x10112x128xf32, #tpu.memory_space<hbm>> -> memref<1x632x128xf32, #tpu.memory_space<hbm>>
      %dma_start3A_16 = tpu.memref_squeeze %dma_start3A_15 : memref<1x632x128xf32, #tpu.memory_space<hbm>> -> memref<632x128xf32, #tpu.memory_space<hbm>>
      %dma_start3A_17 = arith.constant 0 : i32
      %dma_start3A_18 = tpu.memref_slice %arg8[%mul3A_12, %dma_start3A_17] : memref<10112x128xf32, #tpu.memory_space<vmem_shared>> -> memref<632x128xf32, #tpu.memory_space<vmem_shared>>
      tpu.enqueue_dma source(%dma_start3A_18 : memref<632x128xf32, #tpu.memory_space<vmem_shared>>) target(%dma_start3A_16 : memref<632x128xf32, #tpu.memory_space<hbm>>) target_semaphore(%run_scoped3A : memref<!tpu.dma_semaphore, #tpu.memory_space<semaphore_mem>>)
      %dma_wait3A = arith.constant 0 : i32
      %dma_wait3A_19 = tpu.memref_slice %arg5[%arg0, %mul3A_14, %dma_wait3A] : memref<2x10112x128xf32, #tpu.memory_space<hbm>> -> memref<1x632x128xf32, #tpu.memory_space<hbm>>
      %dma_wait3A_20 = tpu.memref_squeeze %dma_wait3A_19 : memref<1x632x128xf32, #tpu.memory_space<hbm>> -> memref<632x128xf32, #tpu.memory_space<hbm>>
      %dma_wait3A_21 = arith.constant 0 : i32
      %dma_wait3A_22 = tpu.memref_slice %arg8[%mul3A_12, %dma_wait3A_21] : memref<10112x128xf32, #tpu.memory_space<vmem_shared>> -> memref<632x128xf32, #tpu.memory_space<vmem_shared>>
      tpu.wait_dma2 semaphore(%run_scoped3A : memref<!tpu.dma_semaphore, #tpu.memory_space<semaphore_mem>>) src(%dma_wait3A_22 : memref<632x128xf32, #tpu.memory_space<vmem_shared>>) dst(%dma_wait3A_20 : memref<632x128xf32, #tpu.memory_space<hbm>>)
      tpu.yield
    }) : () -> ()
    return
  }
}

#map = affine_map<(d0, d1) -> (0, 0)>
#map1 = affine_map<(d0, d1) -> (0, 0, 0)>
module attributes {stable_mosaic.version = 14 : i64} {
  func.func @_sc_propagate(%arg0: i32, %arg1: i32, %arg2: memref<10112x128xf32, #tpu.memory_space<hbm>>, %arg3: memref<2560x128xi32, #tpu.memory_space<hbm>>, %arg4: memref<2560x128xi32, #tpu.memory_space<hbm>>, %arg5: memref<632x128xf32, #tpu.memory_space<hbm>>, %arg6: memref<2x10112x128xf32, #tpu.memory_space<hbm>>, %arg7: memref<40x128xi32, #tpu.memory_space<vmem>>, %arg8: memref<40x128xi32, #tpu.memory_space<vmem>>, %arg9: memref<128x128xf32, #tpu.memory_space<vmem>>, %arg10: memref<128x128xf32, #tpu.memory_space<vmem>>, %arg11: memref<10112x128xf32, #tpu.memory_space<vmem_shared>>, %arg12: memref<!tpu.dma_semaphore, #tpu.memory_space<semaphore_mem>>, %arg13: memref<!tpu.dma_semaphore, #tpu.memory_space<semaphore_mem>>) attributes {dimension_semantics = [#tpu.dimension_semantics<core_parallel>, #tpu.dimension_semantics<subcore_parallel>], iteration_bounds = array<i64: 2, 16>, scalar_prefetch = 0 : i64, scratch_operands = 7 : i64, tpu.core_type = #tpu.core_type<sc_vector_subcore>, window_params = [{transform_indices = #map}, {transform_indices = #map}, {transform_indices = #map}, {transform_indices = #map}, {transform_indices = #map1}]} {
    %mul3A = arith.constant 16 : i32
    %mul3A_0 = arith.muli %arg0, %mul3A : i32
    %add3A = arith.addi %mul3A_0, %arg1 : i32
    %mul3A_1 = arith.constant 632 : i32
    %mul3A_2 = arith.muli %arg1, %mul3A_1 : i32
    "tpu.region"() ({
      %run_scoped3A = tpu.sem_alloc : memref<!tpu.dma_semaphore, #tpu.memory_space<semaphore_mem>>
      %dma_start3A_61 = arith.constant 0 : i32
      %dma_start3A_62 = tpu.memref_slice %arg11[%mul3A_2, %dma_start3A_61] : memref<10112x128xf32, #tpu.memory_space<vmem_shared>> -> memref<632x128xf32, #tpu.memory_space<vmem_shared>>
      tpu.enqueue_dma source(%arg5 : memref<632x128xf32, #tpu.memory_space<hbm>>) target(%dma_start3A_62 : memref<632x128xf32, #tpu.memory_space<vmem_shared>>) target_semaphore(%run_scoped3A : memref<!tpu.dma_semaphore, #tpu.memory_space<semaphore_mem>>)
      %dma_wait3A_63 = arith.constant 0 : i32
      %dma_wait3A_64 = tpu.memref_slice %arg11[%mul3A_2, %dma_wait3A_63] : memref<10112x128xf32, #tpu.memory_space<vmem_shared>> -> memref<632x128xf32, #tpu.memory_space<vmem_shared>>
      tpu.wait_dma2 semaphore(%run_scoped3A : memref<!tpu.dma_semaphore, #tpu.memory_space<semaphore_mem>>) src(%arg5 : memref<632x128xf32, #tpu.memory_space<hbm>>) dst(%dma_wait3A_64 : memref<632x128xf32, #tpu.memory_space<vmem_shared>>)
      tpu.yield
    }) : () -> ()
    %barrier3A = arith.constant 0 : index
    tpu.barrier barrier_id(%barrier3A)
    %mul3A_3 = arith.constant 80 : i32
    %mul3A_4 = arith.muli %add3A, %mul3A_3 : i32
    %add3A_5 = arith.constant 0 : i32
    %add3A_6 = arith.addi %mul3A_4, %add3A_5 : i32
    "tpu.region"() ({
      %run_scoped3A = tpu.sem_alloc : memref<!tpu.dma_semaphore, #tpu.memory_space<semaphore_mem>>
      %dma_start3A_61 = arith.constant 0 : i32
      %dma_start3A_62 = tpu.memref_slice %arg3[%add3A_6, %dma_start3A_61] : memref<2560x128xi32, #tpu.memory_space<hbm>> -> memref<40x128xi32, #tpu.memory_space<hbm>>
      %dma_start3A_63 = arith.constant 0 : i32
      %dma_start3A_64 = tpu.memref_slice %arg3[%add3A_6, %dma_start3A_63] : memref<2560x128xi32, #tpu.memory_space<hbm>> -> memref<40x128xi32, #tpu.memory_space<hbm>>
      tpu.enqueue_dma source(%dma_start3A_64 : memref<40x128xi32, #tpu.memory_space<hbm>>) target(%arg7 : memref<40x128xi32, #tpu.memory_space<vmem>>) target_semaphore(%run_scoped3A : memref<!tpu.dma_semaphore, #tpu.memory_space<semaphore_mem>>)
      %dma_wait3A_65 = arith.constant 0 : i32
      %dma_wait3A_66 = tpu.memref_slice %arg3[%add3A_6, %dma_wait3A_65] : memref<2560x128xi32, #tpu.memory_space<hbm>> -> memref<40x128xi32, #tpu.memory_space<hbm>>
      %dma_wait3A_67 = arith.constant 0 : i32
      %dma_wait3A_68 = tpu.memref_slice %arg3[%add3A_6, %dma_wait3A_67] : memref<2560x128xi32, #tpu.memory_space<hbm>> -> memref<40x128xi32, #tpu.memory_space<hbm>>
      tpu.wait_dma2 semaphore(%run_scoped3A : memref<!tpu.dma_semaphore, #tpu.memory_space<semaphore_mem>>) src(%dma_wait3A_68 : memref<40x128xi32, #tpu.memory_space<hbm>>) dst(%arg7 : memref<40x128xi32, #tpu.memory_space<vmem>>)
      tpu.yield
    }) : () -> ()
    %mul3A_7 = arith.constant 80 : i32
    %mul3A_8 = arith.muli %add3A, %mul3A_7 : i32
    %add3A_9 = arith.constant 0 : i32
    %add3A_10 = arith.addi %mul3A_8, %add3A_9 : i32
    "tpu.region"() ({
      %run_scoped3A = tpu.sem_alloc : memref<!tpu.dma_semaphore, #tpu.memory_space<semaphore_mem>>
      %dma_start3A_61 = arith.constant 0 : i32
      %dma_start3A_62 = tpu.memref_slice %arg4[%add3A_10, %dma_start3A_61] : memref<2560x128xi32, #tpu.memory_space<hbm>> -> memref<40x128xi32, #tpu.memory_space<hbm>>
      %dma_start3A_63 = arith.constant 0 : i32
      %dma_start3A_64 = tpu.memref_slice %arg4[%add3A_10, %dma_start3A_63] : memref<2560x128xi32, #tpu.memory_space<hbm>> -> memref<40x128xi32, #tpu.memory_space<hbm>>
      tpu.enqueue_dma source(%dma_start3A_64 : memref<40x128xi32, #tpu.memory_space<hbm>>) target(%arg8 : memref<40x128xi32, #tpu.memory_space<vmem>>) target_semaphore(%run_scoped3A : memref<!tpu.dma_semaphore, #tpu.memory_space<semaphore_mem>>)
      %dma_wait3A_65 = arith.constant 0 : i32
      %dma_wait3A_66 = tpu.memref_slice %arg4[%add3A_10, %dma_wait3A_65] : memref<2560x128xi32, #tpu.memory_space<hbm>> -> memref<40x128xi32, #tpu.memory_space<hbm>>
      %dma_wait3A_67 = arith.constant 0 : i32
      %dma_wait3A_68 = tpu.memref_slice %arg4[%add3A_10, %dma_wait3A_67] : memref<2560x128xi32, #tpu.memory_space<hbm>> -> memref<40x128xi32, #tpu.memory_space<hbm>>
      tpu.wait_dma2 semaphore(%run_scoped3A : memref<!tpu.dma_semaphore, #tpu.memory_space<semaphore_mem>>) src(%dma_wait3A_68 : memref<40x128xi32, #tpu.memory_space<hbm>>) dst(%arg8 : memref<40x128xi32, #tpu.memory_space<vmem>>)
      tpu.yield
    }) : () -> ()
    %dma_start3A = arith.constant 0 : i32
    %dma_start3A_11 = arith.constant 0 : i32
    %dma_start3A_12 = tpu.memref_slice %arg7[%dma_start3A, %dma_start3A_11] : memref<40x128xi32, #tpu.memory_space<vmem>> -> memref<1x128xi32, #tpu.memory_space<vmem>>
    %dma_start3A_13 = tpu.memref_squeeze %dma_start3A_12 : memref<1x128xi32, #tpu.memory_space<vmem>> -> memref<128xi32, #tpu.memory_space<vmem>>
    %dma_start3A_14 = arith.constant 0 : i32
    %dma_start3A_15 = arith.constant 0 : i32
    %dma_start3A_16 = tpu.memref_slice %arg2[%dma_start3A_14, %dma_start3A_15] : memref<10112x128xf32, #tpu.memory_space<hbm>> -> memref<10112x128xf32, #tpu.memory_space<hbm>>
    tpu.enqueue_indirect_dma source(%dma_start3A_16 : memref<10112x128xf32, #tpu.memory_space<hbm>>) target(%arg9 : memref<128x128xf32, #tpu.memory_space<vmem>>) offsets(%dma_start3A_13 : memref<128xi32, #tpu.memory_space<vmem>>) semaphore(%arg12 : memref<!tpu.dma_semaphore, #tpu.memory_space<semaphore_mem>>)
    %scan3A = arith.constant 0 : i32
    %scan3A_17 = arith.constant 0 : i32
    %scan3A_18 = arith.constant 20 : i32
    %scan3A_19 = arith.addi %scan3A_17, %scan3A_18 : i32
    %scan3A_20 = arith.constant 1 : i32
    scf.for %scan3A_61 = %scan3A_17 to %scan3A_19 step %scan3A_20  : i32 {
      %mul3A_62 = arith.constant 2 : i32
      %mul3A_63 = arith.muli %mul3A_62, %scan3A_61 : i32
      %add3A_64 = arith.constant 1 : i32
      %add3A_65 = arith.addi %mul3A_63, %add3A_64 : i32
      %add3A_66 = arith.constant 2 : i32
      %add3A_67 = arith.addi %mul3A_63, %add3A_66 : i32
      %min3A = arith.constant 39 : i32
      %min3A_68 = arith.minsi %add3A_67, %min3A : i32
      %dma_start3A_69 = arith.constant 0 : i32
      %dma_start3A_70 = tpu.memref_slice %arg7[%add3A_65, %dma_start3A_69] : memref<40x128xi32, #tpu.memory_space<vmem>> -> memref<1x128xi32, #tpu.memory_space<vmem>>
      %dma_start3A_71 = tpu.memref_squeeze %dma_start3A_70 : memref<1x128xi32, #tpu.memory_space<vmem>> -> memref<128xi32, #tpu.memory_space<vmem>>
      %dma_start3A_72 = arith.constant 0 : i32
      %dma_start3A_73 = arith.constant 0 : i32
      %dma_start3A_74 = tpu.memref_slice %arg2[%dma_start3A_72, %dma_start3A_73] : memref<10112x128xf32, #tpu.memory_space<hbm>> -> memref<10112x128xf32, #tpu.memory_space<hbm>>
      tpu.enqueue_indirect_dma source(%dma_start3A_74 : memref<10112x128xf32, #tpu.memory_space<hbm>>) target(%arg10 : memref<128x128xf32, #tpu.memory_space<vmem>>) offsets(%dma_start3A_71 : memref<128xi32, #tpu.memory_space<vmem>>) semaphore(%arg13 : memref<!tpu.dma_semaphore, #tpu.memory_space<semaphore_mem>>)
      %dma_wait3A_75 = arith.constant 0 : i32
      %dma_wait3A_76 = tpu.memref_slice %arg7[%mul3A_63, %dma_wait3A_75] : memref<40x128xi32, #tpu.memory_space<vmem>> -> memref<1x128xi32, #tpu.memory_space<vmem>>
      %dma_wait3A_77 = tpu.memref_squeeze %dma_wait3A_76 : memref<1x128xi32, #tpu.memory_space<vmem>> -> memref<128xi32, #tpu.memory_space<vmem>>
      %dma_wait3A_78 = arith.constant 0 : i32
      %dma_wait3A_79 = arith.constant 0 : i32
      %dma_wait3A_80 = tpu.memref_slice %arg2[%dma_wait3A_78, %dma_wait3A_79] : memref<10112x128xf32, #tpu.memory_space<hbm>> -> memref<10112x128xf32, #tpu.memory_space<hbm>>
      tpu.wait_indirect_dma semaphore(%arg12 : memref<!tpu.dma_semaphore, #tpu.memory_space<semaphore_mem>>) src(%dma_wait3A_80 : memref<10112x128xf32, #tpu.memory_space<hbm>>) dst(%arg9 : memref<128x128xf32, #tpu.memory_space<vmem>>)
      "tpu.region"() ({
        %run_scoped3A = tpu.sem_alloc : memref<!tpu.dma_semaphore, #tpu.memory_space<semaphore_mem>>
        %dma_start3A_93 = arith.constant 0 : i32
        %dma_start3A_94 = tpu.memref_slice %arg8[%mul3A_63, %dma_start3A_93] : memref<40x128xi32, #tpu.memory_space<vmem>> -> memref<1x128xi32, #tpu.memory_space<vmem>>
        %dma_start3A_95 = tpu.memref_squeeze %dma_start3A_94 : memref<1x128xi32, #tpu.memory_space<vmem>> -> memref<128xi32, #tpu.memory_space<vmem>>
        %dma_start3A_96 = arith.constant 0 : i32
        %dma_start3A_97 = arith.constant 0 : i32
        %dma_start3A_98 = tpu.memref_slice %arg11[%dma_start3A_96, %dma_start3A_97] : memref<10112x128xf32, #tpu.memory_space<vmem_shared>> -> memref<10112x128xf32, #tpu.memory_space<vmem_shared>>
        tpu.enqueue_indirect_dma source(%arg9 : memref<128x128xf32, #tpu.memory_space<vmem>>) target(%dma_start3A_98 : memref<10112x128xf32, #tpu.memory_space<vmem_shared>>) offsets(%dma_start3A_95 : memref<128xi32, #tpu.memory_space<vmem>>) semaphore(%run_scoped3A : memref<!tpu.dma_semaphore, #tpu.memory_space<semaphore_mem>>) {add = true}
        %dma_wait3A_99 = arith.constant 0 : i32
        %dma_wait3A_100 = tpu.memref_slice %arg8[%mul3A_63, %dma_wait3A_99] : memref<40x128xi32, #tpu.memory_space<vmem>> -> memref<1x128xi32, #tpu.memory_space<vmem>>
        %dma_wait3A_101 = tpu.memref_squeeze %dma_wait3A_100 : memref<1x128xi32, #tpu.memory_space<vmem>> -> memref<128xi32, #tpu.memory_space<vmem>>
        %dma_wait3A_102 = arith.constant 0 : i32
        %dma_wait3A_103 = arith.constant 0 : i32
        %dma_wait3A_104 = tpu.memref_slice %arg11[%dma_wait3A_102, %dma_wait3A_103] : memref<10112x128xf32, #tpu.memory_space<vmem_shared>> -> memref<10112x128xf32, #tpu.memory_space<vmem_shared>>
        tpu.wait_indirect_dma semaphore(%run_scoped3A : memref<!tpu.dma_semaphore, #tpu.memory_space<semaphore_mem>>) src(%arg9 : memref<128x128xf32, #tpu.memory_space<vmem>>) dst(%dma_wait3A_104 : memref<10112x128xf32, #tpu.memory_space<vmem_shared>>)
        tpu.yield
      }) : () -> ()
      %dma_start3A_81 = arith.constant 0 : i32
      %dma_start3A_82 = tpu.memref_slice %arg7[%min3A_68, %dma_start3A_81] : memref<40x128xi32, #tpu.memory_space<vmem>> -> memref<1x128xi32, #tpu.memory_space<vmem>>
      %dma_start3A_83 = tpu.memref_squeeze %dma_start3A_82 : memref<1x128xi32, #tpu.memory_space<vmem>> -> memref<128xi32, #tpu.memory_space<vmem>>
      %dma_start3A_84 = arith.constant 0 : i32
      %dma_start3A_85 = arith.constant 0 : i32
      %dma_start3A_86 = tpu.memref_slice %arg2[%dma_start3A_84, %dma_start3A_85] : memref<10112x128xf32, #tpu.memory_space<hbm>> -> memref<10112x128xf32, #tpu.memory_space<hbm>>
      tpu.enqueue_indirect_dma source(%dma_start3A_86 : memref<10112x128xf32, #tpu.memory_space<hbm>>) target(%arg9 : memref<128x128xf32, #tpu.memory_space<vmem>>) offsets(%dma_start3A_83 : memref<128xi32, #tpu.memory_space<vmem>>) semaphore(%arg12 : memref<!tpu.dma_semaphore, #tpu.memory_space<semaphore_mem>>)
      %dma_wait3A_87 = arith.constant 0 : i32
      %dma_wait3A_88 = tpu.memref_slice %arg7[%add3A_65, %dma_wait3A_87] : memref<40x128xi32, #tpu.memory_space<vmem>> -> memref<1x128xi32, #tpu.memory_space<vmem>>
      %dma_wait3A_89 = tpu.memref_squeeze %dma_wait3A_88 : memref<1x128xi32, #tpu.memory_space<vmem>> -> memref<128xi32, #tpu.memory_space<vmem>>
      %dma_wait3A_90 = arith.constant 0 : i32
      %dma_wait3A_91 = arith.constant 0 : i32
      %dma_wait3A_92 = tpu.memref_slice %arg2[%dma_wait3A_90, %dma_wait3A_91] : memref<10112x128xf32, #tpu.memory_space<hbm>> -> memref<10112x128xf32, #tpu.memory_space<hbm>>
      tpu.wait_indirect_dma semaphore(%arg13 : memref<!tpu.dma_semaphore, #tpu.memory_space<semaphore_mem>>) src(%dma_wait3A_92 : memref<10112x128xf32, #tpu.memory_space<hbm>>) dst(%arg10 : memref<128x128xf32, #tpu.memory_space<vmem>>)
      "tpu.region"() ({
        %run_scoped3A = tpu.sem_alloc : memref<!tpu.dma_semaphore, #tpu.memory_space<semaphore_mem>>
        %dma_start3A_93 = arith.constant 0 : i32
        %dma_start3A_94 = tpu.memref_slice %arg8[%add3A_65, %dma_start3A_93] : memref<40x128xi32, #tpu.memory_space<vmem>> -> memref<1x128xi32, #tpu.memory_space<vmem>>
        %dma_start3A_95 = tpu.memref_squeeze %dma_start3A_94 : memref<1x128xi32, #tpu.memory_space<vmem>> -> memref<128xi32, #tpu.memory_space<vmem>>
        %dma_start3A_96 = arith.constant 0 : i32
        %dma_start3A_97 = arith.constant 0 : i32
        %dma_start3A_98 = tpu.memref_slice %arg11[%dma_start3A_96, %dma_start3A_97] : memref<10112x128xf32, #tpu.memory_space<vmem_shared>> -> memref<10112x128xf32, #tpu.memory_space<vmem_shared>>
        tpu.enqueue_indirect_dma source(%arg10 : memref<128x128xf32, #tpu.memory_space<vmem>>) target(%dma_start3A_98 : memref<10112x128xf32, #tpu.memory_space<vmem_shared>>) offsets(%dma_start3A_95 : memref<128xi32, #tpu.memory_space<vmem>>) semaphore(%run_scoped3A : memref<!tpu.dma_semaphore, #tpu.memory_space<semaphore_mem>>) {add = true}
        %dma_wait3A_99 = arith.constant 0 : i32
        %dma_wait3A_100 = tpu.memref_slice %arg8[%add3A_65, %dma_wait3A_99] : memref<40x128xi32, #tpu.memory_space<vmem>> -> memref<1x128xi32, #tpu.memory_space<vmem>>
        %dma_wait3A_101 = tpu.memref_squeeze %dma_wait3A_100 : memref<1x128xi32, #tpu.memory_space<vmem>> -> memref<128xi32, #tpu.memory_space<vmem>>
        %dma_wait3A_102 = arith.constant 0 : i32
        %dma_wait3A_103 = arith.constant 0 : i32
        %dma_wait3A_104 = tpu.memref_slice %arg11[%dma_wait3A_102, %dma_wait3A_103] : memref<10112x128xf32, #tpu.memory_space<vmem_shared>> -> memref<10112x128xf32, #tpu.memory_space<vmem_shared>>
        tpu.wait_indirect_dma semaphore(%run_scoped3A : memref<!tpu.dma_semaphore, #tpu.memory_space<semaphore_mem>>) src(%arg10 : memref<128x128xf32, #tpu.memory_space<vmem>>) dst(%dma_wait3A_104 : memref<10112x128xf32, #tpu.memory_space<vmem_shared>>)
        tpu.yield
      }) : () -> ()
    }
    %scan3A_21 = arith.constant 20 : i32
    %dma_wait3A = arith.constant 39 : i32
    %dma_wait3A_22 = arith.constant 0 : i32
    %dma_wait3A_23 = tpu.memref_slice %arg7[%dma_wait3A, %dma_wait3A_22] : memref<40x128xi32, #tpu.memory_space<vmem>> -> memref<1x128xi32, #tpu.memory_space<vmem>>
    %dma_wait3A_24 = tpu.memref_squeeze %dma_wait3A_23 : memref<1x128xi32, #tpu.memory_space<vmem>> -> memref<128xi32, #tpu.memory_space<vmem>>
    %dma_wait3A_25 = arith.constant 0 : i32
    %dma_wait3A_26 = arith.constant 0 : i32
    %dma_wait3A_27 = tpu.memref_slice %arg2[%dma_wait3A_25, %dma_wait3A_26] : memref<10112x128xf32, #tpu.memory_space<hbm>> -> memref<10112x128xf32, #tpu.memory_space<hbm>>
    tpu.wait_indirect_dma semaphore(%arg12 : memref<!tpu.dma_semaphore, #tpu.memory_space<semaphore_mem>>) src(%dma_wait3A_27 : memref<10112x128xf32, #tpu.memory_space<hbm>>) dst(%arg9 : memref<128x128xf32, #tpu.memory_space<vmem>>)
    %mul3A_28 = arith.constant 80 : i32
    %mul3A_29 = arith.muli %add3A, %mul3A_28 : i32
    %add3A_30 = arith.constant 40 : i32
    %add3A_31 = arith.addi %mul3A_29, %add3A_30 : i32
    "tpu.region"() ({
      %run_scoped3A = tpu.sem_alloc : memref<!tpu.dma_semaphore, #tpu.memory_space<semaphore_mem>>
      %dma_start3A_61 = arith.constant 0 : i32
      %dma_start3A_62 = tpu.memref_slice %arg3[%add3A_31, %dma_start3A_61] : memref<2560x128xi32, #tpu.memory_space<hbm>> -> memref<40x128xi32, #tpu.memory_space<hbm>>
      %dma_start3A_63 = arith.constant 0 : i32
      %dma_start3A_64 = tpu.memref_slice %arg3[%add3A_31, %dma_start3A_63] : memref<2560x128xi32, #tpu.memory_space<hbm>> -> memref<40x128xi32, #tpu.memory_space<hbm>>
      tpu.enqueue_dma source(%dma_start3A_64 : memref<40x128xi32, #tpu.memory_space<hbm>>) target(%arg7 : memref<40x128xi32, #tpu.memory_space<vmem>>) target_semaphore(%run_scoped3A : memref<!tpu.dma_semaphore, #tpu.memory_space<semaphore_mem>>)
      %dma_wait3A_65 = arith.constant 0 : i32
      %dma_wait3A_66 = tpu.memref_slice %arg3[%add3A_31, %dma_wait3A_65] : memref<2560x128xi32, #tpu.memory_space<hbm>> -> memref<40x128xi32, #tpu.memory_space<hbm>>
      %dma_wait3A_67 = arith.constant 0 : i32
      %dma_wait3A_68 = tpu.memref_slice %arg3[%add3A_31, %dma_wait3A_67] : memref<2560x128xi32, #tpu.memory_space<hbm>> -> memref<40x128xi32, #tpu.memory_space<hbm>>
      tpu.wait_dma2 semaphore(%run_scoped3A : memref<!tpu.dma_semaphore, #tpu.memory_space<semaphore_mem>>) src(%dma_wait3A_68 : memref<40x128xi32, #tpu.memory_space<hbm>>) dst(%arg7 : memref<40x128xi32, #tpu.memory_space<vmem>>)
      tpu.yield
    }) : () -> ()
    %mul3A_32 = arith.constant 80 : i32
    %mul3A_33 = arith.muli %add3A, %mul3A_32 : i32
    %add3A_34 = arith.constant 40 : i32
    %add3A_35 = arith.addi %mul3A_33, %add3A_34 : i32
    "tpu.region"() ({
      %run_scoped3A = tpu.sem_alloc : memref<!tpu.dma_semaphore, #tpu.memory_space<semaphore_mem>>
      %dma_start3A_61 = arith.constant 0 : i32
      %dma_start3A_62 = tpu.memref_slice %arg4[%add3A_35, %dma_start3A_61] : memref<2560x128xi32, #tpu.memory_space<hbm>> -> memref<40x128xi32, #tpu.memory_space<hbm>>
      %dma_start3A_63 = arith.constant 0 : i32
      %dma_start3A_64 = tpu.memref_slice %arg4[%add3A_35, %dma_start3A_63] : memref<2560x128xi32, #tpu.memory_space<hbm>> -> memref<40x128xi32, #tpu.memory_space<hbm>>
      tpu.enqueue_dma source(%dma_start3A_64 : memref<40x128xi32, #tpu.memory_space<hbm>>) target(%arg8 : memref<40x128xi32, #tpu.memory_space<vmem>>) target_semaphore(%run_scoped3A : memref<!tpu.dma_semaphore, #tpu.memory_space<semaphore_mem>>)
      %dma_wait3A_65 = arith.constant 0 : i32
      %dma_wait3A_66 = tpu.memref_slice %arg4[%add3A_35, %dma_wait3A_65] : memref<2560x128xi32, #tpu.memory_space<hbm>> -> memref<40x128xi32, #tpu.memory_space<hbm>>
      %dma_wait3A_67 = arith.constant 0 : i32
      %dma_wait3A_68 = tpu.memref_slice %arg4[%add3A_35, %dma_wait3A_67] : memref<2560x128xi32, #tpu.memory_space<hbm>> -> memref<40x128xi32, #tpu.memory_space<hbm>>
      tpu.wait_dma2 semaphore(%run_scoped3A : memref<!tpu.dma_semaphore, #tpu.memory_space<semaphore_mem>>) src(%dma_wait3A_68 : memref<40x128xi32, #tpu.memory_space<hbm>>) dst(%arg8 : memref<40x128xi32, #tpu.memory_space<vmem>>)
      tpu.yield
    }) : () -> ()
    %dma_start3A_36 = arith.constant 0 : i32
    %dma_start3A_37 = arith.constant 0 : i32
    %dma_start3A_38 = tpu.memref_slice %arg7[%dma_start3A_36, %dma_start3A_37] : memref<40x128xi32, #tpu.memory_space<vmem>> -> memref<1x128xi32, #tpu.memory_space<vmem>>
    %dma_start3A_39 = tpu.memref_squeeze %dma_start3A_38 : memref<1x128xi32, #tpu.memory_space<vmem>> -> memref<128xi32, #tpu.memory_space<vmem>>
    %dma_start3A_40 = arith.constant 0 : i32
    %dma_start3A_41 = arith.constant 0 : i32
    %dma_start3A_42 = tpu.memref_slice %arg2[%dma_start3A_40, %dma_start3A_41] : memref<10112x128xf32, #tpu.memory_space<hbm>> -> memref<10112x128xf32, #tpu.memory_space<hbm>>
    tpu.enqueue_indirect_dma source(%dma_start3A_42 : memref<10112x128xf32, #tpu.memory_space<hbm>>) target(%arg9 : memref<128x128xf32, #tpu.memory_space<vmem>>) offsets(%dma_start3A_39 : memref<128xi32, #tpu.memory_space<vmem>>) semaphore(%arg12 : memref<!tpu.dma_semaphore, #tpu.memory_space<semaphore_mem>>)
    %scan3A_43 = arith.constant 0 : i32
    %scan3A_44 = arith.constant 0 : i32
    %scan3A_45 = arith.constant 20 : i32
    %scan3A_46 = arith.addi %scan3A_44, %scan3A_45 : i32
    %scan3A_47 = arith.constant 1 : i32
    scf.for %scan3A_61 = %scan3A_44 to %scan3A_46 step %scan3A_47  : i32 {
      %mul3A_62 = arith.constant 2 : i32
      %mul3A_63 = arith.muli %mul3A_62, %scan3A_61 : i32
      %add3A_64 = arith.constant 1 : i32
      %add3A_65 = arith.addi %mul3A_63, %add3A_64 : i32
      %add3A_66 = arith.constant 2 : i32
      %add3A_67 = arith.addi %mul3A_63, %add3A_66 : i32
      %min3A = arith.constant 39 : i32
      %min3A_68 = arith.minsi %add3A_67, %min3A : i32
      %dma_start3A_69 = arith.constant 0 : i32
      %dma_start3A_70 = tpu.memref_slice %arg7[%add3A_65, %dma_start3A_69] : memref<40x128xi32, #tpu.memory_space<vmem>> -> memref<1x128xi32, #tpu.memory_space<vmem>>
      %dma_start3A_71 = tpu.memref_squeeze %dma_start3A_70 : memref<1x128xi32, #tpu.memory_space<vmem>> -> memref<128xi32, #tpu.memory_space<vmem>>
      %dma_start3A_72 = arith.constant 0 : i32
      %dma_start3A_73 = arith.constant 0 : i32
      %dma_start3A_74 = tpu.memref_slice %arg2[%dma_start3A_72, %dma_start3A_73] : memref<10112x128xf32, #tpu.memory_space<hbm>> -> memref<10112x128xf32, #tpu.memory_space<hbm>>
      tpu.enqueue_indirect_dma source(%dma_start3A_74 : memref<10112x128xf32, #tpu.memory_space<hbm>>) target(%arg10 : memref<128x128xf32, #tpu.memory_space<vmem>>) offsets(%dma_start3A_71 : memref<128xi32, #tpu.memory_space<vmem>>) semaphore(%arg13 : memref<!tpu.dma_semaphore, #tpu.memory_space<semaphore_mem>>)
      %dma_wait3A_75 = arith.constant 0 : i32
      %dma_wait3A_76 = tpu.memref_slice %arg7[%mul3A_63, %dma_wait3A_75] : memref<40x128xi32, #tpu.memory_space<vmem>> -> memref<1x128xi32, #tpu.memory_space<vmem>>
      %dma_wait3A_77 = tpu.memref_squeeze %dma_wait3A_76 : memref<1x128xi32, #tpu.memory_space<vmem>> -> memref<128xi32, #tpu.memory_space<vmem>>
      %dma_wait3A_78 = arith.constant 0 : i32
      %dma_wait3A_79 = arith.constant 0 : i32
      %dma_wait3A_80 = tpu.memref_slice %arg2[%dma_wait3A_78, %dma_wait3A_79] : memref<10112x128xf32, #tpu.memory_space<hbm>> -> memref<10112x128xf32, #tpu.memory_space<hbm>>
      tpu.wait_indirect_dma semaphore(%arg12 : memref<!tpu.dma_semaphore, #tpu.memory_space<semaphore_mem>>) src(%dma_wait3A_80 : memref<10112x128xf32, #tpu.memory_space<hbm>>) dst(%arg9 : memref<128x128xf32, #tpu.memory_space<vmem>>)
      "tpu.region"() ({
        %run_scoped3A = tpu.sem_alloc : memref<!tpu.dma_semaphore, #tpu.memory_space<semaphore_mem>>
        %dma_start3A_93 = arith.constant 0 : i32
        %dma_start3A_94 = tpu.memref_slice %arg8[%mul3A_63, %dma_start3A_93] : memref<40x128xi32, #tpu.memory_space<vmem>> -> memref<1x128xi32, #tpu.memory_space<vmem>>
        %dma_start3A_95 = tpu.memref_squeeze %dma_start3A_94 : memref<1x128xi32, #tpu.memory_space<vmem>> -> memref<128xi32, #tpu.memory_space<vmem>>
        %dma_start3A_96 = arith.constant 0 : i32
        %dma_start3A_97 = arith.constant 0 : i32
        %dma_start3A_98 = tpu.memref_slice %arg11[%dma_start3A_96, %dma_start3A_97] : memref<10112x128xf32, #tpu.memory_space<vmem_shared>> -> memref<10112x128xf32, #tpu.memory_space<vmem_shared>>
        tpu.enqueue_indirect_dma source(%arg9 : memref<128x128xf32, #tpu.memory_space<vmem>>) target(%dma_start3A_98 : memref<10112x128xf32, #tpu.memory_space<vmem_shared>>) offsets(%dma_start3A_95 : memref<128xi32, #tpu.memory_space<vmem>>) semaphore(%run_scoped3A : memref<!tpu.dma_semaphore, #tpu.memory_space<semaphore_mem>>) {add = true}
        %dma_wait3A_99 = arith.constant 0 : i32
        %dma_wait3A_100 = tpu.memref_slice %arg8[%mul3A_63, %dma_wait3A_99] : memref<40x128xi32, #tpu.memory_space<vmem>> -> memref<1x128xi32, #tpu.memory_space<vmem>>
        %dma_wait3A_101 = tpu.memref_squeeze %dma_wait3A_100 : memref<1x128xi32, #tpu.memory_space<vmem>> -> memref<128xi32, #tpu.memory_space<vmem>>
        %dma_wait3A_102 = arith.constant 0 : i32
        %dma_wait3A_103 = arith.constant 0 : i32
        %dma_wait3A_104 = tpu.memref_slice %arg11[%dma_wait3A_102, %dma_wait3A_103] : memref<10112x128xf32, #tpu.memory_space<vmem_shared>> -> memref<10112x128xf32, #tpu.memory_space<vmem_shared>>
        tpu.wait_indirect_dma semaphore(%run_scoped3A : memref<!tpu.dma_semaphore, #tpu.memory_space<semaphore_mem>>) src(%arg9 : memref<128x128xf32, #tpu.memory_space<vmem>>) dst(%dma_wait3A_104 : memref<10112x128xf32, #tpu.memory_space<vmem_shared>>)
        tpu.yield
      }) : () -> ()
      %dma_start3A_81 = arith.constant 0 : i32
      %dma_start3A_82 = tpu.memref_slice %arg7[%min3A_68, %dma_start3A_81] : memref<40x128xi32, #tpu.memory_space<vmem>> -> memref<1x128xi32, #tpu.memory_space<vmem>>
      %dma_start3A_83 = tpu.memref_squeeze %dma_start3A_82 : memref<1x128xi32, #tpu.memory_space<vmem>> -> memref<128xi32, #tpu.memory_space<vmem>>
      %dma_start3A_84 = arith.constant 0 : i32
      %dma_start3A_85 = arith.constant 0 : i32
      %dma_start3A_86 = tpu.memref_slice %arg2[%dma_start3A_84, %dma_start3A_85] : memref<10112x128xf32, #tpu.memory_space<hbm>> -> memref<10112x128xf32, #tpu.memory_space<hbm>>
      tpu.enqueue_indirect_dma source(%dma_start3A_86 : memref<10112x128xf32, #tpu.memory_space<hbm>>) target(%arg9 : memref<128x128xf32, #tpu.memory_space<vmem>>) offsets(%dma_start3A_83 : memref<128xi32, #tpu.memory_space<vmem>>) semaphore(%arg12 : memref<!tpu.dma_semaphore, #tpu.memory_space<semaphore_mem>>)
      %dma_wait3A_87 = arith.constant 0 : i32
      %dma_wait3A_88 = tpu.memref_slice %arg7[%add3A_65, %dma_wait3A_87] : memref<40x128xi32, #tpu.memory_space<vmem>> -> memref<1x128xi32, #tpu.memory_space<vmem>>
      %dma_wait3A_89 = tpu.memref_squeeze %dma_wait3A_88 : memref<1x128xi32, #tpu.memory_space<vmem>> -> memref<128xi32, #tpu.memory_space<vmem>>
      %dma_wait3A_90 = arith.constant 0 : i32
      %dma_wait3A_91 = arith.constant 0 : i32
      %dma_wait3A_92 = tpu.memref_slice %arg2[%dma_wait3A_90, %dma_wait3A_91] : memref<10112x128xf32, #tpu.memory_space<hbm>> -> memref<10112x128xf32, #tpu.memory_space<hbm>>
      tpu.wait_indirect_dma semaphore(%arg13 : memref<!tpu.dma_semaphore, #tpu.memory_space<semaphore_mem>>) src(%dma_wait3A_92 : memref<10112x128xf32, #tpu.memory_space<hbm>>) dst(%arg10 : memref<128x128xf32, #tpu.memory_space<vmem>>)
      "tpu.region"() ({
        %run_scoped3A = tpu.sem_alloc : memref<!tpu.dma_semaphore, #tpu.memory_space<semaphore_mem>>
        %dma_start3A_93 = arith.constant 0 : i32
        %dma_start3A_94 = tpu.memref_slice %arg8[%add3A_65, %dma_start3A_93] : memref<40x128xi32, #tpu.memory_space<vmem>> -> memref<1x128xi32, #tpu.memory_space<vmem>>
        %dma_start3A_95 = tpu.memref_squeeze %dma_start3A_94 : memref<1x128xi32, #tpu.memory_space<vmem>> -> memref<128xi32, #tpu.memory_space<vmem>>
        %dma_start3A_96 = arith.constant 0 : i32
        %dma_start3A_97 = arith.constant 0 : i32
        %dma_start3A_98 = tpu.memref_slice %arg11[%dma_start3A_96, %dma_start3A_97] : memref<10112x128xf32, #tpu.memory_space<vmem_shared>> -> memref<10112x128xf32, #tpu.memory_space<vmem_shared>>
        tpu.enqueue_indirect_dma source(%arg10 : memref<128x128xf32, #tpu.memory_space<vmem>>) target(%dma_start3A_98 : memref<10112x128xf32, #tpu.memory_space<vmem_shared>>) offsets(%dma_start3A_95 : memref<128xi32, #tpu.memory_space<vmem>>) semaphore(%run_scoped3A : memref<!tpu.dma_semaphore, #tpu.memory_space<semaphore_mem>>) {add = true}
        %dma_wait3A_99 = arith.constant 0 : i32
        %dma_wait3A_100 = tpu.memref_slice %arg8[%add3A_65, %dma_wait3A_99] : memref<40x128xi32, #tpu.memory_space<vmem>> -> memref<1x128xi32, #tpu.memory_space<vmem>>
        %dma_wait3A_101 = tpu.memref_squeeze %dma_wait3A_100 : memref<1x128xi32, #tpu.memory_space<vmem>> -> memref<128xi32, #tpu.memory_space<vmem>>
        %dma_wait3A_102 = arith.constant 0 : i32
        %dma_wait3A_103 = arith.constant 0 : i32
        %dma_wait3A_104 = tpu.memref_slice %arg11[%dma_wait3A_102, %dma_wait3A_103] : memref<10112x128xf32, #tpu.memory_space<vmem_shared>> -> memref<10112x128xf32, #tpu.memory_space<vmem_shared>>
        tpu.wait_indirect_dma semaphore(%run_scoped3A : memref<!tpu.dma_semaphore, #tpu.memory_space<semaphore_mem>>) src(%arg10 : memref<128x128xf32, #tpu.memory_space<vmem>>) dst(%dma_wait3A_104 : memref<10112x128xf32, #tpu.memory_space<vmem_shared>>)
        tpu.yield
      }) : () -> ()
    }
    %scan3A_48 = arith.constant 20 : i32
    %dma_wait3A_49 = arith.constant 39 : i32
    %dma_wait3A_50 = arith.constant 0 : i32
    %dma_wait3A_51 = tpu.memref_slice %arg7[%dma_wait3A_49, %dma_wait3A_50] : memref<40x128xi32, #tpu.memory_space<vmem>> -> memref<1x128xi32, #tpu.memory_space<vmem>>
    %dma_wait3A_52 = tpu.memref_squeeze %dma_wait3A_51 : memref<1x128xi32, #tpu.memory_space<vmem>> -> memref<128xi32, #tpu.memory_space<vmem>>
    %dma_wait3A_53 = arith.constant 0 : i32
    %dma_wait3A_54 = arith.constant 0 : i32
    %dma_wait3A_55 = tpu.memref_slice %arg2[%dma_wait3A_53, %dma_wait3A_54] : memref<10112x128xf32, #tpu.memory_space<hbm>> -> memref<10112x128xf32, #tpu.memory_space<hbm>>
    tpu.wait_indirect_dma semaphore(%arg12 : memref<!tpu.dma_semaphore, #tpu.memory_space<semaphore_mem>>) src(%dma_wait3A_55 : memref<10112x128xf32, #tpu.memory_space<hbm>>) dst(%arg9 : memref<128x128xf32, #tpu.memory_space<vmem>>)
    %barrier3A_56 = arith.constant 0 : index
    tpu.barrier barrier_id(%barrier3A_56)
    %mul3A_57 = arith.constant 632 : i32
    %mul3A_58 = arith.muli %arg1, %mul3A_57 : i32
    %mul3A_59 = arith.constant 632 : i32
    %mul3A_60 = arith.muli %arg1, %mul3A_59 : i32
    "tpu.region"() ({
      %run_scoped3A = tpu.sem_alloc : memref<!tpu.dma_semaphore, #tpu.memory_space<semaphore_mem>>
      %dma_start3A_61 = arith.constant 0 : i32
      %dma_start3A_62 = tpu.memref_slice %arg6[%arg0, %mul3A_60, %dma_start3A_61] : memref<2x10112x128xf32, #tpu.memory_space<hbm>> -> memref<1x632x128xf32, #tpu.memory_space<hbm>>
      %dma_start3A_63 = tpu.memref_squeeze %dma_start3A_62 : memref<1x632x128xf32, #tpu.memory_space<hbm>> -> memref<632x128xf32, #tpu.memory_space<hbm>>
      %dma_start3A_64 = arith.constant 0 : i32
      %dma_start3A_65 = tpu.memref_slice %arg11[%mul3A_58, %dma_start3A_64] : memref<10112x128xf32, #tpu.memory_space<vmem_shared>> -> memref<632x128xf32, #tpu.memory_space<vmem_shared>>
      tpu.enqueue_dma source(%dma_start3A_65 : memref<632x128xf32, #tpu.memory_space<vmem_shared>>) target(%dma_start3A_63 : memref<632x128xf32, #tpu.memory_space<hbm>>) target_semaphore(%run_scoped3A : memref<!tpu.dma_semaphore, #tpu.memory_space<semaphore_mem>>)
      %dma_wait3A_66 = arith.constant 0 : i32
      %dma_wait3A_67 = tpu.memref_slice %arg6[%arg0, %mul3A_60, %dma_wait3A_66] : memref<2x10112x128xf32, #tpu.memory_space<hbm>> -> memref<1x632x128xf32, #tpu.memory_space<hbm>>
      %dma_wait3A_68 = tpu.memref_squeeze %dma_wait3A_67 : memref<1x632x128xf32, #tpu.memory_space<hbm>> -> memref<632x128xf32, #tpu.memory_space<hbm>>
      %dma_wait3A_69 = arith.constant 0 : i32
      %dma_wait3A_70 = tpu.memref_slice %arg11[%mul3A_58, %dma_wait3A_69] : memref<10112x128xf32, #tpu.memory_space<vmem_shared>> -> memref<632x128xf32, #tpu.memory_space<vmem_shared>>
      tpu.wait_dma2 semaphore(%run_scoped3A : memref<!tpu.dma_semaphore, #tpu.memory_space<semaphore_mem>>) src(%dma_wait3A_70 : memref<632x128xf32, #tpu.memory_space<vmem_shared>>) dst(%dma_wait3A_68 : memref<632x128xf32, #tpu.memory_space<hbm>>)
      tpu.yield
    }) : () -> ()
    return
  }
}

#map = affine_map<(d0, d1) -> (0, 0)>
#map1 = affine_map<(d0, d1) -> (0, 0, 0)>
module attributes {stable_mosaic.version = 14 : i64} {
  func.func @_sc_propagate(%arg0: i32, %arg1: i32, %arg2: memref<10112x128xf32, #tpu.memory_space<hbm>>, %arg3: memref<2560x128xi32, #tpu.memory_space<hbm>>, %arg4: memref<2560x128xi32, #tpu.memory_space<hbm>>, %arg5: memref<632x128xf32, #tpu.memory_space<hbm>>, %arg6: memref<2x10112x128xf32, #tpu.memory_space<hbm>>, %arg7: memref<40x128xi32, #tpu.memory_space<vmem>>, %arg8: memref<40x128xi32, #tpu.memory_space<vmem>>, %arg9: memref<128x128xf32, #tpu.memory_space<vmem>>, %arg10: memref<128x128xf32, #tpu.memory_space<vmem>>, %arg11: memref<10112x128xf32, #tpu.memory_space<vmem_shared>>, %arg12: memref<!tpu.dma_semaphore, #tpu.memory_space<semaphore_mem>>, %arg13: memref<!tpu.dma_semaphore, #tpu.memory_space<semaphore_mem>>) attributes {dimension_semantics = [#tpu.dimension_semantics<core_parallel>, #tpu.dimension_semantics<subcore_parallel>], iteration_bounds = array<i64: 2, 16>, scalar_prefetch = 0 : i64, scratch_operands = 7 : i64, tpu.core_type = #tpu.core_type<sc_vector_subcore>, window_params = [{transform_indices = #map}, {transform_indices = #map}, {transform_indices = #map}, {transform_indices = #map}, {transform_indices = #map1}]} {
    %mul3A = arith.constant 16 : i32
    %mul3A_0 = arith.muli %arg0, %mul3A : i32
    %add3A = arith.addi %mul3A_0, %arg1 : i32
    %mul3A_1 = arith.constant 632 : i32
    %mul3A_2 = arith.muli %arg1, %mul3A_1 : i32
    "tpu.region"() ({
      %run_scoped3A = tpu.sem_alloc : memref<!tpu.dma_semaphore, #tpu.memory_space<semaphore_mem>>
      %dma_start3A_61 = arith.constant 0 : i32
      %dma_start3A_62 = tpu.memref_slice %arg11[%mul3A_2, %dma_start3A_61] : memref<10112x128xf32, #tpu.memory_space<vmem_shared>> -> memref<632x128xf32, #tpu.memory_space<vmem_shared>>
      tpu.enqueue_dma source(%arg5 : memref<632x128xf32, #tpu.memory_space<hbm>>) target(%dma_start3A_62 : memref<632x128xf32, #tpu.memory_space<vmem_shared>>) target_semaphore(%run_scoped3A : memref<!tpu.dma_semaphore, #tpu.memory_space<semaphore_mem>>)
      %dma_wait3A_63 = arith.constant 0 : i32
      %dma_wait3A_64 = tpu.memref_slice %arg11[%mul3A_2, %dma_wait3A_63] : memref<10112x128xf32, #tpu.memory_space<vmem_shared>> -> memref<632x128xf32, #tpu.memory_space<vmem_shared>>
      tpu.wait_dma2 semaphore(%run_scoped3A : memref<!tpu.dma_semaphore, #tpu.memory_space<semaphore_mem>>) src(%arg5 : memref<632x128xf32, #tpu.memory_space<hbm>>) dst(%dma_wait3A_64 : memref<632x128xf32, #tpu.memory_space<vmem_shared>>)
      tpu.yield
    }) : () -> ()
    %barrier3A = arith.constant 0 : index
    tpu.barrier barrier_id(%barrier3A)
    %mul3A_3 = arith.constant 80 : i32
    %mul3A_4 = arith.muli %add3A, %mul3A_3 : i32
    %add3A_5 = arith.constant 0 : i32
    %add3A_6 = arith.addi %mul3A_4, %add3A_5 : i32
    "tpu.region"() ({
      %run_scoped3A = tpu.sem_alloc : memref<!tpu.dma_semaphore, #tpu.memory_space<semaphore_mem>>
      %dma_start3A_61 = arith.constant 0 : i32
      %dma_start3A_62 = tpu.memref_slice %arg3[%add3A_6, %dma_start3A_61] : memref<2560x128xi32, #tpu.memory_space<hbm>> -> memref<40x128xi32, #tpu.memory_space<hbm>>
      %dma_start3A_63 = arith.constant 0 : i32
      %dma_start3A_64 = tpu.memref_slice %arg3[%add3A_6, %dma_start3A_63] : memref<2560x128xi32, #tpu.memory_space<hbm>> -> memref<40x128xi32, #tpu.memory_space<hbm>>
      tpu.enqueue_dma source(%dma_start3A_64 : memref<40x128xi32, #tpu.memory_space<hbm>>) target(%arg7 : memref<40x128xi32, #tpu.memory_space<vmem>>) target_semaphore(%run_scoped3A : memref<!tpu.dma_semaphore, #tpu.memory_space<semaphore_mem>>)
      %dma_wait3A_65 = arith.constant 0 : i32
      %dma_wait3A_66 = tpu.memref_slice %arg3[%add3A_6, %dma_wait3A_65] : memref<2560x128xi32, #tpu.memory_space<hbm>> -> memref<40x128xi32, #tpu.memory_space<hbm>>
      %dma_wait3A_67 = arith.constant 0 : i32
      %dma_wait3A_68 = tpu.memref_slice %arg3[%add3A_6, %dma_wait3A_67] : memref<2560x128xi32, #tpu.memory_space<hbm>> -> memref<40x128xi32, #tpu.memory_space<hbm>>
      tpu.wait_dma2 semaphore(%run_scoped3A : memref<!tpu.dma_semaphore, #tpu.memory_space<semaphore_mem>>) src(%dma_wait3A_68 : memref<40x128xi32, #tpu.memory_space<hbm>>) dst(%arg7 : memref<40x128xi32, #tpu.memory_space<vmem>>)
      tpu.yield
    }) : () -> ()
    %mul3A_7 = arith.constant 80 : i32
    %mul3A_8 = arith.muli %add3A, %mul3A_7 : i32
    %add3A_9 = arith.constant 0 : i32
    %add3A_10 = arith.addi %mul3A_8, %add3A_9 : i32
    "tpu.region"() ({
      %run_scoped3A = tpu.sem_alloc : memref<!tpu.dma_semaphore, #tpu.memory_space<semaphore_mem>>
      %dma_start3A_61 = arith.constant 0 : i32
      %dma_start3A_62 = tpu.memref_slice %arg4[%add3A_10, %dma_start3A_61] : memref<2560x128xi32, #tpu.memory_space<hbm>> -> memref<40x128xi32, #tpu.memory_space<hbm>>
      %dma_start3A_63 = arith.constant 0 : i32
      %dma_start3A_64 = tpu.memref_slice %arg4[%add3A_10, %dma_start3A_63] : memref<2560x128xi32, #tpu.memory_space<hbm>> -> memref<40x128xi32, #tpu.memory_space<hbm>>
      tpu.enqueue_dma source(%dma_start3A_64 : memref<40x128xi32, #tpu.memory_space<hbm>>) target(%arg8 : memref<40x128xi32, #tpu.memory_space<vmem>>) target_semaphore(%run_scoped3A : memref<!tpu.dma_semaphore, #tpu.memory_space<semaphore_mem>>)
      %dma_wait3A_65 = arith.constant 0 : i32
      %dma_wait3A_66 = tpu.memref_slice %arg4[%add3A_10, %dma_wait3A_65] : memref<2560x128xi32, #tpu.memory_space<hbm>> -> memref<40x128xi32, #tpu.memory_space<hbm>>
      %dma_wait3A_67 = arith.constant 0 : i32
      %dma_wait3A_68 = tpu.memref_slice %arg4[%add3A_10, %dma_wait3A_67] : memref<2560x128xi32, #tpu.memory_space<hbm>> -> memref<40x128xi32, #tpu.memory_space<hbm>>
      tpu.wait_dma2 semaphore(%run_scoped3A : memref<!tpu.dma_semaphore, #tpu.memory_space<semaphore_mem>>) src(%dma_wait3A_68 : memref<40x128xi32, #tpu.memory_space<hbm>>) dst(%arg8 : memref<40x128xi32, #tpu.memory_space<vmem>>)
      tpu.yield
    }) : () -> ()
    %dma_start3A = arith.constant 0 : i32
    %dma_start3A_11 = arith.constant 0 : i32
    %dma_start3A_12 = tpu.memref_slice %arg7[%dma_start3A, %dma_start3A_11] : memref<40x128xi32, #tpu.memory_space<vmem>> -> memref<1x128xi32, #tpu.memory_space<vmem>>
    %dma_start3A_13 = tpu.memref_squeeze %dma_start3A_12 : memref<1x128xi32, #tpu.memory_space<vmem>> -> memref<128xi32, #tpu.memory_space<vmem>>
    %dma_start3A_14 = arith.constant 0 : i32
    %dma_start3A_15 = arith.constant 0 : i32
    %dma_start3A_16 = tpu.memref_slice %arg2[%dma_start3A_14, %dma_start3A_15] : memref<10112x128xf32, #tpu.memory_space<hbm>> -> memref<10112x128xf32, #tpu.memory_space<hbm>>
    tpu.enqueue_indirect_dma source(%dma_start3A_16 : memref<10112x128xf32, #tpu.memory_space<hbm>>) target(%arg9 : memref<128x128xf32, #tpu.memory_space<vmem>>) offsets(%dma_start3A_13 : memref<128xi32, #tpu.memory_space<vmem>>) semaphore(%arg12 : memref<!tpu.dma_semaphore, #tpu.memory_space<semaphore_mem>>)
    %scan3A = arith.constant 0 : i32
    %scan3A_17 = arith.constant 0 : i32
    %scan3A_18 = arith.constant 20 : i32
    %scan3A_19 = arith.addi %scan3A_17, %scan3A_18 : i32
    %scan3A_20 = arith.constant 1 : i32
    scf.for %scan3A_61 = %scan3A_17 to %scan3A_19 step %scan3A_20  : i32 {
      %mul3A_62 = arith.constant 2 : i32
      %mul3A_63 = arith.muli %mul3A_62, %scan3A_61 : i32
      %add3A_64 = arith.constant 1 : i32
      %add3A_65 = arith.addi %mul3A_63, %add3A_64 : i32
      %add3A_66 = arith.constant 2 : i32
      %add3A_67 = arith.addi %mul3A_63, %add3A_66 : i32
      %min3A = arith.constant 39 : i32
      %min3A_68 = arith.minsi %add3A_67, %min3A : i32
      %dma_start3A_69 = arith.constant 0 : i32
      %dma_start3A_70 = tpu.memref_slice %arg7[%add3A_65, %dma_start3A_69] : memref<40x128xi32, #tpu.memory_space<vmem>> -> memref<1x128xi32, #tpu.memory_space<vmem>>
      %dma_start3A_71 = tpu.memref_squeeze %dma_start3A_70 : memref<1x128xi32, #tpu.memory_space<vmem>> -> memref<128xi32, #tpu.memory_space<vmem>>
      %dma_start3A_72 = arith.constant 0 : i32
      %dma_start3A_73 = arith.constant 0 : i32
      %dma_start3A_74 = tpu.memref_slice %arg2[%dma_start3A_72, %dma_start3A_73] : memref<10112x128xf32, #tpu.memory_space<hbm>> -> memref<10112x128xf32, #tpu.memory_space<hbm>>
      tpu.enqueue_indirect_dma source(%dma_start3A_74 : memref<10112x128xf32, #tpu.memory_space<hbm>>) target(%arg10 : memref<128x128xf32, #tpu.memory_space<vmem>>) offsets(%dma_start3A_71 : memref<128xi32, #tpu.memory_space<vmem>>) semaphore(%arg13 : memref<!tpu.dma_semaphore, #tpu.memory_space<semaphore_mem>>)
      %dma_wait3A_75 = arith.constant 0 : i32
      %dma_wait3A_76 = tpu.memref_slice %arg7[%mul3A_63, %dma_wait3A_75] : memref<40x128xi32, #tpu.memory_space<vmem>> -> memref<1x128xi32, #tpu.memory_space<vmem>>
      %dma_wait3A_77 = tpu.memref_squeeze %dma_wait3A_76 : memref<1x128xi32, #tpu.memory_space<vmem>> -> memref<128xi32, #tpu.memory_space<vmem>>
      %dma_wait3A_78 = arith.constant 0 : i32
      %dma_wait3A_79 = arith.constant 0 : i32
      %dma_wait3A_80 = tpu.memref_slice %arg2[%dma_wait3A_78, %dma_wait3A_79] : memref<10112x128xf32, #tpu.memory_space<hbm>> -> memref<10112x128xf32, #tpu.memory_space<hbm>>
      tpu.wait_indirect_dma semaphore(%arg12 : memref<!tpu.dma_semaphore, #tpu.memory_space<semaphore_mem>>) src(%dma_wait3A_80 : memref<10112x128xf32, #tpu.memory_space<hbm>>) dst(%arg9 : memref<128x128xf32, #tpu.memory_space<vmem>>)
      "tpu.region"() ({
        %run_scoped3A = tpu.sem_alloc : memref<!tpu.dma_semaphore, #tpu.memory_space<semaphore_mem>>
        %dma_start3A_93 = arith.constant 0 : i32
        %dma_start3A_94 = tpu.memref_slice %arg8[%mul3A_63, %dma_start3A_93] : memref<40x128xi32, #tpu.memory_space<vmem>> -> memref<1x128xi32, #tpu.memory_space<vmem>>
        %dma_start3A_95 = tpu.memref_squeeze %dma_start3A_94 : memref<1x128xi32, #tpu.memory_space<vmem>> -> memref<128xi32, #tpu.memory_space<vmem>>
        %dma_start3A_96 = arith.constant 0 : i32
        %dma_start3A_97 = arith.constant 0 : i32
        %dma_start3A_98 = tpu.memref_slice %arg11[%dma_start3A_96, %dma_start3A_97] : memref<10112x128xf32, #tpu.memory_space<vmem_shared>> -> memref<10112x128xf32, #tpu.memory_space<vmem_shared>>
        tpu.enqueue_indirect_dma source(%arg9 : memref<128x128xf32, #tpu.memory_space<vmem>>) target(%dma_start3A_98 : memref<10112x128xf32, #tpu.memory_space<vmem_shared>>) offsets(%dma_start3A_95 : memref<128xi32, #tpu.memory_space<vmem>>) semaphore(%run_scoped3A : memref<!tpu.dma_semaphore, #tpu.memory_space<semaphore_mem>>) {add = true}
        %dma_wait3A_99 = arith.constant 0 : i32
        %dma_wait3A_100 = tpu.memref_slice %arg8[%mul3A_63, %dma_wait3A_99] : memref<40x128xi32, #tpu.memory_space<vmem>> -> memref<1x128xi32, #tpu.memory_space<vmem>>
        %dma_wait3A_101 = tpu.memref_squeeze %dma_wait3A_100 : memref<1x128xi32, #tpu.memory_space<vmem>> -> memref<128xi32, #tpu.memory_space<vmem>>
        %dma_wait3A_102 = arith.constant 0 : i32
        %dma_wait3A_103 = arith.constant 0 : i32
        %dma_wait3A_104 = tpu.memref_slice %arg11[%dma_wait3A_102, %dma_wait3A_103] : memref<10112x128xf32, #tpu.memory_space<vmem_shared>> -> memref<10112x128xf32, #tpu.memory_space<vmem_shared>>
        tpu.wait_indirect_dma semaphore(%run_scoped3A : memref<!tpu.dma_semaphore, #tpu.memory_space<semaphore_mem>>) src(%arg9 : memref<128x128xf32, #tpu.memory_space<vmem>>) dst(%dma_wait3A_104 : memref<10112x128xf32, #tpu.memory_space<vmem_shared>>)
        tpu.yield
      }) : () -> ()
      %dma_start3A_81 = arith.constant 0 : i32
      %dma_start3A_82 = tpu.memref_slice %arg7[%min3A_68, %dma_start3A_81] : memref<40x128xi32, #tpu.memory_space<vmem>> -> memref<1x128xi32, #tpu.memory_space<vmem>>
      %dma_start3A_83 = tpu.memref_squeeze %dma_start3A_82 : memref<1x128xi32, #tpu.memory_space<vmem>> -> memref<128xi32, #tpu.memory_space<vmem>>
      %dma_start3A_84 = arith.constant 0 : i32
      %dma_start3A_85 = arith.constant 0 : i32
      %dma_start3A_86 = tpu.memref_slice %arg2[%dma_start3A_84, %dma_start3A_85] : memref<10112x128xf32, #tpu.memory_space<hbm>> -> memref<10112x128xf32, #tpu.memory_space<hbm>>
      tpu.enqueue_indirect_dma source(%dma_start3A_86 : memref<10112x128xf32, #tpu.memory_space<hbm>>) target(%arg9 : memref<128x128xf32, #tpu.memory_space<vmem>>) offsets(%dma_start3A_83 : memref<128xi32, #tpu.memory_space<vmem>>) semaphore(%arg12 : memref<!tpu.dma_semaphore, #tpu.memory_space<semaphore_mem>>)
      %dma_wait3A_87 = arith.constant 0 : i32
      %dma_wait3A_88 = tpu.memref_slice %arg7[%add3A_65, %dma_wait3A_87] : memref<40x128xi32, #tpu.memory_space<vmem>> -> memref<1x128xi32, #tpu.memory_space<vmem>>
      %dma_wait3A_89 = tpu.memref_squeeze %dma_wait3A_88 : memref<1x128xi32, #tpu.memory_space<vmem>> -> memref<128xi32, #tpu.memory_space<vmem>>
      %dma_wait3A_90 = arith.constant 0 : i32
      %dma_wait3A_91 = arith.constant 0 : i32
      %dma_wait3A_92 = tpu.memref_slice %arg2[%dma_wait3A_90, %dma_wait3A_91] : memref<10112x128xf32, #tpu.memory_space<hbm>> -> memref<10112x128xf32, #tpu.memory_space<hbm>>
      tpu.wait_indirect_dma semaphore(%arg13 : memref<!tpu.dma_semaphore, #tpu.memory_space<semaphore_mem>>) src(%dma_wait3A_92 : memref<10112x128xf32, #tpu.memory_space<hbm>>) dst(%arg10 : memref<128x128xf32, #tpu.memory_space<vmem>>)
      "tpu.region"() ({
        %run_scoped3A = tpu.sem_alloc : memref<!tpu.dma_semaphore, #tpu.memory_space<semaphore_mem>>
        %dma_start3A_93 = arith.constant 0 : i32
        %dma_start3A_94 = tpu.memref_slice %arg8[%add3A_65, %dma_start3A_93] : memref<40x128xi32, #tpu.memory_space<vmem>> -> memref<1x128xi32, #tpu.memory_space<vmem>>
        %dma_start3A_95 = tpu.memref_squeeze %dma_start3A_94 : memref<1x128xi32, #tpu.memory_space<vmem>> -> memref<128xi32, #tpu.memory_space<vmem>>
        %dma_start3A_96 = arith.constant 0 : i32
        %dma_start3A_97 = arith.constant 0 : i32
        %dma_start3A_98 = tpu.memref_slice %arg11[%dma_start3A_96, %dma_start3A_97] : memref<10112x128xf32, #tpu.memory_space<vmem_shared>> -> memref<10112x128xf32, #tpu.memory_space<vmem_shared>>
        tpu.enqueue_indirect_dma source(%arg10 : memref<128x128xf32, #tpu.memory_space<vmem>>) target(%dma_start3A_98 : memref<10112x128xf32, #tpu.memory_space<vmem_shared>>) offsets(%dma_start3A_95 : memref<128xi32, #tpu.memory_space<vmem>>) semaphore(%run_scoped3A : memref<!tpu.dma_semaphore, #tpu.memory_space<semaphore_mem>>) {add = true}
        %dma_wait3A_99 = arith.constant 0 : i32
        %dma_wait3A_100 = tpu.memref_slice %arg8[%add3A_65, %dma_wait3A_99] : memref<40x128xi32, #tpu.memory_space<vmem>> -> memref<1x128xi32, #tpu.memory_space<vmem>>
        %dma_wait3A_101 = tpu.memref_squeeze %dma_wait3A_100 : memref<1x128xi32, #tpu.memory_space<vmem>> -> memref<128xi32, #tpu.memory_space<vmem>>
        %dma_wait3A_102 = arith.constant 0 : i32
        %dma_wait3A_103 = arith.constant 0 : i32
        %dma_wait3A_104 = tpu.memref_slice %arg11[%dma_wait3A_102, %dma_wait3A_103] : memref<10112x128xf32, #tpu.memory_space<vmem_shared>> -> memref<10112x128xf32, #tpu.memory_space<vmem_shared>>
        tpu.wait_indirect_dma semaphore(%run_scoped3A : memref<!tpu.dma_semaphore, #tpu.memory_space<semaphore_mem>>) src(%arg10 : memref<128x128xf32, #tpu.memory_space<vmem>>) dst(%dma_wait3A_104 : memref<10112x128xf32, #tpu.memory_space<vmem_shared>>)
        tpu.yield
      }) : () -> ()
    }
    %scan3A_21 = arith.constant 20 : i32
    %dma_wait3A = arith.constant 39 : i32
    %dma_wait3A_22 = arith.constant 0 : i32
    %dma_wait3A_23 = tpu.memref_slice %arg7[%dma_wait3A, %dma_wait3A_22] : memref<40x128xi32, #tpu.memory_space<vmem>> -> memref<1x128xi32, #tpu.memory_space<vmem>>
    %dma_wait3A_24 = tpu.memref_squeeze %dma_wait3A_23 : memref<1x128xi32, #tpu.memory_space<vmem>> -> memref<128xi32, #tpu.memory_space<vmem>>
    %dma_wait3A_25 = arith.constant 0 : i32
    %dma_wait3A_26 = arith.constant 0 : i32
    %dma_wait3A_27 = tpu.memref_slice %arg2[%dma_wait3A_25, %dma_wait3A_26] : memref<10112x128xf32, #tpu.memory_space<hbm>> -> memref<10112x128xf32, #tpu.memory_space<hbm>>
    tpu.wait_indirect_dma semaphore(%arg12 : memref<!tpu.dma_semaphore, #tpu.memory_space<semaphore_mem>>) src(%dma_wait3A_27 : memref<10112x128xf32, #tpu.memory_space<hbm>>) dst(%arg9 : memref<128x128xf32, #tpu.memory_space<vmem>>)
    %mul3A_28 = arith.constant 80 : i32
    %mul3A_29 = arith.muli %add3A, %mul3A_28 : i32
    %add3A_30 = arith.constant 40 : i32
    %add3A_31 = arith.addi %mul3A_29, %add3A_30 : i32
    "tpu.region"() ({
      %run_scoped3A = tpu.sem_alloc : memref<!tpu.dma_semaphore, #tpu.memory_space<semaphore_mem>>
      %dma_start3A_61 = arith.constant 0 : i32
      %dma_start3A_62 = tpu.memref_slice %arg3[%add3A_31, %dma_start3A_61] : memref<2560x128xi32, #tpu.memory_space<hbm>> -> memref<40x128xi32, #tpu.memory_space<hbm>>
      %dma_start3A_63 = arith.constant 0 : i32
      %dma_start3A_64 = tpu.memref_slice %arg3[%add3A_31, %dma_start3A_63] : memref<2560x128xi32, #tpu.memory_space<hbm>> -> memref<40x128xi32, #tpu.memory_space<hbm>>
      tpu.enqueue_dma source(%dma_start3A_64 : memref<40x128xi32, #tpu.memory_space<hbm>>) target(%arg7 : memref<40x128xi32, #tpu.memory_space<vmem>>) target_semaphore(%run_scoped3A : memref<!tpu.dma_semaphore, #tpu.memory_space<semaphore_mem>>)
      %dma_wait3A_65 = arith.constant 0 : i32
      %dma_wait3A_66 = tpu.memref_slice %arg3[%add3A_31, %dma_wait3A_65] : memref<2560x128xi32, #tpu.memory_space<hbm>> -> memref<40x128xi32, #tpu.memory_space<hbm>>
      %dma_wait3A_67 = arith.constant 0 : i32
      %dma_wait3A_68 = tpu.memref_slice %arg3[%add3A_31, %dma_wait3A_67] : memref<2560x128xi32, #tpu.memory_space<hbm>> -> memref<40x128xi32, #tpu.memory_space<hbm>>
      tpu.wait_dma2 semaphore(%run_scoped3A : memref<!tpu.dma_semaphore, #tpu.memory_space<semaphore_mem>>) src(%dma_wait3A_68 : memref<40x128xi32, #tpu.memory_space<hbm>>) dst(%arg7 : memref<40x128xi32, #tpu.memory_space<vmem>>)
      tpu.yield
    }) : () -> ()
    %mul3A_32 = arith.constant 80 : i32
    %mul3A_33 = arith.muli %add3A, %mul3A_32 : i32
    %add3A_34 = arith.constant 40 : i32
    %add3A_35 = arith.addi %mul3A_33, %add3A_34 : i32
    "tpu.region"() ({
      %run_scoped3A = tpu.sem_alloc : memref<!tpu.dma_semaphore, #tpu.memory_space<semaphore_mem>>
      %dma_start3A_61 = arith.constant 0 : i32
      %dma_start3A_62 = tpu.memref_slice %arg4[%add3A_35, %dma_start3A_61] : memref<2560x128xi32, #tpu.memory_space<hbm>> -> memref<40x128xi32, #tpu.memory_space<hbm>>
      %dma_start3A_63 = arith.constant 0 : i32
      %dma_start3A_64 = tpu.memref_slice %arg4[%add3A_35, %dma_start3A_63] : memref<2560x128xi32, #tpu.memory_space<hbm>> -> memref<40x128xi32, #tpu.memory_space<hbm>>
      tpu.enqueue_dma source(%dma_start3A_64 : memref<40x128xi32, #tpu.memory_space<hbm>>) target(%arg8 : memref<40x128xi32, #tpu.memory_space<vmem>>) target_semaphore(%run_scoped3A : memref<!tpu.dma_semaphore, #tpu.memory_space<semaphore_mem>>)
      %dma_wait3A_65 = arith.constant 0 : i32
      %dma_wait3A_66 = tpu.memref_slice %arg4[%add3A_35, %dma_wait3A_65] : memref<2560x128xi32, #tpu.memory_space<hbm>> -> memref<40x128xi32, #tpu.memory_space<hbm>>
      %dma_wait3A_67 = arith.constant 0 : i32
      %dma_wait3A_68 = tpu.memref_slice %arg4[%add3A_35, %dma_wait3A_67] : memref<2560x128xi32, #tpu.memory_space<hbm>> -> memref<40x128xi32, #tpu.memory_space<hbm>>
      tpu.wait_dma2 semaphore(%run_scoped3A : memref<!tpu.dma_semaphore, #tpu.memory_space<semaphore_mem>>) src(%dma_wait3A_68 : memref<40x128xi32, #tpu.memory_space<hbm>>) dst(%arg8 : memref<40x128xi32, #tpu.memory_space<vmem>>)
      tpu.yield
    }) : () -> ()
    %dma_start3A_36 = arith.constant 0 : i32
    %dma_start3A_37 = arith.constant 0 : i32
    %dma_start3A_38 = tpu.memref_slice %arg7[%dma_start3A_36, %dma_start3A_37] : memref<40x128xi32, #tpu.memory_space<vmem>> -> memref<1x128xi32, #tpu.memory_space<vmem>>
    %dma_start3A_39 = tpu.memref_squeeze %dma_start3A_38 : memref<1x128xi32, #tpu.memory_space<vmem>> -> memref<128xi32, #tpu.memory_space<vmem>>
    %dma_start3A_40 = arith.constant 0 : i32
    %dma_start3A_41 = arith.constant 0 : i32
    %dma_start3A_42 = tpu.memref_slice %arg2[%dma_start3A_40, %dma_start3A_41] : memref<10112x128xf32, #tpu.memory_space<hbm>> -> memref<10112x128xf32, #tpu.memory_space<hbm>>
    tpu.enqueue_indirect_dma source(%dma_start3A_42 : memref<10112x128xf32, #tpu.memory_space<hbm>>) target(%arg9 : memref<128x128xf32, #tpu.memory_space<vmem>>) offsets(%dma_start3A_39 : memref<128xi32, #tpu.memory_space<vmem>>) semaphore(%arg12 : memref<!tpu.dma_semaphore, #tpu.memory_space<semaphore_mem>>)
    %scan3A_43 = arith.constant 0 : i32
    %scan3A_44 = arith.constant 0 : i32
    %scan3A_45 = arith.constant 20 : i32
    %scan3A_46 = arith.addi %scan3A_44, %scan3A_45 : i32
    %scan3A_47 = arith.constant 1 : i32
    scf.for %scan3A_61 = %scan3A_44 to %scan3A_46 step %scan3A_47  : i32 {
      %mul3A_62 = arith.constant 2 : i32
      %mul3A_63 = arith.muli %mul3A_62, %scan3A_61 : i32
      %add3A_64 = arith.constant 1 : i32
      %add3A_65 = arith.addi %mul3A_63, %add3A_64 : i32
      %add3A_66 = arith.constant 2 : i32
      %add3A_67 = arith.addi %mul3A_63, %add3A_66 : i32
      %min3A = arith.constant 39 : i32
      %min3A_68 = arith.minsi %add3A_67, %min3A : i32
      %dma_start3A_69 = arith.constant 0 : i32
      %dma_start3A_70 = tpu.memref_slice %arg7[%add3A_65, %dma_start3A_69] : memref<40x128xi32, #tpu.memory_space<vmem>> -> memref<1x128xi32, #tpu.memory_space<vmem>>
      %dma_start3A_71 = tpu.memref_squeeze %dma_start3A_70 : memref<1x128xi32, #tpu.memory_space<vmem>> -> memref<128xi32, #tpu.memory_space<vmem>>
      %dma_start3A_72 = arith.constant 0 : i32
      %dma_start3A_73 = arith.constant 0 : i32
      %dma_start3A_74 = tpu.memref_slice %arg2[%dma_start3A_72, %dma_start3A_73] : memref<10112x128xf32, #tpu.memory_space<hbm>> -> memref<10112x128xf32, #tpu.memory_space<hbm>>
      tpu.enqueue_indirect_dma source(%dma_start3A_74 : memref<10112x128xf32, #tpu.memory_space<hbm>>) target(%arg10 : memref<128x128xf32, #tpu.memory_space<vmem>>) offsets(%dma_start3A_71 : memref<128xi32, #tpu.memory_space<vmem>>) semaphore(%arg13 : memref<!tpu.dma_semaphore, #tpu.memory_space<semaphore_mem>>)
      %dma_wait3A_75 = arith.constant 0 : i32
      %dma_wait3A_76 = tpu.memref_slice %arg7[%mul3A_63, %dma_wait3A_75] : memref<40x128xi32, #tpu.memory_space<vmem>> -> memref<1x128xi32, #tpu.memory_space<vmem>>
      %dma_wait3A_77 = tpu.memref_squeeze %dma_wait3A_76 : memref<1x128xi32, #tpu.memory_space<vmem>> -> memref<128xi32, #tpu.memory_space<vmem>>
      %dma_wait3A_78 = arith.constant 0 : i32
      %dma_wait3A_79 = arith.constant 0 : i32
      %dma_wait3A_80 = tpu.memref_slice %arg2[%dma_wait3A_78, %dma_wait3A_79] : memref<10112x128xf32, #tpu.memory_space<hbm>> -> memref<10112x128xf32, #tpu.memory_space<hbm>>
      tpu.wait_indirect_dma semaphore(%arg12 : memref<!tpu.dma_semaphore, #tpu.memory_space<semaphore_mem>>) src(%dma_wait3A_80 : memref<10112x128xf32, #tpu.memory_space<hbm>>) dst(%arg9 : memref<128x128xf32, #tpu.memory_space<vmem>>)
      "tpu.region"() ({
        %run_scoped3A = tpu.sem_alloc : memref<!tpu.dma_semaphore, #tpu.memory_space<semaphore_mem>>
        %dma_start3A_93 = arith.constant 0 : i32
        %dma_start3A_94 = tpu.memref_slice %arg8[%mul3A_63, %dma_start3A_93] : memref<40x128xi32, #tpu.memory_space<vmem>> -> memref<1x128xi32, #tpu.memory_space<vmem>>
        %dma_start3A_95 = tpu.memref_squeeze %dma_start3A_94 : memref<1x128xi32, #tpu.memory_space<vmem>> -> memref<128xi32, #tpu.memory_space<vmem>>
        %dma_start3A_96 = arith.constant 0 : i32
        %dma_start3A_97 = arith.constant 0 : i32
        %dma_start3A_98 = tpu.memref_slice %arg11[%dma_start3A_96, %dma_start3A_97] : memref<10112x128xf32, #tpu.memory_space<vmem_shared>> -> memref<10112x128xf32, #tpu.memory_space<vmem_shared>>
        tpu.enqueue_indirect_dma source(%arg9 : memref<128x128xf32, #tpu.memory_space<vmem>>) target(%dma_start3A_98 : memref<10112x128xf32, #tpu.memory_space<vmem_shared>>) offsets(%dma_start3A_95 : memref<128xi32, #tpu.memory_space<vmem>>) semaphore(%run_scoped3A : memref<!tpu.dma_semaphore, #tpu.memory_space<semaphore_mem>>) {add = true}
        %dma_wait3A_99 = arith.constant 0 : i32
        %dma_wait3A_100 = tpu.memref_slice %arg8[%mul3A_63, %dma_wait3A_99] : memref<40x128xi32, #tpu.memory_space<vmem>> -> memref<1x128xi32, #tpu.memory_space<vmem>>
        %dma_wait3A_101 = tpu.memref_squeeze %dma_wait3A_100 : memref<1x128xi32, #tpu.memory_space<vmem>> -> memref<128xi32, #tpu.memory_space<vmem>>
        %dma_wait3A_102 = arith.constant 0 : i32
        %dma_wait3A_103 = arith.constant 0 : i32
        %dma_wait3A_104 = tpu.memref_slice %arg11[%dma_wait3A_102, %dma_wait3A_103] : memref<10112x128xf32, #tpu.memory_space<vmem_shared>> -> memref<10112x128xf32, #tpu.memory_space<vmem_shared>>
        tpu.wait_indirect_dma semaphore(%run_scoped3A : memref<!tpu.dma_semaphore, #tpu.memory_space<semaphore_mem>>) src(%arg9 : memref<128x128xf32, #tpu.memory_space<vmem>>) dst(%dma_wait3A_104 : memref<10112x128xf32, #tpu.memory_space<vmem_shared>>)
        tpu.yield
      }) : () -> ()
      %dma_start3A_81 = arith.constant 0 : i32
      %dma_start3A_82 = tpu.memref_slice %arg7[%min3A_68, %dma_start3A_81] : memref<40x128xi32, #tpu.memory_space<vmem>> -> memref<1x128xi32, #tpu.memory_space<vmem>>
      %dma_start3A_83 = tpu.memref_squeeze %dma_start3A_82 : memref<1x128xi32, #tpu.memory_space<vmem>> -> memref<128xi32, #tpu.memory_space<vmem>>
      %dma_start3A_84 = arith.constant 0 : i32
      %dma_start3A_85 = arith.constant 0 : i32
      %dma_start3A_86 = tpu.memref_slice %arg2[%dma_start3A_84, %dma_start3A_85] : memref<10112x128xf32, #tpu.memory_space<hbm>> -> memref<10112x128xf32, #tpu.memory_space<hbm>>
      tpu.enqueue_indirect_dma source(%dma_start3A_86 : memref<10112x128xf32, #tpu.memory_space<hbm>>) target(%arg9 : memref<128x128xf32, #tpu.memory_space<vmem>>) offsets(%dma_start3A_83 : memref<128xi32, #tpu.memory_space<vmem>>) semaphore(%arg12 : memref<!tpu.dma_semaphore, #tpu.memory_space<semaphore_mem>>)
      %dma_wait3A_87 = arith.constant 0 : i32
      %dma_wait3A_88 = tpu.memref_slice %arg7[%add3A_65, %dma_wait3A_87] : memref<40x128xi32, #tpu.memory_space<vmem>> -> memref<1x128xi32, #tpu.memory_space<vmem>>
      %dma_wait3A_89 = tpu.memref_squeeze %dma_wait3A_88 : memref<1x128xi32, #tpu.memory_space<vmem>> -> memref<128xi32, #tpu.memory_space<vmem>>
      %dma_wait3A_90 = arith.constant 0 : i32
      %dma_wait3A_91 = arith.constant 0 : i32
      %dma_wait3A_92 = tpu.memref_slice %arg2[%dma_wait3A_90, %dma_wait3A_91] : memref<10112x128xf32, #tpu.memory_space<hbm>> -> memref<10112x128xf32, #tpu.memory_space<hbm>>
      tpu.wait_indirect_dma semaphore(%arg13 : memref<!tpu.dma_semaphore, #tpu.memory_space<semaphore_mem>>) src(%dma_wait3A_92 : memref<10112x128xf32, #tpu.memory_space<hbm>>) dst(%arg10 : memref<128x128xf32, #tpu.memory_space<vmem>>)
      "tpu.region"() ({
        %run_scoped3A = tpu.sem_alloc : memref<!tpu.dma_semaphore, #tpu.memory_space<semaphore_mem>>
        %dma_start3A_93 = arith.constant 0 : i32
        %dma_start3A_94 = tpu.memref_slice %arg8[%add3A_65, %dma_start3A_93] : memref<40x128xi32, #tpu.memory_space<vmem>> -> memref<1x128xi32, #tpu.memory_space<vmem>>
        %dma_start3A_95 = tpu.memref_squeeze %dma_start3A_94 : memref<1x128xi32, #tpu.memory_space<vmem>> -> memref<128xi32, #tpu.memory_space<vmem>>
        %dma_start3A_96 = arith.constant 0 : i32
        %dma_start3A_97 = arith.constant 0 : i32
        %dma_start3A_98 = tpu.memref_slice %arg11[%dma_start3A_96, %dma_start3A_97] : memref<10112x128xf32, #tpu.memory_space<vmem_shared>> -> memref<10112x128xf32, #tpu.memory_space<vmem_shared>>
        tpu.enqueue_indirect_dma source(%arg10 : memref<128x128xf32, #tpu.memory_space<vmem>>) target(%dma_start3A_98 : memref<10112x128xf32, #tpu.memory_space<vmem_shared>>) offsets(%dma_start3A_95 : memref<128xi32, #tpu.memory_space<vmem>>) semaphore(%run_scoped3A : memref<!tpu.dma_semaphore, #tpu.memory_space<semaphore_mem>>) {add = true}
        %dma_wait3A_99 = arith.constant 0 : i32
        %dma_wait3A_100 = tpu.memref_slice %arg8[%add3A_65, %dma_wait3A_99] : memref<40x128xi32, #tpu.memory_space<vmem>> -> memref<1x128xi32, #tpu.memory_space<vmem>>
        %dma_wait3A_101 = tpu.memref_squeeze %dma_wait3A_100 : memref<1x128xi32, #tpu.memory_space<vmem>> -> memref<128xi32, #tpu.memory_space<vmem>>
        %dma_wait3A_102 = arith.constant 0 : i32
        %dma_wait3A_103 = arith.constant 0 : i32
        %dma_wait3A_104 = tpu.memref_slice %arg11[%dma_wait3A_102, %dma_wait3A_103] : memref<10112x128xf32, #tpu.memory_space<vmem_shared>> -> memref<10112x128xf32, #tpu.memory_space<vmem_shared>>
        tpu.wait_indirect_dma semaphore(%run_scoped3A : memref<!tpu.dma_semaphore, #tpu.memory_space<semaphore_mem>>) src(%arg10 : memref<128x128xf32, #tpu.memory_space<vmem>>) dst(%dma_wait3A_104 : memref<10112x128xf32, #tpu.memory_space<vmem_shared>>)
        tpu.yield
      }) : () -> ()
    }
    %scan3A_48 = arith.constant 20 : i32
    %dma_wait3A_49 = arith.constant 39 : i32
    %dma_wait3A_50 = arith.constant 0 : i32
    %dma_wait3A_51 = tpu.memref_slice %arg7[%dma_wait3A_49, %dma_wait3A_50] : memref<40x128xi32, #tpu.memory_space<vmem>> -> memref<1x128xi32, #tpu.memory_space<vmem>>
    %dma_wait3A_52 = tpu.memref_squeeze %dma_wait3A_51 : memref<1x128xi32, #tpu.memory_space<vmem>> -> memref<128xi32, #tpu.memory_space<vmem>>
    %dma_wait3A_53 = arith.constant 0 : i32
    %dma_wait3A_54 = arith.constant 0 : i32
    %dma_wait3A_55 = tpu.memref_slice %arg2[%dma_wait3A_53, %dma_wait3A_54] : memref<10112x128xf32, #tpu.memory_space<hbm>> -> memref<10112x128xf32, #tpu.memory_space<hbm>>
    tpu.wait_indirect_dma semaphore(%arg12 : memref<!tpu.dma_semaphore, #tpu.memory_space<semaphore_mem>>) src(%dma_wait3A_55 : memref<10112x128xf32, #tpu.memory_space<hbm>>) dst(%arg9 : memref<128x128xf32, #tpu.memory_space<vmem>>)
    %barrier3A_56 = arith.constant 0 : index
    tpu.barrier barrier_id(%barrier3A_56)
    %mul3A_57 = arith.constant 632 : i32
    %mul3A_58 = arith.muli %arg1, %mul3A_57 : i32
    %mul3A_59 = arith.constant 632 : i32
    %mul3A_60 = arith.muli %arg1, %mul3A_59 : i32
    "tpu.region"() ({
      %run_scoped3A = tpu.sem_alloc : memref<!tpu.dma_semaphore, #tpu.memory_space<semaphore_mem>>
      %dma_start3A_61 = arith.constant 0 : i32
      %dma_start3A_62 = tpu.memref_slice %arg6[%arg0, %mul3A_60, %dma_start3A_61] : memref<2x10112x128xf32, #tpu.memory_space<hbm>> -> memref<1x632x128xf32, #tpu.memory_space<hbm>>
      %dma_start3A_63 = tpu.memref_squeeze %dma_start3A_62 : memref<1x632x128xf32, #tpu.memory_space<hbm>> -> memref<632x128xf32, #tpu.memory_space<hbm>>
      %dma_start3A_64 = arith.constant 0 : i32
      %dma_start3A_65 = tpu.memref_slice %arg11[%mul3A_58, %dma_start3A_64] : memref<10112x128xf32, #tpu.memory_space<vmem_shared>> -> memref<632x128xf32, #tpu.memory_space<vmem_shared>>
      tpu.enqueue_dma source(%dma_start3A_65 : memref<632x128xf32, #tpu.memory_space<vmem_shared>>) target(%dma_start3A_63 : memref<632x128xf32, #tpu.memory_space<hbm>>) target_semaphore(%run_scoped3A : memref<!tpu.dma_semaphore, #tpu.memory_space<semaphore_mem>>)
      %dma_wait3A_66 = arith.constant 0 : i32
      %dma_wait3A_67 = tpu.memref_slice %arg6[%arg0, %mul3A_60, %dma_wait3A_66] : memref<2x10112x128xf32, #tpu.memory_space<hbm>> -> memref<1x632x128xf32, #tpu.memory_space<hbm>>
      %dma_wait3A_68 = tpu.memref_squeeze %dma_wait3A_67 : memref<1x632x128xf32, #tpu.memory_space<hbm>> -> memref<632x128xf32, #tpu.memory_space<hbm>>
      %dma_wait3A_69 = arith.constant 0 : i32
      %dma_wait3A_70 = tpu.memref_slice %arg11[%mul3A_58, %dma_wait3A_69] : memref<10112x128xf32, #tpu.memory_space<vmem_shared>> -> memref<632x128xf32, #tpu.memory_space<vmem_shared>>
      tpu.wait_dma2 semaphore(%run_scoped3A : memref<!tpu.dma_semaphore, #tpu.memory_space<semaphore_mem>>) src(%dma_wait3A_70 : memref<632x128xf32, #tpu.memory_space<vmem_shared>>) dst(%dma_wait3A_68 : memref<632x128xf32, #tpu.memory_space<hbm>>)
      tpu.yield
    }) : () -> ()
    return
  }
}

#map = affine_map<(d0, d1) -> (0, 0)>
#map1 = affine_map<(d0, d1) -> (0, 0, 0)>
module attributes {stable_mosaic.version = 14 : i64} {
  func.func @_sc_propagate(%arg0: i32, %arg1: i32, %arg2: memref<10112x128xf32, #tpu.memory_space<hbm>>, %arg3: memref<2560x128xi32, #tpu.memory_space<hbm>>, %arg4: memref<2560x128xi32, #tpu.memory_space<hbm>>, %arg5: memref<632x128xf32, #tpu.memory_space<hbm>>, %arg6: memref<2x10112x128xf32, #tpu.memory_space<hbm>>, %arg7: memref<40x128xi32, #tpu.memory_space<vmem>>, %arg8: memref<40x128xi32, #tpu.memory_space<vmem>>, %arg9: memref<128x128xf32, #tpu.memory_space<vmem>>, %arg10: memref<128x128xf32, #tpu.memory_space<vmem>>, %arg11: memref<10112x128xf32, #tpu.memory_space<vmem_shared>>, %arg12: memref<!tpu.dma_semaphore, #tpu.memory_space<semaphore_mem>>, %arg13: memref<!tpu.dma_semaphore, #tpu.memory_space<semaphore_mem>>) attributes {dimension_semantics = [#tpu.dimension_semantics<core_parallel>, #tpu.dimension_semantics<subcore_parallel>], iteration_bounds = array<i64: 2, 16>, scalar_prefetch = 0 : i64, scratch_operands = 7 : i64, tpu.core_type = #tpu.core_type<sc_vector_subcore>, window_params = [{transform_indices = #map}, {transform_indices = #map}, {transform_indices = #map}, {transform_indices = #map}, {transform_indices = #map1}]} {
    %mul3A = arith.constant 16 : i32
    %mul3A_0 = arith.muli %arg0, %mul3A : i32
    %add3A = arith.addi %mul3A_0, %arg1 : i32
    %mul3A_1 = arith.constant 632 : i32
    %mul3A_2 = arith.muli %arg1, %mul3A_1 : i32
    "tpu.region"() ({
      %run_scoped3A = tpu.sem_alloc : memref<!tpu.dma_semaphore, #tpu.memory_space<semaphore_mem>>
      %dma_start3A_61 = arith.constant 0 : i32
      %dma_start3A_62 = tpu.memref_slice %arg11[%mul3A_2, %dma_start3A_61] : memref<10112x128xf32, #tpu.memory_space<vmem_shared>> -> memref<632x128xf32, #tpu.memory_space<vmem_shared>>
      tpu.enqueue_dma source(%arg5 : memref<632x128xf32, #tpu.memory_space<hbm>>) target(%dma_start3A_62 : memref<632x128xf32, #tpu.memory_space<vmem_shared>>) target_semaphore(%run_scoped3A : memref<!tpu.dma_semaphore, #tpu.memory_space<semaphore_mem>>)
      %dma_wait3A_63 = arith.constant 0 : i32
      %dma_wait3A_64 = tpu.memref_slice %arg11[%mul3A_2, %dma_wait3A_63] : memref<10112x128xf32, #tpu.memory_space<vmem_shared>> -> memref<632x128xf32, #tpu.memory_space<vmem_shared>>
      tpu.wait_dma2 semaphore(%run_scoped3A : memref<!tpu.dma_semaphore, #tpu.memory_space<semaphore_mem>>) src(%arg5 : memref<632x128xf32, #tpu.memory_space<hbm>>) dst(%dma_wait3A_64 : memref<632x128xf32, #tpu.memory_space<vmem_shared>>)
      tpu.yield
    }) : () -> ()
    %barrier3A = arith.constant 0 : index
    tpu.barrier barrier_id(%barrier3A)
    %mul3A_3 = arith.constant 80 : i32
    %mul3A_4 = arith.muli %add3A, %mul3A_3 : i32
    %add3A_5 = arith.constant 0 : i32
    %add3A_6 = arith.addi %mul3A_4, %add3A_5 : i32
    "tpu.region"() ({
      %run_scoped3A = tpu.sem_alloc : memref<!tpu.dma_semaphore, #tpu.memory_space<semaphore_mem>>
      %dma_start3A_61 = arith.constant 0 : i32
      %dma_start3A_62 = tpu.memref_slice %arg3[%add3A_6, %dma_start3A_61] : memref<2560x128xi32, #tpu.memory_space<hbm>> -> memref<40x128xi32, #tpu.memory_space<hbm>>
      %dma_start3A_63 = arith.constant 0 : i32
      %dma_start3A_64 = tpu.memref_slice %arg3[%add3A_6, %dma_start3A_63] : memref<2560x128xi32, #tpu.memory_space<hbm>> -> memref<40x128xi32, #tpu.memory_space<hbm>>
      tpu.enqueue_dma source(%dma_start3A_64 : memref<40x128xi32, #tpu.memory_space<hbm>>) target(%arg7 : memref<40x128xi32, #tpu.memory_space<vmem>>) target_semaphore(%run_scoped3A : memref<!tpu.dma_semaphore, #tpu.memory_space<semaphore_mem>>)
      %dma_wait3A_65 = arith.constant 0 : i32
      %dma_wait3A_66 = tpu.memref_slice %arg3[%add3A_6, %dma_wait3A_65] : memref<2560x128xi32, #tpu.memory_space<hbm>> -> memref<40x128xi32, #tpu.memory_space<hbm>>
      %dma_wait3A_67 = arith.constant 0 : i32
      %dma_wait3A_68 = tpu.memref_slice %arg3[%add3A_6, %dma_wait3A_67] : memref<2560x128xi32, #tpu.memory_space<hbm>> -> memref<40x128xi32, #tpu.memory_space<hbm>>
      tpu.wait_dma2 semaphore(%run_scoped3A : memref<!tpu.dma_semaphore, #tpu.memory_space<semaphore_mem>>) src(%dma_wait3A_68 : memref<40x128xi32, #tpu.memory_space<hbm>>) dst(%arg7 : memref<40x128xi32, #tpu.memory_space<vmem>>)
      tpu.yield
    }) : () -> ()
    %mul3A_7 = arith.constant 80 : i32
    %mul3A_8 = arith.muli %add3A, %mul3A_7 : i32
    %add3A_9 = arith.constant 0 : i32
    %add3A_10 = arith.addi %mul3A_8, %add3A_9 : i32
    "tpu.region"() ({
      %run_scoped3A = tpu.sem_alloc : memref<!tpu.dma_semaphore, #tpu.memory_space<semaphore_mem>>
      %dma_start3A_61 = arith.constant 0 : i32
      %dma_start3A_62 = tpu.memref_slice %arg4[%add3A_10, %dma_start3A_61] : memref<2560x128xi32, #tpu.memory_space<hbm>> -> memref<40x128xi32, #tpu.memory_space<hbm>>
      %dma_start3A_63 = arith.constant 0 : i32
      %dma_start3A_64 = tpu.memref_slice %arg4[%add3A_10, %dma_start3A_63] : memref<2560x128xi32, #tpu.memory_space<hbm>> -> memref<40x128xi32, #tpu.memory_space<hbm>>
      tpu.enqueue_dma source(%dma_start3A_64 : memref<40x128xi32, #tpu.memory_space<hbm>>) target(%arg8 : memref<40x128xi32, #tpu.memory_space<vmem>>) target_semaphore(%run_scoped3A : memref<!tpu.dma_semaphore, #tpu.memory_space<semaphore_mem>>)
      %dma_wait3A_65 = arith.constant 0 : i32
      %dma_wait3A_66 = tpu.memref_slice %arg4[%add3A_10, %dma_wait3A_65] : memref<2560x128xi32, #tpu.memory_space<hbm>> -> memref<40x128xi32, #tpu.memory_space<hbm>>
      %dma_wait3A_67 = arith.constant 0 : i32
      %dma_wait3A_68 = tpu.memref_slice %arg4[%add3A_10, %dma_wait3A_67] : memref<2560x128xi32, #tpu.memory_space<hbm>> -> memref<40x128xi32, #tpu.memory_space<hbm>>
      tpu.wait_dma2 semaphore(%run_scoped3A : memref<!tpu.dma_semaphore, #tpu.memory_space<semaphore_mem>>) src(%dma_wait3A_68 : memref<40x128xi32, #tpu.memory_space<hbm>>) dst(%arg8 : memref<40x128xi32, #tpu.memory_space<vmem>>)
      tpu.yield
    }) : () -> ()
    %dma_start3A = arith.constant 0 : i32
    %dma_start3A_11 = arith.constant 0 : i32
    %dma_start3A_12 = tpu.memref_slice %arg7[%dma_start3A, %dma_start3A_11] : memref<40x128xi32, #tpu.memory_space<vmem>> -> memref<1x128xi32, #tpu.memory_space<vmem>>
    %dma_start3A_13 = tpu.memref_squeeze %dma_start3A_12 : memref<1x128xi32, #tpu.memory_space<vmem>> -> memref<128xi32, #tpu.memory_space<vmem>>
    %dma_start3A_14 = arith.constant 0 : i32
    %dma_start3A_15 = arith.constant 0 : i32
    %dma_start3A_16 = tpu.memref_slice %arg2[%dma_start3A_14, %dma_start3A_15] : memref<10112x128xf32, #tpu.memory_space<hbm>> -> memref<10112x128xf32, #tpu.memory_space<hbm>>
    tpu.enqueue_indirect_dma source(%dma_start3A_16 : memref<10112x128xf32, #tpu.memory_space<hbm>>) target(%arg9 : memref<128x128xf32, #tpu.memory_space<vmem>>) offsets(%dma_start3A_13 : memref<128xi32, #tpu.memory_space<vmem>>) semaphore(%arg12 : memref<!tpu.dma_semaphore, #tpu.memory_space<semaphore_mem>>)
    %scan3A = arith.constant 0 : i32
    %scan3A_17 = arith.constant 0 : i32
    %scan3A_18 = arith.constant 20 : i32
    %scan3A_19 = arith.addi %scan3A_17, %scan3A_18 : i32
    %scan3A_20 = arith.constant 1 : i32
    scf.for %scan3A_61 = %scan3A_17 to %scan3A_19 step %scan3A_20  : i32 {
      %mul3A_62 = arith.constant 2 : i32
      %mul3A_63 = arith.muli %mul3A_62, %scan3A_61 : i32
      %add3A_64 = arith.constant 1 : i32
      %add3A_65 = arith.addi %mul3A_63, %add3A_64 : i32
      %add3A_66 = arith.constant 2 : i32
      %add3A_67 = arith.addi %mul3A_63, %add3A_66 : i32
      %min3A = arith.constant 39 : i32
      %min3A_68 = arith.minsi %add3A_67, %min3A : i32
      %dma_start3A_69 = arith.constant 0 : i32
      %dma_start3A_70 = tpu.memref_slice %arg7[%add3A_65, %dma_start3A_69] : memref<40x128xi32, #tpu.memory_space<vmem>> -> memref<1x128xi32, #tpu.memory_space<vmem>>
      %dma_start3A_71 = tpu.memref_squeeze %dma_start3A_70 : memref<1x128xi32, #tpu.memory_space<vmem>> -> memref<128xi32, #tpu.memory_space<vmem>>
      %dma_start3A_72 = arith.constant 0 : i32
      %dma_start3A_73 = arith.constant 0 : i32
      %dma_start3A_74 = tpu.memref_slice %arg2[%dma_start3A_72, %dma_start3A_73] : memref<10112x128xf32, #tpu.memory_space<hbm>> -> memref<10112x128xf32, #tpu.memory_space<hbm>>
      tpu.enqueue_indirect_dma source(%dma_start3A_74 : memref<10112x128xf32, #tpu.memory_space<hbm>>) target(%arg10 : memref<128x128xf32, #tpu.memory_space<vmem>>) offsets(%dma_start3A_71 : memref<128xi32, #tpu.memory_space<vmem>>) semaphore(%arg13 : memref<!tpu.dma_semaphore, #tpu.memory_space<semaphore_mem>>)
      %dma_wait3A_75 = arith.constant 0 : i32
      %dma_wait3A_76 = tpu.memref_slice %arg7[%mul3A_63, %dma_wait3A_75] : memref<40x128xi32, #tpu.memory_space<vmem>> -> memref<1x128xi32, #tpu.memory_space<vmem>>
      %dma_wait3A_77 = tpu.memref_squeeze %dma_wait3A_76 : memref<1x128xi32, #tpu.memory_space<vmem>> -> memref<128xi32, #tpu.memory_space<vmem>>
      %dma_wait3A_78 = arith.constant 0 : i32
      %dma_wait3A_79 = arith.constant 0 : i32
      %dma_wait3A_80 = tpu.memref_slice %arg2[%dma_wait3A_78, %dma_wait3A_79] : memref<10112x128xf32, #tpu.memory_space<hbm>> -> memref<10112x128xf32, #tpu.memory_space<hbm>>
      tpu.wait_indirect_dma semaphore(%arg12 : memref<!tpu.dma_semaphore, #tpu.memory_space<semaphore_mem>>) src(%dma_wait3A_80 : memref<10112x128xf32, #tpu.memory_space<hbm>>) dst(%arg9 : memref<128x128xf32, #tpu.memory_space<vmem>>)
      "tpu.region"() ({
        %run_scoped3A = tpu.sem_alloc : memref<!tpu.dma_semaphore, #tpu.memory_space<semaphore_mem>>
        %dma_start3A_93 = arith.constant 0 : i32
        %dma_start3A_94 = tpu.memref_slice %arg8[%mul3A_63, %dma_start3A_93] : memref<40x128xi32, #tpu.memory_space<vmem>> -> memref<1x128xi32, #tpu.memory_space<vmem>>
        %dma_start3A_95 = tpu.memref_squeeze %dma_start3A_94 : memref<1x128xi32, #tpu.memory_space<vmem>> -> memref<128xi32, #tpu.memory_space<vmem>>
        %dma_start3A_96 = arith.constant 0 : i32
        %dma_start3A_97 = arith.constant 0 : i32
        %dma_start3A_98 = tpu.memref_slice %arg11[%dma_start3A_96, %dma_start3A_97] : memref<10112x128xf32, #tpu.memory_space<vmem_shared>> -> memref<10112x128xf32, #tpu.memory_space<vmem_shared>>
        tpu.enqueue_indirect_dma source(%arg9 : memref<128x128xf32, #tpu.memory_space<vmem>>) target(%dma_start3A_98 : memref<10112x128xf32, #tpu.memory_space<vmem_shared>>) offsets(%dma_start3A_95 : memref<128xi32, #tpu.memory_space<vmem>>) semaphore(%run_scoped3A : memref<!tpu.dma_semaphore, #tpu.memory_space<semaphore_mem>>) {add = true}
        %dma_wait3A_99 = arith.constant 0 : i32
        %dma_wait3A_100 = tpu.memref_slice %arg8[%mul3A_63, %dma_wait3A_99] : memref<40x128xi32, #tpu.memory_space<vmem>> -> memref<1x128xi32, #tpu.memory_space<vmem>>
        %dma_wait3A_101 = tpu.memref_squeeze %dma_wait3A_100 : memref<1x128xi32, #tpu.memory_space<vmem>> -> memref<128xi32, #tpu.memory_space<vmem>>
        %dma_wait3A_102 = arith.constant 0 : i32
        %dma_wait3A_103 = arith.constant 0 : i32
        %dma_wait3A_104 = tpu.memref_slice %arg11[%dma_wait3A_102, %dma_wait3A_103] : memref<10112x128xf32, #tpu.memory_space<vmem_shared>> -> memref<10112x128xf32, #tpu.memory_space<vmem_shared>>
        tpu.wait_indirect_dma semaphore(%run_scoped3A : memref<!tpu.dma_semaphore, #tpu.memory_space<semaphore_mem>>) src(%arg9 : memref<128x128xf32, #tpu.memory_space<vmem>>) dst(%dma_wait3A_104 : memref<10112x128xf32, #tpu.memory_space<vmem_shared>>)
        tpu.yield
      }) : () -> ()
      %dma_start3A_81 = arith.constant 0 : i32
      %dma_start3A_82 = tpu.memref_slice %arg7[%min3A_68, %dma_start3A_81] : memref<40x128xi32, #tpu.memory_space<vmem>> -> memref<1x128xi32, #tpu.memory_space<vmem>>
      %dma_start3A_83 = tpu.memref_squeeze %dma_start3A_82 : memref<1x128xi32, #tpu.memory_space<vmem>> -> memref<128xi32, #tpu.memory_space<vmem>>
      %dma_start3A_84 = arith.constant 0 : i32
      %dma_start3A_85 = arith.constant 0 : i32
      %dma_start3A_86 = tpu.memref_slice %arg2[%dma_start3A_84, %dma_start3A_85] : memref<10112x128xf32, #tpu.memory_space<hbm>> -> memref<10112x128xf32, #tpu.memory_space<hbm>>
      tpu.enqueue_indirect_dma source(%dma_start3A_86 : memref<10112x128xf32, #tpu.memory_space<hbm>>) target(%arg9 : memref<128x128xf32, #tpu.memory_space<vmem>>) offsets(%dma_start3A_83 : memref<128xi32, #tpu.memory_space<vmem>>) semaphore(%arg12 : memref<!tpu.dma_semaphore, #tpu.memory_space<semaphore_mem>>)
      %dma_wait3A_87 = arith.constant 0 : i32
      %dma_wait3A_88 = tpu.memref_slice %arg7[%add3A_65, %dma_wait3A_87] : memref<40x128xi32, #tpu.memory_space<vmem>> -> memref<1x128xi32, #tpu.memory_space<vmem>>
      %dma_wait3A_89 = tpu.memref_squeeze %dma_wait3A_88 : memref<1x128xi32, #tpu.memory_space<vmem>> -> memref<128xi32, #tpu.memory_space<vmem>>
      %dma_wait3A_90 = arith.constant 0 : i32
      %dma_wait3A_91 = arith.constant 0 : i32
      %dma_wait3A_92 = tpu.memref_slice %arg2[%dma_wait3A_90, %dma_wait3A_91] : memref<10112x128xf32, #tpu.memory_space<hbm>> -> memref<10112x128xf32, #tpu.memory_space<hbm>>
      tpu.wait_indirect_dma semaphore(%arg13 : memref<!tpu.dma_semaphore, #tpu.memory_space<semaphore_mem>>) src(%dma_wait3A_92 : memref<10112x128xf32, #tpu.memory_space<hbm>>) dst(%arg10 : memref<128x128xf32, #tpu.memory_space<vmem>>)
      "tpu.region"() ({
        %run_scoped3A = tpu.sem_alloc : memref<!tpu.dma_semaphore, #tpu.memory_space<semaphore_mem>>
        %dma_start3A_93 = arith.constant 0 : i32
        %dma_start3A_94 = tpu.memref_slice %arg8[%add3A_65, %dma_start3A_93] : memref<40x128xi32, #tpu.memory_space<vmem>> -> memref<1x128xi32, #tpu.memory_space<vmem>>
        %dma_start3A_95 = tpu.memref_squeeze %dma_start3A_94 : memref<1x128xi32, #tpu.memory_space<vmem>> -> memref<128xi32, #tpu.memory_space<vmem>>
        %dma_start3A_96 = arith.constant 0 : i32
        %dma_start3A_97 = arith.constant 0 : i32
        %dma_start3A_98 = tpu.memref_slice %arg11[%dma_start3A_96, %dma_start3A_97] : memref<10112x128xf32, #tpu.memory_space<vmem_shared>> -> memref<10112x128xf32, #tpu.memory_space<vmem_shared>>
        tpu.enqueue_indirect_dma source(%arg10 : memref<128x128xf32, #tpu.memory_space<vmem>>) target(%dma_start3A_98 : memref<10112x128xf32, #tpu.memory_space<vmem_shared>>) offsets(%dma_start3A_95 : memref<128xi32, #tpu.memory_space<vmem>>) semaphore(%run_scoped3A : memref<!tpu.dma_semaphore, #tpu.memory_space<semaphore_mem>>) {add = true}
        %dma_wait3A_99 = arith.constant 0 : i32
        %dma_wait3A_100 = tpu.memref_slice %arg8[%add3A_65, %dma_wait3A_99] : memref<40x128xi32, #tpu.memory_space<vmem>> -> memref<1x128xi32, #tpu.memory_space<vmem>>
        %dma_wait3A_101 = tpu.memref_squeeze %dma_wait3A_100 : memref<1x128xi32, #tpu.memory_space<vmem>> -> memref<128xi32, #tpu.memory_space<vmem>>
        %dma_wait3A_102 = arith.constant 0 : i32
        %dma_wait3A_103 = arith.constant 0 : i32
        %dma_wait3A_104 = tpu.memref_slice %arg11[%dma_wait3A_102, %dma_wait3A_103] : memref<10112x128xf32, #tpu.memory_space<vmem_shared>> -> memref<10112x128xf32, #tpu.memory_space<vmem_shared>>
        tpu.wait_indirect_dma semaphore(%run_scoped3A : memref<!tpu.dma_semaphore, #tpu.memory_space<semaphore_mem>>) src(%arg10 : memref<128x128xf32, #tpu.memory_space<vmem>>) dst(%dma_wait3A_104 : memref<10112x128xf32, #tpu.memory_space<vmem_shared>>)
        tpu.yield
      }) : () -> ()
    }
    %scan3A_21 = arith.constant 20 : i32
    %dma_wait3A = arith.constant 39 : i32
    %dma_wait3A_22 = arith.constant 0 : i32
    %dma_wait3A_23 = tpu.memref_slice %arg7[%dma_wait3A, %dma_wait3A_22] : memref<40x128xi32, #tpu.memory_space<vmem>> -> memref<1x128xi32, #tpu.memory_space<vmem>>
    %dma_wait3A_24 = tpu.memref_squeeze %dma_wait3A_23 : memref<1x128xi32, #tpu.memory_space<vmem>> -> memref<128xi32, #tpu.memory_space<vmem>>
    %dma_wait3A_25 = arith.constant 0 : i32
    %dma_wait3A_26 = arith.constant 0 : i32
    %dma_wait3A_27 = tpu.memref_slice %arg2[%dma_wait3A_25, %dma_wait3A_26] : memref<10112x128xf32, #tpu.memory_space<hbm>> -> memref<10112x128xf32, #tpu.memory_space<hbm>>
    tpu.wait_indirect_dma semaphore(%arg12 : memref<!tpu.dma_semaphore, #tpu.memory_space<semaphore_mem>>) src(%dma_wait3A_27 : memref<10112x128xf32, #tpu.memory_space<hbm>>) dst(%arg9 : memref<128x128xf32, #tpu.memory_space<vmem>>)
    %mul3A_28 = arith.constant 80 : i32
    %mul3A_29 = arith.muli %add3A, %mul3A_28 : i32
    %add3A_30 = arith.constant 40 : i32
    %add3A_31 = arith.addi %mul3A_29, %add3A_30 : i32
    "tpu.region"() ({
      %run_scoped3A = tpu.sem_alloc : memref<!tpu.dma_semaphore, #tpu.memory_space<semaphore_mem>>
      %dma_start3A_61 = arith.constant 0 : i32
      %dma_start3A_62 = tpu.memref_slice %arg3[%add3A_31, %dma_start3A_61] : memref<2560x128xi32, #tpu.memory_space<hbm>> -> memref<40x128xi32, #tpu.memory_space<hbm>>
      %dma_start3A_63 = arith.constant 0 : i32
      %dma_start3A_64 = tpu.memref_slice %arg3[%add3A_31, %dma_start3A_63] : memref<2560x128xi32, #tpu.memory_space<hbm>> -> memref<40x128xi32, #tpu.memory_space<hbm>>
      tpu.enqueue_dma source(%dma_start3A_64 : memref<40x128xi32, #tpu.memory_space<hbm>>) target(%arg7 : memref<40x128xi32, #tpu.memory_space<vmem>>) target_semaphore(%run_scoped3A : memref<!tpu.dma_semaphore, #tpu.memory_space<semaphore_mem>>)
      %dma_wait3A_65 = arith.constant 0 : i32
      %dma_wait3A_66 = tpu.memref_slice %arg3[%add3A_31, %dma_wait3A_65] : memref<2560x128xi32, #tpu.memory_space<hbm>> -> memref<40x128xi32, #tpu.memory_space<hbm>>
      %dma_wait3A_67 = arith.constant 0 : i32
      %dma_wait3A_68 = tpu.memref_slice %arg3[%add3A_31, %dma_wait3A_67] : memref<2560x128xi32, #tpu.memory_space<hbm>> -> memref<40x128xi32, #tpu.memory_space<hbm>>
      tpu.wait_dma2 semaphore(%run_scoped3A : memref<!tpu.dma_semaphore, #tpu.memory_space<semaphore_mem>>) src(%dma_wait3A_68 : memref<40x128xi32, #tpu.memory_space<hbm>>) dst(%arg7 : memref<40x128xi32, #tpu.memory_space<vmem>>)
      tpu.yield
    }) : () -> ()
    %mul3A_32 = arith.constant 80 : i32
    %mul3A_33 = arith.muli %add3A, %mul3A_32 : i32
    %add3A_34 = arith.constant 40 : i32
    %add3A_35 = arith.addi %mul3A_33, %add3A_34 : i32
    "tpu.region"() ({
      %run_scoped3A = tpu.sem_alloc : memref<!tpu.dma_semaphore, #tpu.memory_space<semaphore_mem>>
      %dma_start3A_61 = arith.constant 0 : i32
      %dma_start3A_62 = tpu.memref_slice %arg4[%add3A_35, %dma_start3A_61] : memref<2560x128xi32, #tpu.memory_space<hbm>> -> memref<40x128xi32, #tpu.memory_space<hbm>>
      %dma_start3A_63 = arith.constant 0 : i32
      %dma_start3A_64 = tpu.memref_slice %arg4[%add3A_35, %dma_start3A_63] : memref<2560x128xi32, #tpu.memory_space<hbm>> -> memref<40x128xi32, #tpu.memory_space<hbm>>
      tpu.enqueue_dma source(%dma_start3A_64 : memref<40x128xi32, #tpu.memory_space<hbm>>) target(%arg8 : memref<40x128xi32, #tpu.memory_space<vmem>>) target_semaphore(%run_scoped3A : memref<!tpu.dma_semaphore, #tpu.memory_space<semaphore_mem>>)
      %dma_wait3A_65 = arith.constant 0 : i32
      %dma_wait3A_66 = tpu.memref_slice %arg4[%add3A_35, %dma_wait3A_65] : memref<2560x128xi32, #tpu.memory_space<hbm>> -> memref<40x128xi32, #tpu.memory_space<hbm>>
      %dma_wait3A_67 = arith.constant 0 : i32
      %dma_wait3A_68 = tpu.memref_slice %arg4[%add3A_35, %dma_wait3A_67] : memref<2560x128xi32, #tpu.memory_space<hbm>> -> memref<40x128xi32, #tpu.memory_space<hbm>>
      tpu.wait_dma2 semaphore(%run_scoped3A : memref<!tpu.dma_semaphore, #tpu.memory_space<semaphore_mem>>) src(%dma_wait3A_68 : memref<40x128xi32, #tpu.memory_space<hbm>>) dst(%arg8 : memref<40x128xi32, #tpu.memory_space<vmem>>)
      tpu.yield
    }) : () -> ()
    %dma_start3A_36 = arith.constant 0 : i32
    %dma_start3A_37 = arith.constant 0 : i32
    %dma_start3A_38 = tpu.memref_slice %arg7[%dma_start3A_36, %dma_start3A_37] : memref<40x128xi32, #tpu.memory_space<vmem>> -> memref<1x128xi32, #tpu.memory_space<vmem>>
    %dma_start3A_39 = tpu.memref_squeeze %dma_start3A_38 : memref<1x128xi32, #tpu.memory_space<vmem>> -> memref<128xi32, #tpu.memory_space<vmem>>
    %dma_start3A_40 = arith.constant 0 : i32
    %dma_start3A_41 = arith.constant 0 : i32
    %dma_start3A_42 = tpu.memref_slice %arg2[%dma_start3A_40, %dma_start3A_41] : memref<10112x128xf32, #tpu.memory_space<hbm>> -> memref<10112x128xf32, #tpu.memory_space<hbm>>
    tpu.enqueue_indirect_dma source(%dma_start3A_42 : memref<10112x128xf32, #tpu.memory_space<hbm>>) target(%arg9 : memref<128x128xf32, #tpu.memory_space<vmem>>) offsets(%dma_start3A_39 : memref<128xi32, #tpu.memory_space<vmem>>) semaphore(%arg12 : memref<!tpu.dma_semaphore, #tpu.memory_space<semaphore_mem>>)
    %scan3A_43 = arith.constant 0 : i32
    %scan3A_44 = arith.constant 0 : i32
    %scan3A_45 = arith.constant 20 : i32
    %scan3A_46 = arith.addi %scan3A_44, %scan3A_45 : i32
    %scan3A_47 = arith.constant 1 : i32
    scf.for %scan3A_61 = %scan3A_44 to %scan3A_46 step %scan3A_47  : i32 {
      %mul3A_62 = arith.constant 2 : i32
      %mul3A_63 = arith.muli %mul3A_62, %scan3A_61 : i32
      %add3A_64 = arith.constant 1 : i32
      %add3A_65 = arith.addi %mul3A_63, %add3A_64 : i32
      %add3A_66 = arith.constant 2 : i32
      %add3A_67 = arith.addi %mul3A_63, %add3A_66 : i32
      %min3A = arith.constant 39 : i32
      %min3A_68 = arith.minsi %add3A_67, %min3A : i32
      %dma_start3A_69 = arith.constant 0 : i32
      %dma_start3A_70 = tpu.memref_slice %arg7[%add3A_65, %dma_start3A_69] : memref<40x128xi32, #tpu.memory_space<vmem>> -> memref<1x128xi32, #tpu.memory_space<vmem>>
      %dma_start3A_71 = tpu.memref_squeeze %dma_start3A_70 : memref<1x128xi32, #tpu.memory_space<vmem>> -> memref<128xi32, #tpu.memory_space<vmem>>
      %dma_start3A_72 = arith.constant 0 : i32
      %dma_start3A_73 = arith.constant 0 : i32
      %dma_start3A_74 = tpu.memref_slice %arg2[%dma_start3A_72, %dma_start3A_73] : memref<10112x128xf32, #tpu.memory_space<hbm>> -> memref<10112x128xf32, #tpu.memory_space<hbm>>
      tpu.enqueue_indirect_dma source(%dma_start3A_74 : memref<10112x128xf32, #tpu.memory_space<hbm>>) target(%arg10 : memref<128x128xf32, #tpu.memory_space<vmem>>) offsets(%dma_start3A_71 : memref<128xi32, #tpu.memory_space<vmem>>) semaphore(%arg13 : memref<!tpu.dma_semaphore, #tpu.memory_space<semaphore_mem>>)
      %dma_wait3A_75 = arith.constant 0 : i32
      %dma_wait3A_76 = tpu.memref_slice %arg7[%mul3A_63, %dma_wait3A_75] : memref<40x128xi32, #tpu.memory_space<vmem>> -> memref<1x128xi32, #tpu.memory_space<vmem>>
      %dma_wait3A_77 = tpu.memref_squeeze %dma_wait3A_76 : memref<1x128xi32, #tpu.memory_space<vmem>> -> memref<128xi32, #tpu.memory_space<vmem>>
      %dma_wait3A_78 = arith.constant 0 : i32
      %dma_wait3A_79 = arith.constant 0 : i32
      %dma_wait3A_80 = tpu.memref_slice %arg2[%dma_wait3A_78, %dma_wait3A_79] : memref<10112x128xf32, #tpu.memory_space<hbm>> -> memref<10112x128xf32, #tpu.memory_space<hbm>>
      tpu.wait_indirect_dma semaphore(%arg12 : memref<!tpu.dma_semaphore, #tpu.memory_space<semaphore_mem>>) src(%dma_wait3A_80 : memref<10112x128xf32, #tpu.memory_space<hbm>>) dst(%arg9 : memref<128x128xf32, #tpu.memory_space<vmem>>)
      "tpu.region"() ({
        %run_scoped3A = tpu.sem_alloc : memref<!tpu.dma_semaphore, #tpu.memory_space<semaphore_mem>>
        %dma_start3A_93 = arith.constant 0 : i32
        %dma_start3A_94 = tpu.memref_slice %arg8[%mul3A_63, %dma_start3A_93] : memref<40x128xi32, #tpu.memory_space<vmem>> -> memref<1x128xi32, #tpu.memory_space<vmem>>
        %dma_start3A_95 = tpu.memref_squeeze %dma_start3A_94 : memref<1x128xi32, #tpu.memory_space<vmem>> -> memref<128xi32, #tpu.memory_space<vmem>>
        %dma_start3A_96 = arith.constant 0 : i32
        %dma_start3A_97 = arith.constant 0 : i32
        %dma_start3A_98 = tpu.memref_slice %arg11[%dma_start3A_96, %dma_start3A_97] : memref<10112x128xf32, #tpu.memory_space<vmem_shared>> -> memref<10112x128xf32, #tpu.memory_space<vmem_shared>>
        tpu.enqueue_indirect_dma source(%arg9 : memref<128x128xf32, #tpu.memory_space<vmem>>) target(%dma_start3A_98 : memref<10112x128xf32, #tpu.memory_space<vmem_shared>>) offsets(%dma_start3A_95 : memref<128xi32, #tpu.memory_space<vmem>>) semaphore(%run_scoped3A : memref<!tpu.dma_semaphore, #tpu.memory_space<semaphore_mem>>) {add = true}
        %dma_wait3A_99 = arith.constant 0 : i32
        %dma_wait3A_100 = tpu.memref_slice %arg8[%mul3A_63, %dma_wait3A_99] : memref<40x128xi32, #tpu.memory_space<vmem>> -> memref<1x128xi32, #tpu.memory_space<vmem>>
        %dma_wait3A_101 = tpu.memref_squeeze %dma_wait3A_100 : memref<1x128xi32, #tpu.memory_space<vmem>> -> memref<128xi32, #tpu.memory_space<vmem>>
        %dma_wait3A_102 = arith.constant 0 : i32
        %dma_wait3A_103 = arith.constant 0 : i32
        %dma_wait3A_104 = tpu.memref_slice %arg11[%dma_wait3A_102, %dma_wait3A_103] : memref<10112x128xf32, #tpu.memory_space<vmem_shared>> -> memref<10112x128xf32, #tpu.memory_space<vmem_shared>>
        tpu.wait_indirect_dma semaphore(%run_scoped3A : memref<!tpu.dma_semaphore, #tpu.memory_space<semaphore_mem>>) src(%arg9 : memref<128x128xf32, #tpu.memory_space<vmem>>) dst(%dma_wait3A_104 : memref<10112x128xf32, #tpu.memory_space<vmem_shared>>)
        tpu.yield
      }) : () -> ()
      %dma_start3A_81 = arith.constant 0 : i32
      %dma_start3A_82 = tpu.memref_slice %arg7[%min3A_68, %dma_start3A_81] : memref<40x128xi32, #tpu.memory_space<vmem>> -> memref<1x128xi32, #tpu.memory_space<vmem>>
      %dma_start3A_83 = tpu.memref_squeeze %dma_start3A_82 : memref<1x128xi32, #tpu.memory_space<vmem>> -> memref<128xi32, #tpu.memory_space<vmem>>
      %dma_start3A_84 = arith.constant 0 : i32
      %dma_start3A_85 = arith.constant 0 : i32
      %dma_start3A_86 = tpu.memref_slice %arg2[%dma_start3A_84, %dma_start3A_85] : memref<10112x128xf32, #tpu.memory_space<hbm>> -> memref<10112x128xf32, #tpu.memory_space<hbm>>
      tpu.enqueue_indirect_dma source(%dma_start3A_86 : memref<10112x128xf32, #tpu.memory_space<hbm>>) target(%arg9 : memref<128x128xf32, #tpu.memory_space<vmem>>) offsets(%dma_start3A_83 : memref<128xi32, #tpu.memory_space<vmem>>) semaphore(%arg12 : memref<!tpu.dma_semaphore, #tpu.memory_space<semaphore_mem>>)
      %dma_wait3A_87 = arith.constant 0 : i32
      %dma_wait3A_88 = tpu.memref_slice %arg7[%add3A_65, %dma_wait3A_87] : memref<40x128xi32, #tpu.memory_space<vmem>> -> memref<1x128xi32, #tpu.memory_space<vmem>>
      %dma_wait3A_89 = tpu.memref_squeeze %dma_wait3A_88 : memref<1x128xi32, #tpu.memory_space<vmem>> -> memref<128xi32, #tpu.memory_space<vmem>>
      %dma_wait3A_90 = arith.constant 0 : i32
      %dma_wait3A_91 = arith.constant 0 : i32
      %dma_wait3A_92 = tpu.memref_slice %arg2[%dma_wait3A_90, %dma_wait3A_91] : memref<10112x128xf32, #tpu.memory_space<hbm>> -> memref<10112x128xf32, #tpu.memory_space<hbm>>
      tpu.wait_indirect_dma semaphore(%arg13 : memref<!tpu.dma_semaphore, #tpu.memory_space<semaphore_mem>>) src(%dma_wait3A_92 : memref<10112x128xf32, #tpu.memory_space<hbm>>) dst(%arg10 : memref<128x128xf32, #tpu.memory_space<vmem>>)
      "tpu.region"() ({
        %run_scoped3A = tpu.sem_alloc : memref<!tpu.dma_semaphore, #tpu.memory_space<semaphore_mem>>
        %dma_start3A_93 = arith.constant 0 : i32
        %dma_start3A_94 = tpu.memref_slice %arg8[%add3A_65, %dma_start3A_93] : memref<40x128xi32, #tpu.memory_space<vmem>> -> memref<1x128xi32, #tpu.memory_space<vmem>>
        %dma_start3A_95 = tpu.memref_squeeze %dma_start3A_94 : memref<1x128xi32, #tpu.memory_space<vmem>> -> memref<128xi32, #tpu.memory_space<vmem>>
        %dma_start3A_96 = arith.constant 0 : i32
        %dma_start3A_97 = arith.constant 0 : i32
        %dma_start3A_98 = tpu.memref_slice %arg11[%dma_start3A_96, %dma_start3A_97] : memref<10112x128xf32, #tpu.memory_space<vmem_shared>> -> memref<10112x128xf32, #tpu.memory_space<vmem_shared>>
        tpu.enqueue_indirect_dma source(%arg10 : memref<128x128xf32, #tpu.memory_space<vmem>>) target(%dma_start3A_98 : memref<10112x128xf32, #tpu.memory_space<vmem_shared>>) offsets(%dma_start3A_95 : memref<128xi32, #tpu.memory_space<vmem>>) semaphore(%run_scoped3A : memref<!tpu.dma_semaphore, #tpu.memory_space<semaphore_mem>>) {add = true}
        %dma_wait3A_99 = arith.constant 0 : i32
        %dma_wait3A_100 = tpu.memref_slice %arg8[%add3A_65, %dma_wait3A_99] : memref<40x128xi32, #tpu.memory_space<vmem>> -> memref<1x128xi32, #tpu.memory_space<vmem>>
        %dma_wait3A_101 = tpu.memref_squeeze %dma_wait3A_100 : memref<1x128xi32, #tpu.memory_space<vmem>> -> memref<128xi32, #tpu.memory_space<vmem>>
        %dma_wait3A_102 = arith.constant 0 : i32
        %dma_wait3A_103 = arith.constant 0 : i32
        %dma_wait3A_104 = tpu.memref_slice %arg11[%dma_wait3A_102, %dma_wait3A_103] : memref<10112x128xf32, #tpu.memory_space<vmem_shared>> -> memref<10112x128xf32, #tpu.memory_space<vmem_shared>>
        tpu.wait_indirect_dma semaphore(%run_scoped3A : memref<!tpu.dma_semaphore, #tpu.memory_space<semaphore_mem>>) src(%arg10 : memref<128x128xf32, #tpu.memory_space<vmem>>) dst(%dma_wait3A_104 : memref<10112x128xf32, #tpu.memory_space<vmem_shared>>)
        tpu.yield
      }) : () -> ()
    }
    %scan3A_48 = arith.constant 20 : i32
    %dma_wait3A_49 = arith.constant 39 : i32
    %dma_wait3A_50 = arith.constant 0 : i32
    %dma_wait3A_51 = tpu.memref_slice %arg7[%dma_wait3A_49, %dma_wait3A_50] : memref<40x128xi32, #tpu.memory_space<vmem>> -> memref<1x128xi32, #tpu.memory_space<vmem>>
    %dma_wait3A_52 = tpu.memref_squeeze %dma_wait3A_51 : memref<1x128xi32, #tpu.memory_space<vmem>> -> memref<128xi32, #tpu.memory_space<vmem>>
    %dma_wait3A_53 = arith.constant 0 : i32
    %dma_wait3A_54 = arith.constant 0 : i32
    %dma_wait3A_55 = tpu.memref_slice %arg2[%dma_wait3A_53, %dma_wait3A_54] : memref<10112x128xf32, #tpu.memory_space<hbm>> -> memref<10112x128xf32, #tpu.memory_space<hbm>>
    tpu.wait_indirect_dma semaphore(%arg12 : memref<!tpu.dma_semaphore, #tpu.memory_space<semaphore_mem>>) src(%dma_wait3A_55 : memref<10112x128xf32, #tpu.memory_space<hbm>>) dst(%arg9 : memref<128x128xf32, #tpu.memory_space<vmem>>)
    %barrier3A_56 = arith.constant 0 : index
    tpu.barrier barrier_id(%barrier3A_56)
    %mul3A_57 = arith.constant 632 : i32
    %mul3A_58 = arith.muli %arg1, %mul3A_57 : i32
    %mul3A_59 = arith.constant 632 : i32
    %mul3A_60 = arith.muli %arg1, %mul3A_59 : i32
    "tpu.region"() ({
      %run_scoped3A = tpu.sem_alloc : memref<!tpu.dma_semaphore, #tpu.memory_space<semaphore_mem>>
      %dma_start3A_61 = arith.constant 0 : i32
      %dma_start3A_62 = tpu.memref_slice %arg6[%arg0, %mul3A_60, %dma_start3A_61] : memref<2x10112x128xf32, #tpu.memory_space<hbm>> -> memref<1x632x128xf32, #tpu.memory_space<hbm>>
      %dma_start3A_63 = tpu.memref_squeeze %dma_start3A_62 : memref<1x632x128xf32, #tpu.memory_space<hbm>> -> memref<632x128xf32, #tpu.memory_space<hbm>>
      %dma_start3A_64 = arith.constant 0 : i32
      %dma_start3A_65 = tpu.memref_slice %arg11[%mul3A_58, %dma_start3A_64] : memref<10112x128xf32, #tpu.memory_space<vmem_shared>> -> memref<632x128xf32, #tpu.memory_space<vmem_shared>>
      tpu.enqueue_dma source(%dma_start3A_65 : memref<632x128xf32, #tpu.memory_space<vmem_shared>>) target(%dma_start3A_63 : memref<632x128xf32, #tpu.memory_space<hbm>>) target_semaphore(%run_scoped3A : memref<!tpu.dma_semaphore, #tpu.memory_space<semaphore_mem>>)
      %dma_wait3A_66 = arith.constant 0 : i32
      %dma_wait3A_67 = tpu.memref_slice %arg6[%arg0, %mul3A_60, %dma_wait3A_66] : memref<2x10112x128xf32, #tpu.memory_space<hbm>> -> memref<1x632x128xf32, #tpu.memory_space<hbm>>
      %dma_wait3A_68 = tpu.memref_squeeze %dma_wait3A_67 : memref<1x632x128xf32, #tpu.memory_space<hbm>> -> memref<632x128xf32, #tpu.memory_space<hbm>>
      %dma_wait3A_69 = arith.constant 0 : i32
      %dma_wait3A_70 = tpu.memref_slice %arg11[%mul3A_58, %dma_wait3A_69] : memref<10112x128xf32, #tpu.memory_space<vmem_shared>> -> memref<632x128xf32, #tpu.memory_space<vmem_shared>>
      tpu.wait_dma2 semaphore(%run_scoped3A : memref<!tpu.dma_semaphore, #tpu.memory_space<semaphore_mem>>) src(%dma_wait3A_70 : memref<632x128xf32, #tpu.memory_space<vmem_shared>>) dst(%dma_wait3A_68 : memref<632x128xf32, #tpu.memory_space<hbm>>)
      tpu.yield
    }) : () -> ()
    return
  }
}

module attributes {stable_mosaic.version = 14 : i64} {
  func.func @body(%arg0: memref<10112x128xf32, #tpu.memory_space<vmem>>, %arg1: memref<128x128xf32, #tpu.memory_space<vmem>>, %arg2: memref<10112x1xf32, #tpu.memory_space<vmem>>, %arg3: memref<10112x1xf32, #tpu.memory_space<vmem>>, %arg4: memref<10112x128xf32, #tpu.memory_space<vmem>>, %arg5: memref<10112x1xf32, #tpu.memory_space<vmem>>) attributes {dimension_semantics = [], scalar_prefetch = 0 : i64, scratch_operands = 0 : i64, tpu.core_type = #tpu.core_type<tc>} {
    %get3A = arith.constant 0 : index
    %get3A_0 = arith.constant 0 : index
    %get3A_1 = vector.load %arg2[%get3A, %get3A_0] : memref<10112x1xf32, #tpu.memory_space<vmem>>, vector<10112x1xf32>
    %get3A_2 = arith.constant 0 : index
    %get3A_3 = arith.constant 0 : index
    %get3A_4 = vector.load %arg3[%get3A_2, %get3A_3] : memref<10112x1xf32, #tpu.memory_space<vmem>>, vector<10112x1xf32>
    %add3A = arith.addf %get3A_1, %get3A_4 : vector<10112x1xf32>
    %gt3A = arith.constant 0.000000e+00 : f32
    %gt3A_5 = vector.broadcast %gt3A : f32 to vector<10112x1xf32>
    %gt3A_6 = arith.cmpf ogt, %add3A, %gt3A_5 : vector<10112x1xf32>
    %max3A = arith.constant 1.000000e+00 : f32
    %max3A_7 = vector.broadcast %max3A : f32 to vector<10112x1xf32>
    %max3A_8 = arith.maximumf %add3A, %max3A_7 : vector<10112x1xf32>
    %rsqrt3A = math.rsqrt %max3A_8 : vector<10112x1xf32>
    %jit3A = arith.constant 0.000000e+00 : f32
    %broadcast_in_dim3A = vector.broadcast %jit3A : f32 to vector<10112x1xf32>
    %select_n3A = arith.select %gt3A_6, %rsqrt3A, %broadcast_in_dim3A : vector<10112x1xi1>, vector<10112x1xf32>
    %get3A_9 = arith.constant 0 : index
    %get3A_10 = arith.constant 0 : index
    %get3A_11 = vector.load %arg0[%get3A_9, %get3A_10] : memref<10112x128xf32, #tpu.memory_space<vmem>>, vector<10112x128xf32>
    %get3A_12 = arith.constant 0 : index
    %get3A_13 = arith.constant 0 : index
    %get3A_14 = vector.load %arg1[%get3A_12, %get3A_13] : memref<128x128xf32, #tpu.memory_space<vmem>>, vector<128x128xf32>
    %dot_general3A = arith.constant dense<0.000000e+00> : vector<10112x128xf32>
    %dot_general3A_15 = tpu.matmul %get3A_11, %get3A_14, %dot_general3A {dimension_numbers = #tpu.dot_dimension_numbers<[1], [0], [0], [1], [0, 0, 1, 1], [], []>, transpose_lhs_hint = false} : vector<10112x128xf32>, vector<128x128xf32>, vector<10112x128xf32> -> vector<10112x128xf32>
    %mul3A = vector.broadcast %select_n3A : vector<10112x1xf32> to vector<10112x128xf32>
    %mul3A_16 = arith.mulf %mul3A, %dot_general3A_15 : vector<10112x128xf32>
    %swap3A = arith.constant 0 : index
    %swap3A_17 = arith.constant 0 : index
    %swap3A_18 = vector.load %arg4[%swap3A, %swap3A_17] : memref<10112x128xf32, #tpu.memory_space<vmem>>, vector<10112x128xf32>
    tpu.vector_store %arg4[%swap3A, %swap3A_17], %mul3A_16 {strides = array<i32>} : memref<10112x128xf32, #tpu.memory_space<vmem>>, vector<10112x128xf32>,
    %swap3A_19 = arith.constant 0 : index
    %swap3A_20 = arith.constant 0 : index
    %swap3A_21 = vector.load %arg5[%swap3A_19, %swap3A_20] : memref<10112x1xf32, #tpu.memory_space<vmem>>, vector<10112x1xf32>
    tpu.vector_store %arg5[%swap3A_19, %swap3A_20], %select_n3A {strides = array<i32>} : memref<10112x1xf32, #tpu.memory_space<vmem>>, vector<10112x1xf32>,
    return
  }
}

module attributes {stable_mosaic.version = 14 : i64} {
  func.func @body(%arg0: memref<10112x128xf32, #tpu.memory_space<vmem>>, %arg1: memref<10112x128xf32, #tpu.memory_space<vmem>>, %arg2: memref<10112x1xf32, #tpu.memory_space<vmem>>, %arg3: memref<1x128xf32, #tpu.memory_space<vmem>>, %arg4: memref<128x128xf32, #tpu.memory_space<vmem>>, %arg5: memref<10112x128xf32, #tpu.memory_space<vmem>>) attributes {dimension_semantics = [], scalar_prefetch = 0 : i64, scratch_operands = 0 : i64, tpu.core_type = #tpu.core_type<tc>} {
    %get3A = arith.constant 0 : index
    %get3A_0 = arith.constant 0 : index
    %get3A_1 = vector.load %arg2[%get3A, %get3A_0] : memref<10112x1xf32, #tpu.memory_space<vmem>>, vector<10112x1xf32>
    %get3A_2 = arith.constant 0 : index
    %get3A_3 = arith.constant 0 : index
    %get3A_4 = vector.load %arg0[%get3A_2, %get3A_3] : memref<10112x128xf32, #tpu.memory_space<vmem>>, vector<10112x128xf32>
    %get3A_5 = arith.constant 0 : index
    %get3A_6 = arith.constant 0 : index
    %get3A_7 = vector.load %arg1[%get3A_5, %get3A_6] : memref<10112x128xf32, #tpu.memory_space<vmem>>, vector<10112x128xf32>
    %add3A = arith.addf %get3A_4, %get3A_7 : vector<10112x128xf32>
    %mul3A = vector.broadcast %get3A_1 : vector<10112x1xf32> to vector<10112x128xf32>
    %mul3A_8 = arith.mulf %mul3A, %add3A : vector<10112x128xf32>
    %get3A_9 = arith.constant 0 : index
    %get3A_10 = arith.constant 0 : index
    %get3A_11 = vector.load %arg3[%get3A_9, %get3A_10] : memref<1x128xf32, #tpu.memory_space<vmem>>, vector<1x128xf32>
    %add3A_12 = vector.broadcast %get3A_11 : vector<1x128xf32> to vector<10112x128xf32>
    %add3A_13 = arith.addf %mul3A_8, %add3A_12 : vector<10112x128xf32>
    %max3A = arith.constant 0.000000e+00 : f32
    %max3A_14 = vector.broadcast %max3A : f32 to vector<10112x128xf32>
    %max3A_15 = arith.maximumf %add3A_13, %max3A_14 : vector<10112x128xf32>
    %get3A_16 = arith.constant 0 : index
    %get3A_17 = arith.constant 0 : index
    %get3A_18 = vector.load %arg4[%get3A_16, %get3A_17] : memref<128x128xf32, #tpu.memory_space<vmem>>, vector<128x128xf32>
    %dot_general3A = arith.constant dense<0.000000e+00> : vector<10112x128xf32>
    %dot_general3A_19 = tpu.matmul %max3A_15, %get3A_18, %dot_general3A {dimension_numbers = #tpu.dot_dimension_numbers<[1], [0], [0], [1], [0, 0, 1, 1], [], []>, transpose_lhs_hint = false} : vector<10112x128xf32>, vector<128x128xf32>, vector<10112x128xf32> -> vector<10112x128xf32>
    %mul3A_20 = vector.broadcast %get3A_1 : vector<10112x1xf32> to vector<10112x128xf32>
    %mul3A_21 = arith.mulf %mul3A_20, %dot_general3A_19 : vector<10112x128xf32>
    %swap3A = arith.constant 0 : index
    %swap3A_22 = arith.constant 0 : index
    %swap3A_23 = vector.load %arg5[%swap3A, %swap3A_22] : memref<10112x128xf32, #tpu.memory_space<vmem>>, vector<10112x128xf32>
    tpu.vector_store %arg5[%swap3A, %swap3A_22], %mul3A_21 {strides = array<i32>} : memref<10112x128xf32, #tpu.memory_space<vmem>>, vector<10112x128xf32>,
    return
  }
}

module attributes {stable_mosaic.version = 14 : i64} {
  func.func @body(%arg0: memref<10112x128xf32, #tpu.memory_space<vmem>>, %arg1: memref<10112x128xf32, #tpu.memory_space<vmem>>, %arg2: memref<10112x1xf32, #tpu.memory_space<vmem>>, %arg3: memref<1x128xf32, #tpu.memory_space<vmem>>, %arg4: memref<10112x128xf32, #tpu.memory_space<vmem>>) attributes {dimension_semantics = [], scalar_prefetch = 0 : i64, scratch_operands = 0 : i64, tpu.core_type = #tpu.core_type<tc>} {
    %get3A = arith.constant 0 : index
    %get3A_0 = arith.constant 0 : index
    %get3A_1 = vector.load %arg2[%get3A, %get3A_0] : memref<10112x1xf32, #tpu.memory_space<vmem>>, vector<10112x1xf32>
    %get3A_2 = arith.constant 0 : index
    %get3A_3 = arith.constant 0 : index
    %get3A_4 = vector.load %arg0[%get3A_2, %get3A_3] : memref<10112x128xf32, #tpu.memory_space<vmem>>, vector<10112x128xf32>
    %get3A_5 = arith.constant 0 : index
    %get3A_6 = arith.constant 0 : index
    %get3A_7 = vector.load %arg1[%get3A_5, %get3A_6] : memref<10112x128xf32, #tpu.memory_space<vmem>>, vector<10112x128xf32>
    %add3A = arith.addf %get3A_4, %get3A_7 : vector<10112x128xf32>
    %mul3A = vector.broadcast %get3A_1 : vector<10112x1xf32> to vector<10112x128xf32>
    %mul3A_8 = arith.mulf %mul3A, %add3A : vector<10112x128xf32>
    %get3A_9 = arith.constant 0 : index
    %get3A_10 = arith.constant 0 : index
    %get3A_11 = vector.load %arg3[%get3A_9, %get3A_10] : memref<1x128xf32, #tpu.memory_space<vmem>>, vector<1x128xf32>
    %add3A_12 = vector.broadcast %get3A_11 : vector<1x128xf32> to vector<10112x128xf32>
    %add3A_13 = arith.addf %mul3A_8, %add3A_12 : vector<10112x128xf32>
    %swap3A = arith.constant 0 : index
    %swap3A_14 = arith.constant 0 : index
    %swap3A_15 = vector.load %arg4[%swap3A, %swap3A_14] : memref<10112x128xf32, #tpu.memory_space<vmem>>, vector<10112x128xf32>
    tpu.vector_store %arg4[%swap3A, %swap3A_14], %add3A_13 {strides = array<i32>} : memref<10112x128xf32, #tpu.memory_space<vmem>>, vector<10112x128xf32>,
    return
  }
}

</mosaic_0001>

<sc_bundles>
// kernel: gather_offload_async_start.1
scs
__scs_entry_jumppad:
0x0: {  	(pc) =	sbr.rel $0x88, $3  }
0x1: {  	(tag) =	ssettag $0x0;
	lr =	simm.s32 $0x1  }
0x2: {  	[smem:$0x3F97] =	sst lr;
	_ =	strace $0xD0000000  }
0x3: {  	_ = 	snop  }
0x4: {  	_ = 	snop  }
0x5: {  	_ = 	snop  }
0x6: {  	_ = 	snop  }
0x7: {  	_ = 	snop  }
__scs_overlays_trampoline_lowered:
0x8: {  	[smem:$0x3FA6] =	sst s0  }
0x9: {  	[smem:$0x3FA7] =	sst s1  }
0xa: {  	[smem:$0x3FA8] =	sst s2  }
0xb: {  	[smem:$0x3FA9] =	sst s3  }
0xc: {  	[smem:$0x3FAA] =	sst s4  }
0xd: {  	[smem:$0x3FAB] =	sst s5  }
0xe: {  	[smem:$0x3FAC] =	sst s6  }
0xf: {  	[smem:$0x3FAD] =	sst s7  }
0x10: {  	[smem:$0x3FAE] =	sst s8  }
0x11: {  	[smem:$0x3FAF] =	sst s9;
	s0 =	simm.s32 @!p0 $0x0  }
0x12: {  	s1 =	sld [smem:$0x3F95];
	s0 =	simm.s32 @p0 $0x1  }
0x13: {  	[smem:$0x3FB0] =	sst s0;
	s0 =	simm.s32 @!p1 $0x0  }
0x14: {  	s2 =	sld [smem:$0x3F94];
	s0 =	simm.s32 @p1 $0x1  }
0x15: {  	[smem:$0x3FB1] =	sst s0;
	s0 =	simm.s32 @!p2 $0x0  }
0x16: {  	s3 =	sld [smem:$0x3FDB];
	s0 =	simm.s32 @p2 $0x1  }
0x17: {  	s4 =	simm.s32 $0x1BF5;
	[smem:$0x3FB3] =	sst s0  }
0x18: {  	s0 =	sld [smem:$0x3F96];
	_ =	swait.ge [sflag:s4], $0x0  }
0x19: {  	s7 =	sld [smem:$0x3F97]  }
0x1a: {  	s8 =	sadd.s32 $0xFFFFE003, lr  }
0x1b: {  	s9 =	sadd.s32 $0xFFFFFEF7, lr;
	s5 =	simm.s32 $0xFFFFFFFF;
	p2 =	slt.u32 s8, $0xFFFFF086  }
0x1c: {  	p1 =	slt.u32 s9, $0xF7A;
	s5 =	simm.s32 @!p2 $0x0  }
0x1d: {  	s5 =	simm.s32 @p1 $0x1;
	p0 =	seq.s32 s7, s2  }
0x1e: {  	s7 =	smul.u32 @!p0 $0xF7A, s2;
	p2 =	seq.s32 @!p0 s5, $0x0  }
0x1f: {  	s9 =	smul.u32 $0xF7A, s1;
	s8 =	simm.s32 @!p0 $0x1BF5;
	p2 =	por !p2, p0  }
0x20: {  	[sflag:s8] =	ssyncset.s32 @!p0 $0xFFFFF086;
	s6 =	sadd.s32 @!p0 s3, s7;
	s7 =	simm.s32 @!p0 $0x108  }
0x21: {  	s3 =	sadd.s32 s3, s9;
	s6 =	sadd.s32 @!p0 $0x88, s6;
	s7 =	simm.s32 @p2 $0x1082  }
0x22: {  	[simem:s7], [sflag:s8] =	dma.local @!p0 [hbm:s6], $0xF7A  }
0x23: {  	s9 =	sor.u32 $0xD0000000, s2;
	s6 =	simm.s32 $0x108;
	_ =	swait.ge @!p0 [sflag:s8], $0x0  }
0x24: {  	s3 =	sadd.s32 $0x88, s3;
	s6 =	simm.s32 @!p1 $0x1082;
	[sflag:s4] =	ssyncset.s32 $0xFFFFF086  }
0x25: {  	[simem:s6], [sflag:s4] =	dma.local [hbm:s3], $0xF7A  }
0x26: {  	[smem:$0x3F97] =	sst s1;
	(tag) =	ssettag s2;
	_ =	strace s9  }
0x27: {  	s1 =	sld [smem:$0x3FA7]  }
0x28: {  	s2 =	sld [smem:$0x3FA8]  }
0x29: {  	s4 =	sld [smem:$0x3FAA]  }
0x2a: {  	p0 =	seq.s32 s5, $0x0;
	s5 =	sld [smem:$0x3FAB]  }
0x2b: {  	s6 =	sld [smem:$0x3FAC]  }
0x2c: {  	s7 =	sld [smem:$0x3FAD]  }
0x2d: {  	s3 =	simm.s32 $0x108;
	s8 =	sld [smem:$0x3FAE]  }
0x2e: {  	s3 =	simm.s32 @!p0 $0x1082;
	s9 =	sld [smem:$0x3FAF]  }
0x2f: {  	lr =	sadd.s32 s0, s3;
	s0 =	sld [smem:$0x3FA6]  }
0x30: {  	s3 =	sld [smem:$0x3FA9]  }
0x31: {  	[smem:$0x3FB2] =	sst s10  }
0x32: {  	s10 =	sld [smem:$0x3FB0];
	_ =	sdelay $0x3  }
0x33: {  	p0 =	seq.s32 s10, $0x1;
	s10 =	sld [smem:$0x3FB2];
	_ =	sdelay $0x3  }
0x34: {  	[smem:$0x3FB2] =	sst s10  }
0x35: {  	s10 =	sld [smem:$0x3FB1];
	_ =	sdelay $0x3  }
0x36: {  	p1 =	seq.s32 s10, $0x1;
	s10 =	sld [smem:$0x3FB2];
	_ =	sdelay $0x3  }
0x37: {  	[smem:$0x3FB2] =	sst s10  }
0x38: {  	s10 =	sld [smem:$0x3FB3]  }
0x39: {  	_ = 	snop;
	(pc) =	sbr.ind lr, $3  }
0x3a: {  	_ = 	snop  }
0x3b: {  	_ = 	snop  }
0x3c: {  	p2 =	seq.s32 s10, $0x1;
	s10 =	sld [smem:$0x3FB2]  }
0x3d: {  	_ =	shalt  }
0x3e: {  	_ =	shalt  }
0x3f: {  	_ =	shalt  }
0x40: {  	_ =	shalt  }
0x41: {  	_ =	shalt  }
0x42: {  	_ =	shalt  }
0x43: {  	_ =	shalt  }
0x44: {  	_ =	shalt  }
0x45: {  	_ =	shalt  }
0x46: {  	_ =	shalt  }
0x47: {  	_ =	shalt  }
0x48: {  	_ =	shalt  }
0x49: {  	_ =	shalt  }
0x4a: {  	_ =	shalt  }
0x4b: {  	_ =	shalt  }
0x4c: {  	_ =	shalt  }
0x4d: {  	_ =	shalt  }
0x4e: {  	_ =	shalt  }
0x4f: {  	_ =	shalt  }
0x50: {  	_ =	shalt  }
0x51: {  	_ =	shalt  }
0x52: {  	_ =	shalt  }
0x53: {  	_ =	shalt  }
0x54: {  	_ =	shalt  }
0x55: {  	_ =	shalt  }
0x56: {  	_ =	shalt  }
0x57: {  	_ =	shalt  }
0x58: {  	_ =	shalt  }
0x59: {  	_ =	shalt  }
0x5a: {  	_ =	shalt  }
0x5b: {  	_ =	shalt  }
0x5c: {  	_ =	shalt  }
0x5d: {  	_ =	shalt  }
0x5e: {  	_ =	shalt  }
0x5f: {  	_ =	shalt  }
0x60: {  	_ =	shalt  }
0x61: {  	_ =	shalt  }
0x62: {  	_ =	shalt  }
0x63: {  	_ =	shalt  }
0x64: {  	_ =	shalt  }
0x65: {  	_ =	shalt  }
0x66: {  	_ =	shalt  }
0x67: {  	_ =	shalt  }
0x68: {  	_ =	shalt  }
0x69: {  	_ =	shalt  }
0x6a: {  	_ =	shalt  }
0x6b: {  	_ =	shalt  }
0x6c: {  	_ =	shalt  }
0x6d: {  	_ =	shalt  }
0x6e: {  	_ =	shalt  }
0x6f: {  	_ =	shalt  }
0x70: {  	_ =	shalt  }
0x71: {  	_ =	shalt  }
0x72: {  	_ =	shalt  }
0x73: {  	_ =	shalt  }
0x74: {  	_ =	shalt  }
0x75: {  	_ =	shalt  }
0x76: {  	_ =	shalt  }
0x77: {  	_ =	shalt  }
0x78: {  	_ =	shalt  }
0x79: {  	_ =	shalt  }
0x7a: {  	_ =	shalt  }
0x7b: {  	_ =	shalt  }
0x7c: {  	_ =	shalt  }
0x7d: {  	_ =	shalt  }
0x7e: {  	_ =	shalt  }
0x7f: {  	_ =	shalt  }
0x80: {  	_ =	shalt  }
0x81: {  	_ =	shalt  }
0x82: {  	_ =	shalt  }
0x83: {  	_ =	shalt  }
0x84: {  	_ =	shalt  }
0x85: {  	_ =	shalt  }
0x86: {  	_ =	shalt  }
0x87: {  	_ =	shalt  }
.Lfunc_end0:
.L_simem_size_0:
called_computation.1_lowered:
.L_overlay_start_0:
0x88: {  	s2 =	sld [smem:$0x3FD9]  }
0x89: {  	s3 =	sld [smem:$0x3FFE];
	_ =	sdelay $0x1  }
0x8a: {  	s1 =	srdreg.scid  }
0x8b: {  	s0 =	sand.u32 $0x1, s1  }
0x8c: {  	s16 =	sshll.u32 s0, $0xA;
	s2 =	sadd.s32 s3, s2  }
0x8d: {  	s2 =	sadd.s32 s2, s16  }
0x8e: {  	[smem:$0x3FBE] =	sst s2  }
0x8f: {  	_ = 	snop  }
0x90: {  	(tm) =	ssettm $0x1  }
0x91: {  	s17 =	sld [smem:$0x3FFB];
	_ =	sdelay $0x3  }
0x92: {  	_ =	strace s17  }
0x93: {  	s2 =	sld [smem:$0x3FFC];
	_ =	sdelay $0x3  }
0x94: {  	_ =	strace s2  }
0x95: {  	s2 =	sld [smem:$0x3FFD];
	_ =	sdelay $0x3  }
0x96: {  	_ =	strace s2  }
0x97: {  	_ =	strace $0x8FFFFFFF  }
0x98: {  	s18 =	sld [smem:$0x3FDB];
	_ =	sdelay $0x1  }
0x99: {  	s19 =	simm.s32 $_scs_section_size  }
0x9a: {  	s4 =	simm.s32 $_size__tile_overlayer_lowered;
	s5 =	simm.s32 $_tile_overlayer_lowered  }
0x9b: {  	s22 =	simm.s32 $0x1BFF;
	s21 =	sshll.u32 s5, $0x1;
	s2 =	sadd.s32 s19, s18  }
0x9c: {  	s6 =	simm.s32 $0x0;
	s20 =	sshll.u32 s4, $0x1;
	s4 =	sadd.s32 s21, s2  }
0x9d: {  	[timem:s6], [sflag:s22] =	dma.local [hbm:s4], s20  }
0x9e: {  	_ =	swait.ge [sflag:s22], s20  }
0x9f: {  	s3 =	ssub.s32 $0x0, s20;
	[sflag:s22] =	ssyncset.done $0x0  }
0xa0: {  	[sflag:s22] =	ssyncadd.s32 s3;
	_ =	sdelay $0x1  }
0xa1: {  	s23 =	simm.s32 $0x1B8B  }
0xa2: {  	_ =	swait.ge [sflag:s23], $0x1  }
0xa3: {  	[sflag:s23] =	ssyncset.done $0x0  }
0xa4: {  	s25 =	simm.s32 $0x1B8E;
	s24 =	sld [smem:$0x3FFE];
	[sflag:s23] =	ssyncadd.s32 $0xFFFFFFFF  }
0xa5: {  	s26 =	simm.s32 $execute0_lowered;
	[smem:$0x3FD2] =	sst s25  }
0xa6: {  	s4 =	sshll.u32 s26, $0x1;
	_ =	strace $0x80000046;
	[dreg:$0x1] =	wrdreg $0xFFFFFFFF  }
0xa7: {  	s28 =	simm.s32 $_size_execute0_lowered;
	s2 =	sadd.s32 s2, s4;
	[dreg:$0x0] =	wrdreg $0x0  }
0xa8: {  	s4 =	sshll.u32 s28, $0x1;
	[dreg:$0x2] =	wrdreg s2  }
0xa9: {  	[dreg:$0x3] =	wrdreg s4  }
0xaa: {  	[dreg:$0x4] =	wrdreg $0xC0  }
0xab: {  	_ =	task [dreg:s6], $0x5FFFF  }
0xac: {  	[dreg:$0x1] =	wrdreg $0xFFFFFFFF  }
0xad: {  	[dreg:$0x0] =	wrdreg $0x60  }
0xae: {  	[dreg:$0x2] =	wrdreg s24  }
0xaf: {  	[dreg:$0x3] =	wrdreg $0x9  }
0xb0: {  	_ =	task.clear_ibuf [dreg:s6], $0x4FFFF;
	_ =	strace $0x90000046  }
0xb1: {  	s29 =	simm.s32 $0x9;
	_ =	strace $0x80000048  }
0xb2: {  	_ =	swait.ge [sflag:s29], $0x1  }
0xb3: {  	[sflag:s29] =	ssyncadd.s32 $0xFFFFFFFF  }
0xb4: {  	_ =	strace $0x90000048  }
0xb5: {  	_ =	sfence  }
0xb6: {  	s30 =	sld [smem:$0x0];
	_ =	sdelay $0x2  }
0xb7: {  	s31 =	sshll.u32 s1, $0xD;
	s1 =	sshrl.u32 s1, $0x2  }
0xb8: {  	s3 =	sand.u32 $0x4000, s31;
	s1 =	sadd.s32 s1, s30  }
0xb9: {  	s0 =	sor.u32 s3, s0;
	s1 =	sshll.u32 s1, $0x11  }
0xba: {  	s0 =	sor.u32 s1, s0  }
0xbb: {  	s0 =	sadd.s32 $0x8F2B, s0  }
0xbc: {  	[sflag:s0] =	ssyncadd.remote.s32 $0x1  }
0xbd: {  	_ =	sfence.sel $0xFFFF  }
0xbe: {  	[dreg:$0x0] =	wrdreg $0xFFFFFFFF;
	(pc) =	sbr.abs _section_cstart, $3  }
0xbf: {  	[dreg:$0x1] =	wrdreg $0xFFFFFFFF  }
0xc0: {  	_ =	task.clear_ibuf [dreg:s6], $0x2FFFF;
	_ =	strace $0x9FFFFFFF  }
0xc1: {  	(tm) =	ssettm $0x7FFFFFFF  }
tec
execute0_lowered:
.L_overlay_start_1:
0x0: {  	(tag) =	ssettag $0x1  }
0x1: {  	s0 =	srdreg.scid  }
0x2: {  	s1 =	sshll.u32 s0, $0x4  }
0x3: {  	s0 =	stileid.u32;
	s1 =	sand.u32 $0x10, s1  }
0x4: {  	s1 =	sor.u32 s0, s1  }
0x5: {  	s9 =	rddreg [dreg:$0x0];
	s6 =	simm.s32 $0x1;
	s2 =	smin.u32 s1, $0x8  }
0x6: {  	p0 =	slt.u32 s1, $0x8;
	s2 =	sadd.s32 s1, s2;
	s1 =	simm.s32 $0x80  }
0x7: {  	s7 =	simm.s32 $0x2;
	s2 =	sshll.u32 s2, $0x6;
	s1 =	simm.s32 @!p0 $0x40  }
0x8: {  	s10 =	simm.s32 $0x3;
	s13 =	simm.s32 $0x0;
	s3 =	sadd.s32 s1, s2  }
0x9: {  	s12 =	simm.s32 $0x0;
	s4 =	sadd.s32 $0x3E00, s9;
	s3 =	smin.u32 s3, $0xA00  }
.Ltmp0:
0xa: {  	s5 =	sadd.s32 $0x3C00, s9;
	s8 =	ssub.s32 s3, s2;
	(pc) =	sbr.rel .LBB2_1-.Ltmp0, $4  }
0xb: {  	s1 =	rddreg [dreg:$0x1];
	_ =	strace $0x80000047;
	p0 =	sgt.s32 s8, $0x0  }
0xc: {  	s9 =	sadd.s32 $0xDE00, s9;
	[sflag:s6] =	ssyncpa.u1 $0x0;
	s8 =	simm.s32 @!p0 $0x0  }
0xd: {  	s11 =	smov.u32 s2;
	[sflag:s7] =	ssyncpa.u1 $0x0;
	s8 =	sshrl.u32 s8, $0x6  }
0xe: {  	vm0 =	vmmov $0xff;
	vm1 =	vcmask $0x3F20;
	[sflag:s10] =	ssyncpa.u1 $0x0;
	p0 =	por $0x0, $0x0;
	s10 =	sadd.s32 $0x1, s8  }
.LBB2_6:
0xf: {  	[hbm:s17] =	stream.linear.scatter [tilespmem:s14], [sflag:$0x3], $0x400, $0x38;
	[tilespmem:$0x4080] =	vst v63  }
.LBB2_7:
0x10: {  	s13 =	sadd.s32 $0x40, s11  }
0x11: {  	s15 =	smov.u32 s2;
	p2 =	slt.s32 s13, s3  }
0x12: {  	s15 =	smov.u32 @p2 s13;
	p2 =	sne.s32 s12, s10  }
.Ltmp1:
0x13: {  	p1 =	slt.u32 s12, $0x2;
	(pc) =	sbr.rel @!p2 .LBB2_8-.Ltmp1, $4  }
0x14: {  	s14 =	simm.s32 @!p1 $0x3  }
0x15: {  	s16 =	sadd.s32 $0x1, s12;
	_ =	swait.ge @!p1 [sflag:s14], $0x2000  }
0x16: {  	p0 =	por !p0, !p0;
	s13 =	smov.u32 s11;
	[sflag:s14] =	ssyncset.done @!p1 $0x0  }
0x17: {  	s12 =	smov.u32 s16;
	s11 =	smov.u32 s15;
	[sflag:s14] =	ssyncadd.s32 @!p1 $0xFFFFE000  }
.LBB2_1:
0x18: {  	p1 =	sge.u32 s12, s8  }
0x19: {  	s14 =	sxor.u32 @!p1 $0xFFFFFFFF, s12  }
0x1a: {  	s31 =	sadd.s32 $0xFFFFFFFF, s12;
	s15 =	sshrl.u32 @!p1 s11, $0x3;
	s14 =	sshll.u32 @!p1 s14, $0x6  }
0x1b: {  	s16 =	sand.u32 @!p1 $0x7, s11;
	s15 =	sadd.s32 @!p1 s5, s15;
	s14 =	sand.u32 @!p1 $0x40, s14  }
0x1c: {  	[tilespmem:s14], [sflag:$0x2] =	stream.linear.gather @!p1 [hbm4b:s15+s16], $0x40, $0x38;
	[tilespmem:$0x4080] =	vst v63  }
0x1d: {  	p1 =	sge.u32 s31, s8  }
.Ltmp2:
0x1e: {  	_ = 	snop;
	(pc) =	sbr.rel @p1 .LBB2_7-.Ltmp2, $1  }
0x1f: {  	_ =	sdelay $0x3  }
0x20: {  	s14 =	simm.s32 $0x1  }
0x21: {  	_ =	swait.ge [sflag:s7], $0x40;
	s14 =	simm.s32 @!p0 $0x0  }
0x22: {  	[sflag:s7] =	ssyncset.done $0x0;
	s16 =	sshll.u32 s14, $0x6  }
0x23: {  	[sflag:s7] =	ssyncadd.s32 $0xFFFFFFC0;
	s15 =	sadd.s32 $0x0, s16  }
0x24: {  	v0 =	vld.msk [tilespmem:s15+$0x0 ss:$0x1], $0xffff;
	_ =	sdelay $0x4  }
0x25: {  	vm2 =	vgt.s32 v0, $0x0  }
0x26: {  	v0 =	vnsel vm2, $0x0, v0  }
0x27: {  	v0 =	vmin.u32 v0, $0x9FF  }
0x28: {  	v0 =	vshll.u32 v0, $0x4;
	_ =	sdelay $0x2  }
0x29: {  	s14 =	sshll.u32 s14, $0xD  }
0x2a: {  	s14 =	sor.u32 $0x80, s14  }
0x2b: {  	[tilespmem:s14], [sflag:$0x1] =	stream.indirect_vreg.gather [hbm:s4], $0x80, v0, vm0, $0x38;
	[tilespmem:$0x4080] =	vst v63  }
0x2c: {  	s17 =	sadd.s32 $0x10, s16;
	s15 =	sadd.s32 $0x400, s14  }
0x2d: {  	[tilespmem:s15], [sflag:$0x1] =	stream.indirect_vreg.gather [hbm:s4], $0x80, v0, vm1, $0x38;
	[tilespmem:$0x4080] =	vst v63  }
0x2e: {  	s18 =	simm.s32 $0x80;
	v0 =	vld.msk [tilespmem:s17+$0x0 ss:$0x1], $0xffff;
	s17 =	smov.u32 s14  }
.LBB2_3:
0x2f: {  	p1 =	sne.s32 s18, $0xC0;
	_ =	sdelay $0x4  }
0x30: {  	vm2 =	vgt.s32 v0, $0x0  }
0x31: {  	v0 =	vnsel vm2, $0x0, v0  }
0x32: {  	v0 =	vmin.u32 v0, $0x9FF  }
0x33: {  	v0 =	vshll.u32 v0, $0x4;
	_ =	sdelay $0x3  }
.Ltmp3:
0x34: {  	s19 =	sshra.s32 s18, $0x2;
	s17 =	sadd.s32 $0x800, s17;
	(pc) =	sbr.rel @p1 .LBB2_3-.Ltmp3, $4  }
0x35: {  	[tilespmem:s17], [sflag:$0x1] =	stream.indirect_vreg.gather [hbm:s4], $0x80, v0, vm0, $0x38;
	[tilespmem:$0x4080] =	vst v63  }
0x36: {  	s19 =	sadd.s32 s19, s16;
	s20 =	sadd.s32 $0x400, s17  }
0x37: {  	[tilespmem:s20], [sflag:$0x1] =	stream.indirect_vreg.gather [hbm:s4], $0x80, v0, vm1, $0x38;
	[tilespmem:$0x4080] =	vst v63  }
0x38: {  	s18 =	sadd.s32 $0x40, s18;
	v0 =	vld.msk [tilespmem:s19+$0x0 ss:$0x1], $0xffff  }
0x39: {  	_ =	sdelay $0x3  }
0x3a: {  	vm2 =	vgt.s32 v0, $0x0  }
0x3b: {  	v0 =	vnsel vm2, $0x0, v0  }
0x3c: {  	v0 =	vmin.u32 v0, $0x9FF  }
0x3d: {  	v0 =	vshll.u32 v0, $0x4;
	_ =	sdelay $0x3  }
0x3e: {  	s16 =	sadd.s32 $0x800, s17  }
0x3f: {  	[tilespmem:s16], [sflag:$0x1] =	stream.indirect_vreg.gather [hbm:s4], $0x80, v0, vm0, $0x38;
	[tilespmem:$0x4080] =	vst v63  }
0x40: {  	s16 =	sadd.s32 $0x400, s16  }
0x41: {  	[tilespmem:s16], [sflag:$0x1] =	stream.indirect_vreg.gather [hbm:s4], $0x80, v0, vm1, $0x38;
	[tilespmem:$0x4080] =	vst v63  }
0x42: {  	s13 =	sshll.u32 s13, $0x4;
	_ =	swait.ge [sflag:s6], $0x2000  }
0x43: {  	s13 =	sadd.s32 s13, s9;
	[sflag:s6] =	ssyncset.done $0x0  }
0x44: {  	s17 =	sadd.s32 $0x0, s13;
	s16 =	simm.s32 $0x80;
	[sflag:s6] =	ssyncadd.s32 $0xFFFFE000  }
.LBB2_5:
0x45: {  	[hbm:s17] =	stream.linear.scatter [tilespmem:s14], [sflag:$0x3], $0x400, $0x38;
	[tilespmem:$0x4080] =	vst v63  }
0x46: {  	s17 =	smov.u32 s16;
	s14 =	smov.u32 s15;
	p1 =	sne.s32 s16, $0x380  }
.Ltmp4:
0x47: {  	s16 =	sadd.s32 $0x80, s16;
	(pc) =	sbr.rel @p1 .LBB2_5-.Ltmp4, $2  }
0x48: {  	_ =	sdelay $0x2  }
0x49: {  	s15 =	sadd.s32 $0x400, s15;
	s17 =	sadd.s32 s17, s13  }
.Ltmp5:
0x4a: {  	_ = 	snop;
	(pc) =	sbr.rel .LBB2_6-.Ltmp5, $1  }
0x4b: {  	_ =	sdelay $0x3  }
.LBB2_8:
0x4c: {  	_ =	sfence.sel $0x180000  }
0x4d: {  	s2 =	simm.s32 $0x2;
	[bflag:$0x0] =	sbarrier.arrive $0xFFFF  }
0x4e: {  	s30 =	simm.s32 $0x3;
	[sflag:s2] =	ssyncpa.u1 $0x1  }
0x4f: {  	s31 =	simm.s32 $0x1;
	[sflag:s30] =	ssyncpa.u1 $0x1  }
0x50: {  	[sflag:s31] =	ssyncpa.u1 $0x1  }
0x51: {  	p0 =	sne.s32 s0, $0x0;
	_ =	strace $0x90000047  }
0x52: {  	s0 =	sadd.s32 @!p0 $0x100000, s1;
	[bflag:$0x2] =	sbarrier.arrive $0xFFFF  }
0x53: {  	[sflag:s0] =	ssyncadd.tile.s32 @!p0 $0x1;
	_ =	shalt  }
.Lfunc_end2:
_tile_overlayer_lowered:
.L_overlay_start_2:
0x54: {  	(tag) =	ssettag $0x2  }
0x55: {  	s0 =	rddreg [dreg:$0x0];
	s2 =	stileid.u32  }
0x56: {  	s1 =	rddreg [dreg:$0x1];
	p0 =	sne.s32 s2, $0x0  }
0x57: {  	s3 =	rddreg [dreg:$0x2];
	[bflag:$0x3] =	sbarrier.arrive $0xFFFF;
	s2 =	simm.s32 @!p0 $0x1C01  }
0x58: {  	[timem:s3], [sflag:s2] =	dma.local @!p0 [hbm:s0], s1  }
0x59: {  	s0 =	simm.s32 @!p0 $0x1  }
0x5a: {  	_ =	swait.ge @!p0 [sflag:s0], s1  }
0x5b: {  	s1 =	ssub.s32 @!p0 $0x0, s1;
	[sflag:s0] =	ssyncset.done @!p0 $0x0  }
0x5c: {  	[sflag:s0] =	ssyncadd.s32 @!p0 s1  }
0x5d: {  	[bflag:$0x3] =	sbarrier.arrive $0xFFFF  }
0x5e: {  	_ =	shalt  }

// kernel: gather_offload_async_start
scs
__scs_entry_jumppad:
0x0: {  	(pc) =	sbr.rel $0x88, $3  }
0x1: {  	(tag) =	ssettag $0x0;
	lr =	simm.s32 $0x1  }
0x2: {  	[smem:$0x3F97] =	sst lr;
	_ =	strace $0xD0000000  }
0x3: {  	_ = 	snop  }
0x4: {  	_ = 	snop  }
0x5: {  	_ = 	snop  }
0x6: {  	_ = 	snop  }
0x7: {  	_ = 	snop  }
__scs_overlays_trampoline_lowered:
0x8: {  	[smem:$0x3FA6] =	sst s0  }
0x9: {  	[smem:$0x3FA7] =	sst s1  }
0xa: {  	[smem:$0x3FA8] =	sst s2  }
0xb: {  	[smem:$0x3FA9] =	sst s3  }
0xc: {  	[smem:$0x3FAA] =	sst s4  }
0xd: {  	[smem:$0x3FAB] =	sst s5  }
0xe: {  	[smem:$0x3FAC] =	sst s6  }
0xf: {  	[smem:$0x3FAD] =	sst s7  }
0x10: {  	[smem:$0x3FAE] =	sst s8  }
0x11: {  	[smem:$0x3FAF] =	sst s9;
	s0 =	simm.s32 @!p0 $0x0  }
0x12: {  	s1 =	sld [smem:$0x3F95];
	s0 =	simm.s32 @p0 $0x1  }
0x13: {  	[smem:$0x3FB0] =	sst s0;
	s0 =	simm.s32 @!p1 $0x0  }
0x14: {  	s2 =	sld [smem:$0x3F94];
	s0 =	simm.s32 @p1 $0x1  }
0x15: {  	[smem:$0x3FB1] =	sst s0;
	s0 =	simm.s32 @!p2 $0x0  }
0x16: {  	s3 =	sld [smem:$0x3FDB];
	s0 =	simm.s32 @p2 $0x1  }
0x17: {  	s4 =	simm.s32 $0x1BF5;
	[smem:$0x3FB3] =	sst s0  }
0x18: {  	s0 =	sld [smem:$0x3F96];
	_ =	swait.ge [sflag:s4], $0x0  }
0x19: {  	s7 =	sld [smem:$0x3F97]  }
0x1a: {  	s8 =	sadd.s32 $0xFFFFE003, lr  }
0x1b: {  	s9 =	sadd.s32 $0xFFFFFEF7, lr;
	s5 =	simm.s32 $0xFFFFFFFF;
	p2 =	slt.u32 s8, $0xFFFFF086  }
0x1c: {  	p1 =	slt.u32 s9, $0xF7A;
	s5 =	simm.s32 @!p2 $0x0  }
0x1d: {  	s5 =	simm.s32 @p1 $0x1;
	p0 =	seq.s32 s7, s2  }
0x1e: {  	s7 =	smul.u32 @!p0 $0xF7A, s2;
	p2 =	seq.s32 @!p0 s5, $0x0  }
0x1f: {  	s9 =	smul.u32 $0xF7A, s1;
	s8 =	simm.s32 @!p0 $0x1BF5;
	p2 =	por !p2, p0  }
0x20: {  	[sflag:s8] =	ssyncset.s32 @!p0 $0xFFFFF086;
	s6 =	sadd.s32 @!p0 s3, s7;
	s7 =	simm.s32 @!p0 $0x108  }
0x21: {  	s3 =	sadd.s32 s3, s9;
	s6 =	sadd.s32 @!p0 $0x88, s6;
	s7 =	simm.s32 @p2 $0x1082  }
0x22: {  	[simem:s7], [sflag:s8] =	dma.local @!p0 [hbm:s6], $0xF7A  }
0x23: {  	s9 =	sor.u32 $0xD0000000, s2;
	s6 =	simm.s32 $0x108;
	_ =	swait.ge @!p0 [sflag:s8], $0x0  }
0x24: {  	s3 =	sadd.s32 $0x88, s3;
	s6 =	simm.s32 @!p1 $0x1082;
	[sflag:s4] =	ssyncset.s32 $0xFFFFF086  }
0x25: {  	[simem:s6], [sflag:s4] =	dma.local [hbm:s3], $0xF7A  }
0x26: {  	[smem:$0x3F97] =	sst s1;
	(tag) =	ssettag s2;
	_ =	strace s9  }
0x27: {  	s1 =	sld [smem:$0x3FA7]  }
0x28: {  	s2 =	sld [smem:$0x3FA8]  }
0x29: {  	s4 =	sld [smem:$0x3FAA]  }
0x2a: {  	p0 =	seq.s32 s5, $0x0;
	s5 =	sld [smem:$0x3FAB]  }
0x2b: {  	s6 =	sld [smem:$0x3FAC]  }
0x2c: {  	s7 =	sld [smem:$0x3FAD]  }
0x2d: {  	s3 =	simm.s32 $0x108;
	s8 =	sld [smem:$0x3FAE]  }
0x2e: {  	s3 =	simm.s32 @!p0 $0x1082;
	s9 =	sld [smem:$0x3FAF]  }
0x2f: {  	lr =	sadd.s32 s0, s3;
	s0 =	sld [smem:$0x3FA6]  }
0x30: {  	s3 =	sld [smem:$0x3FA9]  }
0x31: {  	[smem:$0x3FB2] =	sst s10  }
0x32: {  	s10 =	sld [smem:$0x3FB0];
	_ =	sdelay $0x3  }
0x33: {  	p0 =	seq.s32 s10, $0x1;
	s10 =	sld [smem:$0x3FB2];
	_ =	sdelay $0x3  }
0x34: {  	[smem:$0x3FB2] =	sst s10  }
0x35: {  	s10 =	sld [smem:$0x3FB1];
	_ =	sdelay $0x3  }
0x36: {  	p1 =	seq.s32 s10, $0x1;
	s10 =	sld [smem:$0x3FB2];
	_ =	sdelay $0x3  }
0x37: {  	[smem:$0x3FB2] =	sst s10  }
0x38: {  	s10 =	sld [smem:$0x3FB3]  }
0x39: {  	_ = 	snop;
	(pc) =	sbr.ind lr, $3  }
0x3a: {  	_ = 	snop  }
0x3b: {  	_ = 	snop  }
0x3c: {  	p2 =	seq.s32 s10, $0x1;
	s10 =	sld [smem:$0x3FB2]  }
0x3d: {  	_ =	shalt  }
0x3e: {  	_ =	shalt  }
0x3f: {  	_ =	shalt  }
0x40: {  	_ =	shalt  }
0x41: {  	_ =	shalt  }
0x42: {  	_ =	shalt  }
0x43: {  	_ =	shalt  }
0x44: {  	_ =	shalt  }
0x45: {  	_ =	shalt  }
0x46: {  	_ =	shalt  }
0x47: {  	_ =	shalt  }
0x48: {  	_ =	shalt  }
0x49: {  	_ =	shalt  }
0x4a: {  	_ =	shalt  }
0x4b: {  	_ =	shalt  }
0x4c: {  	_ =	shalt  }
0x4d: {  	_ =	shalt  }
0x4e: {  	_ =	shalt  }
0x4f: {  	_ =	shalt  }
0x50: {  	_ =	shalt  }
0x51: {  	_ =	shalt  }
0x52: {  	_ =	shalt  }
0x53: {  	_ =	shalt  }
0x54: {  	_ =	shalt  }
0x55: {  	_ =	shalt  }
0x56: {  	_ =	shalt  }
0x57: {  	_ =	shalt  }
0x58: {  	_ =	shalt  }
0x59: {  	_ =	shalt  }
0x5a: {  	_ =	shalt  }
0x5b: {  	_ =	shalt  }
0x5c: {  	_ =	shalt  }
0x5d: {  	_ =	shalt  }
0x5e: {  	_ =	shalt  }
0x5f: {  	_ =	shalt  }
0x60: {  	_ =	shalt  }
0x61: {  	_ =	shalt  }
0x62: {  	_ =	shalt  }
0x63: {  	_ =	shalt  }
0x64: {  	_ =	shalt  }
0x65: {  	_ =	shalt  }
0x66: {  	_ =	shalt  }
0x67: {  	_ =	shalt  }
0x68: {  	_ =	shalt  }
0x69: {  	_ =	shalt  }
0x6a: {  	_ =	shalt  }
0x6b: {  	_ =	shalt  }
0x6c: {  	_ =	shalt  }
0x6d: {  	_ =	shalt  }
0x6e: {  	_ =	shalt  }
0x6f: {  	_ =	shalt  }
0x70: {  	_ =	shalt  }
0x71: {  	_ =	shalt  }
0x72: {  	_ =	shalt  }
0x73: {  	_ =	shalt  }
0x74: {  	_ =	shalt  }
0x75: {  	_ =	shalt  }
0x76: {  	_ =	shalt  }
0x77: {  	_ =	shalt  }
0x78: {  	_ =	shalt  }
0x79: {  	_ =	shalt  }
0x7a: {  	_ =	shalt  }
0x7b: {  	_ =	shalt  }
0x7c: {  	_ =	shalt  }
0x7d: {  	_ =	shalt  }
0x7e: {  	_ =	shalt  }
0x7f: {  	_ =	shalt  }
0x80: {  	_ =	shalt  }
0x81: {  	_ =	shalt  }
0x82: {  	_ =	shalt  }
0x83: {  	_ =	shalt  }
0x84: {  	_ =	shalt  }
0x85: {  	_ =	shalt  }
0x86: {  	_ =	shalt  }
0x87: {  	_ =	shalt  }
.Lfunc_end0:
.L_simem_size_0:
called_computation_lowered:
.L_overlay_start_0:
0x88: {  	s2 =	sld [smem:$0x3FD9]  }
0x89: {  	s3 =	sld [smem:$0x3FFE];
	_ =	sdelay $0x1  }
0x8a: {  	s1 =	srdreg.scid  }
0x8b: {  	s0 =	sand.u32 $0x1, s1  }
0x8c: {  	s17 =	sshll.u32 s0, $0xA;
	s2 =	sadd.s32 s3, s2  }
0x8d: {  	s2 =	sadd.s32 s2, s17  }
0x8e: {  	[smem:$0x3FBE] =	sst s2  }
0x8f: {  	_ = 	snop  }
0x90: {  	s18 =	sld [smem:$0x3FD0];
	(tm) =	ssettm $0x1  }
0x91: {  	s19 =	sld [smem:$0x3FFB];
	_ =	sdelay $0x3  }
0x92: {  	_ =	strace s19  }
0x93: {  	s2 =	sld [smem:$0x3FFC];
	_ =	sdelay $0x3  }
0x94: {  	_ =	strace s2  }
0x95: {  	s2 =	sld [smem:$0x3FFD];
	_ =	sdelay $0x3  }
0x96: {  	_ =	strace s2  }
0x97: {  	_ =	strace $0x8FFFFFFF  }
0x98: {  	s20 =	sld [smem:$0x3FDB];
	_ =	sdelay $0x1  }
0x99: {  	s4 =	simm.s32 $_scs_section_size  }
0x9a: {  	s5 =	simm.s32 $_size__tile_overlayer_lowered;
	s6 =	simm.s32 $_tile_overlayer_lowered  }
0x9b: {  	s7 =	simm.s32 $0x1BFF;
	s21 =	sshll.u32 s6, $0x1;
	s4 =	sadd.s32 s4, s20  }
0x9c: {  	s22 =	simm.s32 $0x0;
	s5 =	sshll.u32 s5, $0x1;
	s6 =	sadd.s32 s21, s4  }
0x9d: {  	[timem:s22], [sflag:s7] =	dma.local [hbm:s6], s5  }
0x9e: {  	_ =	swait.ge [sflag:s7], s5  }
0x9f: {  	s5 =	ssub.s32 $0x0, s5;
	[sflag:s7] =	ssyncset.done $0x0  }
0xa0: {  	[sflag:s7] =	ssyncadd.s32 s5;
	_ =	sdelay $0x1  }
0xa1: {  	s23 =	simm.s32 $0x1B8B  }
0xa2: {  	_ =	swait.ge [sflag:s23], $0x1  }
0xa3: {  	[sflag:s23] =	ssyncset.done $0x0  }
0xa4: {  	[sflag:s23] =	ssyncadd.s32 $0xFFFFFFFF  }
0xa5: {  	s5 =	sld [smem:$0x0]  }
0xa6: {  	s6 =	sand.u32 $0xFFFFFFFE, s1  }
0xa7: {  	p0 =	sne.s32 s1, s6  }
0xa8: {  	s6 =	sshll.u32 @p0 s6, $0xE  }
0xa9: {  	s6 =	sadd.s32 @p0 $0x11B8D, s6;
	s7 =	sshll.u32 @p0 s5, $0x11  }
0xaa: {  	s6 =	sor.u32 @p0 s7, s6  }
0xab: {  	[sflag:s6] =	ssyncadd.remote.s32 @p0 $0x1;
	_ =	sdelay $0x1  }
0xac: {  	s6 =	simm.s32 @p0 $0x1B8D  }
0xad: {  	_ =	swait.eq @p0 [sflag:s6], $0x1  }
0xae: {  	[sflag:s6] =	ssyncadd.s32 @p0 $0xFFFFFFFF  }
0xaf: {  	s7 =	sshll.u32 @!p0 s1, $0xE  }
0xb0: {  	s7 =	sor.u32 @!p0 $0x4000, s7;
	s6 =	simm.s32 @!p0 $0x1B8D  }
0xb1: {  	s5 =	sshll.u32 @!p0 s5, $0x11;
	s7 =	sadd.s32 @!p0 $0x11B8D, s7;
	_ =	swait.eq @!p0 [sflag:s6], $0x1  }
0xb2: {  	s5 =	sor.u32 @!p0 s5, s7;
	[sflag:s6] =	ssyncadd.s32 @!p0 $0xFFFFFFFF  }
0xb3: {  	s25 =	simm.s32 $0x1B8E;
	s24 =	sld [smem:$0x3FFE];
	[sflag:s5] =	ssyncadd.remote.s32 @!p0 $0x1  }
0xb4: {  	s26 =	simm.s32 $execute0_lowered;
	[smem:$0x3FD2] =	sst s25  }
0xb5: {  	s6 =	sshll.u32 s26, $0x1;
	_ =	strace $0x8000004C;
	[dreg:$0x1] =	wrdreg $0xFFFFFFFF  }
0xb6: {  	s28 =	simm.s32 $_size_execute0_lowered;
	s4 =	sadd.s32 s4, s6;
	[dreg:$0x0] =	wrdreg $0x0  }
0xb7: {  	s6 =	sshll.u32 s28, $0x1;
	[dreg:$0x2] =	wrdreg s4  }
0xb8: {  	[dreg:$0x3] =	wrdreg s6  }
0xb9: {  	[dreg:$0x4] =	wrdreg $0xC0  }
0xba: {  	_ =	task [dreg:s22], $0x5FFFF  }
0xbb: {  	[dreg:$0x1] =	wrdreg $0xFFFFFFFF  }
0xbc: {  	[dreg:$0x0] =	wrdreg $0x60  }
0xbd: {  	[dreg:$0x2] =	wrdreg s18  }
0xbe: {  	[dreg:$0x3] =	wrdreg s24  }
0xbf: {  	[dreg:$0x4] =	wrdreg $0x9  }
0xc0: {  	_ =	task.clear_ibuf [dreg:s22], $0x5FFFF;
	_ =	strace $0x9000004C  }
0xc1: {  	s29 =	simm.s32 $0x9;
	_ =	strace $0x8000004E  }
0xc2: {  	_ =	swait.ge [sflag:s29], $0x1  }
0xc3: {  	[sflag:s29] =	ssyncadd.s32 $0xFFFFFFFF  }
0xc4: {  	_ =	strace $0x9000004E  }
0xc5: {  	_ =	sfence  }
0xc6: {  	s30 =	sld [smem:$0x0];
	_ =	sdelay $0x2  }
0xc7: {  	s31 =	sshll.u32 s1, $0xD;
	s1 =	sshrl.u32 s1, $0x2  }
0xc8: {  	s4 =	sand.u32 $0x4000, s31;
	s1 =	sadd.s32 s1, s30  }
0xc9: {  	s0 =	sor.u32 s4, s0;
	s1 =	sshll.u32 s1, $0x11  }
0xca: {  	s0 =	sor.u32 s1, s0  }
0xcb: {  	s0 =	sadd.s32 $0x8F2B, s0  }
0xcc: {  	[sflag:s0] =	ssyncadd.remote.s32 $0x1  }
0xcd: {  	_ =	sfence.sel $0xFFFF  }
0xce: {  	[dreg:$0x0] =	wrdreg $0xFFFFFFFF;
	(pc) =	sbr.abs _section_cstart, $3  }
0xcf: {  	[dreg:$0x1] =	wrdreg $0xFFFFFFFF  }
0xd0: {  	_ =	task.clear_ibuf [dreg:s22], $0x2FFFF;
	_ =	strace $0x9FFFFFFF  }
0xd1: {  	(tm) =	ssettm $0x7FFFFFFF  }
tec
execute0_lowered:
.L_overlay_start_1:
0x0: {  	(tag) =	ssettag $0x1  }
0x1: {  	s0 =	srdreg.scid  }
0x2: {  	s1 =	sshll.u32 s0, $0x4  }
0x3: {  	s0 =	stileid.u32;
	s1 =	sand.u32 $0x10, s1  }
0x4: {  	s1 =	sor.u32 s0, s1  }
0x5: {  	s9 =	rddreg [dreg:$0x1];
	s6 =	simm.s32 $0x1;
	s2 =	smin.u32 s1, $0x8  }
0x6: {  	p0 =	slt.u32 s1, $0x8;
	s3 =	sadd.s32 s1, s2;
	s1 =	simm.s32 $0x80  }
0x7: {  	s7 =	simm.s32 $0x2;
	s3 =	sshll.u32 s3, $0x6;
	s1 =	simm.s32 @!p0 $0x40  }
0x8: {  	s10 =	simm.s32 $0x3;
	s13 =	simm.s32 $0x0;
	s4 =	sadd.s32 s1, s3  }
0x9: {  	s12 =	simm.s32 $0x0;
	s5 =	sadd.s32 $0x3C00, s9;
	s4 =	smin.u32 s4, $0xA00  }
.Ltmp0:
0xa: {  	s2 =	rddreg [dreg:$0x0];
	s8 =	ssub.s32 s4, s3;
	(pc) =	sbr.rel .LBB2_1-.Ltmp0, $4  }
0xb: {  	s1 =	rddreg [dreg:$0x2];
	_ =	strace $0x8000004D;
	p0 =	sgt.s32 s8, $0x0  }
0xc: {  	s9 =	sadd.s32 $0x66E00, s9;
	[sflag:s6] =	ssyncpa.u1 $0x0;
	s8 =	simm.s32 @!p0 $0x0  }
0xd: {  	s11 =	smov.u32 s3;
	[sflag:s7] =	ssyncpa.u1 $0x0;
	s8 =	sshrl.u32 s8, $0x6  }
0xe: {  	vm0 =	vmmov $0xff;
	vm1 =	vcmask $0x3F20;
	[sflag:s10] =	ssyncpa.u1 $0x0;
	p0 =	por $0x0, $0x0;
	s10 =	sadd.s32 $0x1, s8  }
.LBB2_6:
0xf: {  	[hbm:s17] =	stream.linear.scatter [tilespmem:s14], [sflag:$0x3], $0x400, $0x38;
	[tilespmem:$0x4080] =	vst v63  }
.LBB2_7:
0x10: {  	s13 =	sadd.s32 $0x40, s11  }
0x11: {  	s15 =	smov.u32 s3;
	p2 =	slt.s32 s13, s4  }
0x12: {  	s15 =	smov.u32 @p2 s13;
	p2 =	sne.s32 s12, s10  }
.Ltmp1:
0x13: {  	p1 =	slt.u32 s12, $0x2;
	(pc) =	sbr.rel @!p2 .LBB2_8-.Ltmp1, $4  }
0x14: {  	s14 =	simm.s32 @!p1 $0x3  }
0x15: {  	s16 =	sadd.s32 $0x1, s12;
	_ =	swait.ge @!p1 [sflag:s14], $0x2000  }
0x16: {  	p0 =	por !p0, !p0;
	s13 =	smov.u32 s11;
	[sflag:s14] =	ssyncset.done @!p1 $0x0  }
0x17: {  	s12 =	smov.u32 s16;
	s11 =	smov.u32 s15;
	[sflag:s14] =	ssyncadd.s32 @!p1 $0xFFFFE000  }
.LBB2_1:
0x18: {  	p1 =	sge.u32 s12, s8  }
0x19: {  	s14 =	sxor.u32 @!p1 $0xFFFFFFFF, s12  }
0x1a: {  	s31 =	sadd.s32 $0xFFFFFFFF, s12;
	s15 =	sshrl.u32 @!p1 s11, $0x3;
	s14 =	sshll.u32 @!p1 s14, $0x6  }
0x1b: {  	s16 =	sand.u32 @!p1 $0x7, s11;
	s15 =	sadd.s32 @!p1 s5, s15;
	s14 =	sand.u32 @!p1 $0x40, s14  }
0x1c: {  	[tilespmem:s14], [sflag:$0x2] =	stream.linear.gather @!p1 [hbm4b:s15+s16], $0x40, $0x38;
	[tilespmem:$0x4080] =	vst v63  }
0x1d: {  	p1 =	sge.u32 s31, s8  }
.Ltmp2:
0x1e: {  	_ = 	snop;
	(pc) =	sbr.rel @p1 .LBB2_7-.Ltmp2, $1  }
0x1f: {  	_ =	sdelay $0x3  }
0x20: {  	s14 =	simm.s32 $0x1  }
0x21: {  	_ =	swait.ge [sflag:s7], $0x40;
	s14 =	simm.s32 @!p0 $0x0  }
0x22: {  	[sflag:s7] =	ssyncset.done $0x0;
	s16 =	sshll.u32 s14, $0x6  }
0x23: {  	[sflag:s7] =	ssyncadd.s32 $0xFFFFFFC0;
	s15 =	sadd.s32 $0x0, s16  }
0x24: {  	v0 =	vld.msk [tilespmem:s15+$0x0 ss:$0x1], $0xffff;
	_ =	sdelay $0x4  }
0x25: {  	vm2 =	vgt.s32 v0, $0x0  }
0x26: {  	v0 =	vnsel vm2, $0x0, v0  }
0x27: {  	v0 =	vmin.u32 v0, $0x9FF  }
0x28: {  	v0 =	vshll.u32 v0, $0x4;
	_ =	sdelay $0x2  }
0x29: {  	s14 =	sshll.u32 s14, $0xD  }
0x2a: {  	s14 =	sor.u32 $0x80, s14  }
0x2b: {  	[tilespmem:s14], [sflag:$0x1] =	stream.indirect_vreg.gather [hbm:s2], $0x80, v0, vm0, $0x38;
	[tilespmem:$0x4080] =	vst v63  }
0x2c: {  	s17 =	sadd.s32 $0x10, s16;
	s15 =	sadd.s32 $0x400, s14  }
0x2d: {  	[tilespmem:s15], [sflag:$0x1] =	stream.indirect_vreg.gather [hbm:s2], $0x80, v0, vm1, $0x38;
	[tilespmem:$0x4080] =	vst v63  }
0x2e: {  	s18 =	simm.s32 $0x80;
	v0 =	vld.msk [tilespmem:s17+$0x0 ss:$0x1], $0xffff;
	s17 =	smov.u32 s14  }
.LBB2_3:
0x2f: {  	p1 =	sne.s32 s18, $0xC0;
	_ =	sdelay $0x4  }
0x30: {  	vm2 =	vgt.s32 v0, $0x0  }
0x31: {  	v0 =	vnsel vm2, $0x0, v0  }
0x32: {  	v0 =	vmin.u32 v0, $0x9FF  }
0x33: {  	v0 =	vshll.u32 v0, $0x4;
	_ =	sdelay $0x3  }
.Ltmp3:
0x34: {  	s19 =	sshra.s32 s18, $0x2;
	s17 =	sadd.s32 $0x800, s17;
	(pc) =	sbr.rel @p1 .LBB2_3-.Ltmp3, $4  }
0x35: {  	[tilespmem:s17], [sflag:$0x1] =	stream.indirect_vreg.gather [hbm:s2], $0x80, v0, vm0, $0x38;
	[tilespmem:$0x4080] =	vst v63  }
0x36: {  	s19 =	sadd.s32 s19, s16;
	s20 =	sadd.s32 $0x400, s17  }
0x37: {  	[tilespmem:s20], [sflag:$0x1] =	stream.indirect_vreg.gather [hbm:s2], $0x80, v0, vm1, $0x38;
	[tilespmem:$0x4080] =	vst v63  }
0x38: {  	s18 =	sadd.s32 $0x40, s18;
	v0 =	vld.msk [tilespmem:s19+$0x0 ss:$0x1], $0xffff  }
0x39: {  	_ =	sdelay $0x3  }
0x3a: {  	vm2 =	vgt.s32 v0, $0x0  }
0x3b: {  	v0 =	vnsel vm2, $0x0, v0  }
0x3c: {  	v0 =	vmin.u32 v0, $0x9FF  }
0x3d: {  	v0 =	vshll.u32 v0, $0x4;
	_ =	sdelay $0x3  }
0x3e: {  	s16 =	sadd.s32 $0x800, s17  }
0x3f: {  	[tilespmem:s16], [sflag:$0x1] =	stream.indirect_vreg.gather [hbm:s2], $0x80, v0, vm0, $0x38;
	[tilespmem:$0x4080] =	vst v63  }
0x40: {  	s16 =	sadd.s32 $0x400, s16  }
0x41: {  	[tilespmem:s16], [sflag:$0x1] =	stream.indirect_vreg.gather [hbm:s2], $0x80, v0, vm1, $0x38;
	[tilespmem:$0x4080] =	vst v63  }
0x42: {  	s13 =	sshll.u32 s13, $0x4;
	_ =	swait.ge [sflag:s6], $0x2000  }
0x43: {  	s13 =	sadd.s32 s13, s9;
	[sflag:s6] =	ssyncset.done $0x0  }
0x44: {  	s17 =	sadd.s32 $0x0, s13;
	s16 =	simm.s32 $0x80;
	[sflag:s6] =	ssyncadd.s32 $0xFFFFE000  }
.LBB2_5:
0x45: {  	[hbm:s17] =	stream.linear.scatter [tilespmem:s14], [sflag:$0x3], $0x400, $0x38;
	[tilespmem:$0x4080] =	vst v63  }
0x46: {  	s17 =	smov.u32 s16;
	s14 =	smov.u32 s15;
	p1 =	sne.s32 s16, $0x380  }
.Ltmp4:
0x47: {  	s16 =	sadd.s32 $0x80, s16;
	(pc) =	sbr.rel @p1 .LBB2_5-.Ltmp4, $2  }
0x48: {  	_ =	sdelay $0x2  }
0x49: {  	s15 =	sadd.s32 $0x400, s15;
	s17 =	sadd.s32 s17, s13  }
.Ltmp5:
0x4a: {  	_ = 	snop;
	(pc) =	sbr.rel .LBB2_6-.Ltmp5, $1  }
0x4b: {  	_ =	sdelay $0x3  }
.LBB2_8:
0x4c: {  	_ =	sfence.sel $0x180000  }
0x4d: {  	s2 =	simm.s32 $0x2;
	[bflag:$0x0] =	sbarrier.arrive $0xFFFF  }
0x4e: {  	s30 =	simm.s32 $0x3;
	[sflag:s2] =	ssyncpa.u1 $0x1  }
0x4f: {  	s31 =	simm.s32 $0x1;
	[sflag:s30] =	ssyncpa.u1 $0x1  }
0x50: {  	[sflag:s31] =	ssyncpa.u1 $0x1  }
0x51: {  	p0 =	sne.s32 s0, $0x0;
	_ =	strace $0x9000004D  }
0x52: {  	s0 =	sadd.s32 @!p0 $0x100000, s1;
	[bflag:$0x2] =	sbarrier.arrive $0xFFFF  }
0x53: {  	[sflag:s0] =	ssyncadd.tile.s32 @!p0 $0x1;
	_ =	shalt  }
.Lfunc_end2:
_tile_overlayer_lowered:
.L_overlay_start_2:
0x54: {  	(tag) =	ssettag $0x2  }
0x55: {  	s0 =	rddreg [dreg:$0x0];
	s2 =	stileid.u32  }
0x56: {  	s1 =	rddreg [dreg:$0x1];
	p0 =	sne.s32 s2, $0x0  }
0x57: {  	s3 =	rddreg [dreg:$0x2];
	[bflag:$0x3] =	sbarrier.arrive $0xFFFF;
	s2 =	simm.s32 @!p0 $0x1C01  }
0x58: {  	[timem:s3], [sflag:s2] =	dma.local @!p0 [hbm:s0], s1  }
0x59: {  	s0 =	simm.s32 @!p0 $0x1  }
0x5a: {  	_ =	swait.ge @!p0 [sflag:s0], s1  }
0x5b: {  	s1 =	ssub.s32 @!p0 $0x0, s1;
	[sflag:s0] =	ssyncset.done @!p0 $0x0  }
0x5c: {  	[sflag:s0] =	ssyncadd.s32 @!p0 s1  }
0x5d: {  	[bflag:$0x3] =	sbarrier.arrive $0xFFFF  }
0x5e: {  	_ =	shalt  }

// kernel: kernel.12.cloned.1.call-start
scs
__scs_entry_jumppad:
0x0: {  	(pc) =	sbr.rel $0x88, $3  }
0x1: {  	(tag) =	ssettag $0x0;
	lr =	simm.s32 $0x1  }
0x2: {  	[smem:$0x3F97] =	sst lr;
	_ =	strace $0xD0000000  }
0x3: {  	_ = 	snop  }
0x4: {  	_ = 	snop  }
0x5: {  	_ = 	snop  }
0x6: {  	_ = 	snop  }
0x7: {  	_ = 	snop  }
__scs_overlays_trampoline_lowered:
0x8: {  	[smem:$0x3FA6] =	sst s0  }
0x9: {  	[smem:$0x3FA7] =	sst s1  }
0xa: {  	[smem:$0x3FA8] =	sst s2  }
0xb: {  	[smem:$0x3FA9] =	sst s3  }
0xc: {  	[smem:$0x3FAA] =	sst s4  }
0xd: {  	[smem:$0x3FAB] =	sst s5  }
0xe: {  	[smem:$0x3FAC] =	sst s6  }
0xf: {  	[smem:$0x3FAD] =	sst s7  }
0x10: {  	[smem:$0x3FAE] =	sst s8  }
0x11: {  	[smem:$0x3FAF] =	sst s9;
	s0 =	simm.s32 @!p0 $0x0  }
0x12: {  	s1 =	sld [smem:$0x3F95];
	s0 =	simm.s32 @p0 $0x1  }
0x13: {  	[smem:$0x3FB0] =	sst s0;
	s0 =	simm.s32 @!p1 $0x0  }
0x14: {  	s2 =	sld [smem:$0x3F94];
	s0 =	simm.s32 @p1 $0x1  }
0x15: {  	[smem:$0x3FB1] =	sst s0;
	s0 =	simm.s32 @!p2 $0x0  }
0x16: {  	s3 =	sld [smem:$0x3FDB];
	s0 =	simm.s32 @p2 $0x1  }
0x17: {  	s4 =	simm.s32 $0x1BF5;
	[smem:$0x3FB3] =	sst s0  }
0x18: {  	s0 =	sld [smem:$0x3F96];
	_ =	swait.ge [sflag:s4], $0x0  }
0x19: {  	s7 =	sld [smem:$0x3F97]  }
0x1a: {  	s8 =	sadd.s32 $0xFFFFE003, lr  }
0x1b: {  	s9 =	sadd.s32 $0xFFFFFEF7, lr;
	s5 =	simm.s32 $0xFFFFFFFF;
	p2 =	slt.u32 s8, $0xFFFFF086  }
0x1c: {  	p1 =	slt.u32 s9, $0xF7A;
	s5 =	simm.s32 @!p2 $0x0  }
0x1d: {  	s5 =	simm.s32 @p1 $0x1;
	p0 =	seq.s32 s7, s2  }
0x1e: {  	s7 =	smul.u32 @!p0 $0xF7A, s2;
	p2 =	seq.s32 @!p0 s5, $0x0  }
0x1f: {  	s9 =	smul.u32 $0xF7A, s1;
	s8 =	simm.s32 @!p0 $0x1BF5;
	p2 =	por !p2, p0  }
0x20: {  	[sflag:s8] =	ssyncset.s32 @!p0 $0xFFFFF086;
	s6 =	sadd.s32 @!p0 s3, s7;
	s7 =	simm.s32 @!p0 $0x108  }
0x21: {  	s3 =	sadd.s32 s3, s9;
	s6 =	sadd.s32 @!p0 $0x88, s6;
	s7 =	simm.s32 @p2 $0x1082  }
0x22: {  	[simem:s7], [sflag:s8] =	dma.local @!p0 [hbm:s6], $0xF7A  }
0x23: {  	s9 =	sor.u32 $0xD0000000, s2;
	s6 =	simm.s32 $0x108;
	_ =	swait.ge @!p0 [sflag:s8], $0x0  }
0x24: {  	s3 =	sadd.s32 $0x88, s3;
	s6 =	simm.s32 @!p1 $0x1082;
	[sflag:s4] =	ssyncset.s32 $0xFFFFF086  }
0x25: {  	[simem:s6], [sflag:s4] =	dma.local [hbm:s3], $0xF7A  }
0x26: {  	[smem:$0x3F97] =	sst s1;
	(tag) =	ssettag s2;
	_ =	strace s9  }
0x27: {  	s1 =	sld [smem:$0x3FA7]  }
0x28: {  	s2 =	sld [smem:$0x3FA8]  }
0x29: {  	s4 =	sld [smem:$0x3FAA]  }
0x2a: {  	p0 =	seq.s32 s5, $0x0;
	s5 =	sld [smem:$0x3FAB]  }
0x2b: {  	s6 =	sld [smem:$0x3FAC]  }
0x2c: {  	s7 =	sld [smem:$0x3FAD]  }
0x2d: {  	s3 =	simm.s32 $0x108;
	s8 =	sld [smem:$0x3FAE]  }
0x2e: {  	s3 =	simm.s32 @!p0 $0x1082;
	s9 =	sld [smem:$0x3FAF]  }
0x2f: {  	lr =	sadd.s32 s0, s3;
	s0 =	sld [smem:$0x3FA6]  }
0x30: {  	s3 =	sld [smem:$0x3FA9]  }
0x31: {  	[smem:$0x3FB2] =	sst s10  }
0x32: {  	s10 =	sld [smem:$0x3FB0];
	_ =	sdelay $0x3  }
0x33: {  	p0 =	seq.s32 s10, $0x1;
	s10 =	sld [smem:$0x3FB2];
	_ =	sdelay $0x3  }
0x34: {  	[smem:$0x3FB2] =	sst s10  }
0x35: {  	s10 =	sld [smem:$0x3FB1];
	_ =	sdelay $0x3  }
0x36: {  	p1 =	seq.s32 s10, $0x1;
	s10 =	sld [smem:$0x3FB2];
	_ =	sdelay $0x3  }
0x37: {  	[smem:$0x3FB2] =	sst s10  }
0x38: {  	s10 =	sld [smem:$0x3FB3]  }
0x39: {  	_ = 	snop;
	(pc) =	sbr.ind lr, $3  }
0x3a: {  	_ = 	snop  }
0x3b: {  	_ = 	snop  }
0x3c: {  	p2 =	seq.s32 s10, $0x1;
	s10 =	sld [smem:$0x3FB2]  }
0x3d: {  	_ =	shalt  }
0x3e: {  	_ =	shalt  }
0x3f: {  	_ =	shalt  }
0x40: {  	_ =	shalt  }
0x41: {  	_ =	shalt  }
0x42: {  	_ =	shalt  }
0x43: {  	_ =	shalt  }
0x44: {  	_ =	shalt  }
0x45: {  	_ =	shalt  }
0x46: {  	_ =	shalt  }
0x47: {  	_ =	shalt  }
0x48: {  	_ =	shalt  }
0x49: {  	_ =	shalt  }
0x4a: {  	_ =	shalt  }
0x4b: {  	_ =	shalt  }
0x4c: {  	_ =	shalt  }
0x4d: {  	_ =	shalt  }
0x4e: {  	_ =	shalt  }
0x4f: {  	_ =	shalt  }
0x50: {  	_ =	shalt  }
0x51: {  	_ =	shalt  }
0x52: {  	_ =	shalt  }
0x53: {  	_ =	shalt  }
0x54: {  	_ =	shalt  }
0x55: {  	_ =	shalt  }
0x56: {  	_ =	shalt  }
0x57: {  	_ =	shalt  }
0x58: {  	_ =	shalt  }
0x59: {  	_ =	shalt  }
0x5a: {  	_ =	shalt  }
0x5b: {  	_ =	shalt  }
0x5c: {  	_ =	shalt  }
0x5d: {  	_ =	shalt  }
0x5e: {  	_ =	shalt  }
0x5f: {  	_ =	shalt  }
0x60: {  	_ =	shalt  }
0x61: {  	_ =	shalt  }
0x62: {  	_ =	shalt  }
0x63: {  	_ =	shalt  }
0x64: {  	_ =	shalt  }
0x65: {  	_ =	shalt  }
0x66: {  	_ =	shalt  }
0x67: {  	_ =	shalt  }
0x68: {  	_ =	shalt  }
0x69: {  	_ =	shalt  }
0x6a: {  	_ =	shalt  }
0x6b: {  	_ =	shalt  }
0x6c: {  	_ =	shalt  }
0x6d: {  	_ =	shalt  }
0x6e: {  	_ =	shalt  }
0x6f: {  	_ =	shalt  }
0x70: {  	_ =	shalt  }
0x71: {  	_ =	shalt  }
0x72: {  	_ =	shalt  }
0x73: {  	_ =	shalt  }
0x74: {  	_ =	shalt  }
0x75: {  	_ =	shalt  }
0x76: {  	_ =	shalt  }
0x77: {  	_ =	shalt  }
0x78: {  	_ =	shalt  }
0x79: {  	_ =	shalt  }
0x7a: {  	_ =	shalt  }
0x7b: {  	_ =	shalt  }
0x7c: {  	_ =	shalt  }
0x7d: {  	_ =	shalt  }
0x7e: {  	_ =	shalt  }
0x7f: {  	_ =	shalt  }
0x80: {  	_ =	shalt  }
0x81: {  	_ =	shalt  }
0x82: {  	_ =	shalt  }
0x83: {  	_ =	shalt  }
0x84: {  	_ =	shalt  }
0x85: {  	_ =	shalt  }
0x86: {  	_ =	shalt  }
0x87: {  	_ =	shalt  }
.Lfunc_end0:
.L_simem_size_0:
called_computation.2_lowered:
.L_overlay_start_0:
0x88: {  	s2 =	sld [smem:$0x3FD9]  }
0x89: {  	s3 =	sld [smem:$0x3FFE];
	_ =	sdelay $0x1  }
0x8a: {  	s1 =	srdreg.scid  }
0x8b: {  	s0 =	sand.u32 $0x1, s1  }
0x8c: {  	s16 =	sshll.u32 s0, $0xA;
	s2 =	sadd.s32 s3, s2  }
0x8d: {  	s2 =	sadd.s32 s2, s16  }
0x8e: {  	[smem:$0x3FBE] =	sst s2  }
0x8f: {  	_ = 	snop  }
0x90: {  	(tm) =	ssettm $0x1  }
0x91: {  	s17 =	sld [smem:$0x3FFB];
	_ =	sdelay $0x3  }
0x92: {  	_ =	strace s17  }
0x93: {  	s2 =	sld [smem:$0x3FFC];
	_ =	sdelay $0x3  }
0x94: {  	_ =	strace s2  }
0x95: {  	s2 =	sld [smem:$0x3FFD];
	_ =	sdelay $0x3  }
0x96: {  	_ =	strace s2  }
0x97: {  	_ =	strace $0x8FFFFFFF  }
0x98: {  	s18 =	sld [smem:$0x3FDB];
	_ =	sdelay $0x1  }
0x99: {  	s19 =	simm.s32 $_scs_section_size  }
0x9a: {  	s4 =	simm.s32 $_size__tile_overlayer_lowered;
	s5 =	simm.s32 $_tile_overlayer_lowered  }
0x9b: {  	s22 =	simm.s32 $0x1BFF;
	s21 =	sshll.u32 s5, $0x1;
	s2 =	sadd.s32 s19, s18  }
0x9c: {  	s6 =	simm.s32 $0x0;
	s20 =	sshll.u32 s4, $0x1;
	s4 =	sadd.s32 s21, s2  }
0x9d: {  	[timem:s6], [sflag:s22] =	dma.local [hbm:s4], s20  }
0x9e: {  	_ =	swait.ge [sflag:s22], s20  }
0x9f: {  	s3 =	ssub.s32 $0x0, s20;
	[sflag:s22] =	ssyncset.done $0x0  }
0xa0: {  	[sflag:s22] =	ssyncadd.s32 s3;
	_ =	sdelay $0x1  }
0xa1: {  	s23 =	simm.s32 $0x1B8B  }
0xa2: {  	_ =	swait.ge [sflag:s23], $0x1  }
0xa3: {  	[sflag:s23] =	ssyncset.done $0x0  }
0xa4: {  	s25 =	simm.s32 $0x1B8E;
	s24 =	sld [smem:$0x3FFE];
	[sflag:s23] =	ssyncadd.s32 $0xFFFFFFFF  }
0xa5: {  	s26 =	simm.s32 $execute0_lowered;
	[smem:$0x3FD2] =	sst s25  }
0xa6: {  	s4 =	sshll.u32 s26, $0x1;
	_ =	strace $0x80000049;
	[dreg:$0x1] =	wrdreg $0xFFFFFFFF  }
0xa7: {  	s28 =	simm.s32 $_size_execute0_lowered;
	s2 =	sadd.s32 s2, s4;
	[dreg:$0x0] =	wrdreg $0x0  }
0xa8: {  	s4 =	sshll.u32 s28, $0x1;
	[dreg:$0x2] =	wrdreg s2  }
0xa9: {  	[dreg:$0x3] =	wrdreg s4  }
0xaa: {  	[dreg:$0x4] =	wrdreg $0xC0  }
0xab: {  	_ =	task [dreg:s6], $0x5FFFF  }
0xac: {  	[dreg:$0x1] =	wrdreg $0xFFFFFFFF  }
0xad: {  	[dreg:$0x0] =	wrdreg $0x60  }
0xae: {  	[dreg:$0x2] =	wrdreg s24  }
0xaf: {  	[dreg:$0x3] =	wrdreg $0x68000  }
0xb0: {  	[dreg:$0x4] =	wrdreg $0xA  }
0xb1: {  	_ =	task.clear_ibuf [dreg:s6], $0x5FFFF;
	_ =	strace $0x90000049  }
0xb2: {  	s29 =	simm.s32 $0xA;
	_ =	strace $0x8000004B  }
0xb3: {  	_ =	swait.ge [sflag:s29], $0x1  }
0xb4: {  	[sflag:s29] =	ssyncadd.s32 $0xFFFFFFFF  }
0xb5: {  	_ =	strace $0x9000004B  }
0xb6: {  	_ =	sfence  }
0xb7: {  	s30 =	sld [smem:$0x0];
	_ =	sdelay $0x2  }
0xb8: {  	s31 =	sshll.u32 s1, $0xD;
	s1 =	sshrl.u32 s1, $0x2  }
0xb9: {  	s3 =	sand.u32 $0x4000, s31;
	s1 =	sadd.s32 s1, s30  }
0xba: {  	s0 =	sor.u32 s3, s0;
	s1 =	sshll.u32 s1, $0x11  }
0xbb: {  	s0 =	sor.u32 s1, s0  }
0xbc: {  	s0 =	sadd.s32 $0x8F2B, s0  }
0xbd: {  	[sflag:s0] =	ssyncadd.remote.s32 $0x1  }
0xbe: {  	_ =	sfence.sel $0xFFFF  }
0xbf: {  	[dreg:$0x0] =	wrdreg $0xFFFFFFFF;
	(pc) =	sbr.abs _section_cstart, $3  }
0xc0: {  	[dreg:$0x1] =	wrdreg $0xFFFFFFFF  }
0xc1: {  	_ =	task.clear_ibuf [dreg:s6], $0x2FFFF;
	_ =	strace $0x9FFFFFFF  }
0xc2: {  	(tm) =	ssettm $0x7FFFFFFF  }
0xc3: {  	_ =	shalt  }
tec
execute0_lowered:
.L_overlay_start_1:
0x0: {  	(tag) =	ssettag $0x1  }
0x1: {  	s7 =	rddreg [dreg:$0x0]  }
0x2: {  	s0 =	srdreg.scid;
	s2 =	rddreg [dreg:$0x1]  }
0x3: {  	s3 =	simm.s32 $0x0;
	s13 =	simm.s32 $0x80;
	s6 =	sand.u32 $0x1, s0  }
0x4: {  	s14 =	simm.s32 $0x0;
	s0 =	stileid.u32;
	s5 =	smul.u32 $0x13C000, s6  }
0x5: {  	[smem:$0x7FF] =	sst s3;
	s1 =	sshll.u32 s6, $0x4;
	s8 =	smul.u32 $0x13C00, s0  }
0x6: {  	s10 =	smul.u32 $0x4F000, s0;
	s6 =	ssub.s32 $0x2, s6;
	s11 =	sshll.u32 s0, $0x6  }
0x7: {  	s1 =	sor.u32 s0, s1;
	s31 =	sshrl.u32 s6, $0x1;
	s11 =	sor.u32 $0x1C01, s11  }
0x8: {  	s4 =	smul.u32 $0x500, s1;
	s1 =	rddreg [dreg:$0x2];
	_ =	strace $0x8000004A  }
0x9: {  	s8 =	sadd.s32 s8, s5;
	s5 =	sadd.s32 $0x4600, s7;
	s10 =	sshrl.u32 s10, $0x2  }
0xa: {  	s8 =	sshrl.u32 s8, $0x3;
	s12 =	sadd.s32 s10, s2;
	s10 =	simm.s32 $0x2800  }
0xb: {  	s9 =	sadd.s32 s4, s7;
	s4 =	sadd.s32 $0x3E00, s7;
	s7 =	sadd.s32 s8, s7  }
0xc: {  	s8 =	ssub.s32 s6, s31;
	s12 =	sshrl.u32 s12, $0x3;
	s6 =	sadd.s32 $0xDE00, s9  }
0xd: {  	s7 =	sadd.s32 $0x17E00, s7;
	s8 =	smax.u32 s8, $0x1;
	s9 =	simm.s32 $0x1  }
.LBB2_1:
0xe: {  	[tilespmem:s3], [sflag:$0x1] =	stream.linear.gather [hbm4b:s6+s3], $0x2800, $0x38;
	[tilespmem:$0x1A400] =	vst v63  }
0xf: {  	_ =	swait.ge [sflag:s9], $0x2800  }
0x10: {  	[sflag:s9] =	ssyncset.done $0x0  }
0x11: {  	[sflag:s9] =	ssyncadd.s32 $0xFFFFD800  }
0x12: {  	[tilespmem:s10], [sflag:$0x1] =	stream.linear.gather [hbm4b:s4+s3], $0x4000, $0x38;
	[tilespmem:$0x1A400] =	vst v63  }
0x13: {  	_ =	swait.ge [sflag:s9], $0x4000  }
0x14: {  	[sflag:s9] =	ssyncset.done $0x0  }
0x15: {  	[sflag:s9] =	ssyncadd.s32 $0xFFFFC000  }
0x16: {  	[spmem:s12], [sflag:s11] =	dma.local [hbm:s5], $0x2780  }
0x17: {  	_ =	swait.ge [sflag:s9], $0x2780  }
0x18: {  	[sflag:s9] =	ssyncset.done $0x0  }
0x19: {  	[sflag:s9] =	ssyncadd.s32 $0xFFFFD880  }
0x1a: {  	s15 =	simm.s32 $0x0;
	[bflag:$0x0] =	sbarrier.arrive $0xFFFF  }
0x1b: {  	[spmem:s2] =	stream.indirect.scatter.add.f32 [tilespmem:s10], [sflag:$0x1], $0x80, s15, s13, $0xb8;
	[tilespmem:$0x1A400] =	vst v63  }
0x1c: {  	_ =	swait.ge [sflag:s9], $0x4000  }
0x1d: {  	s15 =	simm.s32 $0x200;
	[sflag:s9] =	ssyncset.done $0x0  }
.LBB2_2:
0x1e: {  	s16 =	sshra.s32 s15, $0x2;
	[sflag:s9] =	ssyncadd.s32 $0xFFFFC000;
	p0 =	sne.s32 s15, $0x9E00  }
0x1f: {  	[spmem:s2] =	stream.indirect.scatter.add.f32 [tilespmem:s10], [sflag:$0x1], $0x80, s16, s13, $0xb8;
	[tilespmem:$0x1A400] =	vst v63  }
.Ltmp0:
0x20: {  	_ = 	snop;
	(pc) =	sbr.rel @p0 .LBB2_2-.Ltmp0, $4  }
0x21: {  	_ = 	snop  }
0x22: {  	s15 =	sadd.s32 $0x200, s15  }
0x23: {  	_ =	swait.ge [sflag:s9], $0x4000  }
0x24: {  	[sflag:s9] =	ssyncset.done $0x0  }
0x25: {  	s14 =	sadd.s32 $0x1, s14  }
0x26: {  	[sflag:s9] =	ssyncadd.s32 $0xFFFFC000;
	p0 =	sne.s32 s14, s8  }
.Ltmp1:
0x27: {  	[bflag:$0x0] =	sbarrier.arrive $0xFFFF;
	(pc) =	sbr.rel @p0 .LBB2_1-.Ltmp1, $4  }
0x28: {  	[hbm:s7], [sflag:s11] =	dma.local [spmem:s12], $0x2780  }
0x29: {  	_ =	swait.ge [sflag:s9], $0x2780  }
0x2a: {  	[sflag:s9] =	ssyncset.done $0x0  }
0x2b: {  	[sflag:s9] =	ssyncadd.s32 $0xFFFFD880  }
0x2c: {  	_ =	sfence.sel $0x180000  }
0x2d: {  	[bflag:$0x0] =	sbarrier.arrive $0xFFFF  }
0x2e: {  	p0 =	sne.s32 s0, $0x0;
	_ =	strace $0x9000004A  }
0x2f: {  	s0 =	sadd.s32 @!p0 $0x100000, s1;
	[bflag:$0x2] =	sbarrier.arrive $0xFFFF  }
0x30: {  	[sflag:s0] =	ssyncadd.tile.s32 @!p0 $0x1;
	_ =	shalt  }
.Lfunc_end2:
_tile_overlayer_lowered:
.L_overlay_start_2:
0x31: {  	(tag) =	ssettag $0x2  }
0x32: {  	s0 =	rddreg [dreg:$0x0];
	s2 =	stileid.u32  }
0x33: {  	s1 =	rddreg [dreg:$0x1];
	p0 =	sne.s32 s2, $0x0  }
0x34: {  	s3 =	rddreg [dreg:$0x2];
	[bflag:$0x3] =	sbarrier.arrive $0xFFFF;
	s2 =	simm.s32 @!p0 $0x1C01  }
0x35: {  	[timem:s3], [sflag:s2] =	dma.local @!p0 [hbm:s0], s1  }
0x36: {  	s0 =	simm.s32 @!p0 $0x1  }
0x37: {  	_ =	swait.ge @!p0 [sflag:s0], s1  }
0x38: {  	s1 =	ssub.s32 @!p0 $0x0, s1;
	[sflag:s0] =	ssyncset.done @!p0 $0x0  }
0x39: {  	[sflag:s0] =	ssyncadd.s32 @!p0 s1  }
0x3a: {  	[bflag:$0x3] =	sbarrier.arrive $0xFFFF  }
0x3b: {  	_ =	shalt  }

// kernel: kernel.15.cloned.1.call-start
scs
__scs_entry_jumppad:
0x0: {  	(pc) =	sbr.rel $0x88, $3  }
0x1: {  	(tag) =	ssettag $0x0;
	lr =	simm.s32 $0x1  }
0x2: {  	[smem:$0x3F97] =	sst lr;
	_ =	strace $0xD0000000  }
0x3: {  	_ = 	snop  }
0x4: {  	_ = 	snop  }
0x5: {  	_ = 	snop  }
0x6: {  	_ = 	snop  }
0x7: {  	_ = 	snop  }
__scs_overlays_trampoline_lowered:
0x8: {  	[smem:$0x3FA6] =	sst s0  }
0x9: {  	[smem:$0x3FA7] =	sst s1  }
0xa: {  	[smem:$0x3FA8] =	sst s2  }
0xb: {  	[smem:$0x3FA9] =	sst s3  }
0xc: {  	[smem:$0x3FAA] =	sst s4  }
0xd: {  	[smem:$0x3FAB] =	sst s5  }
0xe: {  	[smem:$0x3FAC] =	sst s6  }
0xf: {  	[smem:$0x3FAD] =	sst s7  }
0x10: {  	[smem:$0x3FAE] =	sst s8  }
0x11: {  	[smem:$0x3FAF] =	sst s9;
	s0 =	simm.s32 @!p0 $0x0  }
0x12: {  	s1 =	sld [smem:$0x3F95];
	s0 =	simm.s32 @p0 $0x1  }
0x13: {  	[smem:$0x3FB0] =	sst s0;
	s0 =	simm.s32 @!p1 $0x0  }
0x14: {  	s2 =	sld [smem:$0x3F94];
	s0 =	simm.s32 @p1 $0x1  }
0x15: {  	[smem:$0x3FB1] =	sst s0;
	s0 =	simm.s32 @!p2 $0x0  }
0x16: {  	s3 =	sld [smem:$0x3FDB];
	s0 =	simm.s32 @p2 $0x1  }
0x17: {  	s4 =	simm.s32 $0x1BF5;
	[smem:$0x3FB3] =	sst s0  }
0x18: {  	s0 =	sld [smem:$0x3F96];
	_ =	swait.ge [sflag:s4], $0x0  }
0x19: {  	s7 =	sld [smem:$0x3F97]  }
0x1a: {  	s8 =	sadd.s32 $0xFFFFE003, lr  }
0x1b: {  	s9 =	sadd.s32 $0xFFFFFEF7, lr;
	s5 =	simm.s32 $0xFFFFFFFF;
	p2 =	slt.u32 s8, $0xFFFFF086  }
0x1c: {  	p1 =	slt.u32 s9, $0xF7A;
	s5 =	simm.s32 @!p2 $0x0  }
0x1d: {  	s5 =	simm.s32 @p1 $0x1;
	p0 =	seq.s32 s7, s2  }
0x1e: {  	s7 =	smul.u32 @!p0 $0xF7A, s2;
	p2 =	seq.s32 @!p0 s5, $0x0  }
0x1f: {  	s9 =	smul.u32 $0xF7A, s1;
	s8 =	simm.s32 @!p0 $0x1BF5;
	p2 =	por !p2, p0  }
0x20: {  	[sflag:s8] =	ssyncset.s32 @!p0 $0xFFFFF086;
	s6 =	sadd.s32 @!p0 s3, s7;
	s7 =	simm.s32 @!p0 $0x108  }
0x21: {  	s3 =	sadd.s32 s3, s9;
	s6 =	sadd.s32 @!p0 $0x88, s6;
	s7 =	simm.s32 @p2 $0x1082  }
0x22: {  	[simem:s7], [sflag:s8] =	dma.local @!p0 [hbm:s6], $0xF7A  }
0x23: {  	s9 =	sor.u32 $0xD0000000, s2;
	s6 =	simm.s32 $0x108;
	_ =	swait.ge @!p0 [sflag:s8], $0x0  }
0x24: {  	s3 =	sadd.s32 $0x88, s3;
	s6 =	simm.s32 @!p1 $0x1082;
	[sflag:s4] =	ssyncset.s32 $0xFFFFF086  }
0x25: {  	[simem:s6], [sflag:s4] =	dma.local [hbm:s3], $0xF7A  }
0x26: {  	[smem:$0x3F97] =	sst s1;
	(tag) =	ssettag s2;
	_ =	strace s9  }
0x27: {  	s1 =	sld [smem:$0x3FA7]  }
0x28: {  	s2 =	sld [smem:$0x3FA8]  }
0x29: {  	s4 =	sld [smem:$0x3FAA]  }
0x2a: {  	p0 =	seq.s32 s5, $0x0;
	s5 =	sld [smem:$0x3FAB]  }
0x2b: {  	s6 =	sld [smem:$0x3FAC]  }
0x2c: {  	s7 =	sld [smem:$0x3FAD]  }
0x2d: {  	s3 =	simm.s32 $0x108;
	s8 =	sld [smem:$0x3FAE]  }
0x2e: {  	s3 =	simm.s32 @!p0 $0x1082;
	s9 =	sld [smem:$0x3FAF]  }
0x2f: {  	lr =	sadd.s32 s0, s3;
	s0 =	sld [smem:$0x3FA6]  }
0x30: {  	s3 =	sld [smem:$0x3FA9]  }
0x31: {  	[smem:$0x3FB2] =	sst s10  }
0x32: {  	s10 =	sld [smem:$0x3FB0];
	_ =	sdelay $0x3  }
0x33: {  	p0 =	seq.s32 s10, $0x1;
	s10 =	sld [smem:$0x3FB2];
	_ =	sdelay $0x3  }
0x34: {  	[smem:$0x3FB2] =	sst s10  }
0x35: {  	s10 =	sld [smem:$0x3FB1];
	_ =	sdelay $0x3  }
0x36: {  	p1 =	seq.s32 s10, $0x1;
	s10 =	sld [smem:$0x3FB2];
	_ =	sdelay $0x3  }
0x37: {  	[smem:$0x3FB2] =	sst s10  }
0x38: {  	s10 =	sld [smem:$0x3FB3]  }
0x39: {  	_ = 	snop;
	(pc) =	sbr.ind lr, $3  }
0x3a: {  	_ = 	snop  }
0x3b: {  	_ = 	snop  }
0x3c: {  	p2 =	seq.s32 s10, $0x1;
	s10 =	sld [smem:$0x3FB2]  }
0x3d: {  	_ =	shalt  }
0x3e: {  	_ =	shalt  }
0x3f: {  	_ =	shalt  }
0x40: {  	_ =	shalt  }
0x41: {  	_ =	shalt  }
0x42: {  	_ =	shalt  }
0x43: {  	_ =	shalt  }
0x44: {  	_ =	shalt  }
0x45: {  	_ =	shalt  }
0x46: {  	_ =	shalt  }
0x47: {  	_ =	shalt  }
0x48: {  	_ =	shalt  }
0x49: {  	_ =	shalt  }
0x4a: {  	_ =	shalt  }
0x4b: {  	_ =	shalt  }
0x4c: {  	_ =	shalt  }
0x4d: {  	_ =	shalt  }
0x4e: {  	_ =	shalt  }
0x4f: {  	_ =	shalt  }
0x50: {  	_ =	shalt  }
0x51: {  	_ =	shalt  }
0x52: {  	_ =	shalt  }
0x53: {  	_ =	shalt  }
0x54: {  	_ =	shalt  }
0x55: {  	_ =	shalt  }
0x56: {  	_ =	shalt  }
0x57: {  	_ =	shalt  }
0x58: {  	_ =	shalt  }
0x59: {  	_ =	shalt  }
0x5a: {  	_ =	shalt  }
0x5b: {  	_ =	shalt  }
0x5c: {  	_ =	shalt  }
0x5d: {  	_ =	shalt  }
0x5e: {  	_ =	shalt  }
0x5f: {  	_ =	shalt  }
0x60: {  	_ =	shalt  }
0x61: {  	_ =	shalt  }
0x62: {  	_ =	shalt  }
0x63: {  	_ =	shalt  }
0x64: {  	_ =	shalt  }
0x65: {  	_ =	shalt  }
0x66: {  	_ =	shalt  }
0x67: {  	_ =	shalt  }
0x68: {  	_ =	shalt  }
0x69: {  	_ =	shalt  }
0x6a: {  	_ =	shalt  }
0x6b: {  	_ =	shalt  }
0x6c: {  	_ =	shalt  }
0x6d: {  	_ =	shalt  }
0x6e: {  	_ =	shalt  }
0x6f: {  	_ =	shalt  }
0x70: {  	_ =	shalt  }
0x71: {  	_ =	shalt  }
0x72: {  	_ =	shalt  }
0x73: {  	_ =	shalt  }
0x74: {  	_ =	shalt  }
0x75: {  	_ =	shalt  }
0x76: {  	_ =	shalt  }
0x77: {  	_ =	shalt  }
0x78: {  	_ =	shalt  }
0x79: {  	_ =	shalt  }
0x7a: {  	_ =	shalt  }
0x7b: {  	_ =	shalt  }
0x7c: {  	_ =	shalt  }
0x7d: {  	_ =	shalt  }
0x7e: {  	_ =	shalt  }
0x7f: {  	_ =	shalt  }
0x80: {  	_ =	shalt  }
0x81: {  	_ =	shalt  }
0x82: {  	_ =	shalt  }
0x83: {  	_ =	shalt  }
0x84: {  	_ =	shalt  }
0x85: {  	_ =	shalt  }
0x86: {  	_ =	shalt  }
0x87: {  	_ =	shalt  }
.Lfunc_end0:
.L_simem_size_0:
called_computation.3_lowered:
.L_overlay_start_0:
0x88: {  	s2 =	sld [smem:$0x3FD9]  }
0x89: {  	s3 =	sld [smem:$0x3FFE];
	_ =	sdelay $0x1  }
0x8a: {  	s1 =	srdreg.scid  }
0x8b: {  	s0 =	sand.u32 $0x1, s1  }
0x8c: {  	s16 =	sshll.u32 s0, $0xA;
	s2 =	sadd.s32 s3, s2  }
0x8d: {  	s2 =	sadd.s32 s2, s16  }
0x8e: {  	[smem:$0x3FBE] =	sst s2  }
0x8f: {  	_ = 	snop  }
0x90: {  	(tm) =	ssettm $0x1  }
0x91: {  	s17 =	sld [smem:$0x3FFB];
	_ =	sdelay $0x3  }
0x92: {  	_ =	strace s17  }
0x93: {  	s2 =	sld [smem:$0x3FFC];
	_ =	sdelay $0x3  }
0x94: {  	_ =	strace s2  }
0x95: {  	s2 =	sld [smem:$0x3FFD];
	_ =	sdelay $0x3  }
0x96: {  	_ =	strace s2  }
0x97: {  	_ =	strace $0x8FFFFFFF  }
0x98: {  	s18 =	sld [smem:$0x3FDB];
	_ =	sdelay $0x1  }
0x99: {  	s19 =	simm.s32 $_scs_section_size  }
0x9a: {  	s4 =	simm.s32 $_size__tile_overlayer_lowered;
	s5 =	simm.s32 $_tile_overlayer_lowered  }
0x9b: {  	s22 =	simm.s32 $0x1BFF;
	s21 =	sshll.u32 s5, $0x1;
	s2 =	sadd.s32 s19, s18  }
0x9c: {  	s6 =	simm.s32 $0x0;
	s20 =	sshll.u32 s4, $0x1;
	s4 =	sadd.s32 s21, s2  }
0x9d: {  	[timem:s6], [sflag:s22] =	dma.local [hbm:s4], s20  }
0x9e: {  	_ =	swait.ge [sflag:s22], s20  }
0x9f: {  	s3 =	ssub.s32 $0x0, s20;
	[sflag:s22] =	ssyncset.done $0x0  }
0xa0: {  	[sflag:s22] =	ssyncadd.s32 s3;
	_ =	sdelay $0x1  }
0xa1: {  	s23 =	simm.s32 $0x1B8B  }
0xa2: {  	_ =	swait.ge [sflag:s23], $0x1  }
0xa3: {  	[sflag:s23] =	ssyncset.done $0x0  }
0xa4: {  	s25 =	simm.s32 $0x1B8E;
	s24 =	sld [smem:$0x3FFE];
	[sflag:s23] =	ssyncadd.s32 $0xFFFFFFFF  }
0xa5: {  	s26 =	simm.s32 $execute0_lowered;
	[smem:$0x3FD2] =	sst s25  }
0xa6: {  	s4 =	sshll.u32 s26, $0x1;
	_ =	strace $0x8000004F;
	[dreg:$0x1] =	wrdreg $0xFFFFFFFF  }
0xa7: {  	s28 =	simm.s32 $_size_execute0_lowered;
	s2 =	sadd.s32 s2, s4;
	[dreg:$0x0] =	wrdreg $0x0  }
0xa8: {  	s4 =	sshll.u32 s28, $0x1;
	[dreg:$0x2] =	wrdreg s2  }
0xa9: {  	[dreg:$0x3] =	wrdreg s4  }
0xaa: {  	[dreg:$0x4] =	wrdreg $0xC0  }
0xab: {  	_ =	task [dreg:s6], $0x5FFFF  }
0xac: {  	[dreg:$0x1] =	wrdreg $0xFFFFFFFF  }
0xad: {  	[dreg:$0x0] =	wrdreg $0x60  }
0xae: {  	[dreg:$0x2] =	wrdreg s24  }
0xaf: {  	[dreg:$0x3] =	wrdreg $0xA8000  }
0xb0: {  	[dreg:$0x4] =	wrdreg $0x9  }
0xb1: {  	_ =	task.clear_ibuf [dreg:s6], $0x5FFFF;
	_ =	strace $0x9000004F  }
0xb2: {  	s29 =	simm.s32 $0x9;
	_ =	strace $0x80000051  }
0xb3: {  	_ =	swait.ge [sflag:s29], $0x1  }
0xb4: {  	[sflag:s29] =	ssyncadd.s32 $0xFFFFFFFF  }
0xb5: {  	_ =	strace $0x90000051  }
0xb6: {  	_ =	sfence  }
0xb7: {  	s30 =	sld [smem:$0x0];
	_ =	sdelay $0x2  }
0xb8: {  	s31 =	sshll.u32 s1, $0xD;
	s1 =	sshrl.u32 s1, $0x2  }
0xb9: {  	s3 =	sand.u32 $0x4000, s31;
	s1 =	sadd.s32 s1, s30  }
0xba: {  	s0 =	sor.u32 s3, s0;
	s1 =	sshll.u32 s1, $0x11  }
0xbb: {  	s0 =	sor.u32 s1, s0  }
0xbc: {  	s0 =	sadd.s32 $0x8F2B, s0  }
0xbd: {  	[sflag:s0] =	ssyncadd.remote.s32 $0x1  }
0xbe: {  	_ =	sfence.sel $0xFFFF  }
0xbf: {  	[dreg:$0x0] =	wrdreg $0xFFFFFFFF;
	(pc) =	sbr.abs _section_cstart, $3  }
0xc0: {  	[dreg:$0x1] =	wrdreg $0xFFFFFFFF  }
0xc1: {  	_ =	task.clear_ibuf [dreg:s6], $0x2FFFF;
	_ =	strace $0x9FFFFFFF  }
0xc2: {  	(tm) =	ssettm $0x7FFFFFFF  }
0xc3: {  	_ =	shalt  }
tec
execute0_lowered:
.L_overlay_start_1:
0x0: {  	(tag) =	ssettag $0x1  }
0x1: {  	s6 =	rddreg [dreg:$0x0]  }
0x2: {  	s1 =	rddreg [dreg:$0x1]  }
0x3: {  	s0 =	rddreg [dreg:$0x2];
	s3 =	simm.s32 $0x0;
	s2 =	srdreg.scid  }
0x4: {  	s16 =	simm.s32 $0x80;
	s17 =	simm.s32 $0x2800;
	s18 =	simm.s32 $0x6800  }
0x5: {  	s19 =	simm.s32 $0x1;
	s20 =	simm.s32 $0x2;
	s21 =	simm.s32 $0x1380  }
0x6: {  	s22 =	simm.s32 $0x2700;
	s23 =	simm.s32 $0x2780;
	[smem:$0x7FF] =	sst s3  }
0x7: {  	s7 =	sand.u32 $0x1, s2;
	s2 =	stileid.u32;
	s4 =	sadd.s32 $0x17E00, s6  }
0x8: {  	s10 =	sadd.s32 $0x66E00, s6;
	s11 =	sadd.s32 $0xDE00, s6;
	s8 =	smul.u32 $0x13C000, s7  }
0x9: {  	s5 =	sadd.s32 $0x4600, s6;
	_ =	strace $0x80000050;
	s9 =	smul.u32 $0x13C00, s2  }
0xa: {  	s24 =	sshll.u32 s7, $0x4;
	s7 =	ssub.s32 $0x2, s7;
	s12 =	smul.u32 $0x4F000, s2  }
0xb: {  	s26 =	sshll.u32 s2, $0x6;
	s13 =	sshrl.u32 s7, $0x1;
	s8 =	sadd.s32 s9, s8  }
0xc: {  	s9 =	sor.u32 s2, s24;
	s13 =	ssub.s32 s7, s13;
	s25 =	sshrl.u32 s12, $0x2  }
0xd: {  	s24 =	simm.s32 $0x0;
	s8 =	sshrl.u32 s8, $0x3;
	s14 =	smul.u32 $0x2800, s9  }
0xe: {  	s28 =	smul.u32 $0x500, s9;
	s30 =	sadd.s32 s25, s1;
	s12 =	smax.u32 s13, $0x1  }
0xf: {  	s15 =	sadd.s32 s8, s6;
	s6 =	sor.u32 $0x1C03, s26;
	s29 =	sshrl.u32 s14, $0x3  }
0x10: {  	s13 =	sshrl.u32 s30, $0x3;
	s7 =	sadd.s32 s10, s28;
	s31 =	sadd.s32 $0x280, s29  }
0x11: {  	s8 =	sadd.s32 s11, s28;
	s14 =	simm.s32 $0x3;
	s9 =	sadd.s32 s10, s31  }
0x12: {  	s10 =	sadd.s32 s11, s31;
	s11 =	sadd.s32 $0x70E00, s15;
	s15 =	simm.s32 $0x1400  }
.LBB2_1:
0x13: {  	[spmem:s13], [sflag:s6] =	dma.local [hbm:s5], $0x2780  }
0x14: {  	_ =	swait.ge [sflag:s14], $0x2780  }
0x15: {  	[sflag:s14] =	ssyncset.done $0x0  }
0x16: {  	[sflag:s14] =	ssyncadd.s32 $0xFFFFD880  }
0x17: {  	[bflag:$0x0] =	sbarrier.arrive $0xFFFF  }
0x18: {  	[tilespmem:s3], [sflag:$0x3] =	stream.linear.gather [hbm4b:s7+s3], $0x1400, $0x38;
	[tilespmem:$0x1E400] =	vst v63  }
0x19: {  	_ =	swait.ge [sflag:s14], $0x1400  }
0x1a: {  	[sflag:s14] =	ssyncset.done $0x0  }
0x1b: {  	[sflag:s14] =	ssyncadd.s32 $0xFFFFEC00  }
0x1c: {  	[tilespmem:s15], [sflag:$0x3] =	stream.linear.gather [hbm4b:s8+s3], $0x1400, $0x38;
	[tilespmem:$0x1E400] =	vst v63  }
0x1d: {  	_ =	swait.ge [sflag:s14], $0x1400  }
0x1e: {  	[sflag:s14] =	ssyncset.done $0x0  }
0x1f: {  	[sflag:s14] =	ssyncadd.s32 $0xFFFFEC00  }
0x20: {  	[tilespmem:s17], [sflag:$0x1] =	stream.indirect.gather [hbm4b:s4+s16], $0x80, s3, s16, $0xb8;
	[tilespmem:$0x1E400] =	vst v63  }
0x21: {  	s25 =	simm.s32 $0x80  }
0x22: {  	[tilespmem:s18], [sflag:$0x2] =	stream.indirect.gather [hbm4b:s4+s16], $0x80, s25, s16, $0xb8;
	[tilespmem:$0x1E400] =	vst v63  }
0x23: {  	_ =	swait.ge [sflag:s19], $0x4000  }
0x24: {  	[sflag:s19] =	ssyncset.done $0x0  }
0x25: {  	s29 =	simm.s32 $0x1400;
	[sflag:s19] =	ssyncadd.s32 $0xFFFFC000  }
0x26: {  	[spmem:s1] =	stream.indirect.scatter.add.f32 [tilespmem:s17], [sflag:$0x3], $0x80, s29, s16, $0xb8;
	[tilespmem:$0x1E400] =	vst v63  }
0x27: {  	_ =	swait.ge [sflag:s14], $0x4000  }
0x28: {  	[sflag:s14] =	ssyncset.done $0x0  }
0x29: {  	s30 =	simm.s32 $0x100;
	[sflag:s14] =	ssyncadd.s32 $0xFFFFC000  }
0x2a: {  	[tilespmem:s17], [sflag:$0x1] =	stream.indirect.gather [hbm4b:s4+s16], $0x80, s30, s16, $0xb8;
	[tilespmem:$0x1E400] =	vst v63  }
0x2b: {  	_ =	swait.ge [sflag:s20], $0x4000  }
0x2c: {  	[sflag:s20] =	ssyncset.done $0x0  }
0x2d: {  	s31 =	simm.s32 $0x1480;
	[sflag:s20] =	ssyncadd.s32 $0xFFFFC000  }
0x2e: {  	[spmem:s1] =	stream.indirect.scatter.add.f32 [tilespmem:s18], [sflag:$0x3], $0x80, s31, s16, $0xb8;
	[tilespmem:$0x1E400] =	vst v63  }
0x2f: {  	_ =	swait.ge [sflag:s14], $0x4000  }
0x30: {  	s26 =	simm.s32 $0x800;
	s25 =	simm.s32 $0x100;
	[sflag:s14] =	ssyncset.done $0x0  }
.LBB2_2:
0x31: {  	s28 =	sadd.s32 $0x80, s25  }
0x32: {  	[sflag:s14] =	ssyncadd.s32 $0xFFFFC000;
	s29 =	smov.u32 s26;
	s30 =	sadd.s32 $0x400, s26  }
0x33: {  	[tilespmem:s18], [sflag:$0x2] =	stream.indirect.gather [hbm4b:s4+s16], $0x80, s28, s16, $0xb8;
	[tilespmem:$0x1E400] =	vst v63  }
0x34: {  	p0 =	sne.s32 s26, $0x4800;
	_ =	swait.ge [sflag:s19], $0x4000  }
0x35: {  	[sflag:s19] =	ssyncset.done $0x0  }
0x36: {  	s26 =	sadd.s32 $0x1400, s25;
	[sflag:s19] =	ssyncadd.s32 $0xFFFFC000  }
0x37: {  	[spmem:s1] =	stream.indirect.scatter.add.f32 [tilespmem:s17], [sflag:$0x3], $0x80, s26, s16, $0xb8;
	[tilespmem:$0x1E400] =	vst v63  }
0x38: {  	_ =	swait.ge [sflag:s14], $0x4000  }
0x39: {  	[sflag:s14] =	ssyncset.done $0x0  }
0x3a: {  	s26 =	sadd.s32 $0x100, s25;
	[sflag:s14] =	ssyncadd.s32 $0xFFFFC000  }
0x3b: {  	[tilespmem:s17], [sflag:$0x1] =	stream.indirect.gather [hbm4b:s4+s16], $0x80, s26, s16, $0xb8;
	[tilespmem:$0x1E400] =	vst v63  }
0x3c: {  	_ =	swait.ge [sflag:s20], $0x4000  }
.Ltmp0:
0x3d: {  	[sflag:s20] =	ssyncset.done $0x0;
	(pc) =	sbr.rel @p0 .LBB2_2-.Ltmp0, $4  }
0x3e: {  	s25 =	sadd.s32 $0x1480, s25;
	[sflag:s20] =	ssyncadd.s32 $0xFFFFC000  }
0x3f: {  	[spmem:s1] =	stream.indirect.scatter.add.f32 [tilespmem:s18], [sflag:$0x3], $0x80, s25, s16, $0xb8;
	[tilespmem:$0x1E400] =	vst v63  }
0x40: {  	_ =	swait.ge [sflag:s14], $0x4000  }
0x41: {  	s26 =	smov.u32 s30;
	s25 =	sshra.s32 s29, $0x2;
	[sflag:s14] =	ssyncset.done $0x0  }
0x42: {  	s26 =	sadd.s32 $0x80, s25;
	[sflag:s14] =	ssyncadd.s32 $0xFFFFC000  }
0x43: {  	[tilespmem:s18], [sflag:$0x2] =	stream.indirect.gather [hbm4b:s4+s16], $0x80, s26, s16, $0xb8;
	[tilespmem:$0x1E400] =	vst v63  }
0x44: {  	_ =	swait.ge [sflag:s19], $0x4000  }
0x45: {  	[sflag:s19] =	ssyncset.done $0x0  }
0x46: {  	s29 =	sadd.s32 $0x1400, s25;
	[sflag:s19] =	ssyncadd.s32 $0xFFFFC000  }
0x47: {  	[spmem:s1] =	stream.indirect.scatter.add.f32 [tilespmem:s17], [sflag:$0x3], $0x80, s29, s16, $0xb8;
	[tilespmem:$0x1E400] =	vst v63  }
0x48: {  	_ =	swait.ge [sflag:s14], $0x4000  }
0x49: {  	[sflag:s14] =	ssyncset.done $0x0  }
0x4a: {  	s30 =	sadd.s32 $0x100, s25;
	[sflag:s14] =	ssyncadd.s32 $0xFFFFC000  }
0x4b: {  	[tilespmem:s17], [sflag:$0x1] =	stream.indirect.gather [hbm4b:s4+s16], $0x80, s30, s16, $0xb8;
	[tilespmem:$0x1E400] =	vst v63  }
0x4c: {  	_ =	swait.ge [sflag:s20], $0x4000  }
0x4d: {  	[sflag:s20] =	ssyncset.done $0x0  }
0x4e: {  	s31 =	sadd.s32 $0x1480, s25;
	[sflag:s20] =	ssyncadd.s32 $0xFFFFC000  }
0x4f: {  	[spmem:s1] =	stream.indirect.scatter.add.f32 [tilespmem:s18], [sflag:$0x3], $0x80, s31, s16, $0xb8;
	[tilespmem:$0x1E400] =	vst v63  }
0x50: {  	_ =	swait.ge [sflag:s14], $0x4000  }
0x51: {  	[sflag:s14] =	ssyncset.done $0x0  }
0x52: {  	[sflag:s14] =	ssyncadd.s32 $0xFFFFC000  }
0x53: {  	[tilespmem:s18], [sflag:$0x2] =	stream.indirect.gather [hbm4b:s4+s16], $0x80, s21, s16, $0xb8;
	[tilespmem:$0x1E400] =	vst v63  }
0x54: {  	_ =	swait.ge [sflag:s19], $0x4000  }
0x55: {  	[sflag:s19] =	ssyncset.done $0x0  }
0x56: {  	[sflag:s19] =	ssyncadd.s32 $0xFFFFC000  }
0x57: {  	[spmem:s1] =	stream.indirect.scatter.add.f32 [tilespmem:s17], [sflag:$0x3], $0x80, s22, s16, $0xb8;
	[tilespmem:$0x1E400] =	vst v63  }
0x58: {  	_ =	swait.ge [sflag:s14], $0x4000  }
0x59: {  	[sflag:s14] =	ssyncset.done $0x0  }
0x5a: {  	[sflag:s14] =	ssyncadd.s32 $0xFFFFC000  }
0x5b: {  	[tilespmem:s17], [sflag:$0x1] =	stream.indirect.gather [hbm4b:s4+s16], $0x80, s21, s16, $0xb8;
	[tilespmem:$0x1E400] =	vst v63  }
0x5c: {  	_ =	swait.ge [sflag:s20], $0x4000  }
0x5d: {  	[sflag:s20] =	ssyncset.done $0x0  }
0x5e: {  	[sflag:s20] =	ssyncadd.s32 $0xFFFFC000  }
0x5f: {  	[spmem:s1] =	stream.indirect.scatter.add.f32 [tilespmem:s18], [sflag:$0x3], $0x80, s23, s16, $0xb8;
	[tilespmem:$0x1E400] =	vst v63  }
0x60: {  	_ =	swait.ge [sflag:s14], $0x4000  }
0x61: {  	[sflag:s14] =	ssyncset.done $0x0  }
0x62: {  	[sflag:s14] =	ssyncadd.s32 $0xFFFFC000  }
0x63: {  	_ =	swait.ge [sflag:s19], $0x4000  }
0x64: {  	[sflag:s19] =	ssyncset.done $0x0  }
0x65: {  	s26 =	simm.s32 $0x0;
	[sflag:s19] =	ssyncadd.s32 $0xFFFFC000  }
0x66: {  	[tilespmem:s26], [sflag:$0x3] =	stream.linear.gather [hbm4b:s9+s26], $0x1400, $0x38;
	[tilespmem:$0x1E400] =	vst v63  }
0x67: {  	_ =	swait.ge [sflag:s14], $0x1400  }
0x68: {  	[sflag:s14] =	ssyncset.done $0x0  }
0x69: {  	[sflag:s14] =	ssyncadd.s32 $0xFFFFEC00  }
0x6a: {  	[tilespmem:s15], [sflag:$0x3] =	stream.linear.gather [hbm4b:s10+s26], $0x1400, $0x38;
	[tilespmem:$0x1E400] =	vst v63  }
0x6b: {  	_ =	swait.ge [sflag:s14], $0x1400  }
0x6c: {  	[sflag:s14] =	ssyncset.done $0x0  }
0x6d: {  	[sflag:s14] =	ssyncadd.s32 $0xFFFFEC00  }
0x6e: {  	[tilespmem:s17], [sflag:$0x1] =	stream.indirect.gather [hbm4b:s4+s16], $0x80, s26, s16, $0xb8;
	[tilespmem:$0x1E400] =	vst v63  }
0x6f: {  	s28 =	simm.s32 $0x80  }
0x70: {  	[tilespmem:s18], [sflag:$0x2] =	stream.indirect.gather [hbm4b:s4+s16], $0x80, s28, s16, $0xb8;
	[tilespmem:$0x1E400] =	vst v63  }
0x71: {  	_ =	swait.ge [sflag:s19], $0x4000  }
0x72: {  	[sflag:s19] =	ssyncset.done $0x0  }
0x73: {  	s29 =	simm.s32 $0x1400;
	[sflag:s19] =	ssyncadd.s32 $0xFFFFC000  }
0x74: {  	[spmem:s1] =	stream.indirect.scatter.add.f32 [tilespmem:s17], [sflag:$0x3], $0x80, s29, s16, $0xb8;
	[tilespmem:$0x1E400] =	vst v63  }
0x75: {  	_ =	swait.ge [sflag:s14], $0x4000  }
0x76: {  	[sflag:s14] =	ssyncset.done $0x0  }
0x77: {  	s30 =	simm.s32 $0x100;
	[sflag:s14] =	ssyncadd.s32 $0xFFFFC000  }
0x78: {  	[tilespmem:s17], [sflag:$0x1] =	stream.indirect.gather [hbm4b:s4+s16], $0x80, s30, s16, $0xb8;
	[tilespmem:$0x1E400] =	vst v63  }
0x79: {  	_ =	swait.ge [sflag:s20], $0x4000  }
0x7a: {  	[sflag:s20] =	ssyncset.done $0x0  }
0x7b: {  	s31 =	simm.s32 $0x1480;
	[sflag:s20] =	ssyncadd.s32 $0xFFFFC000  }
0x7c: {  	[spmem:s1] =	stream.indirect.scatter.add.f32 [tilespmem:s18], [sflag:$0x3], $0x80, s31, s16, $0xb8;
	[tilespmem:$0x1E400] =	vst v63  }
0x7d: {  	_ =	swait.ge [sflag:s14], $0x4000  }
0x7e: {  	s25 =	simm.s32 $0x100;
	s26 =	simm.s32 $0x800;
	[sflag:s14] =	ssyncset.done $0x0  }
.LBB2_4:
0x7f: {  	s28 =	sadd.s32 $0x80, s25  }
0x80: {  	[sflag:s14] =	ssyncadd.s32 $0xFFFFC000;
	s29 =	smov.u32 s26;
	s30 =	sadd.s32 $0x400, s26  }
0x81: {  	[tilespmem:s18], [sflag:$0x2] =	stream.indirect.gather [hbm4b:s4+s16], $0x80, s28, s16, $0xb8;
	[tilespmem:$0x1E400] =	vst v63  }
0x82: {  	p0 =	sne.s32 s26, $0x4800;
	_ =	swait.ge [sflag:s19], $0x4000  }
0x83: {  	[sflag:s19] =	ssyncset.done $0x0  }
0x84: {  	s26 =	sadd.s32 $0x1400, s25;
	[sflag:s19] =	ssyncadd.s32 $0xFFFFC000  }
0x85: {  	[spmem:s1] =	stream.indirect.scatter.add.f32 [tilespmem:s17], [sflag:$0x3], $0x80, s26, s16, $0xb8;
	[tilespmem:$0x1E400] =	vst v63  }
0x86: {  	_ =	swait.ge [sflag:s14], $0x4000  }
0x87: {  	[sflag:s14] =	ssyncset.done $0x0  }
0x88: {  	s26 =	sadd.s32 $0x100, s25;
	[sflag:s14] =	ssyncadd.s32 $0xFFFFC000  }
0x89: {  	[tilespmem:s17], [sflag:$0x1] =	stream.indirect.gather [hbm4b:s4+s16], $0x80, s26, s16, $0xb8;
	[tilespmem:$0x1E400] =	vst v63  }
0x8a: {  	_ =	swait.ge [sflag:s20], $0x4000  }
.Ltmp1:
0x8b: {  	[sflag:s20] =	ssyncset.done $0x0;
	(pc) =	sbr.rel @p0 .LBB2_4-.Ltmp1, $4  }
0x8c: {  	s25 =	sadd.s32 $0x1480, s25;
	[sflag:s20] =	ssyncadd.s32 $0xFFFFC000  }
0x8d: {  	[spmem:s1] =	stream.indirect.scatter.add.f32 [tilespmem:s18], [sflag:$0x3], $0x80, s25, s16, $0xb8;
	[tilespmem:$0x1E400] =	vst v63  }
0x8e: {  	_ =	swait.ge [sflag:s14], $0x4000  }
0x8f: {  	s26 =	smov.u32 s30;
	s25 =	sshra.s32 s29, $0x2;
	[sflag:s14] =	ssyncset.done $0x0  }
0x90: {  	s26 =	sadd.s32 $0x80, s25;
	[sflag:s14] =	ssyncadd.s32 $0xFFFFC000  }
0x91: {  	[tilespmem:s18], [sflag:$0x2] =	stream.indirect.gather [hbm4b:s4+s16], $0x80, s26, s16, $0xb8;
	[tilespmem:$0x1E400] =	vst v63  }
0x92: {  	_ =	swait.ge [sflag:s19], $0x4000  }
0x93: {  	[sflag:s19] =	ssyncset.done $0x0  }
0x94: {  	s29 =	sadd.s32 $0x1400, s25;
	[sflag:s19] =	ssyncadd.s32 $0xFFFFC000  }
0x95: {  	[spmem:s1] =	stream.indirect.scatter.add.f32 [tilespmem:s17], [sflag:$0x3], $0x80, s29, s16, $0xb8;
	[tilespmem:$0x1E400] =	vst v63  }
0x96: {  	_ =	swait.ge [sflag:s14], $0x4000  }
0x97: {  	[sflag:s14] =	ssyncset.done $0x0  }
0x98: {  	s30 =	sadd.s32 $0x100, s25;
	[sflag:s14] =	ssyncadd.s32 $0xFFFFC000  }
0x99: {  	[tilespmem:s17], [sflag:$0x1] =	stream.indirect.gather [hbm4b:s4+s16], $0x80, s30, s16, $0xb8;
	[tilespmem:$0x1E400] =	vst v63  }
0x9a: {  	_ =	swait.ge [sflag:s20], $0x4000  }
0x9b: {  	[sflag:s20] =	ssyncset.done $0x0  }
0x9c: {  	s31 =	sadd.s32 $0x1480, s25;
	[sflag:s20] =	ssyncadd.s32 $0xFFFFC000  }
0x9d: {  	[spmem:s1] =	stream.indirect.scatter.add.f32 [tilespmem:s18], [sflag:$0x3], $0x80, s31, s16, $0xb8;
	[tilespmem:$0x1E400] =	vst v63  }
0x9e: {  	_ =	swait.ge [sflag:s14], $0x4000  }
0x9f: {  	[sflag:s14] =	ssyncset.done $0x0  }
0xa0: {  	[sflag:s14] =	ssyncadd.s32 $0xFFFFC000  }
0xa1: {  	[tilespmem:s18], [sflag:$0x2] =	stream.indirect.gather [hbm4b:s4+s16], $0x80, s21, s16, $0xb8;
	[tilespmem:$0x1E400] =	vst v63  }
0xa2: {  	_ =	swait.ge [sflag:s19], $0x4000  }
0xa3: {  	[sflag:s19] =	ssyncset.done $0x0  }
0xa4: {  	[sflag:s19] =	ssyncadd.s32 $0xFFFFC000  }
0xa5: {  	[spmem:s1] =	stream.indirect.scatter.add.f32 [tilespmem:s17], [sflag:$0x3], $0x80, s22, s16, $0xb8;
	[tilespmem:$0x1E400] =	vst v63  }
0xa6: {  	_ =	swait.ge [sflag:s14], $0x4000  }
0xa7: {  	[sflag:s14] =	ssyncset.done $0x0  }
0xa8: {  	[sflag:s14] =	ssyncadd.s32 $0xFFFFC000  }
0xa9: {  	[tilespmem:s17], [sflag:$0x1] =	stream.indirect.gather [hbm4b:s4+s16], $0x80, s21, s16, $0xb8;
	[tilespmem:$0x1E400] =	vst v63  }
0xaa: {  	_ =	swait.ge [sflag:s20], $0x4000  }
0xab: {  	[sflag:s20] =	ssyncset.done $0x0  }
0xac: {  	[sflag:s20] =	ssyncadd.s32 $0xFFFFC000  }
0xad: {  	[spmem:s1] =	stream.indirect.scatter.add.f32 [tilespmem:s18], [sflag:$0x3], $0x80, s23, s16, $0xb8;
	[tilespmem:$0x1E400] =	vst v63  }
0xae: {  	_ =	swait.ge [sflag:s14], $0x4000  }
0xaf: {  	[sflag:s14] =	ssyncset.done $0x0  }
0xb0: {  	[sflag:s14] =	ssyncadd.s32 $0xFFFFC000  }
0xb1: {  	_ =	swait.ge [sflag:s19], $0x4000  }
0xb2: {  	s24 =	sadd.s32 $0x1, s24;
	[sflag:s19] =	ssyncset.done $0x0  }
0xb3: {  	p0 =	sne.s32 s24, s12;
	[sflag:s19] =	ssyncadd.s32 $0xFFFFC000  }
.Ltmp2:
0xb4: {  	[bflag:$0x0] =	sbarrier.arrive $0xFFFF;
	(pc) =	sbr.rel @p0 .LBB2_1-.Ltmp2, $4  }
0xb5: {  	[hbm:s11], [sflag:s6] =	dma.local [spmem:s13], $0x2780  }
0xb6: {  	_ =	swait.ge [sflag:s14], $0x2780  }
0xb7: {  	[sflag:s14] =	ssyncset.done $0x0  }
0xb8: {  	[sflag:s14] =	ssyncadd.s32 $0xFFFFD880  }
0xb9: {  	_ =	sfence.sel $0x180000  }
0xba: {  	[bflag:$0x0] =	sbarrier.arrive $0xFFFF  }
0xbb: {  	p0 =	sne.s32 s2, $0x0;
	_ =	strace $0x90000050  }
0xbc: {  	s0 =	sadd.s32 @!p0 $0x100000, s0;
	[bflag:$0x2] =	sbarrier.arrive $0xFFFF  }
0xbd: {  	[sflag:s0] =	ssyncadd.tile.s32 @!p0 $0x1;
	_ =	shalt  }
.Lfunc_end2:
_tile_overlayer_lowered:
.L_overlay_start_2:
0xbe: {  	(tag) =	ssettag $0x2  }
0xbf: {  	s0 =	rddreg [dreg:$0x0];
	s2 =	stileid.u32  }
0xc0: {  	s1 =	rddreg [dreg:$0x1];
	p0 =	sne.s32 s2, $0x0  }
0xc1: {  	s3 =	rddreg [dreg:$0x2];
	[bflag:$0x3] =	sbarrier.arrive $0xFFFF;
	s2 =	simm.s32 @!p0 $0x1C03  }
0xc2: {  	[timem:s3], [sflag:s2] =	dma.local @!p0 [hbm:s0], s1  }
0xc3: {  	s0 =	simm.s32 @!p0 $0x3  }
0xc4: {  	_ =	swait.ge @!p0 [sflag:s0], s1  }
0xc5: {  	s1 =	ssub.s32 @!p0 $0x0, s1;
	[sflag:s0] =	ssyncset.done @!p0 $0x0  }
0xc6: {  	[sflag:s0] =	ssyncadd.s32 @!p0 s1  }
0xc7: {  	[bflag:$0x3] =	sbarrier.arrive $0xFFFF  }
0xc8: {  	_ =	shalt  }

// kernel: kernel.18.cloned.1.call-start
scs
__scs_entry_jumppad:
0x0: {  	(pc) =	sbr.rel $0x88, $3  }
0x1: {  	(tag) =	ssettag $0x0;
	lr =	simm.s32 $0x1  }
0x2: {  	[smem:$0x3F97] =	sst lr;
	_ =	strace $0xD0000000  }
0x3: {  	_ = 	snop  }
0x4: {  	_ = 	snop  }
0x5: {  	_ = 	snop  }
0x6: {  	_ = 	snop  }
0x7: {  	_ = 	snop  }
__scs_overlays_trampoline_lowered:
0x8: {  	[smem:$0x3FA6] =	sst s0  }
0x9: {  	[smem:$0x3FA7] =	sst s1  }
0xa: {  	[smem:$0x3FA8] =	sst s2  }
0xb: {  	[smem:$0x3FA9] =	sst s3  }
0xc: {  	[smem:$0x3FAA] =	sst s4  }
0xd: {  	[smem:$0x3FAB] =	sst s5  }
0xe: {  	[smem:$0x3FAC] =	sst s6  }
0xf: {  	[smem:$0x3FAD] =	sst s7  }
0x10: {  	[smem:$0x3FAE] =	sst s8  }
0x11: {  	[smem:$0x3FAF] =	sst s9;
	s0 =	simm.s32 @!p0 $0x0  }
0x12: {  	s1 =	sld [smem:$0x3F95];
	s0 =	simm.s32 @p0 $0x1  }
0x13: {  	[smem:$0x3FB0] =	sst s0;
	s0 =	simm.s32 @!p1 $0x0  }
0x14: {  	s2 =	sld [smem:$0x3F94];
	s0 =	simm.s32 @p1 $0x1  }
0x15: {  	[smem:$0x3FB1] =	sst s0;
	s0 =	simm.s32 @!p2 $0x0  }
0x16: {  	s3 =	sld [smem:$0x3FDB];
	s0 =	simm.s32 @p2 $0x1  }
0x17: {  	s4 =	simm.s32 $0x1BF5;
	[smem:$0x3FB3] =	sst s0  }
0x18: {  	s0 =	sld [smem:$0x3F96];
	_ =	swait.ge [sflag:s4], $0x0  }
0x19: {  	s7 =	sld [smem:$0x3F97]  }
0x1a: {  	s8 =	sadd.s32 $0xFFFFE003, lr  }
0x1b: {  	s9 =	sadd.s32 $0xFFFFFEF7, lr;
	s5 =	simm.s32 $0xFFFFFFFF;
	p2 =	slt.u32 s8, $0xFFFFF086  }
0x1c: {  	p1 =	slt.u32 s9, $0xF7A;
	s5 =	simm.s32 @!p2 $0x0  }
0x1d: {  	s5 =	simm.s32 @p1 $0x1;
	p0 =	seq.s32 s7, s2  }
0x1e: {  	s7 =	smul.u32 @!p0 $0xF7A, s2;
	p2 =	seq.s32 @!p0 s5, $0x0  }
0x1f: {  	s9 =	smul.u32 $0xF7A, s1;
	s8 =	simm.s32 @!p0 $0x1BF5;
	p2 =	por !p2, p0  }
0x20: {  	[sflag:s8] =	ssyncset.s32 @!p0 $0xFFFFF086;
	s6 =	sadd.s32 @!p0 s3, s7;
	s7 =	simm.s32 @!p0 $0x108  }
0x21: {  	s3 =	sadd.s32 s3, s9;
	s6 =	sadd.s32 @!p0 $0x88, s6;
	s7 =	simm.s32 @p2 $0x1082  }
0x22: {  	[simem:s7], [sflag:s8] =	dma.local @!p0 [hbm:s6], $0xF7A  }
0x23: {  	s9 =	sor.u32 $0xD0000000, s2;
	s6 =	simm.s32 $0x108;
	_ =	swait.ge @!p0 [sflag:s8], $0x0  }
0x24: {  	s3 =	sadd.s32 $0x88, s3;
	s6 =	simm.s32 @!p1 $0x1082;
	[sflag:s4] =	ssyncset.s32 $0xFFFFF086  }
0x25: {  	[simem:s6], [sflag:s4] =	dma.local [hbm:s3], $0xF7A  }
0x26: {  	[smem:$0x3F97] =	sst s1;
	(tag) =	ssettag s2;
	_ =	strace s9  }
0x27: {  	s1 =	sld [smem:$0x3FA7]  }
0x28: {  	s2 =	sld [smem:$0x3FA8]  }
0x29: {  	s4 =	sld [smem:$0x3FAA]  }
0x2a: {  	p0 =	seq.s32 s5, $0x0;
	s5 =	sld [smem:$0x3FAB]  }
0x2b: {  	s6 =	sld [smem:$0x3FAC]  }
0x2c: {  	s7 =	sld [smem:$0x3FAD]  }
0x2d: {  	s3 =	simm.s32 $0x108;
	s8 =	sld [smem:$0x3FAE]  }
0x2e: {  	s3 =	simm.s32 @!p0 $0x1082;
	s9 =	sld [smem:$0x3FAF]  }
0x2f: {  	lr =	sadd.s32 s0, s3;
	s0 =	sld [smem:$0x3FA6]  }
0x30: {  	s3 =	sld [smem:$0x3FA9]  }
0x31: {  	[smem:$0x3FB2] =	sst s10  }
0x32: {  	s10 =	sld [smem:$0x3FB0];
	_ =	sdelay $0x3  }
0x33: {  	p0 =	seq.s32 s10, $0x1;
	s10 =	sld [smem:$0x3FB2];
	_ =	sdelay $0x3  }
0x34: {  	[smem:$0x3FB2] =	sst s10  }
0x35: {  	s10 =	sld [smem:$0x3FB1];
	_ =	sdelay $0x3  }
0x36: {  	p1 =	seq.s32 s10, $0x1;
	s10 =	sld [smem:$0x3FB2];
	_ =	sdelay $0x3  }
0x37: {  	[smem:$0x3FB2] =	sst s10  }
0x38: {  	s10 =	sld [smem:$0x3FB3]  }
0x39: {  	_ = 	snop;
	(pc) =	sbr.ind lr, $3  }
0x3a: {  	_ = 	snop  }
0x3b: {  	_ = 	snop  }
0x3c: {  	p2 =	seq.s32 s10, $0x1;
	s10 =	sld [smem:$0x3FB2]  }
0x3d: {  	_ =	shalt  }
0x3e: {  	_ =	shalt  }
0x3f: {  	_ =	shalt  }
0x40: {  	_ =	shalt  }
0x41: {  	_ =	shalt  }
0x42: {  	_ =	shalt  }
0x43: {  	_ =	shalt  }
0x44: {  	_ =	shalt  }
0x45: {  	_ =	shalt  }
0x46: {  	_ =	shalt  }
0x47: {  	_ =	shalt  }
0x48: {  	_ =	shalt  }
0x49: {  	_ =	shalt  }
0x4a: {  	_ =	shalt  }
0x4b: {  	_ =	shalt  }
0x4c: {  	_ =	shalt  }
0x4d: {  	_ =	shalt  }
0x4e: {  	_ =	shalt  }
0x4f: {  	_ =	shalt  }
0x50: {  	_ =	shalt  }
0x51: {  	_ =	shalt  }
0x52: {  	_ =	shalt  }
0x53: {  	_ =	shalt  }
0x54: {  	_ =	shalt  }
0x55: {  	_ =	shalt  }
0x56: {  	_ =	shalt  }
0x57: {  	_ =	shalt  }
0x58: {  	_ =	shalt  }
0x59: {  	_ =	shalt  }
0x5a: {  	_ =	shalt  }
0x5b: {  	_ =	shalt  }
0x5c: {  	_ =	shalt  }
0x5d: {  	_ =	shalt  }
0x5e: {  	_ =	shalt  }
0x5f: {  	_ =	shalt  }
0x60: {  	_ =	shalt  }
0x61: {  	_ =	shalt  }
0x62: {  	_ =	shalt  }
0x63: {  	_ =	shalt  }
0x64: {  	_ =	shalt  }
0x65: {  	_ =	shalt  }
0x66: {  	_ =	shalt  }
0x67: {  	_ =	shalt  }
0x68: {  	_ =	shalt  }
0x69: {  	_ =	shalt  }
0x6a: {  	_ =	shalt  }
0x6b: {  	_ =	shalt  }
0x6c: {  	_ =	shalt  }
0x6d: {  	_ =	shalt  }
0x6e: {  	_ =	shalt  }
0x6f: {  	_ =	shalt  }
0x70: {  	_ =	shalt  }
0x71: {  	_ =	shalt  }
0x72: {  	_ =	shalt  }
0x73: {  	_ =	shalt  }
0x74: {  	_ =	shalt  }
0x75: {  	_ =	shalt  }
0x76: {  	_ =	shalt  }
0x77: {  	_ =	shalt  }
0x78: {  	_ =	shalt  }
0x79: {  	_ =	shalt  }
0x7a: {  	_ =	shalt  }
0x7b: {  	_ =	shalt  }
0x7c: {  	_ =	shalt  }
0x7d: {  	_ =	shalt  }
0x7e: {  	_ =	shalt  }
0x7f: {  	_ =	shalt  }
0x80: {  	_ =	shalt  }
0x81: {  	_ =	shalt  }
0x82: {  	_ =	shalt  }
0x83: {  	_ =	shalt  }
0x84: {  	_ =	shalt  }
0x85: {  	_ =	shalt  }
0x86: {  	_ =	shalt  }
0x87: {  	_ =	shalt  }
.Lfunc_end0:
.L_simem_size_0:
called_computation.4_lowered:
.L_overlay_start_0:
0x88: {  	s2 =	sld [smem:$0x3FD9]  }
0x89: {  	s3 =	sld [smem:$0x3FFE];
	_ =	sdelay $0x1  }
0x8a: {  	s1 =	srdreg.scid  }
0x8b: {  	s0 =	sand.u32 $0x1, s1  }
0x8c: {  	s16 =	sshll.u32 s0, $0xA;
	s2 =	sadd.s32 s3, s2  }
0x8d: {  	s2 =	sadd.s32 s2, s16  }
0x8e: {  	[smem:$0x3FBE] =	sst s2  }
0x8f: {  	_ = 	snop  }
0x90: {  	(tm) =	ssettm $0x1  }
0x91: {  	s17 =	sld [smem:$0x3FFB];
	_ =	sdelay $0x3  }
0x92: {  	_ =	strace s17  }
0x93: {  	s2 =	sld [smem:$0x3FFC];
	_ =	sdelay $0x3  }
0x94: {  	_ =	strace s2  }
0x95: {  	s2 =	sld [smem:$0x3FFD];
	_ =	sdelay $0x3  }
0x96: {  	_ =	strace s2  }
0x97: {  	_ =	strace $0x8FFFFFFF  }
0x98: {  	s18 =	sld [smem:$0x3FDB];
	_ =	sdelay $0x1  }
0x99: {  	s19 =	simm.s32 $_scs_section_size  }
0x9a: {  	s4 =	simm.s32 $_size__tile_overlayer_lowered;
	s5 =	simm.s32 $_tile_overlayer_lowered  }
0x9b: {  	s22 =	simm.s32 $0x1BFF;
	s21 =	sshll.u32 s5, $0x1;
	s2 =	sadd.s32 s19, s18  }
0x9c: {  	s6 =	simm.s32 $0x0;
	s20 =	sshll.u32 s4, $0x1;
	s4 =	sadd.s32 s21, s2  }
0x9d: {  	[timem:s6], [sflag:s22] =	dma.local [hbm:s4], s20  }
0x9e: {  	_ =	swait.ge [sflag:s22], s20  }
0x9f: {  	s3 =	ssub.s32 $0x0, s20;
	[sflag:s22] =	ssyncset.done $0x0  }
0xa0: {  	[sflag:s22] =	ssyncadd.s32 s3;
	_ =	sdelay $0x1  }
0xa1: {  	s23 =	simm.s32 $0x1B8B  }
0xa2: {  	_ =	swait.ge [sflag:s23], $0x1  }
0xa3: {  	[sflag:s23] =	ssyncset.done $0x0  }
0xa4: {  	s25 =	simm.s32 $0x1B8E;
	s24 =	sld [smem:$0x3FFE];
	[sflag:s23] =	ssyncadd.s32 $0xFFFFFFFF  }
0xa5: {  	s26 =	simm.s32 $execute0_lowered;
	[smem:$0x3FD2] =	sst s25  }
0xa6: {  	s4 =	sshll.u32 s26, $0x1;
	_ =	strace $0x80000052;
	[dreg:$0x1] =	wrdreg $0xFFFFFFFF  }
0xa7: {  	s28 =	simm.s32 $_size_execute0_lowered;
	s2 =	sadd.s32 s2, s4;
	[dreg:$0x0] =	wrdreg $0x0  }
0xa8: {  	s4 =	sshll.u32 s28, $0x1;
	[dreg:$0x2] =	wrdreg s2  }
0xa9: {  	[dreg:$0x3] =	wrdreg s4  }
0xaa: {  	[dreg:$0x4] =	wrdreg $0xC0  }
0xab: {  	_ =	task [dreg:s6], $0x5FFFF  }
0xac: {  	[dreg:$0x1] =	wrdreg $0xFFFFFFFF  }
0xad: {  	[dreg:$0x0] =	wrdreg $0x60  }
0xae: {  	[dreg:$0x2] =	wrdreg s24  }
0xaf: {  	[dreg:$0x3] =	wrdreg $0xA8000  }
0xb0: {  	[dreg:$0x4] =	wrdreg $0x9  }
0xb1: {  	_ =	task.clear_ibuf [dreg:s6], $0x5FFFF;
	_ =	strace $0x90000052  }
0xb2: {  	s29 =	simm.s32 $0x9;
	_ =	strace $0x80000054  }
0xb3: {  	_ =	swait.ge [sflag:s29], $0x1  }
0xb4: {  	[sflag:s29] =	ssyncadd.s32 $0xFFFFFFFF  }
0xb5: {  	_ =	strace $0x90000054  }
0xb6: {  	_ =	sfence  }
0xb7: {  	s30 =	sld [smem:$0x0];
	_ =	sdelay $0x2  }
0xb8: {  	s31 =	sshll.u32 s1, $0xD;
	s1 =	sshrl.u32 s1, $0x2  }
0xb9: {  	s3 =	sand.u32 $0x4000, s31;
	s1 =	sadd.s32 s1, s30  }
0xba: {  	s0 =	sor.u32 s3, s0;
	s1 =	sshll.u32 s1, $0x11  }
0xbb: {  	s0 =	sor.u32 s1, s0  }
0xbc: {  	s0 =	sadd.s32 $0x8F2B, s0  }
0xbd: {  	[sflag:s0] =	ssyncadd.remote.s32 $0x1  }
0xbe: {  	_ =	sfence.sel $0xFFFF  }
0xbf: {  	[dreg:$0x0] =	wrdreg $0xFFFFFFFF;
	(pc) =	sbr.abs _section_cstart, $3  }
0xc0: {  	[dreg:$0x1] =	wrdreg $0xFFFFFFFF  }
0xc1: {  	_ =	task.clear_ibuf [dreg:s6], $0x2FFFF;
	_ =	strace $0x9FFFFFFF  }
0xc2: {  	(tm) =	ssettm $0x7FFFFFFF  }
0xc3: {  	_ =	shalt  }
tec
execute0_lowered:
.L_overlay_start_1:
0x0: {  	(tag) =	ssettag $0x1  }
0x1: {  	s6 =	rddreg [dreg:$0x0]  }
0x2: {  	s1 =	rddreg [dreg:$0x1]  }
0x3: {  	s0 =	rddreg [dreg:$0x2];
	s3 =	simm.s32 $0x0;
	s2 =	srdreg.scid  }
0x4: {  	s16 =	simm.s32 $0x80;
	s17 =	simm.s32 $0x2800;
	s18 =	simm.s32 $0x6800  }
0x5: {  	s19 =	simm.s32 $0x1;
	s20 =	simm.s32 $0x2;
	s21 =	simm.s32 $0x1380  }
0x6: {  	s22 =	simm.s32 $0x2700;
	s23 =	simm.s32 $0x2780;
	[smem:$0x7FF] =	sst s3  }
0x7: {  	s7 =	sand.u32 $0x1, s2;
	s2 =	stileid.u32;
	s4 =	sadd.s32 $0x17E00, s6  }
0x8: {  	s10 =	sadd.s32 $0x66E00, s6;
	s11 =	sadd.s32 $0xDE00, s6;
	s8 =	smul.u32 $0x13C000, s7  }
0x9: {  	s5 =	sadd.s32 $0x4600, s6;
	_ =	strace $0x80000053;
	s9 =	smul.u32 $0x13C00, s2  }
0xa: {  	s24 =	sshll.u32 s7, $0x4;
	s7 =	ssub.s32 $0x2, s7;
	s12 =	smul.u32 $0x4F000, s2  }
0xb: {  	s26 =	sshll.u32 s2, $0x6;
	s13 =	sshrl.u32 s7, $0x1;
	s8 =	sadd.s32 s9, s8  }
0xc: {  	s9 =	sor.u32 s2, s24;
	s13 =	ssub.s32 s7, s13;
	s25 =	sshrl.u32 s12, $0x2  }
0xd: {  	s24 =	simm.s32 $0x0;
	s8 =	sshrl.u32 s8, $0x3;
	s14 =	smul.u32 $0x2800, s9  }
0xe: {  	s28 =	smul.u32 $0x500, s9;
	s30 =	sadd.s32 s25, s1;
	s12 =	smax.u32 s13, $0x1  }
0xf: {  	s15 =	sadd.s32 s8, s6;
	s6 =	sor.u32 $0x1C03, s26;
	s29 =	sshrl.u32 s14, $0x3  }
0x10: {  	s13 =	sshrl.u32 s30, $0x3;
	s7 =	sadd.s32 s10, s28;
	s31 =	sadd.s32 $0x280, s29  }
0x11: {  	s8 =	sadd.s32 s11, s28;
	s14 =	simm.s32 $0x3;
	s9 =	sadd.s32 s10, s31  }
0x12: {  	s10 =	sadd.s32 s11, s31;
	s11 =	sadd.s32 $0x70E00, s15;
	s15 =	simm.s32 $0x1400  }
.LBB2_1:
0x13: {  	[spmem:s13], [sflag:s6] =	dma.local [hbm:s5], $0x2780  }
0x14: {  	_ =	swait.ge [sflag:s14], $0x2780  }
0x15: {  	[sflag:s14] =	ssyncset.done $0x0  }
0x16: {  	[sflag:s14] =	ssyncadd.s32 $0xFFFFD880  }
0x17: {  	[bflag:$0x0] =	sbarrier.arrive $0xFFFF  }
0x18: {  	[tilespmem:s3], [sflag:$0x3] =	stream.linear.gather [hbm4b:s7+s3], $0x1400, $0x38;
	[tilespmem:$0x1E400] =	vst v63  }
0x19: {  	_ =	swait.ge [sflag:s14], $0x1400  }
0x1a: {  	[sflag:s14] =	ssyncset.done $0x0  }
0x1b: {  	[sflag:s14] =	ssyncadd.s32 $0xFFFFEC00  }
0x1c: {  	[tilespmem:s15], [sflag:$0x3] =	stream.linear.gather [hbm4b:s8+s3], $0x1400, $0x38;
	[tilespmem:$0x1E400] =	vst v63  }
0x1d: {  	_ =	swait.ge [sflag:s14], $0x1400  }
0x1e: {  	[sflag:s14] =	ssyncset.done $0x0  }
0x1f: {  	[sflag:s14] =	ssyncadd.s32 $0xFFFFEC00  }
0x20: {  	[tilespmem:s17], [sflag:$0x1] =	stream.indirect.gather [hbm4b:s4+s16], $0x80, s3, s16, $0xb8;
	[tilespmem:$0x1E400] =	vst v63  }
0x21: {  	s25 =	simm.s32 $0x80  }
0x22: {  	[tilespmem:s18], [sflag:$0x2] =	stream.indirect.gather [hbm4b:s4+s16], $0x80, s25, s16, $0xb8;
	[tilespmem:$0x1E400] =	vst v63  }
0x23: {  	_ =	swait.ge [sflag:s19], $0x4000  }
0x24: {  	[sflag:s19] =	ssyncset.done $0x0  }
0x25: {  	s29 =	simm.s32 $0x1400;
	[sflag:s19] =	ssyncadd.s32 $0xFFFFC000  }
0x26: {  	[spmem:s1] =	stream.indirect.scatter.add.f32 [tilespmem:s17], [sflag:$0x3], $0x80, s29, s16, $0xb8;
	[tilespmem:$0x1E400] =	vst v63  }
0x27: {  	_ =	swait.ge [sflag:s14], $0x4000  }
0x28: {  	[sflag:s14] =	ssyncset.done $0x0  }
0x29: {  	s30 =	simm.s32 $0x100;
	[sflag:s14] =	ssyncadd.s32 $0xFFFFC000  }
0x2a: {  	[tilespmem:s17], [sflag:$0x1] =	stream.indirect.gather [hbm4b:s4+s16], $0x80, s30, s16, $0xb8;
	[tilespmem:$0x1E400] =	vst v63  }
0x2b: {  	_ =	swait.ge [sflag:s20], $0x4000  }
0x2c: {  	[sflag:s20] =	ssyncset.done $0x0  }
0x2d: {  	s31 =	simm.s32 $0x1480;
	[sflag:s20] =	ssyncadd.s32 $0xFFFFC000  }
0x2e: {  	[spmem:s1] =	stream.indirect.scatter.add.f32 [tilespmem:s18], [sflag:$0x3], $0x80, s31, s16, $0xb8;
	[tilespmem:$0x1E400] =	vst v63  }
0x2f: {  	_ =	swait.ge [sflag:s14], $0x4000  }
0x30: {  	s26 =	simm.s32 $0x800;
	s25 =	simm.s32 $0x100;
	[sflag:s14] =	ssyncset.done $0x0  }
.LBB2_2:
0x31: {  	s28 =	sadd.s32 $0x80, s25  }
0x32: {  	[sflag:s14] =	ssyncadd.s32 $0xFFFFC000;
	s29 =	smov.u32 s26;
	s30 =	sadd.s32 $0x400, s26  }
0x33: {  	[tilespmem:s18], [sflag:$0x2] =	stream.indirect.gather [hbm4b:s4+s16], $0x80, s28, s16, $0xb8;
	[tilespmem:$0x1E400] =	vst v63  }
0x34: {  	p0 =	sne.s32 s26, $0x4800;
	_ =	swait.ge [sflag:s19], $0x4000  }
0x35: {  	[sflag:s19] =	ssyncset.done $0x0  }
0x36: {  	s26 =	sadd.s32 $0x1400, s25;
	[sflag:s19] =	ssyncadd.s32 $0xFFFFC000  }
0x37: {  	[spmem:s1] =	stream.indirect.scatter.add.f32 [tilespmem:s17], [sflag:$0x3], $0x80, s26, s16, $0xb8;
	[tilespmem:$0x1E400] =	vst v63  }
0x38: {  	_ =	swait.ge [sflag:s14], $0x4000  }
0x39: {  	[sflag:s14] =	ssyncset.done $0x0  }
0x3a: {  	s26 =	sadd.s32 $0x100, s25;
	[sflag:s14] =	ssyncadd.s32 $0xFFFFC000  }
0x3b: {  	[tilespmem:s17], [sflag:$0x1] =	stream.indirect.gather [hbm4b:s4+s16], $0x80, s26, s16, $0xb8;
	[tilespmem:$0x1E400] =	vst v63  }
0x3c: {  	_ =	swait.ge [sflag:s20], $0x4000  }
.Ltmp0:
0x3d: {  	[sflag:s20] =	ssyncset.done $0x0;
	(pc) =	sbr.rel @p0 .LBB2_2-.Ltmp0, $4  }
0x3e: {  	s25 =	sadd.s32 $0x1480, s25;
	[sflag:s20] =	ssyncadd.s32 $0xFFFFC000  }
0x3f: {  	[spmem:s1] =	stream.indirect.scatter.add.f32 [tilespmem:s18], [sflag:$0x3], $0x80, s25, s16, $0xb8;
	[tilespmem:$0x1E400] =	vst v63  }
0x40: {  	_ =	swait.ge [sflag:s14], $0x4000  }
0x41: {  	s26 =	smov.u32 s30;
	s25 =	sshra.s32 s29, $0x2;
	[sflag:s14] =	ssyncset.done $0x0  }
0x42: {  	s26 =	sadd.s32 $0x80, s25;
	[sflag:s14] =	ssyncadd.s32 $0xFFFFC000  }
0x43: {  	[tilespmem:s18], [sflag:$0x2] =	stream.indirect.gather [hbm4b:s4+s16], $0x80, s26, s16, $0xb8;
	[tilespmem:$0x1E400] =	vst v63  }
0x44: {  	_ =	swait.ge [sflag:s19], $0x4000  }
0x45: {  	[sflag:s19] =	ssyncset.done $0x0  }
0x46: {  	s29 =	sadd.s32 $0x1400, s25;
	[sflag:s19] =	ssyncadd.s32 $0xFFFFC000  }
0x47: {  	[spmem:s1] =	stream.indirect.scatter.add.f32 [tilespmem:s17], [sflag:$0x3], $0x80, s29, s16, $0xb8;
	[tilespmem:$0x1E400] =	vst v63  }
0x48: {  	_ =	swait.ge [sflag:s14], $0x4000  }
0x49: {  	[sflag:s14] =	ssyncset.done $0x0  }
0x4a: {  	s30 =	sadd.s32 $0x100, s25;
	[sflag:s14] =	ssyncadd.s32 $0xFFFFC000  }
0x4b: {  	[tilespmem:s17], [sflag:$0x1] =	stream.indirect.gather [hbm4b:s4+s16], $0x80, s30, s16, $0xb8;
	[tilespmem:$0x1E400] =	vst v63  }
0x4c: {  	_ =	swait.ge [sflag:s20], $0x4000  }
0x4d: {  	[sflag:s20] =	ssyncset.done $0x0  }
0x4e: {  	s31 =	sadd.s32 $0x1480, s25;
	[sflag:s20] =	ssyncadd.s32 $0xFFFFC000  }
0x4f: {  	[spmem:s1] =	stream.indirect.scatter.add.f32 [tilespmem:s18], [sflag:$0x3], $0x80, s31, s16, $0xb8;
	[tilespmem:$0x1E400] =	vst v63  }
0x50: {  	_ =	swait.ge [sflag:s14], $0x4000  }
0x51: {  	[sflag:s14] =	ssyncset.done $0x0  }
0x52: {  	[sflag:s14] =	ssyncadd.s32 $0xFFFFC000  }
0x53: {  	[tilespmem:s18], [sflag:$0x2] =	stream.indirect.gather [hbm4b:s4+s16], $0x80, s21, s16, $0xb8;
	[tilespmem:$0x1E400] =	vst v63  }
0x54: {  	_ =	swait.ge [sflag:s19], $0x4000  }
0x55: {  	[sflag:s19] =	ssyncset.done $0x0  }
0x56: {  	[sflag:s19] =	ssyncadd.s32 $0xFFFFC000  }
0x57: {  	[spmem:s1] =	stream.indirect.scatter.add.f32 [tilespmem:s17], [sflag:$0x3], $0x80, s22, s16, $0xb8;
	[tilespmem:$0x1E400] =	vst v63  }
0x58: {  	_ =	swait.ge [sflag:s14], $0x4000  }
0x59: {  	[sflag:s14] =	ssyncset.done $0x0  }
0x5a: {  	[sflag:s14] =	ssyncadd.s32 $0xFFFFC000  }
0x5b: {  	[tilespmem:s17], [sflag:$0x1] =	stream.indirect.gather [hbm4b:s4+s16], $0x80, s21, s16, $0xb8;
	[tilespmem:$0x1E400] =	vst v63  }
0x5c: {  	_ =	swait.ge [sflag:s20], $0x4000  }
0x5d: {  	[sflag:s20] =	ssyncset.done $0x0  }
0x5e: {  	[sflag:s20] =	ssyncadd.s32 $0xFFFFC000  }
0x5f: {  	[spmem:s1] =	stream.indirect.scatter.add.f32 [tilespmem:s18], [sflag:$0x3], $0x80, s23, s16, $0xb8;
	[tilespmem:$0x1E400] =	vst v63  }
0x60: {  	_ =	swait.ge [sflag:s14], $0x4000  }
0x61: {  	[sflag:s14] =	ssyncset.done $0x0  }
0x62: {  	[sflag:s14] =	ssyncadd.s32 $0xFFFFC000  }
0x63: {  	_ =	swait.ge [sflag:s19], $0x4000  }
0x64: {  	[sflag:s19] =	ssyncset.done $0x0  }
0x65: {  	s26 =	simm.s32 $0x0;
	[sflag:s19] =	ssyncadd.s32 $0xFFFFC000  }
0x66: {  	[tilespmem:s26], [sflag:$0x3] =	stream.linear.gather [hbm4b:s9+s26], $0x1400, $0x38;
	[tilespmem:$0x1E400] =	vst v63  }
0x67: {  	_ =	swait.ge [sflag:s14], $0x1400  }
0x68: {  	[sflag:s14] =	ssyncset.done $0x0  }
0x69: {  	[sflag:s14] =	ssyncadd.s32 $0xFFFFEC00  }
0x6a: {  	[tilespmem:s15], [sflag:$0x3] =	stream.linear.gather [hbm4b:s10+s26], $0x1400, $0x38;
	[tilespmem:$0x1E400] =	vst v63  }
0x6b: {  	_ =	swait.ge [sflag:s14], $0x1400  }
0x6c: {  	[sflag:s14] =	ssyncset.done $0x0  }
0x6d: {  	[sflag:s14] =	ssyncadd.s32 $0xFFFFEC00  }
0x6e: {  	[tilespmem:s17], [sflag:$0x1] =	stream.indirect.gather [hbm4b:s4+s16], $0x80, s26, s16, $0xb8;
	[tilespmem:$0x1E400] =	vst v63  }
0x6f: {  	s28 =	simm.s32 $0x80  }
0x70: {  	[tilespmem:s18], [sflag:$0x2] =	stream.indirect.gather [hbm4b:s4+s16], $0x80, s28, s16, $0xb8;
	[tilespmem:$0x1E400] =	vst v63  }
0x71: {  	_ =	swait.ge [sflag:s19], $0x4000  }
0x72: {  	[sflag:s19] =	ssyncset.done $0x0  }
0x73: {  	s29 =	simm.s32 $0x1400;
	[sflag:s19] =	ssyncadd.s32 $0xFFFFC000  }
0x74: {  	[spmem:s1] =	stream.indirect.scatter.add.f32 [tilespmem:s17], [sflag:$0x3], $0x80, s29, s16, $0xb8;
	[tilespmem:$0x1E400] =	vst v63  }
0x75: {  	_ =	swait.ge [sflag:s14], $0x4000  }
0x76: {  	[sflag:s14] =	ssyncset.done $0x0  }
0x77: {  	s30 =	simm.s32 $0x100;
	[sflag:s14] =	ssyncadd.s32 $0xFFFFC000  }
0x78: {  	[tilespmem:s17], [sflag:$0x1] =	stream.indirect.gather [hbm4b:s4+s16], $0x80, s30, s16, $0xb8;
	[tilespmem:$0x1E400] =	vst v63  }
0x79: {  	_ =	swait.ge [sflag:s20], $0x4000  }
0x7a: {  	[sflag:s20] =	ssyncset.done $0x0  }
0x7b: {  	s31 =	simm.s32 $0x1480;
	[sflag:s20] =	ssyncadd.s32 $0xFFFFC000  }
0x7c: {  	[spmem:s1] =	stream.indirect.scatter.add.f32 [tilespmem:s18], [sflag:$0x3], $0x80, s31, s16, $0xb8;
	[tilespmem:$0x1E400] =	vst v63  }
0x7d: {  	_ =	swait.ge [sflag:s14], $0x4000  }
0x7e: {  	s25 =	simm.s32 $0x100;
	s26 =	simm.s32 $0x800;
	[sflag:s14] =	ssyncset.done $0x0  }
.LBB2_4:
0x7f: {  	s28 =	sadd.s32 $0x80, s25  }
0x80: {  	[sflag:s14] =	ssyncadd.s32 $0xFFFFC000;
	s29 =	smov.u32 s26;
	s30 =	sadd.s32 $0x400, s26  }
0x81: {  	[tilespmem:s18], [sflag:$0x2] =	stream.indirect.gather [hbm4b:s4+s16], $0x80, s28, s16, $0xb8;
	[tilespmem:$0x1E400] =	vst v63  }
0x82: {  	p0 =	sne.s32 s26, $0x4800;
	_ =	swait.ge [sflag:s19], $0x4000  }
0x83: {  	[sflag:s19] =	ssyncset.done $0x0  }
0x84: {  	s26 =	sadd.s32 $0x1400, s25;
	[sflag:s19] =	ssyncadd.s32 $0xFFFFC000  }
0x85: {  	[spmem:s1] =	stream.indirect.scatter.add.f32 [tilespmem:s17], [sflag:$0x3], $0x80, s26, s16, $0xb8;
	[tilespmem:$0x1E400] =	vst v63  }
0x86: {  	_ =	swait.ge [sflag:s14], $0x4000  }
0x87: {  	[sflag:s14] =	ssyncset.done $0x0  }
0x88: {  	s26 =	sadd.s32 $0x100, s25;
	[sflag:s14] =	ssyncadd.s32 $0xFFFFC000  }
0x89: {  	[tilespmem:s17], [sflag:$0x1] =	stream.indirect.gather [hbm4b:s4+s16], $0x80, s26, s16, $0xb8;
	[tilespmem:$0x1E400] =	vst v63  }
0x8a: {  	_ =	swait.ge [sflag:s20], $0x4000  }
.Ltmp1:
0x8b: {  	[sflag:s20] =	ssyncset.done $0x0;
	(pc) =	sbr.rel @p0 .LBB2_4-.Ltmp1, $4  }
0x8c: {  	s25 =	sadd.s32 $0x1480, s25;
	[sflag:s20] =	ssyncadd.s32 $0xFFFFC000  }
0x8d: {  	[spmem:s1] =	stream.indirect.scatter.add.f32 [tilespmem:s18], [sflag:$0x3], $0x80, s25, s16, $0xb8;
	[tilespmem:$0x1E400] =	vst v63  }
0x8e: {  	_ =	swait.ge [sflag:s14], $0x4000  }
0x8f: {  	s26 =	smov.u32 s30;
	s25 =	sshra.s32 s29, $0x2;
	[sflag:s14] =	ssyncset.done $0x0  }
0x90: {  	s26 =	sadd.s32 $0x80, s25;
	[sflag:s14] =	ssyncadd.s32 $0xFFFFC000  }
0x91: {  	[tilespmem:s18], [sflag:$0x2] =	stream.indirect.gather [hbm4b:s4+s16], $0x80, s26, s16, $0xb8;
	[tilespmem:$0x1E400] =	vst v63  }
0x92: {  	_ =	swait.ge [sflag:s19], $0x4000  }
0x93: {  	[sflag:s19] =	ssyncset.done $0x0  }
0x94: {  	s29 =	sadd.s32 $0x1400, s25;
	[sflag:s19] =	ssyncadd.s32 $0xFFFFC000  }
0x95: {  	[spmem:s1] =	stream.indirect.scatter.add.f32 [tilespmem:s17], [sflag:$0x3], $0x80, s29, s16, $0xb8;
	[tilespmem:$0x1E400] =	vst v63  }
0x96: {  	_ =	swait.ge [sflag:s14], $0x4000  }
0x97: {  	[sflag:s14] =	ssyncset.done $0x0  }
0x98: {  	s30 =	sadd.s32 $0x100, s25;
	[sflag:s14] =	ssyncadd.s32 $0xFFFFC000  }
0x99: {  	[tilespmem:s17], [sflag:$0x1] =	stream.indirect.gather [hbm4b:s4+s16], $0x80, s30, s16, $0xb8;
	[tilespmem:$0x1E400] =	vst v63  }
0x9a: {  	_ =	swait.ge [sflag:s20], $0x4000  }
0x9b: {  	[sflag:s20] =	ssyncset.done $0x0  }
0x9c: {  	s31 =	sadd.s32 $0x1480, s25;
	[sflag:s20] =	ssyncadd.s32 $0xFFFFC000  }
0x9d: {  	[spmem:s1] =	stream.indirect.scatter.add.f32 [tilespmem:s18], [sflag:$0x3], $0x80, s31, s16, $0xb8;
	[tilespmem:$0x1E400] =	vst v63  }
0x9e: {  	_ =	swait.ge [sflag:s14], $0x4000  }
0x9f: {  	[sflag:s14] =	ssyncset.done $0x0  }
0xa0: {  	[sflag:s14] =	ssyncadd.s32 $0xFFFFC000  }
0xa1: {  	[tilespmem:s18], [sflag:$0x2] =	stream.indirect.gather [hbm4b:s4+s16], $0x80, s21, s16, $0xb8;
	[tilespmem:$0x1E400] =	vst v63  }
0xa2: {  	_ =	swait.ge [sflag:s19], $0x4000  }
0xa3: {  	[sflag:s19] =	ssyncset.done $0x0  }
0xa4: {  	[sflag:s19] =	ssyncadd.s32 $0xFFFFC000  }
0xa5: {  	[spmem:s1] =	stream.indirect.scatter.add.f32 [tilespmem:s17], [sflag:$0x3], $0x80, s22, s16, $0xb8;
	[tilespmem:$0x1E400] =	vst v63  }
0xa6: {  	_ =	swait.ge [sflag:s14], $0x4000  }
0xa7: {  	[sflag:s14] =	ssyncset.done $0x0  }
0xa8: {  	[sflag:s14] =	ssyncadd.s32 $0xFFFFC000  }
0xa9: {  	[tilespmem:s17], [sflag:$0x1] =	stream.indirect.gather [hbm4b:s4+s16], $0x80, s21, s16, $0xb8;
	[tilespmem:$0x1E400] =	vst v63  }
0xaa: {  	_ =	swait.ge [sflag:s20], $0x4000  }
0xab: {  	[sflag:s20] =	ssyncset.done $0x0  }
0xac: {  	[sflag:s20] =	ssyncadd.s32 $0xFFFFC000  }
0xad: {  	[spmem:s1] =	stream.indirect.scatter.add.f32 [tilespmem:s18], [sflag:$0x3], $0x80, s23, s16, $0xb8;
	[tilespmem:$0x1E400] =	vst v63  }
0xae: {  	_ =	swait.ge [sflag:s14], $0x4000  }
0xaf: {  	[sflag:s14] =	ssyncset.done $0x0  }
0xb0: {  	[sflag:s14] =	ssyncadd.s32 $0xFFFFC000  }
0xb1: {  	_ =	swait.ge [sflag:s19], $0x4000  }
0xb2: {  	s24 =	sadd.s32 $0x1, s24;
	[sflag:s19] =	ssyncset.done $0x0  }
0xb3: {  	p0 =	sne.s32 s24, s12;
	[sflag:s19] =	ssyncadd.s32 $0xFFFFC000  }
.Ltmp2:
0xb4: {  	[bflag:$0x0] =	sbarrier.arrive $0xFFFF;
	(pc) =	sbr.rel @p0 .LBB2_1-.Ltmp2, $4  }
0xb5: {  	[hbm:s11], [sflag:s6] =	dma.local [spmem:s13], $0x2780  }
0xb6: {  	_ =	swait.ge [sflag:s14], $0x2780  }
0xb7: {  	[sflag:s14] =	ssyncset.done $0x0  }
0xb8: {  	[sflag:s14] =	ssyncadd.s32 $0xFFFFD880  }
0xb9: {  	_ =	sfence.sel $0x180000  }
0xba: {  	[bflag:$0x0] =	sbarrier.arrive $0xFFFF  }
0xbb: {  	p0 =	sne.s32 s2, $0x0;
	_ =	strace $0x90000053  }
0xbc: {  	s0 =	sadd.s32 @!p0 $0x100000, s0;
	[bflag:$0x2] =	sbarrier.arrive $0xFFFF  }
0xbd: {  	[sflag:s0] =	ssyncadd.tile.s32 @!p0 $0x1;
	_ =	shalt  }
.Lfunc_end2:
_tile_overlayer_lowered:
.L_overlay_start_2:
0xbe: {  	(tag) =	ssettag $0x2  }
0xbf: {  	s0 =	rddreg [dreg:$0x0];
	s2 =	stileid.u32  }
0xc0: {  	s1 =	rddreg [dreg:$0x1];
	p0 =	sne.s32 s2, $0x0  }
0xc1: {  	s3 =	rddreg [dreg:$0x2];
	[bflag:$0x3] =	sbarrier.arrive $0xFFFF;
	s2 =	simm.s32 @!p0 $0x1C03  }
0xc2: {  	[timem:s3], [sflag:s2] =	dma.local @!p0 [hbm:s0], s1  }
0xc3: {  	s0 =	simm.s32 @!p0 $0x3  }
0xc4: {  	_ =	swait.ge @!p0 [sflag:s0], s1  }
0xc5: {  	s1 =	ssub.s32 @!p0 $0x0, s1;
	[sflag:s0] =	ssyncset.done @!p0 $0x0  }
0xc6: {  	[sflag:s0] =	ssyncadd.s32 @!p0 s1  }
0xc7: {  	[bflag:$0x3] =	sbarrier.arrive $0xFFFF  }
0xc8: {  	_ =	shalt  }

// kernel: kernel.21.cloned.1.call-start
scs
__scs_entry_jumppad:
0x0: {  	(pc) =	sbr.rel $0x88, $3  }
0x1: {  	(tag) =	ssettag $0x0;
	lr =	simm.s32 $0x1  }
0x2: {  	[smem:$0x3F97] =	sst lr;
	_ =	strace $0xD0000000  }
0x3: {  	_ = 	snop  }
0x4: {  	_ = 	snop  }
0x5: {  	_ = 	snop  }
0x6: {  	_ = 	snop  }
0x7: {  	_ = 	snop  }
__scs_overlays_trampoline_lowered:
0x8: {  	[smem:$0x3FA6] =	sst s0  }
0x9: {  	[smem:$0x3FA7] =	sst s1  }
0xa: {  	[smem:$0x3FA8] =	sst s2  }
0xb: {  	[smem:$0x3FA9] =	sst s3  }
0xc: {  	[smem:$0x3FAA] =	sst s4  }
0xd: {  	[smem:$0x3FAB] =	sst s5  }
0xe: {  	[smem:$0x3FAC] =	sst s6  }
0xf: {  	[smem:$0x3FAD] =	sst s7  }
0x10: {  	[smem:$0x3FAE] =	sst s8  }
0x11: {  	[smem:$0x3FAF] =	sst s9;
	s0 =	simm.s32 @!p0 $0x0  }
0x12: {  	s1 =	sld [smem:$0x3F95];
	s0 =	simm.s32 @p0 $0x1  }
0x13: {  	[smem:$0x3FB0] =	sst s0;
	s0 =	simm.s32 @!p1 $0x0  }
0x14: {  	s2 =	sld [smem:$0x3F94];
	s0 =	simm.s32 @p1 $0x1  }
0x15: {  	[smem:$0x3FB1] =	sst s0;
	s0 =	simm.s32 @!p2 $0x0  }
0x16: {  	s3 =	sld [smem:$0x3FDB];
	s0 =	simm.s32 @p2 $0x1  }
0x17: {  	s4 =	simm.s32 $0x1BF5;
	[smem:$0x3FB3] =	sst s0  }
0x18: {  	s0 =	sld [smem:$0x3F96];
	_ =	swait.ge [sflag:s4], $0x0  }
0x19: {  	s7 =	sld [smem:$0x3F97]  }
0x1a: {  	s8 =	sadd.s32 $0xFFFFE003, lr  }
0x1b: {  	s9 =	sadd.s32 $0xFFFFFEF7, lr;
	s5 =	simm.s32 $0xFFFFFFFF;
	p2 =	slt.u32 s8, $0xFFFFF086  }
0x1c: {  	p1 =	slt.u32 s9, $0xF7A;
	s5 =	simm.s32 @!p2 $0x0  }
0x1d: {  	s5 =	simm.s32 @p1 $0x1;
	p0 =	seq.s32 s7, s2  }
0x1e: {  	s7 =	smul.u32 @!p0 $0xF7A, s2;
	p2 =	seq.s32 @!p0 s5, $0x0  }
0x1f: {  	s9 =	smul.u32 $0xF7A, s1;
	s8 =	simm.s32 @!p0 $0x1BF5;
	p2 =	por !p2, p0  }
0x20: {  	[sflag:s8] =	ssyncset.s32 @!p0 $0xFFFFF086;
	s6 =	sadd.s32 @!p0 s3, s7;
	s7 =	simm.s32 @!p0 $0x108  }
0x21: {  	s3 =	sadd.s32 s3, s9;
	s6 =	sadd.s32 @!p0 $0x88, s6;
	s7 =	simm.s32 @p2 $0x1082  }
0x22: {  	[simem:s7], [sflag:s8] =	dma.local @!p0 [hbm:s6], $0xF7A  }
0x23: {  	s9 =	sor.u32 $0xD0000000, s2;
	s6 =	simm.s32 $0x108;
	_ =	swait.ge @!p0 [sflag:s8], $0x0  }
0x24: {  	s3 =	sadd.s32 $0x88, s3;
	s6 =	simm.s32 @!p1 $0x1082;
	[sflag:s4] =	ssyncset.s32 $0xFFFFF086  }
0x25: {  	[simem:s6], [sflag:s4] =	dma.local [hbm:s3], $0xF7A  }
0x26: {  	[smem:$0x3F97] =	sst s1;
	(tag) =	ssettag s2;
	_ =	strace s9  }
0x27: {  	s1 =	sld [smem:$0x3FA7]  }
0x28: {  	s2 =	sld [smem:$0x3FA8]  }
0x29: {  	s4 =	sld [smem:$0x3FAA]  }
0x2a: {  	p0 =	seq.s32 s5, $0x0;
	s5 =	sld [smem:$0x3FAB]  }
0x2b: {  	s6 =	sld [smem:$0x3FAC]  }
0x2c: {  	s7 =	sld [smem:$0x3FAD]  }
0x2d: {  	s3 =	simm.s32 $0x108;
	s8 =	sld [smem:$0x3FAE]  }
0x2e: {  	s3 =	simm.s32 @!p0 $0x1082;
	s9 =	sld [smem:$0x3FAF]  }
0x2f: {  	lr =	sadd.s32 s0, s3;
	s0 =	sld [smem:$0x3FA6]  }
0x30: {  	s3 =	sld [smem:$0x3FA9]  }
0x31: {  	[smem:$0x3FB2] =	sst s10  }
0x32: {  	s10 =	sld [smem:$0x3FB0];
	_ =	sdelay $0x3  }
0x33: {  	p0 =	seq.s32 s10, $0x1;
	s10 =	sld [smem:$0x3FB2];
	_ =	sdelay $0x3  }
0x34: {  	[smem:$0x3FB2] =	sst s10  }
0x35: {  	s10 =	sld [smem:$0x3FB1];
	_ =	sdelay $0x3  }
0x36: {  	p1 =	seq.s32 s10, $0x1;
	s10 =	sld [smem:$0x3FB2];
	_ =	sdelay $0x3  }
0x37: {  	[smem:$0x3FB2] =	sst s10  }
0x38: {  	s10 =	sld [smem:$0x3FB3]  }
0x39: {  	_ = 	snop;
	(pc) =	sbr.ind lr, $3  }
0x3a: {  	_ = 	snop  }
0x3b: {  	_ = 	snop  }
0x3c: {  	p2 =	seq.s32 s10, $0x1;
	s10 =	sld [smem:$0x3FB2]  }
0x3d: {  	_ =	shalt  }
0x3e: {  	_ =	shalt  }
0x3f: {  	_ =	shalt  }
0x40: {  	_ =	shalt  }
0x41: {  	_ =	shalt  }
0x42: {  	_ =	shalt  }
0x43: {  	_ =	shalt  }
0x44: {  	_ =	shalt  }
0x45: {  	_ =	shalt  }
0x46: {  	_ =	shalt  }
0x47: {  	_ =	shalt  }
0x48: {  	_ =	shalt  }
0x49: {  	_ =	shalt  }
0x4a: {  	_ =	shalt  }
0x4b: {  	_ =	shalt  }
0x4c: {  	_ =	shalt  }
0x4d: {  	_ =	shalt  }
0x4e: {  	_ =	shalt  }
0x4f: {  	_ =	shalt  }
0x50: {  	_ =	shalt  }
0x51: {  	_ =	shalt  }
0x52: {  	_ =	shalt  }
0x53: {  	_ =	shalt  }
0x54: {  	_ =	shalt  }
0x55: {  	_ =	shalt  }
0x56: {  	_ =	shalt  }
0x57: {  	_ =	shalt  }
0x58: {  	_ =	shalt  }
0x59: {  	_ =	shalt  }
0x5a: {  	_ =	shalt  }
0x5b: {  	_ =	shalt  }
0x5c: {  	_ =	shalt  }
0x5d: {  	_ =	shalt  }
0x5e: {  	_ =	shalt  }
0x5f: {  	_ =	shalt  }
0x60: {  	_ =	shalt  }
0x61: {  	_ =	shalt  }
0x62: {  	_ =	shalt  }
0x63: {  	_ =	shalt  }
0x64: {  	_ =	shalt  }
0x65: {  	_ =	shalt  }
0x66: {  	_ =	shalt  }
0x67: {  	_ =	shalt  }
0x68: {  	_ =	shalt  }
0x69: {  	_ =	shalt  }
0x6a: {  	_ =	shalt  }
0x6b: {  	_ =	shalt  }
0x6c: {  	_ =	shalt  }
0x6d: {  	_ =	shalt  }
0x6e: {  	_ =	shalt  }
0x6f: {  	_ =	shalt  }
0x70: {  	_ =	shalt  }
0x71: {  	_ =	shalt  }
0x72: {  	_ =	shalt  }
0x73: {  	_ =	shalt  }
0x74: {  	_ =	shalt  }
0x75: {  	_ =	shalt  }
0x76: {  	_ =	shalt  }
0x77: {  	_ =	shalt  }
0x78: {  	_ =	shalt  }
0x79: {  	_ =	shalt  }
0x7a: {  	_ =	shalt  }
0x7b: {  	_ =	shalt  }
0x7c: {  	_ =	shalt  }
0x7d: {  	_ =	shalt  }
0x7e: {  	_ =	shalt  }
0x7f: {  	_ =	shalt  }
0x80: {  	_ =	shalt  }
0x81: {  	_ =	shalt  }
0x82: {  	_ =	shalt  }
0x83: {  	_ =	shalt  }
0x84: {  	_ =	shalt  }
0x85: {  	_ =	shalt  }
0x86: {  	_ =	shalt  }
0x87: {  	_ =	shalt  }
.Lfunc_end0:
.L_simem_size_0:
called_computation.5_lowered:
.L_overlay_start_0:
0x88: {  	s2 =	sld [smem:$0x3FD9]  }
0x89: {  	s3 =	sld [smem:$0x3FFE];
	_ =	sdelay $0x1  }
0x8a: {  	s1 =	srdreg.scid  }
0x8b: {  	s0 =	sand.u32 $0x1, s1  }
0x8c: {  	s16 =	sshll.u32 s0, $0xA;
	s2 =	sadd.s32 s3, s2  }
0x8d: {  	s2 =	sadd.s32 s2, s16  }
0x8e: {  	[smem:$0x3FBE] =	sst s2  }
0x8f: {  	_ = 	snop  }
0x90: {  	(tm) =	ssettm $0x1  }
0x91: {  	s17 =	sld [smem:$0x3FFB];
	_ =	sdelay $0x3  }
0x92: {  	_ =	strace s17  }
0x93: {  	s2 =	sld [smem:$0x3FFC];
	_ =	sdelay $0x3  }
0x94: {  	_ =	strace s2  }
0x95: {  	s2 =	sld [smem:$0x3FFD];
	_ =	sdelay $0x3  }
0x96: {  	_ =	strace s2  }
0x97: {  	_ =	strace $0x8FFFFFFF  }
0x98: {  	s18 =	sld [smem:$0x3FDB];
	_ =	sdelay $0x1  }
0x99: {  	s19 =	simm.s32 $_scs_section_size  }
0x9a: {  	s4 =	simm.s32 $_size__tile_overlayer_lowered;
	s5 =	simm.s32 $_tile_overlayer_lowered  }
0x9b: {  	s22 =	simm.s32 $0x1BFF;
	s21 =	sshll.u32 s5, $0x1;
	s2 =	sadd.s32 s19, s18  }
0x9c: {  	s6 =	simm.s32 $0x0;
	s20 =	sshll.u32 s4, $0x1;
	s4 =	sadd.s32 s21, s2  }
0x9d: {  	[timem:s6], [sflag:s22] =	dma.local [hbm:s4], s20  }
0x9e: {  	_ =	swait.ge [sflag:s22], s20  }
0x9f: {  	s3 =	ssub.s32 $0x0, s20;
	[sflag:s22] =	ssyncset.done $0x0  }
0xa0: {  	[sflag:s22] =	ssyncadd.s32 s3;
	_ =	sdelay $0x1  }
0xa1: {  	s23 =	simm.s32 $0x1B8B  }
0xa2: {  	_ =	swait.ge [sflag:s23], $0x1  }
0xa3: {  	[sflag:s23] =	ssyncset.done $0x0  }
0xa4: {  	s25 =	simm.s32 $0x1B8E;
	s24 =	sld [smem:$0x3FFE];
	[sflag:s23] =	ssyncadd.s32 $0xFFFFFFFF  }
0xa5: {  	s26 =	simm.s32 $execute0_lowered;
	[smem:$0x3FD2] =	sst s25  }
0xa6: {  	s4 =	sshll.u32 s26, $0x1;
	_ =	strace $0x80000055;
	[dreg:$0x1] =	wrdreg $0xFFFFFFFF  }
0xa7: {  	s28 =	simm.s32 $_size_execute0_lowered;
	s2 =	sadd.s32 s2, s4;
	[dreg:$0x0] =	wrdreg $0x0  }
0xa8: {  	s4 =	sshll.u32 s28, $0x1;
	[dreg:$0x2] =	wrdreg s2  }
0xa9: {  	[dreg:$0x3] =	wrdreg s4  }
0xaa: {  	[dreg:$0x4] =	wrdreg $0xC0  }
0xab: {  	_ =	task [dreg:s6], $0x5FFFF  }
0xac: {  	[dreg:$0x1] =	wrdreg $0xFFFFFFFF  }
0xad: {  	[dreg:$0x0] =	wrdreg $0x60  }
0xae: {  	[dreg:$0x2] =	wrdreg s24  }
0xaf: {  	[dreg:$0x3] =	wrdreg $0xA8000  }
0xb0: {  	[dreg:$0x4] =	wrdreg $0x9  }
0xb1: {  	_ =	task.clear_ibuf [dreg:s6], $0x5FFFF;
	_ =	strace $0x90000055  }
0xb2: {  	s29 =	simm.s32 $0x9;
	_ =	strace $0x80000057  }
0xb3: {  	_ =	swait.ge [sflag:s29], $0x1  }
0xb4: {  	[sflag:s29] =	ssyncadd.s32 $0xFFFFFFFF  }
0xb5: {  	_ =	strace $0x90000057  }
0xb6: {  	_ =	sfence  }
0xb7: {  	s30 =	sld [smem:$0x0];
	_ =	sdelay $0x2  }
0xb8: {  	s31 =	sshll.u32 s1, $0xD;
	s1 =	sshrl.u32 s1, $0x2  }
0xb9: {  	s3 =	sand.u32 $0x4000, s31;
	s1 =	sadd.s32 s1, s30  }
0xba: {  	s0 =	sor.u32 s3, s0;
	s1 =	sshll.u32 s1, $0x11  }
0xbb: {  	s0 =	sor.u32 s1, s0  }
0xbc: {  	s0 =	sadd.s32 $0x8F2B, s0  }
0xbd: {  	[sflag:s0] =	ssyncadd.remote.s32 $0x1  }
0xbe: {  	_ =	sfence.sel $0xFFFF  }
0xbf: {  	[dreg:$0x0] =	wrdreg $0xFFFFFFFF;
	(pc) =	sbr.abs _section_cstart, $3  }
0xc0: {  	[dreg:$0x1] =	wrdreg $0xFFFFFFFF  }
0xc1: {  	_ =	task.clear_ibuf [dreg:s6], $0x2FFFF;
	_ =	strace $0x9FFFFFFF  }
0xc2: {  	(tm) =	ssettm $0x7FFFFFFF  }
0xc3: {  	_ =	shalt  }
tec
execute0_lowered:
.L_overlay_start_1:
0x0: {  	(tag) =	ssettag $0x1  }
0x1: {  	s6 =	rddreg [dreg:$0x0]  }
0x2: {  	s1 =	rddreg [dreg:$0x1]  }
0x3: {  	s0 =	rddreg [dreg:$0x2];
	s3 =	simm.s32 $0x0;
	s2 =	srdreg.scid  }
0x4: {  	s16 =	simm.s32 $0x80;
	s17 =	simm.s32 $0x2800;
	s18 =	simm.s32 $0x6800  }
0x5: {  	s19 =	simm.s32 $0x1;
	s20 =	simm.s32 $0x2;
	s21 =	simm.s32 $0x1380  }
0x6: {  	s22 =	simm.s32 $0x2700;
	s23 =	simm.s32 $0x2780;
	[smem:$0x7FF] =	sst s3  }
0x7: {  	s7 =	sand.u32 $0x1, s2;
	s2 =	stileid.u32;
	s4 =	sadd.s32 $0x17E00, s6  }
0x8: {  	s10 =	sadd.s32 $0x66E00, s6;
	s11 =	sadd.s32 $0xDE00, s6;
	s8 =	smul.u32 $0x13C000, s7  }
0x9: {  	s5 =	sadd.s32 $0x4600, s6;
	_ =	strace $0x80000056;
	s9 =	smul.u32 $0x13C00, s2  }
0xa: {  	s24 =	sshll.u32 s7, $0x4;
	s7 =	ssub.s32 $0x2, s7;
	s12 =	smul.u32 $0x4F000, s2  }
0xb: {  	s26 =	sshll.u32 s2, $0x6;
	s13 =	sshrl.u32 s7, $0x1;
	s8 =	sadd.s32 s9, s8  }
0xc: {  	s9 =	sor.u32 s2, s24;
	s13 =	ssub.s32 s7, s13;
	s25 =	sshrl.u32 s12, $0x2  }
0xd: {  	s24 =	simm.s32 $0x0;
	s8 =	sshrl.u32 s8, $0x3;
	s14 =	smul.u32 $0x2800, s9  }
0xe: {  	s28 =	smul.u32 $0x500, s9;
	s30 =	sadd.s32 s25, s1;
	s12 =	smax.u32 s13, $0x1  }
0xf: {  	s15 =	sadd.s32 s8, s6;
	s6 =	sor.u32 $0x1C03, s26;
	s29 =	sshrl.u32 s14, $0x3  }
0x10: {  	s13 =	sshrl.u32 s30, $0x3;
	s7 =	sadd.s32 s10, s28;
	s31 =	sadd.s32 $0x280, s29  }
0x11: {  	s8 =	sadd.s32 s11, s28;
	s14 =	simm.s32 $0x3;
	s9 =	sadd.s32 s10, s31  }
0x12: {  	s10 =	sadd.s32 s11, s31;
	s11 =	sadd.s32 $0x70E00, s15;
	s15 =	simm.s32 $0x1400  }
.LBB2_1:
0x13: {  	[spmem:s13], [sflag:s6] =	dma.local [hbm:s5], $0x2780  }
0x14: {  	_ =	swait.ge [sflag:s14], $0x2780  }
0x15: {  	[sflag:s14] =	ssyncset.done $0x0  }
0x16: {  	[sflag:s14] =	ssyncadd.s32 $0xFFFFD880  }
0x17: {  	[bflag:$0x0] =	sbarrier.arrive $0xFFFF  }
0x18: {  	[tilespmem:s3], [sflag:$0x3] =	stream.linear.gather [hbm4b:s7+s3], $0x1400, $0x38;
	[tilespmem:$0x1E400] =	vst v63  }
0x19: {  	_ =	swait.ge [sflag:s14], $0x1400  }
0x1a: {  	[sflag:s14] =	ssyncset.done $0x0  }
0x1b: {  	[sflag:s14] =	ssyncadd.s32 $0xFFFFEC00  }
0x1c: {  	[tilespmem:s15], [sflag:$0x3] =	stream.linear.gather [hbm4b:s8+s3], $0x1400, $0x38;
	[tilespmem:$0x1E400] =	vst v63  }
0x1d: {  	_ =	swait.ge [sflag:s14], $0x1400  }
0x1e: {  	[sflag:s14] =	ssyncset.done $0x0  }
0x1f: {  	[sflag:s14] =	ssyncadd.s32 $0xFFFFEC00  }
0x20: {  	[tilespmem:s17], [sflag:$0x1] =	stream.indirect.gather [hbm4b:s4+s16], $0x80, s3, s16, $0xb8;
	[tilespmem:$0x1E400] =	vst v63  }
0x21: {  	s25 =	simm.s32 $0x80  }
0x22: {  	[tilespmem:s18], [sflag:$0x2] =	stream.indirect.gather [hbm4b:s4+s16], $0x80, s25, s16, $0xb8;
	[tilespmem:$0x1E400] =	vst v63  }
0x23: {  	_ =	swait.ge [sflag:s19], $0x4000  }
0x24: {  	[sflag:s19] =	ssyncset.done $0x0  }
0x25: {  	s29 =	simm.s32 $0x1400;
	[sflag:s19] =	ssyncadd.s32 $0xFFFFC000  }
0x26: {  	[spmem:s1] =	stream.indirect.scatter.add.f32 [tilespmem:s17], [sflag:$0x3], $0x80, s29, s16, $0xb8;
	[tilespmem:$0x1E400] =	vst v63  }
0x27: {  	_ =	swait.ge [sflag:s14], $0x4000  }
0x28: {  	[sflag:s14] =	ssyncset.done $0x0  }
0x29: {  	s30 =	simm.s32 $0x100;
	[sflag:s14] =	ssyncadd.s32 $0xFFFFC000  }
0x2a: {  	[tilespmem:s17], [sflag:$0x1] =	stream.indirect.gather [hbm4b:s4+s16], $0x80, s30, s16, $0xb8;
	[tilespmem:$0x1E400] =	vst v63  }
0x2b: {  	_ =	swait.ge [sflag:s20], $0x4000  }
0x2c: {  	[sflag:s20] =	ssyncset.done $0x0  }
0x2d: {  	s31 =	simm.s32 $0x1480;
	[sflag:s20] =	ssyncadd.s32 $0xFFFFC000  }
0x2e: {  	[spmem:s1] =	stream.indirect.scatter.add.f32 [tilespmem:s18], [sflag:$0x3], $0x80, s31, s16, $0xb8;
	[tilespmem:$0x1E400] =	vst v63  }
0x2f: {  	_ =	swait.ge [sflag:s14], $0x4000  }
0x30: {  	s26 =	simm.s32 $0x800;
	s25 =	simm.s32 $0x100;
	[sflag:s14] =	ssyncset.done $0x0  }
.LBB2_2:
0x31: {  	s28 =	sadd.s32 $0x80, s25  }
0x32: {  	[sflag:s14] =	ssyncadd.s32 $0xFFFFC000;
	s29 =	smov.u32 s26;
	s30 =	sadd.s32 $0x400, s26  }
0x33: {  	[tilespmem:s18], [sflag:$0x2] =	stream.indirect.gather [hbm4b:s4+s16], $0x80, s28, s16, $0xb8;
	[tilespmem:$0x1E400] =	vst v63  }
0x34: {  	p0 =	sne.s32 s26, $0x4800;
	_ =	swait.ge [sflag:s19], $0x4000  }
0x35: {  	[sflag:s19] =	ssyncset.done $0x0  }
0x36: {  	s26 =	sadd.s32 $0x1400, s25;
	[sflag:s19] =	ssyncadd.s32 $0xFFFFC000  }
0x37: {  	[spmem:s1] =	stream.indirect.scatter.add.f32 [tilespmem:s17], [sflag:$0x3], $0x80, s26, s16, $0xb8;
	[tilespmem:$0x1E400] =	vst v63  }
0x38: {  	_ =	swait.ge [sflag:s14], $0x4000  }
0x39: {  	[sflag:s14] =	ssyncset.done $0x0  }
0x3a: {  	s26 =	sadd.s32 $0x100, s25;
	[sflag:s14] =	ssyncadd.s32 $0xFFFFC000  }
0x3b: {  	[tilespmem:s17], [sflag:$0x1] =	stream.indirect.gather [hbm4b:s4+s16], $0x80, s26, s16, $0xb8;
	[tilespmem:$0x1E400] =	vst v63  }
0x3c: {  	_ =	swait.ge [sflag:s20], $0x4000  }
.Ltmp0:
0x3d: {  	[sflag:s20] =	ssyncset.done $0x0;
	(pc) =	sbr.rel @p0 .LBB2_2-.Ltmp0, $4  }
0x3e: {  	s25 =	sadd.s32 $0x1480, s25;
	[sflag:s20] =	ssyncadd.s32 $0xFFFFC000  }
0x3f: {  	[spmem:s1] =	stream.indirect.scatter.add.f32 [tilespmem:s18], [sflag:$0x3], $0x80, s25, s16, $0xb8;
	[tilespmem:$0x1E400] =	vst v63  }
0x40: {  	_ =	swait.ge [sflag:s14], $0x4000  }
0x41: {  	s26 =	smov.u32 s30;
	s25 =	sshra.s32 s29, $0x2;
	[sflag:s14] =	ssyncset.done $0x0  }
0x42: {  	s26 =	sadd.s32 $0x80, s25;
	[sflag:s14] =	ssyncadd.s32 $0xFFFFC000  }
0x43: {  	[tilespmem:s18], [sflag:$0x2] =	stream.indirect.gather [hbm4b:s4+s16], $0x80, s26, s16, $0xb8;
	[tilespmem:$0x1E400] =	vst v63  }
0x44: {  	_ =	swait.ge [sflag:s19], $0x4000  }
0x45: {  	[sflag:s19] =	ssyncset.done $0x0  }
0x46: {  	s29 =	sadd.s32 $0x1400, s25;
	[sflag:s19] =	ssyncadd.s32 $0xFFFFC000  }
0x47: {  	[spmem:s1] =	stream.indirect.scatter.add.f32 [tilespmem:s17], [sflag:$0x3], $0x80, s29, s16, $0xb8;
	[tilespmem:$0x1E400] =	vst v63  }
0x48: {  	_ =	swait.ge [sflag:s14], $0x4000  }
0x49: {  	[sflag:s14] =	ssyncset.done $0x0  }
0x4a: {  	s30 =	sadd.s32 $0x100, s25;
	[sflag:s14] =	ssyncadd.s32 $0xFFFFC000  }
0x4b: {  	[tilespmem:s17], [sflag:$0x1] =	stream.indirect.gather [hbm4b:s4+s16], $0x80, s30, s16, $0xb8;
	[tilespmem:$0x1E400] =	vst v63  }
0x4c: {  	_ =	swait.ge [sflag:s20], $0x4000  }
0x4d: {  	[sflag:s20] =	ssyncset.done $0x0  }
0x4e: {  	s31 =	sadd.s32 $0x1480, s25;
	[sflag:s20] =	ssyncadd.s32 $0xFFFFC000  }
0x4f: {  	[spmem:s1] =	stream.indirect.scatter.add.f32 [tilespmem:s18], [sflag:$0x3], $0x80, s31, s16, $0xb8;
	[tilespmem:$0x1E400] =	vst v63  }
0x50: {  	_ =	swait.ge [sflag:s14], $0x4000  }
0x51: {  	[sflag:s14] =	ssyncset.done $0x0  }
0x52: {  	[sflag:s14] =	ssyncadd.s32 $0xFFFFC000  }
0x53: {  	[tilespmem:s18], [sflag:$0x2] =	stream.indirect.gather [hbm4b:s4+s16], $0x80, s21, s16, $0xb8;
	[tilespmem:$0x1E400] =	vst v63  }
0x54: {  	_ =	swait.ge [sflag:s19], $0x4000  }
0x55: {  	[sflag:s19] =	ssyncset.done $0x0  }
0x56: {  	[sflag:s19] =	ssyncadd.s32 $0xFFFFC000  }
0x57: {  	[spmem:s1] =	stream.indirect.scatter.add.f32 [tilespmem:s17], [sflag:$0x3], $0x80, s22, s16, $0xb8;
	[tilespmem:$0x1E400] =	vst v63  }
0x58: {  	_ =	swait.ge [sflag:s14], $0x4000  }
0x59: {  	[sflag:s14] =	ssyncset.done $0x0  }
0x5a: {  	[sflag:s14] =	ssyncadd.s32 $0xFFFFC000  }
0x5b: {  	[tilespmem:s17], [sflag:$0x1] =	stream.indirect.gather [hbm4b:s4+s16], $0x80, s21, s16, $0xb8;
	[tilespmem:$0x1E400] =	vst v63  }
0x5c: {  	_ =	swait.ge [sflag:s20], $0x4000  }
0x5d: {  	[sflag:s20] =	ssyncset.done $0x0  }
0x5e: {  	[sflag:s20] =	ssyncadd.s32 $0xFFFFC000  }
0x5f: {  	[spmem:s1] =	stream.indirect.scatter.add.f32 [tilespmem:s18], [sflag:$0x3], $0x80, s23, s16, $0xb8;
	[tilespmem:$0x1E400] =	vst v63  }
0x60: {  	_ =	swait.ge [sflag:s14], $0x4000  }
0x61: {  	[sflag:s14] =	ssyncset.done $0x0  }
0x62: {  	[sflag:s14] =	ssyncadd.s32 $0xFFFFC000  }
0x63: {  	_ =	swait.ge [sflag:s19], $0x4000  }
0x64: {  	[sflag:s19] =	ssyncset.done $0x0  }
0x65: {  	s26 =	simm.s32 $0x0;
	[sflag:s19] =	ssyncadd.s32 $0xFFFFC000  }
0x66: {  	[tilespmem:s26], [sflag:$0x3] =	stream.linear.gather [hbm4b:s9+s26], $0x1400, $0x38;
	[tilespmem:$0x1E400] =	vst v63  }
0x67: {  	_ =	swait.ge [sflag:s14], $0x1400  }
0x68: {  	[sflag:s14] =	ssyncset.done $0x0  }
0x69: {  	[sflag:s14] =	ssyncadd.s32 $0xFFFFEC00  }
0x6a: {  	[tilespmem:s15], [sflag:$0x3] =	stream.linear.gather [hbm4b:s10+s26], $0x1400, $0x38;
	[tilespmem:$0x1E400] =	vst v63  }
0x6b: {  	_ =	swait.ge [sflag:s14], $0x1400  }
0x6c: {  	[sflag:s14] =	ssyncset.done $0x0  }
0x6d: {  	[sflag:s14] =	ssyncadd.s32 $0xFFFFEC00  }
0x6e: {  	[tilespmem:s17], [sflag:$0x1] =	stream.indirect.gather [hbm4b:s4+s16], $0x80, s26, s16, $0xb8;
	[tilespmem:$0x1E400] =	vst v63  }
0x6f: {  	s28 =	simm.s32 $0x80  }
0x70: {  	[tilespmem:s18], [sflag:$0x2] =	stream.indirect.gather [hbm4b:s4+s16], $0x80, s28, s16, $0xb8;
	[tilespmem:$0x1E400] =	vst v63  }
0x71: {  	_ =	swait.ge [sflag:s19], $0x4000  }
0x72: {  	[sflag:s19] =	ssyncset.done $0x0  }
0x73: {  	s29 =	simm.s32 $0x1400;
	[sflag:s19] =	ssyncadd.s32 $0xFFFFC000  }
0x74: {  	[spmem:s1] =	stream.indirect.scatter.add.f32 [tilespmem:s17], [sflag:$0x3], $0x80, s29, s16, $0xb8;
	[tilespmem:$0x1E400] =	vst v63  }
0x75: {  	_ =	swait.ge [sflag:s14], $0x4000  }
0x76: {  	[sflag:s14] =	ssyncset.done $0x0  }
0x77: {  	s30 =	simm.s32 $0x100;
	[sflag:s14] =	ssyncadd.s32 $0xFFFFC000  }
0x78: {  	[tilespmem:s17], [sflag:$0x1] =	stream.indirect.gather [hbm4b:s4+s16], $0x80, s30, s16, $0xb8;
	[tilespmem:$0x1E400] =	vst v63  }
0x79: {  	_ =	swait.ge [sflag:s20], $0x4000  }
0x7a: {  	[sflag:s20] =	ssyncset.done $0x0  }
0x7b: {  	s31 =	simm.s32 $0x1480;
	[sflag:s20] =	ssyncadd.s32 $0xFFFFC000  }
0x7c: {  	[spmem:s1] =	stream.indirect.scatter.add.f32 [tilespmem:s18], [sflag:$0x3], $0x80, s31, s16, $0xb8;
	[tilespmem:$0x1E400] =	vst v63  }
0x7d: {  	_ =	swait.ge [sflag:s14], $0x4000  }
0x7e: {  	s25 =	simm.s32 $0x100;
	s26 =	simm.s32 $0x800;
	[sflag:s14] =	ssyncset.done $0x0  }
.LBB2_4:
0x7f: {  	s28 =	sadd.s32 $0x80, s25  }
0x80: {  	[sflag:s14] =	ssyncadd.s32 $0xFFFFC000;
	s29 =	smov.u32 s26;
	s30 =	sadd.s32 $0x400, s26  }
0x81: {  	[tilespmem:s18], [sflag:$0x2] =	stream.indirect.gather [hbm4b:s4+s16], $0x80, s28, s16, $0xb8;
	[tilespmem:$0x1E400] =	vst v63  }
0x82: {  	p0 =	sne.s32 s26, $0x4800;
	_ =	swait.ge [sflag:s19], $0x4000  }
0x83: {  	[sflag:s19] =	ssyncset.done $0x0  }
0x84: {  	s26 =	sadd.s32 $0x1400, s25;
	[sflag:s19] =	ssyncadd.s32 $0xFFFFC000  }
0x85: {  	[spmem:s1] =	stream.indirect.scatter.add.f32 [tilespmem:s17], [sflag:$0x3], $0x80, s26, s16, $0xb8;
	[tilespmem:$0x1E400] =	vst v63  }
0x86: {  	_ =	swait.ge [sflag:s14], $0x4000  }
0x87: {  	[sflag:s14] =	ssyncset.done $0x0  }
0x88: {  	s26 =	sadd.s32 $0x100, s25;
	[sflag:s14] =	ssyncadd.s32 $0xFFFFC000  }
0x89: {  	[tilespmem:s17], [sflag:$0x1] =	stream.indirect.gather [hbm4b:s4+s16], $0x80, s26, s16, $0xb8;
	[tilespmem:$0x1E400] =	vst v63  }
0x8a: {  	_ =	swait.ge [sflag:s20], $0x4000  }
.Ltmp1:
0x8b: {  	[sflag:s20] =	ssyncset.done $0x0;
	(pc) =	sbr.rel @p0 .LBB2_4-.Ltmp1, $4  }
0x8c: {  	s25 =	sadd.s32 $0x1480, s25;
	[sflag:s20] =	ssyncadd.s32 $0xFFFFC000  }
0x8d: {  	[spmem:s1] =	stream.indirect.scatter.add.f32 [tilespmem:s18], [sflag:$0x3], $0x80, s25, s16, $0xb8;
	[tilespmem:$0x1E400] =	vst v63  }
0x8e: {  	_ =	swait.ge [sflag:s14], $0x4000  }
0x8f: {  	s26 =	smov.u32 s30;
	s25 =	sshra.s32 s29, $0x2;
	[sflag:s14] =	ssyncset.done $0x0  }
0x90: {  	s26 =	sadd.s32 $0x80, s25;
	[sflag:s14] =	ssyncadd.s32 $0xFFFFC000  }
0x91: {  	[tilespmem:s18], [sflag:$0x2] =	stream.indirect.gather [hbm4b:s4+s16], $0x80, s26, s16, $0xb8;
	[tilespmem:$0x1E400] =	vst v63  }
0x92: {  	_ =	swait.ge [sflag:s19], $0x4000  }
0x93: {  	[sflag:s19] =	ssyncset.done $0x0  }
0x94: {  	s29 =	sadd.s32 $0x1400, s25;
	[sflag:s19] =	ssyncadd.s32 $0xFFFFC000  }
0x95: {  	[spmem:s1] =	stream.indirect.scatter.add.f32 [tilespmem:s17], [sflag:$0x3], $0x80, s29, s16, $0xb8;
	[tilespmem:$0x1E400] =	vst v63  }
0x96: {  	_ =	swait.ge [sflag:s14], $0x4000  }
0x97: {  	[sflag:s14] =	ssyncset.done $0x0  }
0x98: {  	s30 =	sadd.s32 $0x100, s25;
	[sflag:s14] =	ssyncadd.s32 $0xFFFFC000  }
0x99: {  	[tilespmem:s17], [sflag:$0x1] =	stream.indirect.gather [hbm4b:s4+s16], $0x80, s30, s16, $0xb8;
	[tilespmem:$0x1E400] =	vst v63  }
0x9a: {  	_ =	swait.ge [sflag:s20], $0x4000  }
0x9b: {  	[sflag:s20] =	ssyncset.done $0x0  }
0x9c: {  	s31 =	sadd.s32 $0x1480, s25;
	[sflag:s20] =	ssyncadd.s32 $0xFFFFC000  }
0x9d: {  	[spmem:s1] =	stream.indirect.scatter.add.f32 [tilespmem:s18], [sflag:$0x3], $0x80, s31, s16, $0xb8;
	[tilespmem:$0x1E400] =	vst v63  }
0x9e: {  	_ =	swait.ge [sflag:s14], $0x4000  }
0x9f: {  	[sflag:s14] =	ssyncset.done $0x0  }
0xa0: {  	[sflag:s14] =	ssyncadd.s32 $0xFFFFC000  }
0xa1: {  	[tilespmem:s18], [sflag:$0x2] =	stream.indirect.gather [hbm4b:s4+s16], $0x80, s21, s16, $0xb8;
	[tilespmem:$0x1E400] =	vst v63  }
0xa2: {  	_ =	swait.ge [sflag:s19], $0x4000  }
0xa3: {  	[sflag:s19] =	ssyncset.done $0x0  }
0xa4: {  	[sflag:s19] =	ssyncadd.s32 $0xFFFFC000  }
0xa5: {  	[spmem:s1] =	stream.indirect.scatter.add.f32 [tilespmem:s17], [sflag:$0x3], $0x80, s22, s16, $0xb8;
	[tilespmem:$0x1E400] =	vst v63  }
0xa6: {  	_ =	swait.ge [sflag:s14], $0x4000  }
0xa7: {  	[sflag:s14] =	ssyncset.done $0x0  }
0xa8: {  	[sflag:s14] =	ssyncadd.s32 $0xFFFFC000  }
0xa9: {  	[tilespmem:s17], [sflag:$0x1] =	stream.indirect.gather [hbm4b:s4+s16], $0x80, s21, s16, $0xb8;
	[tilespmem:$0x1E400] =	vst v63  }
0xaa: {  	_ =	swait.ge [sflag:s20], $0x4000  }
0xab: {  	[sflag:s20] =	ssyncset.done $0x0  }
0xac: {  	[sflag:s20] =	ssyncadd.s32 $0xFFFFC000  }
0xad: {  	[spmem:s1] =	stream.indirect.scatter.add.f32 [tilespmem:s18], [sflag:$0x3], $0x80, s23, s16, $0xb8;
	[tilespmem:$0x1E400] =	vst v63  }
0xae: {  	_ =	swait.ge [sflag:s14], $0x4000  }
0xaf: {  	[sflag:s14] =	ssyncset.done $0x0  }
0xb0: {  	[sflag:s14] =	ssyncadd.s32 $0xFFFFC000  }
0xb1: {  	_ =	swait.ge [sflag:s19], $0x4000  }
0xb2: {  	s24 =	sadd.s32 $0x1, s24;
	[sflag:s19] =	ssyncset.done $0x0  }
0xb3: {  	p0 =	sne.s32 s24, s12;
	[sflag:s19] =	ssyncadd.s32 $0xFFFFC000  }
.Ltmp2:
0xb4: {  	[bflag:$0x0] =	sbarrier.arrive $0xFFFF;
	(pc) =	sbr.rel @p0 .LBB2_1-.Ltmp2, $4  }
0xb5: {  	[hbm:s11], [sflag:s6] =	dma.local [spmem:s13], $0x2780  }
0xb6: {  	_ =	swait.ge [sflag:s14], $0x2780  }
0xb7: {  	[sflag:s14] =	ssyncset.done $0x0  }
0xb8: {  	[sflag:s14] =	ssyncadd.s32 $0xFFFFD880  }
0xb9: {  	_ =	sfence.sel $0x180000  }
0xba: {  	[bflag:$0x0] =	sbarrier.arrive $0xFFFF  }
0xbb: {  	p0 =	sne.s32 s2, $0x0;
	_ =	strace $0x90000056  }
0xbc: {  	s0 =	sadd.s32 @!p0 $0x100000, s0;
	[bflag:$0x2] =	sbarrier.arrive $0xFFFF  }
0xbd: {  	[sflag:s0] =	ssyncadd.tile.s32 @!p0 $0x1;
	_ =	shalt  }
.Lfunc_end2:
_tile_overlayer_lowered:
.L_overlay_start_2:
0xbe: {  	(tag) =	ssettag $0x2  }
0xbf: {  	s0 =	rddreg [dreg:$0x0];
	s2 =	stileid.u32  }
0xc0: {  	s1 =	rddreg [dreg:$0x1];
	p0 =	sne.s32 s2, $0x0  }
0xc1: {  	s3 =	rddreg [dreg:$0x2];
	[bflag:$0x3] =	sbarrier.arrive $0xFFFF;
	s2 =	simm.s32 @!p0 $0x1C03  }
0xc2: {  	[timem:s3], [sflag:s2] =	dma.local @!p0 [hbm:s0], s1  }
0xc3: {  	s0 =	simm.s32 @!p0 $0x3  }
0xc4: {  	_ =	swait.ge @!p0 [sflag:s0], s1  }
0xc5: {  	s1 =	ssub.s32 @!p0 $0x0, s1;
	[sflag:s0] =	ssyncset.done @!p0 $0x0  }
0xc6: {  	[sflag:s0] =	ssyncadd.s32 @!p0 s1  }
0xc7: {  	[bflag:$0x3] =	sbarrier.arrive $0xFFFF  }
0xc8: {  	_ =	shalt  }

// kernel: kernel.24.cloned.1.call-start
scs
__scs_entry_jumppad:
0x0: {  	(pc) =	sbr.rel $0x88, $3  }
0x1: {  	(tag) =	ssettag $0x0;
	lr =	simm.s32 $0x1  }
0x2: {  	[smem:$0x3F97] =	sst lr;
	_ =	strace $0xD0000000  }
0x3: {  	_ = 	snop  }
0x4: {  	_ = 	snop  }
0x5: {  	_ = 	snop  }
0x6: {  	_ = 	snop  }
0x7: {  	_ = 	snop  }
__scs_overlays_trampoline_lowered:
0x8: {  	[smem:$0x3FA6] =	sst s0  }
0x9: {  	[smem:$0x3FA7] =	sst s1  }
0xa: {  	[smem:$0x3FA8] =	sst s2  }
0xb: {  	[smem:$0x3FA9] =	sst s3  }
0xc: {  	[smem:$0x3FAA] =	sst s4  }
0xd: {  	[smem:$0x3FAB] =	sst s5  }
0xe: {  	[smem:$0x3FAC] =	sst s6  }
0xf: {  	[smem:$0x3FAD] =	sst s7  }
0x10: {  	[smem:$0x3FAE] =	sst s8  }
0x11: {  	[smem:$0x3FAF] =	sst s9;
	s0 =	simm.s32 @!p0 $0x0  }
0x12: {  	s1 =	sld [smem:$0x3F95];
	s0 =	simm.s32 @p0 $0x1  }
0x13: {  	[smem:$0x3FB0] =	sst s0;
	s0 =	simm.s32 @!p1 $0x0  }
0x14: {  	s2 =	sld [smem:$0x3F94];
	s0 =	simm.s32 @p1 $0x1  }
0x15: {  	[smem:$0x3FB1] =	sst s0;
	s0 =	simm.s32 @!p2 $0x0  }
0x16: {  	s3 =	sld [smem:$0x3FDB];
	s0 =	simm.s32 @p2 $0x1  }
0x17: {  	s4 =	simm.s32 $0x1BF5;
	[smem:$0x3FB3] =	sst s0  }
0x18: {  	s0 =	sld [smem:$0x3F96];
	_ =	swait.ge [sflag:s4], $0x0  }
0x19: {  	s7 =	sld [smem:$0x3F97]  }
0x1a: {  	s8 =	sadd.s32 $0xFFFFE003, lr  }
0x1b: {  	s9 =	sadd.s32 $0xFFFFFEF7, lr;
	s5 =	simm.s32 $0xFFFFFFFF;
	p2 =	slt.u32 s8, $0xFFFFF086  }
0x1c: {  	p1 =	slt.u32 s9, $0xF7A;
	s5 =	simm.s32 @!p2 $0x0  }
0x1d: {  	s5 =	simm.s32 @p1 $0x1;
	p0 =	seq.s32 s7, s2  }
0x1e: {  	s7 =	smul.u32 @!p0 $0xF7A, s2;
	p2 =	seq.s32 @!p0 s5, $0x0  }
0x1f: {  	s9 =	smul.u32 $0xF7A, s1;
	s8 =	simm.s32 @!p0 $0x1BF5;
	p2 =	por !p2, p0  }
0x20: {  	[sflag:s8] =	ssyncset.s32 @!p0 $0xFFFFF086;
	s6 =	sadd.s32 @!p0 s3, s7;
	s7 =	simm.s32 @!p0 $0x108  }
0x21: {  	s3 =	sadd.s32 s3, s9;
	s6 =	sadd.s32 @!p0 $0x88, s6;
	s7 =	simm.s32 @p2 $0x1082  }
0x22: {  	[simem:s7], [sflag:s8] =	dma.local @!p0 [hbm:s6], $0xF7A  }
0x23: {  	s9 =	sor.u32 $0xD0000000, s2;
	s6 =	simm.s32 $0x108;
	_ =	swait.ge @!p0 [sflag:s8], $0x0  }
0x24: {  	s3 =	sadd.s32 $0x88, s3;
	s6 =	simm.s32 @!p1 $0x1082;
	[sflag:s4] =	ssyncset.s32 $0xFFFFF086  }
0x25: {  	[simem:s6], [sflag:s4] =	dma.local [hbm:s3], $0xF7A  }
0x26: {  	[smem:$0x3F97] =	sst s1;
	(tag) =	ssettag s2;
	_ =	strace s9  }
0x27: {  	s1 =	sld [smem:$0x3FA7]  }
0x28: {  	s2 =	sld [smem:$0x3FA8]  }
0x29: {  	s4 =	sld [smem:$0x3FAA]  }
0x2a: {  	p0 =	seq.s32 s5, $0x0;
	s5 =	sld [smem:$0x3FAB]  }
0x2b: {  	s6 =	sld [smem:$0x3FAC]  }
0x2c: {  	s7 =	sld [smem:$0x3FAD]  }
0x2d: {  	s3 =	simm.s32 $0x108;
	s8 =	sld [smem:$0x3FAE]  }
0x2e: {  	s3 =	simm.s32 @!p0 $0x1082;
	s9 =	sld [smem:$0x3FAF]  }
0x2f: {  	lr =	sadd.s32 s0, s3;
	s0 =	sld [smem:$0x3FA6]  }
0x30: {  	s3 =	sld [smem:$0x3FA9]  }
0x31: {  	[smem:$0x3FB2] =	sst s10  }
0x32: {  	s10 =	sld [smem:$0x3FB0];
	_ =	sdelay $0x3  }
0x33: {  	p0 =	seq.s32 s10, $0x1;
	s10 =	sld [smem:$0x3FB2];
	_ =	sdelay $0x3  }
0x34: {  	[smem:$0x3FB2] =	sst s10  }
0x35: {  	s10 =	sld [smem:$0x3FB1];
	_ =	sdelay $0x3  }
0x36: {  	p1 =	seq.s32 s10, $0x1;
	s10 =	sld [smem:$0x3FB2];
	_ =	sdelay $0x3  }
0x37: {  	[smem:$0x3FB2] =	sst s10  }
0x38: {  	s10 =	sld [smem:$0x3FB3]  }
0x39: {  	_ = 	snop;
	(pc) =	sbr.ind lr, $3  }
0x3a: {  	_ = 	snop  }
0x3b: {  	_ = 	snop  }
0x3c: {  	p2 =	seq.s32 s10, $0x1;
	s10 =	sld [smem:$0x3FB2]  }
0x3d: {  	_ =	shalt  }
0x3e: {  	_ =	shalt  }
0x3f: {  	_ =	shalt  }
0x40: {  	_ =	shalt  }
0x41: {  	_ =	shalt  }
0x42: {  	_ =	shalt  }
0x43: {  	_ =	shalt  }
0x44: {  	_ =	shalt  }
0x45: {  	_ =	shalt  }
0x46: {  	_ =	shalt  }
0x47: {  	_ =	shalt  }
0x48: {  	_ =	shalt  }
0x49: {  	_ =	shalt  }
0x4a: {  	_ =	shalt  }
0x4b: {  	_ =	shalt  }
0x4c: {  	_ =	shalt  }
0x4d: {  	_ =	shalt  }
0x4e: {  	_ =	shalt  }
0x4f: {  	_ =	shalt  }
0x50: {  	_ =	shalt  }
0x51: {  	_ =	shalt  }
0x52: {  	_ =	shalt  }
0x53: {  	_ =	shalt  }
0x54: {  	_ =	shalt  }
0x55: {  	_ =	shalt  }
0x56: {  	_ =	shalt  }
0x57: {  	_ =	shalt  }
0x58: {  	_ =	shalt  }
0x59: {  	_ =	shalt  }
0x5a: {  	_ =	shalt  }
0x5b: {  	_ =	shalt  }
0x5c: {  	_ =	shalt  }
0x5d: {  	_ =	shalt  }
0x5e: {  	_ =	shalt  }
0x5f: {  	_ =	shalt  }
0x60: {  	_ =	shalt  }
0x61: {  	_ =	shalt  }
0x62: {  	_ =	shalt  }
0x63: {  	_ =	shalt  }
0x64: {  	_ =	shalt  }
0x65: {  	_ =	shalt  }
0x66: {  	_ =	shalt  }
0x67: {  	_ =	shalt  }
0x68: {  	_ =	shalt  }
0x69: {  	_ =	shalt  }
0x6a: {  	_ =	shalt  }
0x6b: {  	_ =	shalt  }
0x6c: {  	_ =	shalt  }
0x6d: {  	_ =	shalt  }
0x6e: {  	_ =	shalt  }
0x6f: {  	_ =	shalt  }
0x70: {  	_ =	shalt  }
0x71: {  	_ =	shalt  }
0x72: {  	_ =	shalt  }
0x73: {  	_ =	shalt  }
0x74: {  	_ =	shalt  }
0x75: {  	_ =	shalt  }
0x76: {  	_ =	shalt  }
0x77: {  	_ =	shalt  }
0x78: {  	_ =	shalt  }
0x79: {  	_ =	shalt  }
0x7a: {  	_ =	shalt  }
0x7b: {  	_ =	shalt  }
0x7c: {  	_ =	shalt  }
0x7d: {  	_ =	shalt  }
0x7e: {  	_ =	shalt  }
0x7f: {  	_ =	shalt  }
0x80: {  	_ =	shalt  }
0x81: {  	_ =	shalt  }
0x82: {  	_ =	shalt  }
0x83: {  	_ =	shalt  }
0x84: {  	_ =	shalt  }
0x85: {  	_ =	shalt  }
0x86: {  	_ =	shalt  }
0x87: {  	_ =	shalt  }
.Lfunc_end0:
.L_simem_size_0:
called_computation.6_lowered:
.L_overlay_start_0:
0x88: {  	s2 =	sld [smem:$0x3FD9]  }
0x89: {  	s3 =	sld [smem:$0x3FFE];
	_ =	sdelay $0x1  }
0x8a: {  	s1 =	srdreg.scid  }
0x8b: {  	s0 =	sand.u32 $0x1, s1  }
0x8c: {  	s16 =	sshll.u32 s0, $0xA;
	s2 =	sadd.s32 s3, s2  }
0x8d: {  	s2 =	sadd.s32 s2, s16  }
0x8e: {  	[smem:$0x3FBE] =	sst s2  }
0x8f: {  	_ = 	snop  }
0x90: {  	(tm) =	ssettm $0x1  }
0x91: {  	s17 =	sld [smem:$0x3FFB];
	_ =	sdelay $0x3  }
0x92: {  	_ =	strace s17  }
0x93: {  	s2 =	sld [smem:$0x3FFC];
	_ =	sdelay $0x3  }
0x94: {  	_ =	strace s2  }
0x95: {  	s2 =	sld [smem:$0x3FFD];
	_ =	sdelay $0x3  }
0x96: {  	_ =	strace s2  }
0x97: {  	_ =	strace $0x8FFFFFFF  }
0x98: {  	s18 =	sld [smem:$0x3FDB];
	_ =	sdelay $0x1  }
0x99: {  	s19 =	simm.s32 $_scs_section_size  }
0x9a: {  	s4 =	simm.s32 $_size__tile_overlayer_lowered;
	s5 =	simm.s32 $_tile_overlayer_lowered  }
0x9b: {  	s22 =	simm.s32 $0x1BFF;
	s21 =	sshll.u32 s5, $0x1;
	s2 =	sadd.s32 s19, s18  }
0x9c: {  	s6 =	simm.s32 $0x0;
	s20 =	sshll.u32 s4, $0x1;
	s4 =	sadd.s32 s21, s2  }
0x9d: {  	[timem:s6], [sflag:s22] =	dma.local [hbm:s4], s20  }
0x9e: {  	_ =	swait.ge [sflag:s22], s20  }
0x9f: {  	s3 =	ssub.s32 $0x0, s20;
	[sflag:s22] =	ssyncset.done $0x0  }
0xa0: {  	[sflag:s22] =	ssyncadd.s32 s3;
	_ =	sdelay $0x1  }
0xa1: {  	s23 =	simm.s32 $0x1B8B  }
0xa2: {  	_ =	swait.ge [sflag:s23], $0x1  }
0xa3: {  	[sflag:s23] =	ssyncset.done $0x0  }
0xa4: {  	s25 =	simm.s32 $0x1B8E;
	s24 =	sld [smem:$0x3FFE];
	[sflag:s23] =	ssyncadd.s32 $0xFFFFFFFF  }
0xa5: {  	s26 =	simm.s32 $execute0_lowered;
	[smem:$0x3FD2] =	sst s25  }
0xa6: {  	s4 =	sshll.u32 s26, $0x1;
	_ =	strace $0x80000058;
	[dreg:$0x1] =	wrdreg $0xFFFFFFFF  }
0xa7: {  	s28 =	simm.s32 $_size_execute0_lowered;
	s2 =	sadd.s32 s2, s4;
	[dreg:$0x0] =	wrdreg $0x0  }
0xa8: {  	s4 =	sshll.u32 s28, $0x1;
	[dreg:$0x2] =	wrdreg s2  }
0xa9: {  	[dreg:$0x3] =	wrdreg s4  }
0xaa: {  	[dreg:$0x4] =	wrdreg $0xC0  }
0xab: {  	_ =	task [dreg:s6], $0x5FFFF  }
0xac: {  	[dreg:$0x1] =	wrdreg $0xFFFFFFFF  }
0xad: {  	[dreg:$0x0] =	wrdreg $0x60  }
0xae: {  	[dreg:$0x2] =	wrdreg s24  }
0xaf: {  	[dreg:$0x3] =	wrdreg $0xA8000  }
0xb0: {  	[dreg:$0x4] =	wrdreg $0x9  }
0xb1: {  	_ =	task.clear_ibuf [dreg:s6], $0x5FFFF;
	_ =	strace $0x90000058  }
0xb2: {  	s29 =	simm.s32 $0x9;
	_ =	strace $0x8000005A  }
0xb3: {  	_ =	swait.ge [sflag:s29], $0x1  }
0xb4: {  	[sflag:s29] =	ssyncadd.s32 $0xFFFFFFFF  }
0xb5: {  	_ =	strace $0x9000005A  }
0xb6: {  	_ =	sfence  }
0xb7: {  	s30 =	sld [smem:$0x0];
	_ =	sdelay $0x2  }
0xb8: {  	s31 =	sshll.u32 s1, $0xD;
	s1 =	sshrl.u32 s1, $0x2  }
0xb9: {  	s3 =	sand.u32 $0x4000, s31;
	s1 =	sadd.s32 s1, s30  }
0xba: {  	s0 =	sor.u32 s3, s0;
	s1 =	sshll.u32 s1, $0x11  }
0xbb: {  	s0 =	sor.u32 s1, s0  }
0xbc: {  	s0 =	sadd.s32 $0x8F2B, s0  }
0xbd: {  	[sflag:s0] =	ssyncadd.remote.s32 $0x1  }
0xbe: {  	_ =	sfence.sel $0xFFFF  }
0xbf: {  	[dreg:$0x0] =	wrdreg $0xFFFFFFFF;
	(pc) =	sbr.abs _section_cstart, $3  }
0xc0: {  	[dreg:$0x1] =	wrdreg $0xFFFFFFFF  }
0xc1: {  	_ =	task.clear_ibuf [dreg:s6], $0x2FFFF;
	_ =	strace $0x9FFFFFFF  }
0xc2: {  	(tm) =	ssettm $0x7FFFFFFF  }
0xc3: {  	_ =	shalt  }
tec
execute0_lowered:
.L_overlay_start_1:
0x0: {  	(tag) =	ssettag $0x1  }
0x1: {  	s6 =	rddreg [dreg:$0x0]  }
0x2: {  	s1 =	rddreg [dreg:$0x1]  }
0x3: {  	s0 =	rddreg [dreg:$0x2];
	s3 =	simm.s32 $0x0;
	s2 =	srdreg.scid  }
0x4: {  	s16 =	simm.s32 $0x80;
	s17 =	simm.s32 $0x2800;
	s18 =	simm.s32 $0x6800  }
0x5: {  	s19 =	simm.s32 $0x1;
	s20 =	simm.s32 $0x2;
	s21 =	simm.s32 $0x1380  }
0x6: {  	s22 =	simm.s32 $0x2700;
	s23 =	simm.s32 $0x2780;
	[smem:$0x7FF] =	sst s3  }
0x7: {  	s7 =	sand.u32 $0x1, s2;
	s2 =	stileid.u32;
	s4 =	sadd.s32 $0x17E00, s6  }
0x8: {  	s10 =	sadd.s32 $0x66E00, s6;
	s11 =	sadd.s32 $0xDE00, s6;
	s8 =	smul.u32 $0x13C000, s7  }
0x9: {  	s5 =	sadd.s32 $0x4600, s6;
	_ =	strace $0x80000059;
	s9 =	smul.u32 $0x13C00, s2  }
0xa: {  	s24 =	sshll.u32 s7, $0x4;
	s7 =	ssub.s32 $0x2, s7;
	s12 =	smul.u32 $0x4F000, s2  }
0xb: {  	s26 =	sshll.u32 s2, $0x6;
	s13 =	sshrl.u32 s7, $0x1;
	s8 =	sadd.s32 s9, s8  }
0xc: {  	s9 =	sor.u32 s2, s24;
	s13 =	ssub.s32 s7, s13;
	s25 =	sshrl.u32 s12, $0x2  }
0xd: {  	s24 =	simm.s32 $0x0;
	s8 =	sshrl.u32 s8, $0x3;
	s14 =	smul.u32 $0x2800, s9  }
0xe: {  	s28 =	smul.u32 $0x500, s9;
	s30 =	sadd.s32 s25, s1;
	s12 =	smax.u32 s13, $0x1  }
0xf: {  	s15 =	sadd.s32 s8, s6;
	s6 =	sor.u32 $0x1C03, s26;
	s29 =	sshrl.u32 s14, $0x3  }
0x10: {  	s13 =	sshrl.u32 s30, $0x3;
	s7 =	sadd.s32 s10, s28;
	s31 =	sadd.s32 $0x280, s29  }
0x11: {  	s8 =	sadd.s32 s11, s28;
	s14 =	simm.s32 $0x3;
	s9 =	sadd.s32 s10, s31  }
0x12: {  	s10 =	sadd.s32 s11, s31;
	s11 =	sadd.s32 $0x70E00, s15;
	s15 =	simm.s32 $0x1400  }
.LBB2_1:
0x13: {  	[spmem:s13], [sflag:s6] =	dma.local [hbm:s5], $0x2780  }
0x14: {  	_ =	swait.ge [sflag:s14], $0x2780  }
0x15: {  	[sflag:s14] =	ssyncset.done $0x0  }
0x16: {  	[sflag:s14] =	ssyncadd.s32 $0xFFFFD880  }
0x17: {  	[bflag:$0x0] =	sbarrier.arrive $0xFFFF  }
0x18: {  	[tilespmem:s3], [sflag:$0x3] =	stream.linear.gather [hbm4b:s7+s3], $0x1400, $0x38;
	[tilespmem:$0x1E400] =	vst v63  }
0x19: {  	_ =	swait.ge [sflag:s14], $0x1400  }
0x1a: {  	[sflag:s14] =	ssyncset.done $0x0  }
0x1b: {  	[sflag:s14] =	ssyncadd.s32 $0xFFFFEC00  }
0x1c: {  	[tilespmem:s15], [sflag:$0x3] =	stream.linear.gather [hbm4b:s8+s3], $0x1400, $0x38;
	[tilespmem:$0x1E400] =	vst v63  }
0x1d: {  	_ =	swait.ge [sflag:s14], $0x1400  }
0x1e: {  	[sflag:s14] =	ssyncset.done $0x0  }
0x1f: {  	[sflag:s14] =	ssyncadd.s32 $0xFFFFEC00  }
0x20: {  	[tilespmem:s17], [sflag:$0x1] =	stream.indirect.gather [hbm4b:s4+s16], $0x80, s3, s16, $0xb8;
	[tilespmem:$0x1E400] =	vst v63  }
0x21: {  	s25 =	simm.s32 $0x80  }
0x22: {  	[tilespmem:s18], [sflag:$0x2] =	stream.indirect.gather [hbm4b:s4+s16], $0x80, s25, s16, $0xb8;
	[tilespmem:$0x1E400] =	vst v63  }
0x23: {  	_ =	swait.ge [sflag:s19], $0x4000  }
0x24: {  	[sflag:s19] =	ssyncset.done $0x0  }
0x25: {  	s29 =	simm.s32 $0x1400;
	[sflag:s19] =	ssyncadd.s32 $0xFFFFC000  }
0x26: {  	[spmem:s1] =	stream.indirect.scatter.add.f32 [tilespmem:s17], [sflag:$0x3], $0x80, s29, s16, $0xb8;
	[tilespmem:$0x1E400] =	vst v63  }
0x27: {  	_ =	swait.ge [sflag:s14], $0x4000  }
0x28: {  	[sflag:s14] =	ssyncset.done $0x0  }
0x29: {  	s30 =	simm.s32 $0x100;
	[sflag:s14] =	ssyncadd.s32 $0xFFFFC000  }
0x2a: {  	[tilespmem:s17], [sflag:$0x1] =	stream.indirect.gather [hbm4b:s4+s16], $0x80, s30, s16, $0xb8;
	[tilespmem:$0x1E400] =	vst v63  }
0x2b: {  	_ =	swait.ge [sflag:s20], $0x4000  }
0x2c: {  	[sflag:s20] =	ssyncset.done $0x0  }
0x2d: {  	s31 =	simm.s32 $0x1480;
	[sflag:s20] =	ssyncadd.s32 $0xFFFFC000  }
0x2e: {  	[spmem:s1] =	stream.indirect.scatter.add.f32 [tilespmem:s18], [sflag:$0x3], $0x80, s31, s16, $0xb8;
	[tilespmem:$0x1E400] =	vst v63  }
0x2f: {  	_ =	swait.ge [sflag:s14], $0x4000  }
0x30: {  	s26 =	simm.s32 $0x800;
	s25 =	simm.s32 $0x100;
	[sflag:s14] =	ssyncset.done $0x0  }
.LBB2_2:
0x31: {  	s28 =	sadd.s32 $0x80, s25  }
0x32: {  	[sflag:s14] =	ssyncadd.s32 $0xFFFFC000;
	s29 =	smov.u32 s26;
	s30 =	sadd.s32 $0x400, s26  }
0x33: {  	[tilespmem:s18], [sflag:$0x2] =	stream.indirect.gather [hbm4b:s4+s16], $0x80, s28, s16, $0xb8;
	[tilespmem:$0x1E400] =	vst v63  }
0x34: {  	p0 =	sne.s32 s26, $0x4800;
	_ =	swait.ge [sflag:s19], $0x4000  }
0x35: {  	[sflag:s19] =	ssyncset.done $0x0  }
0x36: {  	s26 =	sadd.s32 $0x1400, s25;
	[sflag:s19] =	ssyncadd.s32 $0xFFFFC000  }
0x37: {  	[spmem:s1] =	stream.indirect.scatter.add.f32 [tilespmem:s17], [sflag:$0x3], $0x80, s26, s16, $0xb8;
	[tilespmem:$0x1E400] =	vst v63  }
0x38: {  	_ =	swait.ge [sflag:s14], $0x4000  }
0x39: {  	[sflag:s14] =	ssyncset.done $0x0  }
0x3a: {  	s26 =	sadd.s32 $0x100, s25;
	[sflag:s14] =	ssyncadd.s32 $0xFFFFC000  }
0x3b: {  	[tilespmem:s17], [sflag:$0x1] =	stream.indirect.gather [hbm4b:s4+s16], $0x80, s26, s16, $0xb8;
	[tilespmem:$0x1E400] =	vst v63  }
0x3c: {  	_ =	swait.ge [sflag:s20], $0x4000  }
.Ltmp0:
0x3d: {  	[sflag:s20] =	ssyncset.done $0x0;
	(pc) =	sbr.rel @p0 .LBB2_2-.Ltmp0, $4  }
0x3e: {  	s25 =	sadd.s32 $0x1480, s25;
	[sflag:s20] =	ssyncadd.s32 $0xFFFFC000  }
0x3f: {  	[spmem:s1] =	stream.indirect.scatter.add.f32 [tilespmem:s18], [sflag:$0x3], $0x80, s25, s16, $0xb8;
	[tilespmem:$0x1E400] =	vst v63  }
0x40: {  	_ =	swait.ge [sflag:s14], $0x4000  }
0x41: {  	s26 =	smov.u32 s30;
	s25 =	sshra.s32 s29, $0x2;
	[sflag:s14] =	ssyncset.done $0x0  }
0x42: {  	s26 =	sadd.s32 $0x80, s25;
	[sflag:s14] =	ssyncadd.s32 $0xFFFFC000  }
0x43: {  	[tilespmem:s18], [sflag:$0x2] =	stream.indirect.gather [hbm4b:s4+s16], $0x80, s26, s16, $0xb8;
	[tilespmem:$0x1E400] =	vst v63  }
0x44: {  	_ =	swait.ge [sflag:s19], $0x4000  }
0x45: {  	[sflag:s19] =	ssyncset.done $0x0  }
0x46: {  	s29 =	sadd.s32 $0x1400, s25;
	[sflag:s19] =	ssyncadd.s32 $0xFFFFC000  }
0x47: {  	[spmem:s1] =	stream.indirect.scatter.add.f32 [tilespmem:s17], [sflag:$0x3], $0x80, s29, s16, $0xb8;
	[tilespmem:$0x1E400] =	vst v63  }
0x48: {  	_ =	swait.ge [sflag:s14], $0x4000  }
0x49: {  	[sflag:s14] =	ssyncset.done $0x0  }
0x4a: {  	s30 =	sadd.s32 $0x100, s25;
	[sflag:s14] =	ssyncadd.s32 $0xFFFFC000  }
0x4b: {  	[tilespmem:s17], [sflag:$0x1] =	stream.indirect.gather [hbm4b:s4+s16], $0x80, s30, s16, $0xb8;
	[tilespmem:$0x1E400] =	vst v63  }
0x4c: {  	_ =	swait.ge [sflag:s20], $0x4000  }
0x4d: {  	[sflag:s20] =	ssyncset.done $0x0  }
0x4e: {  	s31 =	sadd.s32 $0x1480, s25;
	[sflag:s20] =	ssyncadd.s32 $0xFFFFC000  }
0x4f: {  	[spmem:s1] =	stream.indirect.scatter.add.f32 [tilespmem:s18], [sflag:$0x3], $0x80, s31, s16, $0xb8;
	[tilespmem:$0x1E400] =	vst v63  }
0x50: {  	_ =	swait.ge [sflag:s14], $0x4000  }
0x51: {  	[sflag:s14] =	ssyncset.done $0x0  }
0x52: {  	[sflag:s14] =	ssyncadd.s32 $0xFFFFC000  }
0x53: {  	[tilespmem:s18], [sflag:$0x2] =	stream.indirect.gather [hbm4b:s4+s16], $0x80, s21, s16, $0xb8;
	[tilespmem:$0x1E400] =	vst v63  }
0x54: {  	_ =	swait.ge [sflag:s19], $0x4000  }
0x55: {  	[sflag:s19] =	ssyncset.done $0x0  }
0x56: {  	[sflag:s19] =	ssyncadd.s32 $0xFFFFC000  }
0x57: {  	[spmem:s1] =	stream.indirect.scatter.add.f32 [tilespmem:s17], [sflag:$0x3], $0x80, s22, s16, $0xb8;
	[tilespmem:$0x1E400] =	vst v63  }
0x58: {  	_ =	swait.ge [sflag:s14], $0x4000  }
0x59: {  	[sflag:s14] =	ssyncset.done $0x0  }
0x5a: {  	[sflag:s14] =	ssyncadd.s32 $0xFFFFC000  }
0x5b: {  	[tilespmem:s17], [sflag:$0x1] =	stream.indirect.gather [hbm4b:s4+s16], $0x80, s21, s16, $0xb8;
	[tilespmem:$0x1E400] =	vst v63  }
0x5c: {  	_ =	swait.ge [sflag:s20], $0x4000  }
0x5d: {  	[sflag:s20] =	ssyncset.done $0x0  }
0x5e: {  	[sflag:s20] =	ssyncadd.s32 $0xFFFFC000  }
0x5f: {  	[spmem:s1] =	stream.indirect.scatter.add.f32 [tilespmem:s18], [sflag:$0x3], $0x80, s23, s16, $0xb8;
	[tilespmem:$0x1E400] =	vst v63  }
0x60: {  	_ =	swait.ge [sflag:s14], $0x4000  }
0x61: {  	[sflag:s14] =	ssyncset.done $0x0  }
0x62: {  	[sflag:s14] =	ssyncadd.s32 $0xFFFFC000  }
0x63: {  	_ =	swait.ge [sflag:s19], $0x4000  }
0x64: {  	[sflag:s19] =	ssyncset.done $0x0  }
0x65: {  	s26 =	simm.s32 $0x0;
	[sflag:s19] =	ssyncadd.s32 $0xFFFFC000  }
0x66: {  	[tilespmem:s26], [sflag:$0x3] =	stream.linear.gather [hbm4b:s9+s26], $0x1400, $0x38;
	[tilespmem:$0x1E400] =	vst v63  }
0x67: {  	_ =	swait.ge [sflag:s14], $0x1400  }
0x68: {  	[sflag:s14] =	ssyncset.done $0x0  }
0x69: {  	[sflag:s14] =	ssyncadd.s32 $0xFFFFEC00  }
0x6a: {  	[tilespmem:s15], [sflag:$0x3] =	stream.linear.gather [hbm4b:s10+s26], $0x1400, $0x38;
	[tilespmem:$0x1E400] =	vst v63  }
0x6b: {  	_ =	swait.ge [sflag:s14], $0x1400  }
0x6c: {  	[sflag:s14] =	ssyncset.done $0x0  }
0x6d: {  	[sflag:s14] =	ssyncadd.s32 $0xFFFFEC00  }
0x6e: {  	[tilespmem:s17], [sflag:$0x1] =	stream.indirect.gather [hbm4b:s4+s16], $0x80, s26, s16, $0xb8;
	[tilespmem:$0x1E400] =	vst v63  }
0x6f: {  	s28 =	simm.s32 $0x80  }
0x70: {  	[tilespmem:s18], [sflag:$0x2] =	stream.indirect.gather [hbm4b:s4+s16], $0x80, s28, s16, $0xb8;
	[tilespmem:$0x1E400] =	vst v63  }
0x71: {  	_ =	swait.ge [sflag:s19], $0x4000  }
0x72: {  	[sflag:s19] =	ssyncset.done $0x0  }
0x73: {  	s29 =	simm.s32 $0x1400;
	[sflag:s19] =	ssyncadd.s32 $0xFFFFC000  }
0x74: {  	[spmem:s1] =	stream.indirect.scatter.add.f32 [tilespmem:s17], [sflag:$0x3], $0x80, s29, s16, $0xb8;
	[tilespmem:$0x1E400] =	vst v63  }
0x75: {  	_ =	swait.ge [sflag:s14], $0x4000  }
0x76: {  	[sflag:s14] =	ssyncset.done $0x0  }
0x77: {  	s30 =	simm.s32 $0x100;
	[sflag:s14] =	ssyncadd.s32 $0xFFFFC000  }
0x78: {  	[tilespmem:s17], [sflag:$0x1] =	stream.indirect.gather [hbm4b:s4+s16], $0x80, s30, s16, $0xb8;
	[tilespmem:$0x1E400] =	vst v63  }
0x79: {  	_ =	swait.ge [sflag:s20], $0x4000  }
0x7a: {  	[sflag:s20] =	ssyncset.done $0x0  }
0x7b: {  	s31 =	simm.s32 $0x1480;
	[sflag:s20] =	ssyncadd.s32 $0xFFFFC000  }
0x7c: {  	[spmem:s1] =	stream.indirect.scatter.add.f32 [tilespmem:s18], [sflag:$0x3], $0x80, s31, s16, $0xb8;
	[tilespmem:$0x1E400] =	vst v63  }
0x7d: {  	_ =	swait.ge [sflag:s14], $0x4000  }
0x7e: {  	s25 =	simm.s32 $0x100;
	s26 =	simm.s32 $0x800;
	[sflag:s14] =	ssyncset.done $0x0  }
.LBB2_4:
0x7f: {  	s28 =	sadd.s32 $0x80, s25  }
0x80: {  	[sflag:s14] =	ssyncadd.s32 $0xFFFFC000;
	s29 =	smov.u32 s26;
	s30 =	sadd.s32 $0x400, s26  }
0x81: {  	[tilespmem:s18], [sflag:$0x2] =	stream.indirect.gather [hbm4b:s4+s16], $0x80, s28, s16, $0xb8;
	[tilespmem:$0x1E400] =	vst v63  }
0x82: {  	p0 =	sne.s32 s26, $0x4800;
	_ =	swait.ge [sflag:s19], $0x4000  }
0x83: {  	[sflag:s19] =	ssyncset.done $0x0  }
0x84: {  	s26 =	sadd.s32 $0x1400, s25;
	[sflag:s19] =	ssyncadd.s32 $0xFFFFC000  }
0x85: {  	[spmem:s1] =	stream.indirect.scatter.add.f32 [tilespmem:s17], [sflag:$0x3], $0x80, s26, s16, $0xb8;
	[tilespmem:$0x1E400] =	vst v63  }
0x86: {  	_ =	swait.ge [sflag:s14], $0x4000  }
0x87: {  	[sflag:s14] =	ssyncset.done $0x0  }
0x88: {  	s26 =	sadd.s32 $0x100, s25;
	[sflag:s14] =	ssyncadd.s32 $0xFFFFC000  }
0x89: {  	[tilespmem:s17], [sflag:$0x1] =	stream.indirect.gather [hbm4b:s4+s16], $0x80, s26, s16, $0xb8;
	[tilespmem:$0x1E400] =	vst v63  }
0x8a: {  	_ =	swait.ge [sflag:s20], $0x4000  }
.Ltmp1:
0x8b: {  	[sflag:s20] =	ssyncset.done $0x0;
	(pc) =	sbr.rel @p0 .LBB2_4-.Ltmp1, $4  }
0x8c: {  	s25 =	sadd.s32 $0x1480, s25;
	[sflag:s20] =	ssyncadd.s32 $0xFFFFC000  }
0x8d: {  	[spmem:s1] =	stream.indirect.scatter.add.f32 [tilespmem:s18], [sflag:$0x3], $0x80, s25, s16, $0xb8;
	[tilespmem:$0x1E400] =	vst v63  }
0x8e: {  	_ =	swait.ge [sflag:s14], $0x4000  }
0x8f: {  	s26 =	smov.u32 s30;
	s25 =	sshra.s32 s29, $0x2;
	[sflag:s14] =	ssyncset.done $0x0  }
0x90: {  	s26 =	sadd.s32 $0x80, s25;
	[sflag:s14] =	ssyncadd.s32 $0xFFFFC000  }
0x91: {  	[tilespmem:s18], [sflag:$0x2] =	stream.indirect.gather [hbm4b:s4+s16], $0x80, s26, s16, $0xb8;
	[tilespmem:$0x1E400] =	vst v63  }
0x92: {  	_ =	swait.ge [sflag:s19], $0x4000  }
0x93: {  	[sflag:s19] =	ssyncset.done $0x0  }
0x94: {  	s29 =	sadd.s32 $0x1400, s25;
	[sflag:s19] =	ssyncadd.s32 $0xFFFFC000  }
0x95: {  	[spmem:s1] =	stream.indirect.scatter.add.f32 [tilespmem:s17], [sflag:$0x3], $0x80, s29, s16, $0xb8;
	[tilespmem:$0x1E400] =	vst v63  }
0x96: {  	_ =	swait.ge [sflag:s14], $0x4000  }
0x97: {  	[sflag:s14] =	ssyncset.done $0x0  }
0x98: {  	s30 =	sadd.s32 $0x100, s25;
	[sflag:s14] =	ssyncadd.s32 $0xFFFFC000  }
0x99: {  	[tilespmem:s17], [sflag:$0x1] =	stream.indirect.gather [hbm4b:s4+s16], $0x80, s30, s16, $0xb8;
	[tilespmem:$0x1E400] =	vst v63  }
0x9a: {  	_ =	swait.ge [sflag:s20], $0x4000  }
0x9b: {  	[sflag:s20] =	ssyncset.done $0x0  }
0x9c: {  	s31 =	sadd.s32 $0x1480, s25;
	[sflag:s20] =	ssyncadd.s32 $0xFFFFC000  }
0x9d: {  	[spmem:s1] =	stream.indirect.scatter.add.f32 [tilespmem:s18], [sflag:$0x3], $0x80, s31, s16, $0xb8;
	[tilespmem:$0x1E400] =	vst v63  }
0x9e: {  	_ =	swait.ge [sflag:s14], $0x4000  }
0x9f: {  	[sflag:s14] =	ssyncset.done $0x0  }
0xa0: {  	[sflag:s14] =	ssyncadd.s32 $0xFFFFC000  }
0xa1: {  	[tilespmem:s18], [sflag:$0x2] =	stream.indirect.gather [hbm4b:s4+s16], $0x80, s21, s16, $0xb8;
	[tilespmem:$0x1E400] =	vst v63  }
0xa2: {  	_ =	swait.ge [sflag:s19], $0x4000  }
0xa3: {  	[sflag:s19] =	ssyncset.done $0x0  }
0xa4: {  	[sflag:s19] =	ssyncadd.s32 $0xFFFFC000  }
0xa5: {  	[spmem:s1] =	stream.indirect.scatter.add.f32 [tilespmem:s17], [sflag:$0x3], $0x80, s22, s16, $0xb8;
	[tilespmem:$0x1E400] =	vst v63  }
0xa6: {  	_ =	swait.ge [sflag:s14], $0x4000  }
0xa7: {  	[sflag:s14] =	ssyncset.done $0x0  }
0xa8: {  	[sflag:s14] =	ssyncadd.s32 $0xFFFFC000  }
0xa9: {  	[tilespmem:s17], [sflag:$0x1] =	stream.indirect.gather [hbm4b:s4+s16], $0x80, s21, s16, $0xb8;
	[tilespmem:$0x1E400] =	vst v63  }
0xaa: {  	_ =	swait.ge [sflag:s20], $0x4000  }
0xab: {  	[sflag:s20] =	ssyncset.done $0x0  }
0xac: {  	[sflag:s20] =	ssyncadd.s32 $0xFFFFC000  }
0xad: {  	[spmem:s1] =	stream.indirect.scatter.add.f32 [tilespmem:s18], [sflag:$0x3], $0x80, s23, s16, $0xb8;
	[tilespmem:$0x1E400] =	vst v63  }
0xae: {  	_ =	swait.ge [sflag:s14], $0x4000  }
0xaf: {  	[sflag:s14] =	ssyncset.done $0x0  }
0xb0: {  	[sflag:s14] =	ssyncadd.s32 $0xFFFFC000  }
0xb1: {  	_ =	swait.ge [sflag:s19], $0x4000  }
0xb2: {  	s24 =	sadd.s32 $0x1, s24;
	[sflag:s19] =	ssyncset.done $0x0  }
0xb3: {  	p0 =	sne.s32 s24, s12;
	[sflag:s19] =	ssyncadd.s32 $0xFFFFC000  }
.Ltmp2:
0xb4: {  	[bflag:$0x0] =	sbarrier.arrive $0xFFFF;
	(pc) =	sbr.rel @p0 .LBB2_1-.Ltmp2, $4  }
0xb5: {  	[hbm:s11], [sflag:s6] =	dma.local [spmem:s13], $0x2780  }
0xb6: {  	_ =	swait.ge [sflag:s14], $0x2780  }
0xb7: {  	[sflag:s14] =	ssyncset.done $0x0  }
0xb8: {  	[sflag:s14] =	ssyncadd.s32 $0xFFFFD880  }
0xb9: {  	_ =	sfence.sel $0x180000  }
0xba: {  	[bflag:$0x0] =	sbarrier.arrive $0xFFFF  }
0xbb: {  	p0 =	sne.s32 s2, $0x0;
	_ =	strace $0x90000059  }
0xbc: {  	s0 =	sadd.s32 @!p0 $0x100000, s0;
	[bflag:$0x2] =	sbarrier.arrive $0xFFFF  }
0xbd: {  	[sflag:s0] =	ssyncadd.tile.s32 @!p0 $0x1;
	_ =	shalt  }
.Lfunc_end2:
_tile_overlayer_lowered:
.L_overlay_start_2:
0xbe: {  	(tag) =	ssettag $0x2  }
0xbf: {  	s0 =	rddreg [dreg:$0x0];
	s2 =	stileid.u32  }
0xc0: {  	s1 =	rddreg [dreg:$0x1];
	p0 =	sne.s32 s2, $0x0  }
0xc1: {  	s3 =	rddreg [dreg:$0x2];
	[bflag:$0x3] =	sbarrier.arrive $0xFFFF;
	s2 =	simm.s32 @!p0 $0x1C03  }
0xc2: {  	[timem:s3], [sflag:s2] =	dma.local @!p0 [hbm:s0], s1  }
0xc3: {  	s0 =	simm.s32 @!p0 $0x3  }
0xc4: {  	_ =	swait.ge @!p0 [sflag:s0], s1  }
0xc5: {  	s1 =	ssub.s32 @!p0 $0x0, s1;
	[sflag:s0] =	ssyncset.done @!p0 $0x0  }
0xc6: {  	[sflag:s0] =	ssyncadd.s32 @!p0 s1  }
0xc7: {  	[bflag:$0x3] =	sbarrier.arrive $0xFFFF  }
0xc8: {  	_ =	shalt  }

</sc_bundles>
